<compile_context>
chip_gen: v7x
topology: tpu7x:2x2x1
jax: 0.10.2.dev20260603
libtpu: 0.0.44.dev20260713+nightly
codegen_flags: <defaults>
</compile_context>

<pallas_src>
import functools

import jax
import jax.numpy as jnp
from jax import lax
from jax.experimental import pallas as pl
from jax.experimental.pallas import tpu as pltpu
from jax.experimental.pallas import tpu_sc as plsc

N = 16384
F = 8
NUM_TYPES = 8
EMBED_DIM = 256

_INFO = plsc.get_sparse_core_info()
NC, NS, L = _INFO.num_cores, _INFO.num_subcores, _INFO.num_lanes
NW = NC * NS
B_PER_W = N // NW
CHUNK = 128
N_CHUNKS = B_PER_W // CHUNK
GROUPS_PER_CHUNK = CHUNK // L


def _make_kernel():
  mesh = plsc.VectorSubcoreMesh(core_axis_name="c", subcore_axis_name="s")

  @functools.partial(
      pl.kernel,
      mesh=mesh,
      compiler_params=pltpu.CompilerParams(needs_layout_passes=False),
      out_type=jax.ShapeDtypeStruct((N * EMBED_DIM,), jnp.float32),
      scratch_types=[
          pltpu.VMEM((NUM_TYPES * EMBED_DIM,), jnp.float32),
          pltpu.VMEM((B_PER_W * F,), jnp.float32),
          pltpu.VMEM((B_PER_W,), jnp.int32),
          pltpu.VMEM((CHUNK * EMBED_DIM,), jnp.float32),
          pltpu.VMEM((CHUNK * EMBED_DIM,), jnp.float32),
          pltpu.SemaphoreType.DMA,
      ],
  )
  def k(inputs_flat_hbm, table_flat_hbm, out_hbm, table_v, vals_v, posb_v,
        buf0, buf1, osem):
    wid = lax.axis_index("s") * NC + lax.axis_index("c")
    base = wid * B_PER_W

    pltpu.sync_copy(table_flat_hbm, table_v)
    pltpu.sync_copy(inputs_flat_hbm.at[pl.ds(base * F, B_PER_W * F)], vals_v)

    lanes = lax.iota(jnp.int32, L)
    for i in range(B_PER_W // L):
      pos = lanes * F + (i * L * F + 2)
      col2 = plsc.load_gather(vals_v, [pos])
      idx = jnp.clip(col2.astype(jnp.int32), 0, NUM_TYPES - 1)
      posb_v[pl.ds(i * L, L)] = idx * EMBED_DIM

    outlane = lanes * EMBED_DIM
    bufs = (buf0, buf1)
    out_dma = [None, None]
    for t in range(N_CHUNKS):
      b = bufs[t % 2]
      if t >= 2:
        out_dma[t % 2].wait()
      for g in range(GROUPS_PER_CHUNK):
        posbase = posb_v[pl.ds((t * GROUPS_PER_CHUNK + g) * L, L)]
        outb = outlane + g * (L * EMBED_DIM)

        @plsc.parallel_loop(0, EMBED_DIM, unroll=8)
        def _(c, posbase=posbase, outb=outb, b=b):
          v = plsc.load_gather(table_v, [posbase + c])
          plsc.store_scatter(b, [outb + c], v)

      out_dma[t % 2] = pltpu.async_copy(
          b,
          out_hbm.at[pl.ds((base + t * CHUNK) * EMBED_DIM, CHUNK * EMBED_DIM)],
          osem,
      )
    out_dma[0].wait()
    out_dma[1].wait()

  return k


_kernel_call = _make_kernel()


@jax.jit
def kernel(inputs, type_embed):
  if inputs.ndim == 3:
    inputs = inputs[0]
  out_flat = _kernel_call(inputs.reshape(-1), type_embed.reshape(-1))
  return out_flat.reshape(N, EMBED_DIM)

# --- scband reference (transcript-rebuilt; emitter-appended) ---
"""Pipeline reference for scband-traffic-light-encoder-73031623901207 (READ-ONLY COPY).

The authoritative reference and input builder live on the scoring server;
editing this copy changes nothing except your own understanding.
"""

import jax, jax.numpy as jnp
import numpy as np

N = 16384
F = 8
NUM_TYPES = 8
EMBED_DIM = 256


def setup_inputs(seed: int = 0) -> dict:
    key = jax.random.key(seed)
    k1, k2 = jax.random.split(key)
    inputs = jax.random.randint(k1, (N, F), 0, NUM_TYPES).astype(jnp.float32)
    type_embed = jax.random.normal(k2, (NUM_TYPES, EMBED_DIM), dtype=jnp.float32)
    return {"inputs": inputs, "type_embed": type_embed}


def reference(inputs, type_embed):
    # Faithful translation of TrafficLightEncoder.__call__
    if inputs.ndim == 3:
        if inputs.shape[0] != 1:
            raise ValueError(
                f"TrafficLightEncoder expected a single-sample batch or unbatched input, got {inputs.shape}"
            )
        inputs = inputs[0]
    elif inputs.ndim != 2:
        raise ValueError(f"TrafficLightEncoder expected 2D or 3D input, got {inputs.shape}")
    traffic_light_type = jnp.clip(inputs[:, 2].astype(jnp.int32), 0, 7)
    # eqx.nn.Embedding lookup vmapped over the leading axis == row gather
    return jnp.take(type_embed, traffic_light_type, axis=0)

if __name__ == "__main__":
    import jax
    _d = setup_inputs()
    print(jax.jit(kernel)(*tuple(_d.values())))

</pallas_src>

<mosaic_0001>
#map = affine_map<(d0, d1) -> (0)>
module attributes {stable_mosaic.version = 14 : i64} {
  func.func @k(%arg0: i32, %arg1: i32, %arg2: memref<131072xf32, #tpu.memory_space<hbm>>, %arg3: memref<2048xf32, #tpu.memory_space<hbm>>, %arg4: memref<4194304xf32, #tpu.memory_space<hbm>>, %arg5: memref<2048xf32, #tpu.memory_space<vmem>>, %arg6: memref<4096xf32, #tpu.memory_space<vmem>>, %arg7: memref<512xi32, #tpu.memory_space<vmem>>, %arg8: memref<32768xf32, #tpu.memory_space<vmem>>, %arg9: memref<32768xf32, #tpu.memory_space<vmem>>, %arg10: memref<!tpu.dma_semaphore, #tpu.memory_space<semaphore_mem>>) attributes {dimension_semantics = [#tpu.dimension_semantics<core_parallel>, #tpu.dimension_semantics<subcore_parallel>], iteration_bounds = array<i64: 2, 16>, scalar_prefetch = 0 : i64, scratch_operands = 6 : i64, tpu.core_type = #tpu.core_type<sc_vector_subcore>, window_params = [{transform_indices = #map}, {transform_indices = #map}, {transform_indices = #map}]} {
    %mul3A = arith.constant 2 : i32
    %mul3A_0 = arith.muli %arg1, %mul3A : i32
    %add3A = arith.addi %mul3A_0, %arg0 : i32
    %mul3A_1 = arith.constant 512 : i32
    %mul3A_2 = arith.muli %add3A, %mul3A_1 : i32
    "tpu.region"() ({
      %run_scoped3A = tpu.sem_alloc : memref<!tpu.dma_semaphore, #tpu.memory_space<semaphore_mem>>
      tpu.enqueue_dma source(%arg3 : memref<2048xf32, #tpu.memory_space<hbm>>) target(%arg5 : memref<2048xf32, #tpu.memory_space<vmem>>) target_semaphore(%run_scoped3A : memref<!tpu.dma_semaphore, #tpu.memory_space<semaphore_mem>>)
      tpu.wait_dma2 semaphore(%run_scoped3A : memref<!tpu.dma_semaphore, #tpu.memory_space<semaphore_mem>>) src(%arg3 : memref<2048xf32, #tpu.memory_space<hbm>>) dst(%arg5 : memref<2048xf32, #tpu.memory_space<vmem>>)
      tpu.yield
    }) : () -> ()
    %mul3A_3 = arith.constant 8 : i32
    %mul3A_4 = arith.muli %mul3A_2, %mul3A_3 : i32
    "tpu.region"() ({
      %run_scoped3A = tpu.sem_alloc : memref<!tpu.dma_semaphore, #tpu.memory_space<semaphore_mem>>
      %dma_start3A_894 = tpu.memref_slice %arg2[%mul3A_4] : memref<131072xf32, #tpu.memory_space<hbm>> -> memref<4096xf32, #tpu.memory_space<hbm>>
      %dma_start3A_895 = tpu.memref_slice %arg2[%mul3A_4] : memref<131072xf32, #tpu.memory_space<hbm>> -> memref<4096xf32, #tpu.memory_space<hbm>>
      tpu.enqueue_dma source(%dma_start3A_895 : memref<4096xf32, #tpu.memory_space<hbm>>) target(%arg6 : memref<4096xf32, #tpu.memory_space<vmem>>) target_semaphore(%run_scoped3A : memref<!tpu.dma_semaphore, #tpu.memory_space<semaphore_mem>>)
      %dma_wait3A_896 = tpu.memref_slice %arg2[%mul3A_4] : memref<131072xf32, #tpu.memory_space<hbm>> -> memref<4096xf32, #tpu.memory_space<hbm>>
      %dma_wait3A_897 = tpu.memref_slice %arg2[%mul3A_4] : memref<131072xf32, #tpu.memory_space<hbm>> -> memref<4096xf32, #tpu.memory_space<hbm>>
      tpu.wait_dma2 semaphore(%run_scoped3A : memref<!tpu.dma_semaphore, #tpu.memory_space<semaphore_mem>>) src(%dma_wait3A_897 : memref<4096xf32, #tpu.memory_space<hbm>>) dst(%arg6 : memref<4096xf32, #tpu.memory_space<vmem>>)
      tpu.yield
    }) : () -> ()
    %iota3A = tpu.iota {dimensions = array<i32: 0>} : vector<16xi32>
    %mul3A_5 = arith.constant 8 : i32
    %mul3A_6 = vector.broadcast %mul3A_5 : i32 to vector<16xi32>
    %mul3A_7 = arith.muli %iota3A, %mul3A_6 : vector<16xi32>
    %add3A_8 = arith.constant 2 : i32
    %add3A_9 = vector.broadcast %add3A_8 : i32 to vector<16xi32>
    %add3A_10 = arith.addi %mul3A_7, %add3A_9 : vector<16xi32>
    %gather3A = tpu.vector_load_idx %arg6[%add3A_10] : memref<4096xf32, #tpu.memory_space<vmem>>[vector<16xi32>], vector<16xf32>,
    %convert_element_type3A = arith.fptosi %gather3A : vector<16xf32> to vector<16xi32>
    %jit3A = arith.constant 0 : i32
    %jit3A_11 = arith.constant 7 : i32
    %max3A = vector.broadcast %jit3A : i32 to vector<16xi32>
    %max3A_12 = arith.maxsi %max3A, %convert_element_type3A : vector<16xi32>
    %min3A = vector.broadcast %jit3A_11 : i32 to vector<16xi32>
    %min3A_13 = arith.minsi %min3A, %max3A_12 : vector<16xi32>
    %mul3A_14 = arith.constant 256 : i32
    %mul3A_15 = vector.broadcast %mul3A_14 : i32 to vector<16xi32>
    %mul3A_16 = arith.muli %min3A_13, %mul3A_15 : vector<16xi32>
    %swap3A = arith.constant 0 : index
    %swap3A_17 = tpu.vector_load %arg7[%swap3A] {strides = array<i32>} : memref<512xi32, #tpu.memory_space<vmem>>, vector<16xi32>,
    tpu.vector_store %arg7[%swap3A], %mul3A_16 {strides = array<i32>} : memref<512xi32, #tpu.memory_space<vmem>>, vector<16xi32>,
    %mul3A_18 = arith.constant 8 : i32
    %mul3A_19 = vector.broadcast %mul3A_18 : i32 to vector<16xi32>
    %mul3A_20 = arith.muli %iota3A, %mul3A_19 : vector<16xi32>
    %add3A_21 = arith.constant 130 : i32
    %add3A_22 = vector.broadcast %add3A_21 : i32 to vector<16xi32>
    %add3A_23 = arith.addi %mul3A_20, %add3A_22 : vector<16xi32>
    %gather3A_24 = tpu.vector_load_idx %arg6[%add3A_23] : memref<4096xf32, #tpu.memory_space<vmem>>[vector<16xi32>], vector<16xf32>,
    %convert_element_type3A_25 = arith.fptosi %gather3A_24 : vector<16xf32> to vector<16xi32>
    %jit3A_26 = arith.constant 0 : i32
    %jit3A_27 = arith.constant 7 : i32
    %max3A_28 = vector.broadcast %jit3A_26 : i32 to vector<16xi32>
    %max3A_29 = arith.maxsi %max3A_28, %convert_element_type3A_25 : vector<16xi32>
    %min3A_30 = vector.broadcast %jit3A_27 : i32 to vector<16xi32>
    %min3A_31 = arith.minsi %min3A_30, %max3A_29 : vector<16xi32>
    %mul3A_32 = arith.constant 256 : i32
    %mul3A_33 = vector.broadcast %mul3A_32 : i32 to vector<16xi32>
    %mul3A_34 = arith.muli %min3A_31, %mul3A_33 : vector<16xi32>
    %swap3A_35 = arith.constant 16 : index
    %swap3A_36 = tpu.vector_load %arg7[%swap3A_35] {strides = array<i32>} : memref<512xi32, #tpu.memory_space<vmem>>, vector<16xi32>,
    tpu.vector_store %arg7[%swap3A_35], %mul3A_34 {strides = array<i32>} : memref<512xi32, #tpu.memory_space<vmem>>, vector<16xi32>,
    %mul3A_37 = arith.constant 8 : i32
    %mul3A_38 = vector.broadcast %mul3A_37 : i32 to vector<16xi32>
    %mul3A_39 = arith.muli %iota3A, %mul3A_38 : vector<16xi32>
    %add3A_40 = arith.constant 258 : i32
    %add3A_41 = vector.broadcast %add3A_40 : i32 to vector<16xi32>
    %add3A_42 = arith.addi %mul3A_39, %add3A_41 : vector<16xi32>
    %gather3A_43 = tpu.vector_load_idx %arg6[%add3A_42] : memref<4096xf32, #tpu.memory_space<vmem>>[vector<16xi32>], vector<16xf32>,
    %convert_element_type3A_44 = arith.fptosi %gather3A_43 : vector<16xf32> to vector<16xi32>
    %jit3A_45 = arith.constant 0 : i32
    %jit3A_46 = arith.constant 7 : i32
    %max3A_47 = vector.broadcast %jit3A_45 : i32 to vector<16xi32>
    %max3A_48 = arith.maxsi %max3A_47, %convert_element_type3A_44 : vector<16xi32>
    %min3A_49 = vector.broadcast %jit3A_46 : i32 to vector<16xi32>
    %min3A_50 = arith.minsi %min3A_49, %max3A_48 : vector<16xi32>
    %mul3A_51 = arith.constant 256 : i32
    %mul3A_52 = vector.broadcast %mul3A_51 : i32 to vector<16xi32>
    %mul3A_53 = arith.muli %min3A_50, %mul3A_52 : vector<16xi32>
    %swap3A_54 = arith.constant 32 : index
    %swap3A_55 = tpu.vector_load %arg7[%swap3A_54] {strides = array<i32>} : memref<512xi32, #tpu.memory_space<vmem>>, vector<16xi32>,
    tpu.vector_store %arg7[%swap3A_54], %mul3A_53 {strides = array<i32>} : memref<512xi32, #tpu.memory_space<vmem>>, vector<16xi32>,
    %mul3A_56 = arith.constant 8 : i32
    %mul3A_57 = vector.broadcast %mul3A_56 : i32 to vector<16xi32>
    %mul3A_58 = arith.muli %iota3A, %mul3A_57 : vector<16xi32>
    %add3A_59 = arith.constant 386 : i32
    %add3A_60 = vector.broadcast %add3A_59 : i32 to vector<16xi32>
    %add3A_61 = arith.addi %mul3A_58, %add3A_60 : vector<16xi32>
    %gather3A_62 = tpu.vector_load_idx %arg6[%add3A_61] : memref<4096xf32, #tpu.memory_space<vmem>>[vector<16xi32>], vector<16xf32>,
    %convert_element_type3A_63 = arith.fptosi %gather3A_62 : vector<16xf32> to vector<16xi32>
    %jit3A_64 = arith.constant 0 : i32
    %jit3A_65 = arith.constant 7 : i32
    %max3A_66 = vector.broadcast %jit3A_64 : i32 to vector<16xi32>
    %max3A_67 = arith.maxsi %max3A_66, %convert_element_type3A_63 : vector<16xi32>
    %min3A_68 = vector.broadcast %jit3A_65 : i32 to vector<16xi32>
    %min3A_69 = arith.minsi %min3A_68, %max3A_67 : vector<16xi32>
    %mul3A_70 = arith.constant 256 : i32
    %mul3A_71 = vector.broadcast %mul3A_70 : i32 to vector<16xi32>
    %mul3A_72 = arith.muli %min3A_69, %mul3A_71 : vector<16xi32>
    %swap3A_73 = arith.constant 48 : index
    %swap3A_74 = tpu.vector_load %arg7[%swap3A_73] {strides = array<i32>} : memref<512xi32, #tpu.memory_space<vmem>>, vector<16xi32>,
    tpu.vector_store %arg7[%swap3A_73], %mul3A_72 {strides = array<i32>} : memref<512xi32, #tpu.memory_space<vmem>>, vector<16xi32>,
    %mul3A_75 = arith.constant 8 : i32
    %mul3A_76 = vector.broadcast %mul3A_75 : i32 to vector<16xi32>
    %mul3A_77 = arith.muli %iota3A, %mul3A_76 : vector<16xi32>
    %add3A_78 = arith.constant 514 : i32
    %add3A_79 = vector.broadcast %add3A_78 : i32 to vector<16xi32>
    %add3A_80 = arith.addi %mul3A_77, %add3A_79 : vector<16xi32>
    %gather3A_81 = tpu.vector_load_idx %arg6[%add3A_80] : memref<4096xf32, #tpu.memory_space<vmem>>[vector<16xi32>], vector<16xf32>,
    %convert_element_type3A_82 = arith.fptosi %gather3A_81 : vector<16xf32> to vector<16xi32>
    %jit3A_83 = arith.constant 0 : i32
    %jit3A_84 = arith.constant 7 : i32
    %max3A_85 = vector.broadcast %jit3A_83 : i32 to vector<16xi32>
    %max3A_86 = arith.maxsi %max3A_85, %convert_element_type3A_82 : vector<16xi32>
    %min3A_87 = vector.broadcast %jit3A_84 : i32 to vector<16xi32>
    %min3A_88 = arith.minsi %min3A_87, %max3A_86 : vector<16xi32>
    %mul3A_89 = arith.constant 256 : i32
    %mul3A_90 = vector.broadcast %mul3A_89 : i32 to vector<16xi32>
    %mul3A_91 = arith.muli %min3A_88, %mul3A_90 : vector<16xi32>
    %swap3A_92 = arith.constant 64 : index
    %swap3A_93 = tpu.vector_load %arg7[%swap3A_92] {strides = array<i32>} : memref<512xi32, #tpu.memory_space<vmem>>, vector<16xi32>,
    tpu.vector_store %arg7[%swap3A_92], %mul3A_91 {strides = array<i32>} : memref<512xi32, #tpu.memory_space<vmem>>, vector<16xi32>,
    %mul3A_94 = arith.constant 8 : i32
    %mul3A_95 = vector.broadcast %mul3A_94 : i32 to vector<16xi32>
    %mul3A_96 = arith.muli %iota3A, %mul3A_95 : vector<16xi32>
    %add3A_97 = arith.constant 642 : i32
    %add3A_98 = vector.broadcast %add3A_97 : i32 to vector<16xi32>
    %add3A_99 = arith.addi %mul3A_96, %add3A_98 : vector<16xi32>
    %gather3A_100 = tpu.vector_load_idx %arg6[%add3A_99] : memref<4096xf32, #tpu.memory_space<vmem>>[vector<16xi32>], vector<16xf32>,
    %convert_element_type3A_101 = arith.fptosi %gather3A_100 : vector<16xf32> to vector<16xi32>
    %jit3A_102 = arith.constant 0 : i32
    %jit3A_103 = arith.constant 7 : i32
    %max3A_104 = vector.broadcast %jit3A_102 : i32 to vector<16xi32>
    %max3A_105 = arith.maxsi %max3A_104, %convert_element_type3A_101 : vector<16xi32>
    %min3A_106 = vector.broadcast %jit3A_103 : i32 to vector<16xi32>
    %min3A_107 = arith.minsi %min3A_106, %max3A_105 : vector<16xi32>
    %mul3A_108 = arith.constant 256 : i32
    %mul3A_109 = vector.broadcast %mul3A_108 : i32 to vector<16xi32>
    %mul3A_110 = arith.muli %min3A_107, %mul3A_109 : vector<16xi32>
    %swap3A_111 = arith.constant 80 : index
    %swap3A_112 = tpu.vector_load %arg7[%swap3A_111] {strides = array<i32>} : memref<512xi32, #tpu.memory_space<vmem>>, vector<16xi32>,
    tpu.vector_store %arg7[%swap3A_111], %mul3A_110 {strides = array<i32>} : memref<512xi32, #tpu.memory_space<vmem>>, vector<16xi32>,
    %mul3A_113 = arith.constant 8 : i32
    %mul3A_114 = vector.broadcast %mul3A_113 : i32 to vector<16xi32>
    %mul3A_115 = arith.muli %iota3A, %mul3A_114 : vector<16xi32>
    %add3A_116 = arith.constant 770 : i32
    %add3A_117 = vector.broadcast %add3A_116 : i32 to vector<16xi32>
    %add3A_118 = arith.addi %mul3A_115, %add3A_117 : vector<16xi32>
    %gather3A_119 = tpu.vector_load_idx %arg6[%add3A_118] : memref<4096xf32, #tpu.memory_space<vmem>>[vector<16xi32>], vector<16xf32>,
    %convert_element_type3A_120 = arith.fptosi %gather3A_119 : vector<16xf32> to vector<16xi32>
    %jit3A_121 = arith.constant 0 : i32
    %jit3A_122 = arith.constant 7 : i32
    %max3A_123 = vector.broadcast %jit3A_121 : i32 to vector<16xi32>
    %max3A_124 = arith.maxsi %max3A_123, %convert_element_type3A_120 : vector<16xi32>
    %min3A_125 = vector.broadcast %jit3A_122 : i32 to vector<16xi32>
    %min3A_126 = arith.minsi %min3A_125, %max3A_124 : vector<16xi32>
    %mul3A_127 = arith.constant 256 : i32
    %mul3A_128 = vector.broadcast %mul3A_127 : i32 to vector<16xi32>
    %mul3A_129 = arith.muli %min3A_126, %mul3A_128 : vector<16xi32>
    %swap3A_130 = arith.constant 96 : index
    %swap3A_131 = tpu.vector_load %arg7[%swap3A_130] {strides = array<i32>} : memref<512xi32, #tpu.memory_space<vmem>>, vector<16xi32>,
    tpu.vector_store %arg7[%swap3A_130], %mul3A_129 {strides = array<i32>} : memref<512xi32, #tpu.memory_space<vmem>>, vector<16xi32>,
    %mul3A_132 = arith.constant 8 : i32
    %mul3A_133 = vector.broadcast %mul3A_132 : i32 to vector<16xi32>
    %mul3A_134 = arith.muli %iota3A, %mul3A_133 : vector<16xi32>
    %add3A_135 = arith.constant 898 : i32
    %add3A_136 = vector.broadcast %add3A_135 : i32 to vector<16xi32>
    %add3A_137 = arith.addi %mul3A_134, %add3A_136 : vector<16xi32>
    %gather3A_138 = tpu.vector_load_idx %arg6[%add3A_137] : memref<4096xf32, #tpu.memory_space<vmem>>[vector<16xi32>], vector<16xf32>,
    %convert_element_type3A_139 = arith.fptosi %gather3A_138 : vector<16xf32> to vector<16xi32>
    %jit3A_140 = arith.constant 0 : i32
    %jit3A_141 = arith.constant 7 : i32
    %max3A_142 = vector.broadcast %jit3A_140 : i32 to vector<16xi32>
    %max3A_143 = arith.maxsi %max3A_142, %convert_element_type3A_139 : vector<16xi32>
    %min3A_144 = vector.broadcast %jit3A_141 : i32 to vector<16xi32>
    %min3A_145 = arith.minsi %min3A_144, %max3A_143 : vector<16xi32>
    %mul3A_146 = arith.constant 256 : i32
    %mul3A_147 = vector.broadcast %mul3A_146 : i32 to vector<16xi32>
    %mul3A_148 = arith.muli %min3A_145, %mul3A_147 : vector<16xi32>
    %swap3A_149 = arith.constant 112 : index
    %swap3A_150 = tpu.vector_load %arg7[%swap3A_149] {strides = array<i32>} : memref<512xi32, #tpu.memory_space<vmem>>, vector<16xi32>,
    tpu.vector_store %arg7[%swap3A_149], %mul3A_148 {strides = array<i32>} : memref<512xi32, #tpu.memory_space<vmem>>, vector<16xi32>,
    %mul3A_151 = arith.constant 8 : i32
    %mul3A_152 = vector.broadcast %mul3A_151 : i32 to vector<16xi32>
    %mul3A_153 = arith.muli %iota3A, %mul3A_152 : vector<16xi32>
    %add3A_154 = arith.constant 1026 : i32
    %add3A_155 = vector.broadcast %add3A_154 : i32 to vector<16xi32>
    %add3A_156 = arith.addi %mul3A_153, %add3A_155 : vector<16xi32>
    %gather3A_157 = tpu.vector_load_idx %arg6[%add3A_156] : memref<4096xf32, #tpu.memory_space<vmem>>[vector<16xi32>], vector<16xf32>,
    %convert_element_type3A_158 = arith.fptosi %gather3A_157 : vector<16xf32> to vector<16xi32>
    %jit3A_159 = arith.constant 0 : i32
    %jit3A_160 = arith.constant 7 : i32
    %max3A_161 = vector.broadcast %jit3A_159 : i32 to vector<16xi32>
    %max3A_162 = arith.maxsi %max3A_161, %convert_element_type3A_158 : vector<16xi32>
    %min3A_163 = vector.broadcast %jit3A_160 : i32 to vector<16xi32>
    %min3A_164 = arith.minsi %min3A_163, %max3A_162 : vector<16xi32>
    %mul3A_165 = arith.constant 256 : i32
    %mul3A_166 = vector.broadcast %mul3A_165 : i32 to vector<16xi32>
    %mul3A_167 = arith.muli %min3A_164, %mul3A_166 : vector<16xi32>
    %swap3A_168 = arith.constant 128 : index
    %swap3A_169 = tpu.vector_load %arg7[%swap3A_168] {strides = array<i32>} : memref<512xi32, #tpu.memory_space<vmem>>, vector<16xi32>,
    tpu.vector_store %arg7[%swap3A_168], %mul3A_167 {strides = array<i32>} : memref<512xi32, #tpu.memory_space<vmem>>, vector<16xi32>,
    %mul3A_170 = arith.constant 8 : i32
    %mul3A_171 = vector.broadcast %mul3A_170 : i32 to vector<16xi32>
    %mul3A_172 = arith.muli %iota3A, %mul3A_171 : vector<16xi32>
    %add3A_173 = arith.constant 1154 : i32
    %add3A_174 = vector.broadcast %add3A_173 : i32 to vector<16xi32>
    %add3A_175 = arith.addi %mul3A_172, %add3A_174 : vector<16xi32>
    %gather3A_176 = tpu.vector_load_idx %arg6[%add3A_175] : memref<4096xf32, #tpu.memory_space<vmem>>[vector<16xi32>], vector<16xf32>,
    %convert_element_type3A_177 = arith.fptosi %gather3A_176 : vector<16xf32> to vector<16xi32>
    %jit3A_178 = arith.constant 0 : i32
    %jit3A_179 = arith.constant 7 : i32
    %max3A_180 = vector.broadcast %jit3A_178 : i32 to vector<16xi32>
    %max3A_181 = arith.maxsi %max3A_180, %convert_element_type3A_177 : vector<16xi32>
    %min3A_182 = vector.broadcast %jit3A_179 : i32 to vector<16xi32>
    %min3A_183 = arith.minsi %min3A_182, %max3A_181 : vector<16xi32>
    %mul3A_184 = arith.constant 256 : i32
    %mul3A_185 = vector.broadcast %mul3A_184 : i32 to vector<16xi32>
    %mul3A_186 = arith.muli %min3A_183, %mul3A_185 : vector<16xi32>
    %swap3A_187 = arith.constant 144 : index
    %swap3A_188 = tpu.vector_load %arg7[%swap3A_187] {strides = array<i32>} : memref<512xi32, #tpu.memory_space<vmem>>, vector<16xi32>,
    tpu.vector_store %arg7[%swap3A_187], %mul3A_186 {strides = array<i32>} : memref<512xi32, #tpu.memory_space<vmem>>, vector<16xi32>,
    %mul3A_189 = arith.constant 8 : i32
    %mul3A_190 = vector.broadcast %mul3A_189 : i32 to vector<16xi32>
    %mul3A_191 = arith.muli %iota3A, %mul3A_190 : vector<16xi32>
    %add3A_192 = arith.constant 1282 : i32
    %add3A_193 = vector.broadcast %add3A_192 : i32 to vector<16xi32>
    %add3A_194 = arith.addi %mul3A_191, %add3A_193 : vector<16xi32>
    %gather3A_195 = tpu.vector_load_idx %arg6[%add3A_194] : memref<4096xf32, #tpu.memory_space<vmem>>[vector<16xi32>], vector<16xf32>,
    %convert_element_type3A_196 = arith.fptosi %gather3A_195 : vector<16xf32> to vector<16xi32>
    %jit3A_197 = arith.constant 0 : i32
    %jit3A_198 = arith.constant 7 : i32
    %max3A_199 = vector.broadcast %jit3A_197 : i32 to vector<16xi32>
    %max3A_200 = arith.maxsi %max3A_199, %convert_element_type3A_196 : vector<16xi32>
    %min3A_201 = vector.broadcast %jit3A_198 : i32 to vector<16xi32>
    %min3A_202 = arith.minsi %min3A_201, %max3A_200 : vector<16xi32>
    %mul3A_203 = arith.constant 256 : i32
    %mul3A_204 = vector.broadcast %mul3A_203 : i32 to vector<16xi32>
    %mul3A_205 = arith.muli %min3A_202, %mul3A_204 : vector<16xi32>
    %swap3A_206 = arith.constant 160 : index
    %swap3A_207 = tpu.vector_load %arg7[%swap3A_206] {strides = array<i32>} : memref<512xi32, #tpu.memory_space<vmem>>, vector<16xi32>,
    tpu.vector_store %arg7[%swap3A_206], %mul3A_205 {strides = array<i32>} : memref<512xi32, #tpu.memory_space<vmem>>, vector<16xi32>,
    %mul3A_208 = arith.constant 8 : i32
    %mul3A_209 = vector.broadcast %mul3A_208 : i32 to vector<16xi32>
    %mul3A_210 = arith.muli %iota3A, %mul3A_209 : vector<16xi32>
    %add3A_211 = arith.constant 1410 : i32
    %add3A_212 = vector.broadcast %add3A_211 : i32 to vector<16xi32>
    %add3A_213 = arith.addi %mul3A_210, %add3A_212 : vector<16xi32>
    %gather3A_214 = tpu.vector_load_idx %arg6[%add3A_213] : memref<4096xf32, #tpu.memory_space<vmem>>[vector<16xi32>], vector<16xf32>,
    %convert_element_type3A_215 = arith.fptosi %gather3A_214 : vector<16xf32> to vector<16xi32>
    %jit3A_216 = arith.constant 0 : i32
    %jit3A_217 = arith.constant 7 : i32
    %max3A_218 = vector.broadcast %jit3A_216 : i32 to vector<16xi32>
    %max3A_219 = arith.maxsi %max3A_218, %convert_element_type3A_215 : vector<16xi32>
    %min3A_220 = vector.broadcast %jit3A_217 : i32 to vector<16xi32>
    %min3A_221 = arith.minsi %min3A_220, %max3A_219 : vector<16xi32>
    %mul3A_222 = arith.constant 256 : i32
    %mul3A_223 = vector.broadcast %mul3A_222 : i32 to vector<16xi32>
    %mul3A_224 = arith.muli %min3A_221, %mul3A_223 : vector<16xi32>
    %swap3A_225 = arith.constant 176 : index
    %swap3A_226 = tpu.vector_load %arg7[%swap3A_225] {strides = array<i32>} : memref<512xi32, #tpu.memory_space<vmem>>, vector<16xi32>,
    tpu.vector_store %arg7[%swap3A_225], %mul3A_224 {strides = array<i32>} : memref<512xi32, #tpu.memory_space<vmem>>, vector<16xi32>,
    %mul3A_227 = arith.constant 8 : i32
    %mul3A_228 = vector.broadcast %mul3A_227 : i32 to vector<16xi32>
    %mul3A_229 = arith.muli %iota3A, %mul3A_228 : vector<16xi32>
    %add3A_230 = arith.constant 1538 : i32
    %add3A_231 = vector.broadcast %add3A_230 : i32 to vector<16xi32>
    %add3A_232 = arith.addi %mul3A_229, %add3A_231 : vector<16xi32>
    %gather3A_233 = tpu.vector_load_idx %arg6[%add3A_232] : memref<4096xf32, #tpu.memory_space<vmem>>[vector<16xi32>], vector<16xf32>,
    %convert_element_type3A_234 = arith.fptosi %gather3A_233 : vector<16xf32> to vector<16xi32>
    %jit3A_235 = arith.constant 0 : i32
    %jit3A_236 = arith.constant 7 : i32
    %max3A_237 = vector.broadcast %jit3A_235 : i32 to vector<16xi32>
    %max3A_238 = arith.maxsi %max3A_237, %convert_element_type3A_234 : vector<16xi32>
    %min3A_239 = vector.broadcast %jit3A_236 : i32 to vector<16xi32>
    %min3A_240 = arith.minsi %min3A_239, %max3A_238 : vector<16xi32>
    %mul3A_241 = arith.constant 256 : i32
    %mul3A_242 = vector.broadcast %mul3A_241 : i32 to vector<16xi32>
    %mul3A_243 = arith.muli %min3A_240, %mul3A_242 : vector<16xi32>
    %swap3A_244 = arith.constant 192 : index
    %swap3A_245 = tpu.vector_load %arg7[%swap3A_244] {strides = array<i32>} : memref<512xi32, #tpu.memory_space<vmem>>, vector<16xi32>,
    tpu.vector_store %arg7[%swap3A_244], %mul3A_243 {strides = array<i32>} : memref<512xi32, #tpu.memory_space<vmem>>, vector<16xi32>,
    %mul3A_246 = arith.constant 8 : i32
    %mul3A_247 = vector.broadcast %mul3A_246 : i32 to vector<16xi32>
    %mul3A_248 = arith.muli %iota3A, %mul3A_247 : vector<16xi32>
    %add3A_249 = arith.constant 1666 : i32
    %add3A_250 = vector.broadcast %add3A_249 : i32 to vector<16xi32>
    %add3A_251 = arith.addi %mul3A_248, %add3A_250 : vector<16xi32>
    %gather3A_252 = tpu.vector_load_idx %arg6[%add3A_251] : memref<4096xf32, #tpu.memory_space<vmem>>[vector<16xi32>], vector<16xf32>,
    %convert_element_type3A_253 = arith.fptosi %gather3A_252 : vector<16xf32> to vector<16xi32>
    %jit3A_254 = arith.constant 0 : i32
    %jit3A_255 = arith.constant 7 : i32
    %max3A_256 = vector.broadcast %jit3A_254 : i32 to vector<16xi32>
    %max3A_257 = arith.maxsi %max3A_256, %convert_element_type3A_253 : vector<16xi32>
    %min3A_258 = vector.broadcast %jit3A_255 : i32 to vector<16xi32>
    %min3A_259 = arith.minsi %min3A_258, %max3A_257 : vector<16xi32>
    %mul3A_260 = arith.constant 256 : i32
    %mul3A_261 = vector.broadcast %mul3A_260 : i32 to vector<16xi32>
    %mul3A_262 = arith.muli %min3A_259, %mul3A_261 : vector<16xi32>
    %swap3A_263 = arith.constant 208 : index
    %swap3A_264 = tpu.vector_load %arg7[%swap3A_263] {strides = array<i32>} : memref<512xi32, #tpu.memory_space<vmem>>, vector<16xi32>,
    tpu.vector_store %arg7[%swap3A_263], %mul3A_262 {strides = array<i32>} : memref<512xi32, #tpu.memory_space<vmem>>, vector<16xi32>,
    %mul3A_265 = arith.constant 8 : i32
    %mul3A_266 = vector.broadcast %mul3A_265 : i32 to vector<16xi32>
    %mul3A_267 = arith.muli %iota3A, %mul3A_266 : vector<16xi32>
    %add3A_268 = arith.constant 1794 : i32
    %add3A_269 = vector.broadcast %add3A_268 : i32 to vector<16xi32>
    %add3A_270 = arith.addi %mul3A_267, %add3A_269 : vector<16xi32>
    %gather3A_271 = tpu.vector_load_idx %arg6[%add3A_270] : memref<4096xf32, #tpu.memory_space<vmem>>[vector<16xi32>], vector<16xf32>,
    %convert_element_type3A_272 = arith.fptosi %gather3A_271 : vector<16xf32> to vector<16xi32>
    %jit3A_273 = arith.constant 0 : i32
    %jit3A_274 = arith.constant 7 : i32
    %max3A_275 = vector.broadcast %jit3A_273 : i32 to vector<16xi32>
    %max3A_276 = arith.maxsi %max3A_275, %convert_element_type3A_272 : vector<16xi32>
    %min3A_277 = vector.broadcast %jit3A_274 : i32 to vector<16xi32>
    %min3A_278 = arith.minsi %min3A_277, %max3A_276 : vector<16xi32>
    %mul3A_279 = arith.constant 256 : i32
    %mul3A_280 = vector.broadcast %mul3A_279 : i32 to vector<16xi32>
    %mul3A_281 = arith.muli %min3A_278, %mul3A_280 : vector<16xi32>
    %swap3A_282 = arith.constant 224 : index
    %swap3A_283 = tpu.vector_load %arg7[%swap3A_282] {strides = array<i32>} : memref<512xi32, #tpu.memory_space<vmem>>, vector<16xi32>,
    tpu.vector_store %arg7[%swap3A_282], %mul3A_281 {strides = array<i32>} : memref<512xi32, #tpu.memory_space<vmem>>, vector<16xi32>,
    %mul3A_284 = arith.constant 8 : i32
    %mul3A_285 = vector.broadcast %mul3A_284 : i32 to vector<16xi32>
    %mul3A_286 = arith.muli %iota3A, %mul3A_285 : vector<16xi32>
    %add3A_287 = arith.constant 1922 : i32
    %add3A_288 = vector.broadcast %add3A_287 : i32 to vector<16xi32>
    %add3A_289 = arith.addi %mul3A_286, %add3A_288 : vector<16xi32>
    %gather3A_290 = tpu.vector_load_idx %arg6[%add3A_289] : memref<4096xf32, #tpu.memory_space<vmem>>[vector<16xi32>], vector<16xf32>,
    %convert_element_type3A_291 = arith.fptosi %gather3A_290 : vector<16xf32> to vector<16xi32>
    %jit3A_292 = arith.constant 0 : i32
    %jit3A_293 = arith.constant 7 : i32
    %max3A_294 = vector.broadcast %jit3A_292 : i32 to vector<16xi32>
    %max3A_295 = arith.maxsi %max3A_294, %convert_element_type3A_291 : vector<16xi32>
    %min3A_296 = vector.broadcast %jit3A_293 : i32 to vector<16xi32>
    %min3A_297 = arith.minsi %min3A_296, %max3A_295 : vector<16xi32>
    %mul3A_298 = arith.constant 256 : i32
    %mul3A_299 = vector.broadcast %mul3A_298 : i32 to vector<16xi32>
    %mul3A_300 = arith.muli %min3A_297, %mul3A_299 : vector<16xi32>
    %swap3A_301 = arith.constant 240 : index
    %swap3A_302 = tpu.vector_load %arg7[%swap3A_301] {strides = array<i32>} : memref<512xi32, #tpu.memory_space<vmem>>, vector<16xi32>,
    tpu.vector_store %arg7[%swap3A_301], %mul3A_300 {strides = array<i32>} : memref<512xi32, #tpu.memory_space<vmem>>, vector<16xi32>,
    %mul3A_303 = arith.constant 8 : i32
    %mul3A_304 = vector.broadcast %mul3A_303 : i32 to vector<16xi32>
    %mul3A_305 = arith.muli %iota3A, %mul3A_304 : vector<16xi32>
    %add3A_306 = arith.constant 2050 : i32
    %add3A_307 = vector.broadcast %add3A_306 : i32 to vector<16xi32>
    %add3A_308 = arith.addi %mul3A_305, %add3A_307 : vector<16xi32>
    %gather3A_309 = tpu.vector_load_idx %arg6[%add3A_308] : memref<4096xf32, #tpu.memory_space<vmem>>[vector<16xi32>], vector<16xf32>,
    %convert_element_type3A_310 = arith.fptosi %gather3A_309 : vector<16xf32> to vector<16xi32>
    %jit3A_311 = arith.constant 0 : i32
    %jit3A_312 = arith.constant 7 : i32
    %max3A_313 = vector.broadcast %jit3A_311 : i32 to vector<16xi32>
    %max3A_314 = arith.maxsi %max3A_313, %convert_element_type3A_310 : vector<16xi32>
    %min3A_315 = vector.broadcast %jit3A_312 : i32 to vector<16xi32>
    %min3A_316 = arith.minsi %min3A_315, %max3A_314 : vector<16xi32>
    %mul3A_317 = arith.constant 256 : i32
    %mul3A_318 = vector.broadcast %mul3A_317 : i32 to vector<16xi32>
    %mul3A_319 = arith.muli %min3A_316, %mul3A_318 : vector<16xi32>
    %swap3A_320 = arith.constant 256 : index
    %swap3A_321 = tpu.vector_load %arg7[%swap3A_320] {strides = array<i32>} : memref<512xi32, #tpu.memory_space<vmem>>, vector<16xi32>,
    tpu.vector_store %arg7[%swap3A_320], %mul3A_319 {strides = array<i32>} : memref<512xi32, #tpu.memory_space<vmem>>, vector<16xi32>,
    %mul3A_322 = arith.constant 8 : i32
    %mul3A_323 = vector.broadcast %mul3A_322 : i32 to vector<16xi32>
    %mul3A_324 = arith.muli %iota3A, %mul3A_323 : vector<16xi32>
    %add3A_325 = arith.constant 2178 : i32
    %add3A_326 = vector.broadcast %add3A_325 : i32 to vector<16xi32>
    %add3A_327 = arith.addi %mul3A_324, %add3A_326 : vector<16xi32>
    %gather3A_328 = tpu.vector_load_idx %arg6[%add3A_327] : memref<4096xf32, #tpu.memory_space<vmem>>[vector<16xi32>], vector<16xf32>,
    %convert_element_type3A_329 = arith.fptosi %gather3A_328 : vector<16xf32> to vector<16xi32>
    %jit3A_330 = arith.constant 0 : i32
    %jit3A_331 = arith.constant 7 : i32
    %max3A_332 = vector.broadcast %jit3A_330 : i32 to vector<16xi32>
    %max3A_333 = arith.maxsi %max3A_332, %convert_element_type3A_329 : vector<16xi32>
    %min3A_334 = vector.broadcast %jit3A_331 : i32 to vector<16xi32>
    %min3A_335 = arith.minsi %min3A_334, %max3A_333 : vector<16xi32>
    %mul3A_336 = arith.constant 256 : i32
    %mul3A_337 = vector.broadcast %mul3A_336 : i32 to vector<16xi32>
    %mul3A_338 = arith.muli %min3A_335, %mul3A_337 : vector<16xi32>
    %swap3A_339 = arith.constant 272 : index
    %swap3A_340 = tpu.vector_load %arg7[%swap3A_339] {strides = array<i32>} : memref<512xi32, #tpu.memory_space<vmem>>, vector<16xi32>,
    tpu.vector_store %arg7[%swap3A_339], %mul3A_338 {strides = array<i32>} : memref<512xi32, #tpu.memory_space<vmem>>, vector<16xi32>,
    %mul3A_341 = arith.constant 8 : i32
    %mul3A_342 = vector.broadcast %mul3A_341 : i32 to vector<16xi32>
    %mul3A_343 = arith.muli %iota3A, %mul3A_342 : vector<16xi32>
    %add3A_344 = arith.constant 2306 : i32
    %add3A_345 = vector.broadcast %add3A_344 : i32 to vector<16xi32>
    %add3A_346 = arith.addi %mul3A_343, %add3A_345 : vector<16xi32>
    %gather3A_347 = tpu.vector_load_idx %arg6[%add3A_346] : memref<4096xf32, #tpu.memory_space<vmem>>[vector<16xi32>], vector<16xf32>,
    %convert_element_type3A_348 = arith.fptosi %gather3A_347 : vector<16xf32> to vector<16xi32>
    %jit3A_349 = arith.constant 0 : i32
    %jit3A_350 = arith.constant 7 : i32
    %max3A_351 = vector.broadcast %jit3A_349 : i32 to vector<16xi32>
    %max3A_352 = arith.maxsi %max3A_351, %convert_element_type3A_348 : vector<16xi32>
    %min3A_353 = vector.broadcast %jit3A_350 : i32 to vector<16xi32>
    %min3A_354 = arith.minsi %min3A_353, %max3A_352 : vector<16xi32>
    %mul3A_355 = arith.constant 256 : i32
    %mul3A_356 = vector.broadcast %mul3A_355 : i32 to vector<16xi32>
    %mul3A_357 = arith.muli %min3A_354, %mul3A_356 : vector<16xi32>
    %swap3A_358 = arith.constant 288 : index
    %swap3A_359 = tpu.vector_load %arg7[%swap3A_358] {strides = array<i32>} : memref<512xi32, #tpu.memory_space<vmem>>, vector<16xi32>,
    tpu.vector_store %arg7[%swap3A_358], %mul3A_357 {strides = array<i32>} : memref<512xi32, #tpu.memory_space<vmem>>, vector<16xi32>,
    %mul3A_360 = arith.constant 8 : i32
    %mul3A_361 = vector.broadcast %mul3A_360 : i32 to vector<16xi32>
    %mul3A_362 = arith.muli %iota3A, %mul3A_361 : vector<16xi32>
    %add3A_363 = arith.constant 2434 : i32
    %add3A_364 = vector.broadcast %add3A_363 : i32 to vector<16xi32>
    %add3A_365 = arith.addi %mul3A_362, %add3A_364 : vector<16xi32>
    %gather3A_366 = tpu.vector_load_idx %arg6[%add3A_365] : memref<4096xf32, #tpu.memory_space<vmem>>[vector<16xi32>], vector<16xf32>,
    %convert_element_type3A_367 = arith.fptosi %gather3A_366 : vector<16xf32> to vector<16xi32>
    %jit3A_368 = arith.constant 0 : i32
    %jit3A_369 = arith.constant 7 : i32
    %max3A_370 = vector.broadcast %jit3A_368 : i32 to vector<16xi32>
    %max3A_371 = arith.maxsi %max3A_370, %convert_element_type3A_367 : vector<16xi32>
    %min3A_372 = vector.broadcast %jit3A_369 : i32 to vector<16xi32>
    %min3A_373 = arith.minsi %min3A_372, %max3A_371 : vector<16xi32>
    %mul3A_374 = arith.constant 256 : i32
    %mul3A_375 = vector.broadcast %mul3A_374 : i32 to vector<16xi32>
    %mul3A_376 = arith.muli %min3A_373, %mul3A_375 : vector<16xi32>
    %swap3A_377 = arith.constant 304 : index
    %swap3A_378 = tpu.vector_load %arg7[%swap3A_377] {strides = array<i32>} : memref<512xi32, #tpu.memory_space<vmem>>, vector<16xi32>,
    tpu.vector_store %arg7[%swap3A_377], %mul3A_376 {strides = array<i32>} : memref<512xi32, #tpu.memory_space<vmem>>, vector<16xi32>,
    %mul3A_379 = arith.constant 8 : i32
    %mul3A_380 = vector.broadcast %mul3A_379 : i32 to vector<16xi32>
    %mul3A_381 = arith.muli %iota3A, %mul3A_380 : vector<16xi32>
    %add3A_382 = arith.constant 2562 : i32
    %add3A_383 = vector.broadcast %add3A_382 : i32 to vector<16xi32>
    %add3A_384 = arith.addi %mul3A_381, %add3A_383 : vector<16xi32>
    %gather3A_385 = tpu.vector_load_idx %arg6[%add3A_384] : memref<4096xf32, #tpu.memory_space<vmem>>[vector<16xi32>], vector<16xf32>,
    %convert_element_type3A_386 = arith.fptosi %gather3A_385 : vector<16xf32> to vector<16xi32>
    %jit3A_387 = arith.constant 0 : i32
    %jit3A_388 = arith.constant 7 : i32
    %max3A_389 = vector.broadcast %jit3A_387 : i32 to vector<16xi32>
    %max3A_390 = arith.maxsi %max3A_389, %convert_element_type3A_386 : vector<16xi32>
    %min3A_391 = vector.broadcast %jit3A_388 : i32 to vector<16xi32>
    %min3A_392 = arith.minsi %min3A_391, %max3A_390 : vector<16xi32>
    %mul3A_393 = arith.constant 256 : i32
    %mul3A_394 = vector.broadcast %mul3A_393 : i32 to vector<16xi32>
    %mul3A_395 = arith.muli %min3A_392, %mul3A_394 : vector<16xi32>
    %swap3A_396 = arith.constant 320 : index
    %swap3A_397 = tpu.vector_load %arg7[%swap3A_396] {strides = array<i32>} : memref<512xi32, #tpu.memory_space<vmem>>, vector<16xi32>,
    tpu.vector_store %arg7[%swap3A_396], %mul3A_395 {strides = array<i32>} : memref<512xi32, #tpu.memory_space<vmem>>, vector<16xi32>,
    %mul3A_398 = arith.constant 8 : i32
    %mul3A_399 = vector.broadcast %mul3A_398 : i32 to vector<16xi32>
    %mul3A_400 = arith.muli %iota3A, %mul3A_399 : vector<16xi32>
    %add3A_401 = arith.constant 2690 : i32
    %add3A_402 = vector.broadcast %add3A_401 : i32 to vector<16xi32>
    %add3A_403 = arith.addi %mul3A_400, %add3A_402 : vector<16xi32>
    %gather3A_404 = tpu.vector_load_idx %arg6[%add3A_403] : memref<4096xf32, #tpu.memory_space<vmem>>[vector<16xi32>], vector<16xf32>,
    %convert_element_type3A_405 = arith.fptosi %gather3A_404 : vector<16xf32> to vector<16xi32>
    %jit3A_406 = arith.constant 0 : i32
    %jit3A_407 = arith.constant 7 : i32
    %max3A_408 = vector.broadcast %jit3A_406 : i32 to vector<16xi32>
    %max3A_409 = arith.maxsi %max3A_408, %convert_element_type3A_405 : vector<16xi32>
    %min3A_410 = vector.broadcast %jit3A_407 : i32 to vector<16xi32>
    %min3A_411 = arith.minsi %min3A_410, %max3A_409 : vector<16xi32>
    %mul3A_412 = arith.constant 256 : i32
    %mul3A_413 = vector.broadcast %mul3A_412 : i32 to vector<16xi32>
    %mul3A_414 = arith.muli %min3A_411, %mul3A_413 : vector<16xi32>
    %swap3A_415 = arith.constant 336 : index
    %swap3A_416 = tpu.vector_load %arg7[%swap3A_415] {strides = array<i32>} : memref<512xi32, #tpu.memory_space<vmem>>, vector<16xi32>,
    tpu.vector_store %arg7[%swap3A_415], %mul3A_414 {strides = array<i32>} : memref<512xi32, #tpu.memory_space<vmem>>, vector<16xi32>,
    %mul3A_417 = arith.constant 8 : i32
    %mul3A_418 = vector.broadcast %mul3A_417 : i32 to vector<16xi32>
    %mul3A_419 = arith.muli %iota3A, %mul3A_418 : vector<16xi32>
    %add3A_420 = arith.constant 2818 : i32
    %add3A_421 = vector.broadcast %add3A_420 : i32 to vector<16xi32>
    %add3A_422 = arith.addi %mul3A_419, %add3A_421 : vector<16xi32>
    %gather3A_423 = tpu.vector_load_idx %arg6[%add3A_422] : memref<4096xf32, #tpu.memory_space<vmem>>[vector<16xi32>], vector<16xf32>,
    %convert_element_type3A_424 = arith.fptosi %gather3A_423 : vector<16xf32> to vector<16xi32>
    %jit3A_425 = arith.constant 0 : i32
    %jit3A_426 = arith.constant 7 : i32
    %max3A_427 = vector.broadcast %jit3A_425 : i32 to vector<16xi32>
    %max3A_428 = arith.maxsi %max3A_427, %convert_element_type3A_424 : vector<16xi32>
    %min3A_429 = vector.broadcast %jit3A_426 : i32 to vector<16xi32>
    %min3A_430 = arith.minsi %min3A_429, %max3A_428 : vector<16xi32>
    %mul3A_431 = arith.constant 256 : i32
    %mul3A_432 = vector.broadcast %mul3A_431 : i32 to vector<16xi32>
    %mul3A_433 = arith.muli %min3A_430, %mul3A_432 : vector<16xi32>
    %swap3A_434 = arith.constant 352 : index
    %swap3A_435 = tpu.vector_load %arg7[%swap3A_434] {strides = array<i32>} : memref<512xi32, #tpu.memory_space<vmem>>, vector<16xi32>,
    tpu.vector_store %arg7[%swap3A_434], %mul3A_433 {strides = array<i32>} : memref<512xi32, #tpu.memory_space<vmem>>, vector<16xi32>,
    %mul3A_436 = arith.constant 8 : i32
    %mul3A_437 = vector.broadcast %mul3A_436 : i32 to vector<16xi32>
    %mul3A_438 = arith.muli %iota3A, %mul3A_437 : vector<16xi32>
    %add3A_439 = arith.constant 2946 : i32
    %add3A_440 = vector.broadcast %add3A_439 : i32 to vector<16xi32>
    %add3A_441 = arith.addi %mul3A_438, %add3A_440 : vector<16xi32>
    %gather3A_442 = tpu.vector_load_idx %arg6[%add3A_441] : memref<4096xf32, #tpu.memory_space<vmem>>[vector<16xi32>], vector<16xf32>,
    %convert_element_type3A_443 = arith.fptosi %gather3A_442 : vector<16xf32> to vector<16xi32>
    %jit3A_444 = arith.constant 0 : i32
    %jit3A_445 = arith.constant 7 : i32
    %max3A_446 = vector.broadcast %jit3A_444 : i32 to vector<16xi32>
    %max3A_447 = arith.maxsi %max3A_446, %convert_element_type3A_443 : vector<16xi32>
    %min3A_448 = vector.broadcast %jit3A_445 : i32 to vector<16xi32>
    %min3A_449 = arith.minsi %min3A_448, %max3A_447 : vector<16xi32>
    %mul3A_450 = arith.constant 256 : i32
    %mul3A_451 = vector.broadcast %mul3A_450 : i32 to vector<16xi32>
    %mul3A_452 = arith.muli %min3A_449, %mul3A_451 : vector<16xi32>
    %swap3A_453 = arith.constant 368 : index
    %swap3A_454 = tpu.vector_load %arg7[%swap3A_453] {strides = array<i32>} : memref<512xi32, #tpu.memory_space<vmem>>, vector<16xi32>,
    tpu.vector_store %arg7[%swap3A_453], %mul3A_452 {strides = array<i32>} : memref<512xi32, #tpu.memory_space<vmem>>, vector<16xi32>,
    %mul3A_455 = arith.constant 8 : i32
    %mul3A_456 = vector.broadcast %mul3A_455 : i32 to vector<16xi32>
    %mul3A_457 = arith.muli %iota3A, %mul3A_456 : vector<16xi32>
    %add3A_458 = arith.constant 3074 : i32
    %add3A_459 = vector.broadcast %add3A_458 : i32 to vector<16xi32>
    %add3A_460 = arith.addi %mul3A_457, %add3A_459 : vector<16xi32>
    %gather3A_461 = tpu.vector_load_idx %arg6[%add3A_460] : memref<4096xf32, #tpu.memory_space<vmem>>[vector<16xi32>], vector<16xf32>,
    %convert_element_type3A_462 = arith.fptosi %gather3A_461 : vector<16xf32> to vector<16xi32>
    %jit3A_463 = arith.constant 0 : i32
    %jit3A_464 = arith.constant 7 : i32
    %max3A_465 = vector.broadcast %jit3A_463 : i32 to vector<16xi32>
    %max3A_466 = arith.maxsi %max3A_465, %convert_element_type3A_462 : vector<16xi32>
    %min3A_467 = vector.broadcast %jit3A_464 : i32 to vector<16xi32>
    %min3A_468 = arith.minsi %min3A_467, %max3A_466 : vector<16xi32>
    %mul3A_469 = arith.constant 256 : i32
    %mul3A_470 = vector.broadcast %mul3A_469 : i32 to vector<16xi32>
    %mul3A_471 = arith.muli %min3A_468, %mul3A_470 : vector<16xi32>
    %swap3A_472 = arith.constant 384 : index
    %swap3A_473 = tpu.vector_load %arg7[%swap3A_472] {strides = array<i32>} : memref<512xi32, #tpu.memory_space<vmem>>, vector<16xi32>,
    tpu.vector_store %arg7[%swap3A_472], %mul3A_471 {strides = array<i32>} : memref<512xi32, #tpu.memory_space<vmem>>, vector<16xi32>,
    %mul3A_474 = arith.constant 8 : i32
    %mul3A_475 = vector.broadcast %mul3A_474 : i32 to vector<16xi32>
    %mul3A_476 = arith.muli %iota3A, %mul3A_475 : vector<16xi32>
    %add3A_477 = arith.constant 3202 : i32
    %add3A_478 = vector.broadcast %add3A_477 : i32 to vector<16xi32>
    %add3A_479 = arith.addi %mul3A_476, %add3A_478 : vector<16xi32>
    %gather3A_480 = tpu.vector_load_idx %arg6[%add3A_479] : memref<4096xf32, #tpu.memory_space<vmem>>[vector<16xi32>], vector<16xf32>,
    %convert_element_type3A_481 = arith.fptosi %gather3A_480 : vector<16xf32> to vector<16xi32>
    %jit3A_482 = arith.constant 0 : i32
    %jit3A_483 = arith.constant 7 : i32
    %max3A_484 = vector.broadcast %jit3A_482 : i32 to vector<16xi32>
    %max3A_485 = arith.maxsi %max3A_484, %convert_element_type3A_481 : vector<16xi32>
    %min3A_486 = vector.broadcast %jit3A_483 : i32 to vector<16xi32>
    %min3A_487 = arith.minsi %min3A_486, %max3A_485 : vector<16xi32>
    %mul3A_488 = arith.constant 256 : i32
    %mul3A_489 = vector.broadcast %mul3A_488 : i32 to vector<16xi32>
    %mul3A_490 = arith.muli %min3A_487, %mul3A_489 : vector<16xi32>
    %swap3A_491 = arith.constant 400 : index
    %swap3A_492 = tpu.vector_load %arg7[%swap3A_491] {strides = array<i32>} : memref<512xi32, #tpu.memory_space<vmem>>, vector<16xi32>,
    tpu.vector_store %arg7[%swap3A_491], %mul3A_490 {strides = array<i32>} : memref<512xi32, #tpu.memory_space<vmem>>, vector<16xi32>,
    %mul3A_493 = arith.constant 8 : i32
    %mul3A_494 = vector.broadcast %mul3A_493 : i32 to vector<16xi32>
    %mul3A_495 = arith.muli %iota3A, %mul3A_494 : vector<16xi32>
    %add3A_496 = arith.constant 3330 : i32
    %add3A_497 = vector.broadcast %add3A_496 : i32 to vector<16xi32>
    %add3A_498 = arith.addi %mul3A_495, %add3A_497 : vector<16xi32>
    %gather3A_499 = tpu.vector_load_idx %arg6[%add3A_498] : memref<4096xf32, #tpu.memory_space<vmem>>[vector<16xi32>], vector<16xf32>,
    %convert_element_type3A_500 = arith.fptosi %gather3A_499 : vector<16xf32> to vector<16xi32>
    %jit3A_501 = arith.constant 0 : i32
    %jit3A_502 = arith.constant 7 : i32
    %max3A_503 = vector.broadcast %jit3A_501 : i32 to vector<16xi32>
    %max3A_504 = arith.maxsi %max3A_503, %convert_element_type3A_500 : vector<16xi32>
    %min3A_505 = vector.broadcast %jit3A_502 : i32 to vector<16xi32>
    %min3A_506 = arith.minsi %min3A_505, %max3A_504 : vector<16xi32>
    %mul3A_507 = arith.constant 256 : i32
    %mul3A_508 = vector.broadcast %mul3A_507 : i32 to vector<16xi32>
    %mul3A_509 = arith.muli %min3A_506, %mul3A_508 : vector<16xi32>
    %swap3A_510 = arith.constant 416 : index
    %swap3A_511 = tpu.vector_load %arg7[%swap3A_510] {strides = array<i32>} : memref<512xi32, #tpu.memory_space<vmem>>, vector<16xi32>,
    tpu.vector_store %arg7[%swap3A_510], %mul3A_509 {strides = array<i32>} : memref<512xi32, #tpu.memory_space<vmem>>, vector<16xi32>,
    %mul3A_512 = arith.constant 8 : i32
    %mul3A_513 = vector.broadcast %mul3A_512 : i32 to vector<16xi32>
    %mul3A_514 = arith.muli %iota3A, %mul3A_513 : vector<16xi32>
    %add3A_515 = arith.constant 3458 : i32
    %add3A_516 = vector.broadcast %add3A_515 : i32 to vector<16xi32>
    %add3A_517 = arith.addi %mul3A_514, %add3A_516 : vector<16xi32>
    %gather3A_518 = tpu.vector_load_idx %arg6[%add3A_517] : memref<4096xf32, #tpu.memory_space<vmem>>[vector<16xi32>], vector<16xf32>,
    %convert_element_type3A_519 = arith.fptosi %gather3A_518 : vector<16xf32> to vector<16xi32>
    %jit3A_520 = arith.constant 0 : i32
    %jit3A_521 = arith.constant 7 : i32
    %max3A_522 = vector.broadcast %jit3A_520 : i32 to vector<16xi32>
    %max3A_523 = arith.maxsi %max3A_522, %convert_element_type3A_519 : vector<16xi32>
    %min3A_524 = vector.broadcast %jit3A_521 : i32 to vector<16xi32>
    %min3A_525 = arith.minsi %min3A_524, %max3A_523 : vector<16xi32>
    %mul3A_526 = arith.constant 256 : i32
    %mul3A_527 = vector.broadcast %mul3A_526 : i32 to vector<16xi32>
    %mul3A_528 = arith.muli %min3A_525, %mul3A_527 : vector<16xi32>
    %swap3A_529 = arith.constant 432 : index
    %swap3A_530 = tpu.vector_load %arg7[%swap3A_529] {strides = array<i32>} : memref<512xi32, #tpu.memory_space<vmem>>, vector<16xi32>,
    tpu.vector_store %arg7[%swap3A_529], %mul3A_528 {strides = array<i32>} : memref<512xi32, #tpu.memory_space<vmem>>, vector<16xi32>,
    %mul3A_531 = arith.constant 8 : i32
    %mul3A_532 = vector.broadcast %mul3A_531 : i32 to vector<16xi32>
    %mul3A_533 = arith.muli %iota3A, %mul3A_532 : vector<16xi32>
    %add3A_534 = arith.constant 3586 : i32
    %add3A_535 = vector.broadcast %add3A_534 : i32 to vector<16xi32>
    %add3A_536 = arith.addi %mul3A_533, %add3A_535 : vector<16xi32>
    %gather3A_537 = tpu.vector_load_idx %arg6[%add3A_536] : memref<4096xf32, #tpu.memory_space<vmem>>[vector<16xi32>], vector<16xf32>,
    %convert_element_type3A_538 = arith.fptosi %gather3A_537 : vector<16xf32> to vector<16xi32>
    %jit3A_539 = arith.constant 0 : i32
    %jit3A_540 = arith.constant 7 : i32
    %max3A_541 = vector.broadcast %jit3A_539 : i32 to vector<16xi32>
    %max3A_542 = arith.maxsi %max3A_541, %convert_element_type3A_538 : vector<16xi32>
    %min3A_543 = vector.broadcast %jit3A_540 : i32 to vector<16xi32>
    %min3A_544 = arith.minsi %min3A_543, %max3A_542 : vector<16xi32>
    %mul3A_545 = arith.constant 256 : i32
    %mul3A_546 = vector.broadcast %mul3A_545 : i32 to vector<16xi32>
    %mul3A_547 = arith.muli %min3A_544, %mul3A_546 : vector<16xi32>
    %swap3A_548 = arith.constant 448 : index
    %swap3A_549 = tpu.vector_load %arg7[%swap3A_548] {strides = array<i32>} : memref<512xi32, #tpu.memory_space<vmem>>, vector<16xi32>,
    tpu.vector_store %arg7[%swap3A_548], %mul3A_547 {strides = array<i32>} : memref<512xi32, #tpu.memory_space<vmem>>, vector<16xi32>,
    %mul3A_550 = arith.constant 8 : i32
    %mul3A_551 = vector.broadcast %mul3A_550 : i32 to vector<16xi32>
    %mul3A_552 = arith.muli %iota3A, %mul3A_551 : vector<16xi32>
    %add3A_553 = arith.constant 3714 : i32
    %add3A_554 = vector.broadcast %add3A_553 : i32 to vector<16xi32>
    %add3A_555 = arith.addi %mul3A_552, %add3A_554 : vector<16xi32>
    %gather3A_556 = tpu.vector_load_idx %arg6[%add3A_555] : memref<4096xf32, #tpu.memory_space<vmem>>[vector<16xi32>], vector<16xf32>,
    %convert_element_type3A_557 = arith.fptosi %gather3A_556 : vector<16xf32> to vector<16xi32>
    %jit3A_558 = arith.constant 0 : i32
    %jit3A_559 = arith.constant 7 : i32
    %max3A_560 = vector.broadcast %jit3A_558 : i32 to vector<16xi32>
    %max3A_561 = arith.maxsi %max3A_560, %convert_element_type3A_557 : vector<16xi32>
    %min3A_562 = vector.broadcast %jit3A_559 : i32 to vector<16xi32>
    %min3A_563 = arith.minsi %min3A_562, %max3A_561 : vector<16xi32>
    %mul3A_564 = arith.constant 256 : i32
    %mul3A_565 = vector.broadcast %mul3A_564 : i32 to vector<16xi32>
    %mul3A_566 = arith.muli %min3A_563, %mul3A_565 : vector<16xi32>
    %swap3A_567 = arith.constant 464 : index
    %swap3A_568 = tpu.vector_load %arg7[%swap3A_567] {strides = array<i32>} : memref<512xi32, #tpu.memory_space<vmem>>, vector<16xi32>,
    tpu.vector_store %arg7[%swap3A_567], %mul3A_566 {strides = array<i32>} : memref<512xi32, #tpu.memory_space<vmem>>, vector<16xi32>,
    %mul3A_569 = arith.constant 8 : i32
    %mul3A_570 = vector.broadcast %mul3A_569 : i32 to vector<16xi32>
    %mul3A_571 = arith.muli %iota3A, %mul3A_570 : vector<16xi32>
    %add3A_572 = arith.constant 3842 : i32
    %add3A_573 = vector.broadcast %add3A_572 : i32 to vector<16xi32>
    %add3A_574 = arith.addi %mul3A_571, %add3A_573 : vector<16xi32>
    %gather3A_575 = tpu.vector_load_idx %arg6[%add3A_574] : memref<4096xf32, #tpu.memory_space<vmem>>[vector<16xi32>], vector<16xf32>,
    %convert_element_type3A_576 = arith.fptosi %gather3A_575 : vector<16xf32> to vector<16xi32>
    %jit3A_577 = arith.constant 0 : i32
    %jit3A_578 = arith.constant 7 : i32
    %max3A_579 = vector.broadcast %jit3A_577 : i32 to vector<16xi32>
    %max3A_580 = arith.maxsi %max3A_579, %convert_element_type3A_576 : vector<16xi32>
    %min3A_581 = vector.broadcast %jit3A_578 : i32 to vector<16xi32>
    %min3A_582 = arith.minsi %min3A_581, %max3A_580 : vector<16xi32>
    %mul3A_583 = arith.constant 256 : i32
    %mul3A_584 = vector.broadcast %mul3A_583 : i32 to vector<16xi32>
    %mul3A_585 = arith.muli %min3A_582, %mul3A_584 : vector<16xi32>
    %swap3A_586 = arith.constant 480 : index
    %swap3A_587 = tpu.vector_load %arg7[%swap3A_586] {strides = array<i32>} : memref<512xi32, #tpu.memory_space<vmem>>, vector<16xi32>,
    tpu.vector_store %arg7[%swap3A_586], %mul3A_585 {strides = array<i32>} : memref<512xi32, #tpu.memory_space<vmem>>, vector<16xi32>,
    %mul3A_588 = arith.constant 8 : i32
    %mul3A_589 = vector.broadcast %mul3A_588 : i32 to vector<16xi32>
    %mul3A_590 = arith.muli %iota3A, %mul3A_589 : vector<16xi32>
    %add3A_591 = arith.constant 3970 : i32
    %add3A_592 = vector.broadcast %add3A_591 : i32 to vector<16xi32>
    %add3A_593 = arith.addi %mul3A_590, %add3A_592 : vector<16xi32>
    %gather3A_594 = tpu.vector_load_idx %arg6[%add3A_593] : memref<4096xf32, #tpu.memory_space<vmem>>[vector<16xi32>], vector<16xf32>,
    %convert_element_type3A_595 = arith.fptosi %gather3A_594 : vector<16xf32> to vector<16xi32>
    %jit3A_596 = arith.constant 0 : i32
    %jit3A_597 = arith.constant 7 : i32
    %max3A_598 = vector.broadcast %jit3A_596 : i32 to vector<16xi32>
    %max3A_599 = arith.maxsi %max3A_598, %convert_element_type3A_595 : vector<16xi32>
    %min3A_600 = vector.broadcast %jit3A_597 : i32 to vector<16xi32>
    %min3A_601 = arith.minsi %min3A_600, %max3A_599 : vector<16xi32>
    %mul3A_602 = arith.constant 256 : i32
    %mul3A_603 = vector.broadcast %mul3A_602 : i32 to vector<16xi32>
    %mul3A_604 = arith.muli %min3A_601, %mul3A_603 : vector<16xi32>
    %swap3A_605 = arith.constant 496 : index
    %swap3A_606 = tpu.vector_load %arg7[%swap3A_605] {strides = array<i32>} : memref<512xi32, #tpu.memory_space<vmem>>, vector<16xi32>,
    tpu.vector_store %arg7[%swap3A_605], %mul3A_604 {strides = array<i32>} : memref<512xi32, #tpu.memory_space<vmem>>, vector<16xi32>,
    %mul3A_607 = arith.constant 256 : i32
    %mul3A_608 = vector.broadcast %mul3A_607 : i32 to vector<16xi32>
    %mul3A_609 = arith.muli %iota3A, %mul3A_608 : vector<16xi32>
    %get3A = arith.constant 0 : index
    %get3A_610 = tpu.vector_load %arg7[%get3A] {strides = array<i32>} : memref<512xi32, #tpu.memory_space<vmem>>, vector<16xi32>,
    %add3A_611 = arith.constant 0 : i32
    %add3A_612 = vector.broadcast %add3A_611 : i32 to vector<16xi32>
    %add3A_613 = arith.addi %mul3A_609, %add3A_612 : vector<16xi32>
    %parallel_loop3A = arith.constant 0 : i32
    %parallel_loop3A_614 = arith.constant 256 : i32
    %parallel_loop3A_615 = arith.constant 1 : i32
    scf.for %parallel_loop3A_894 = %parallel_loop3A to %parallel_loop3A_614 step %parallel_loop3A_615  : i32 {
      %parallel_loop3A_895 = vector.broadcast %parallel_loop3A_894 : i32 to vector<16xi32>
      %parallel_loop3A_896 = arith.addi %get3A_610, %parallel_loop3A_895 : vector<16xi32>
      %parallel_loop3A_897 = tpu.vector_load_idx %arg5[%parallel_loop3A_896] : memref<2048xf32, #tpu.memory_space<vmem>>[vector<16xi32>], vector<16xf32>,
      %parallel_loop3A_898 = vector.broadcast %parallel_loop3A_894 : i32 to vector<16xi32>
      %parallel_loop3A_899 = arith.addi %add3A_613, %parallel_loop3A_898 : vector<16xi32>
      tpu.vector_store_idx %arg8[%parallel_loop3A_899], %parallel_loop3A_897 : memref<32768xf32, #tpu.memory_space<vmem>>[vector<16xi32>], vector<16xf32>,
    } {sc.loop_unroll_factor = 8 : i64, sc.parallel_access}
    %get3A_616 = arith.constant 16 : index
    %get3A_617 = tpu.vector_load %arg7[%get3A_616] {strides = array<i32>} : memref<512xi32, #tpu.memory_space<vmem>>, vector<16xi32>,
    %add3A_618 = arith.constant 4096 : i32
    %add3A_619 = vector.broadcast %add3A_618 : i32 to vector<16xi32>
    %add3A_620 = arith.addi %mul3A_609, %add3A_619 : vector<16xi32>
    %parallel_loop3A_621 = arith.constant 0 : i32
    %parallel_loop3A_622 = arith.constant 256 : i32
    %parallel_loop3A_623 = arith.constant 1 : i32
    scf.for %parallel_loop3A_894 = %parallel_loop3A_621 to %parallel_loop3A_622 step %parallel_loop3A_623  : i32 {
      %parallel_loop3A_895 = vector.broadcast %parallel_loop3A_894 : i32 to vector<16xi32>
      %parallel_loop3A_896 = arith.addi %get3A_617, %parallel_loop3A_895 : vector<16xi32>
      %parallel_loop3A_897 = tpu.vector_load_idx %arg5[%parallel_loop3A_896] : memref<2048xf32, #tpu.memory_space<vmem>>[vector<16xi32>], vector<16xf32>,
      %parallel_loop3A_898 = vector.broadcast %parallel_loop3A_894 : i32 to vector<16xi32>
      %parallel_loop3A_899 = arith.addi %add3A_620, %parallel_loop3A_898 : vector<16xi32>
      tpu.vector_store_idx %arg8[%parallel_loop3A_899], %parallel_loop3A_897 : memref<32768xf32, #tpu.memory_space<vmem>>[vector<16xi32>], vector<16xf32>,
    } {sc.loop_unroll_factor = 8 : i64, sc.parallel_access}
    %get3A_624 = arith.constant 32 : index
    %get3A_625 = tpu.vector_load %arg7[%get3A_624] {strides = array<i32>} : memref<512xi32, #tpu.memory_space<vmem>>, vector<16xi32>,
    %add3A_626 = arith.constant 8192 : i32
    %add3A_627 = vector.broadcast %add3A_626 : i32 to vector<16xi32>
    %add3A_628 = arith.addi %mul3A_609, %add3A_627 : vector<16xi32>
    %parallel_loop3A_629 = arith.constant 0 : i32
    %parallel_loop3A_630 = arith.constant 256 : i32
    %parallel_loop3A_631 = arith.constant 1 : i32
    scf.for %parallel_loop3A_894 = %parallel_loop3A_629 to %parallel_loop3A_630 step %parallel_loop3A_631  : i32 {
      %parallel_loop3A_895 = vector.broadcast %parallel_loop3A_894 : i32 to vector<16xi32>
      %parallel_loop3A_896 = arith.addi %get3A_625, %parallel_loop3A_895 : vector<16xi32>
      %parallel_loop3A_897 = tpu.vector_load_idx %arg5[%parallel_loop3A_896] : memref<2048xf32, #tpu.memory_space<vmem>>[vector<16xi32>], vector<16xf32>,
      %parallel_loop3A_898 = vector.broadcast %parallel_loop3A_894 : i32 to vector<16xi32>
      %parallel_loop3A_899 = arith.addi %add3A_628, %parallel_loop3A_898 : vector<16xi32>
      tpu.vector_store_idx %arg8[%parallel_loop3A_899], %parallel_loop3A_897 : memref<32768xf32, #tpu.memory_space<vmem>>[vector<16xi32>], vector<16xf32>,
    } {sc.loop_unroll_factor = 8 : i64, sc.parallel_access}
    %get3A_632 = arith.constant 48 : index
    %get3A_633 = tpu.vector_load %arg7[%get3A_632] {strides = array<i32>} : memref<512xi32, #tpu.memory_space<vmem>>, vector<16xi32>,
    %add3A_634 = arith.constant 12288 : i32
    %add3A_635 = vector.broadcast %add3A_634 : i32 to vector<16xi32>
    %add3A_636 = arith.addi %mul3A_609, %add3A_635 : vector<16xi32>
    %parallel_loop3A_637 = arith.constant 0 : i32
    %parallel_loop3A_638 = arith.constant 256 : i32
    %parallel_loop3A_639 = arith.constant 1 : i32
    scf.for %parallel_loop3A_894 = %parallel_loop3A_637 to %parallel_loop3A_638 step %parallel_loop3A_639  : i32 {
      %parallel_loop3A_895 = vector.broadcast %parallel_loop3A_894 : i32 to vector<16xi32>
      %parallel_loop3A_896 = arith.addi %get3A_633, %parallel_loop3A_895 : vector<16xi32>
      %parallel_loop3A_897 = tpu.vector_load_idx %arg5[%parallel_loop3A_896] : memref<2048xf32, #tpu.memory_space<vmem>>[vector<16xi32>], vector<16xf32>,
      %parallel_loop3A_898 = vector.broadcast %parallel_loop3A_894 : i32 to vector<16xi32>
      %parallel_loop3A_899 = arith.addi %add3A_636, %parallel_loop3A_898 : vector<16xi32>
      tpu.vector_store_idx %arg8[%parallel_loop3A_899], %parallel_loop3A_897 : memref<32768xf32, #tpu.memory_space<vmem>>[vector<16xi32>], vector<16xf32>,
    } {sc.loop_unroll_factor = 8 : i64, sc.parallel_access}
    %get3A_640 = arith.constant 64 : index
    %get3A_641 = tpu.vector_load %arg7[%get3A_640] {strides = array<i32>} : memref<512xi32, #tpu.memory_space<vmem>>, vector<16xi32>,
    %add3A_642 = arith.constant 16384 : i32
    %add3A_643 = vector.broadcast %add3A_642 : i32 to vector<16xi32>
    %add3A_644 = arith.addi %mul3A_609, %add3A_643 : vector<16xi32>
    %parallel_loop3A_645 = arith.constant 0 : i32
    %parallel_loop3A_646 = arith.constant 256 : i32
    %parallel_loop3A_647 = arith.constant 1 : i32
    scf.for %parallel_loop3A_894 = %parallel_loop3A_645 to %parallel_loop3A_646 step %parallel_loop3A_647  : i32 {
      %parallel_loop3A_895 = vector.broadcast %parallel_loop3A_894 : i32 to vector<16xi32>
      %parallel_loop3A_896 = arith.addi %get3A_641, %parallel_loop3A_895 : vector<16xi32>
      %parallel_loop3A_897 = tpu.vector_load_idx %arg5[%parallel_loop3A_896] : memref<2048xf32, #tpu.memory_space<vmem>>[vector<16xi32>], vector<16xf32>,
      %parallel_loop3A_898 = vector.broadcast %parallel_loop3A_894 : i32 to vector<16xi32>
      %parallel_loop3A_899 = arith.addi %add3A_644, %parallel_loop3A_898 : vector<16xi32>
      tpu.vector_store_idx %arg8[%parallel_loop3A_899], %parallel_loop3A_897 : memref<32768xf32, #tpu.memory_space<vmem>>[vector<16xi32>], vector<16xf32>,
    } {sc.loop_unroll_factor = 8 : i64, sc.parallel_access}
    %get3A_648 = arith.constant 80 : index
    %get3A_649 = tpu.vector_load %arg7[%get3A_648] {strides = array<i32>} : memref<512xi32, #tpu.memory_space<vmem>>, vector<16xi32>,
    %add3A_650 = arith.constant 20480 : i32
    %add3A_651 = vector.broadcast %add3A_650 : i32 to vector<16xi32>
    %add3A_652 = arith.addi %mul3A_609, %add3A_651 : vector<16xi32>
    %parallel_loop3A_653 = arith.constant 0 : i32
    %parallel_loop3A_654 = arith.constant 256 : i32
    %parallel_loop3A_655 = arith.constant 1 : i32
    scf.for %parallel_loop3A_894 = %parallel_loop3A_653 to %parallel_loop3A_654 step %parallel_loop3A_655  : i32 {
      %parallel_loop3A_895 = vector.broadcast %parallel_loop3A_894 : i32 to vector<16xi32>
      %parallel_loop3A_896 = arith.addi %get3A_649, %parallel_loop3A_895 : vector<16xi32>
      %parallel_loop3A_897 = tpu.vector_load_idx %arg5[%parallel_loop3A_896] : memref<2048xf32, #tpu.memory_space<vmem>>[vector<16xi32>], vector<16xf32>,
      %parallel_loop3A_898 = vector.broadcast %parallel_loop3A_894 : i32 to vector<16xi32>
      %parallel_loop3A_899 = arith.addi %add3A_652, %parallel_loop3A_898 : vector<16xi32>
      tpu.vector_store_idx %arg8[%parallel_loop3A_899], %parallel_loop3A_897 : memref<32768xf32, #tpu.memory_space<vmem>>[vector<16xi32>], vector<16xf32>,
    } {sc.loop_unroll_factor = 8 : i64, sc.parallel_access}
    %get3A_656 = arith.constant 96 : index
    %get3A_657 = tpu.vector_load %arg7[%get3A_656] {strides = array<i32>} : memref<512xi32, #tpu.memory_space<vmem>>, vector<16xi32>,
    %add3A_658 = arith.constant 24576 : i32
    %add3A_659 = vector.broadcast %add3A_658 : i32 to vector<16xi32>
    %add3A_660 = arith.addi %mul3A_609, %add3A_659 : vector<16xi32>
    %parallel_loop3A_661 = arith.constant 0 : i32
    %parallel_loop3A_662 = arith.constant 256 : i32
    %parallel_loop3A_663 = arith.constant 1 : i32
    scf.for %parallel_loop3A_894 = %parallel_loop3A_661 to %parallel_loop3A_662 step %parallel_loop3A_663  : i32 {
      %parallel_loop3A_895 = vector.broadcast %parallel_loop3A_894 : i32 to vector<16xi32>
      %parallel_loop3A_896 = arith.addi %get3A_657, %parallel_loop3A_895 : vector<16xi32>
      %parallel_loop3A_897 = tpu.vector_load_idx %arg5[%parallel_loop3A_896] : memref<2048xf32, #tpu.memory_space<vmem>>[vector<16xi32>], vector<16xf32>,
      %parallel_loop3A_898 = vector.broadcast %parallel_loop3A_894 : i32 to vector<16xi32>
      %parallel_loop3A_899 = arith.addi %add3A_660, %parallel_loop3A_898 : vector<16xi32>
      tpu.vector_store_idx %arg8[%parallel_loop3A_899], %parallel_loop3A_897 : memref<32768xf32, #tpu.memory_space<vmem>>[vector<16xi32>], vector<16xf32>,
    } {sc.loop_unroll_factor = 8 : i64, sc.parallel_access}
    %get3A_664 = arith.constant 112 : index
    %get3A_665 = tpu.vector_load %arg7[%get3A_664] {strides = array<i32>} : memref<512xi32, #tpu.memory_space<vmem>>, vector<16xi32>,
    %add3A_666 = arith.constant 28672 : i32
    %add3A_667 = vector.broadcast %add3A_666 : i32 to vector<16xi32>
    %add3A_668 = arith.addi %mul3A_609, %add3A_667 : vector<16xi32>
    %parallel_loop3A_669 = arith.constant 0 : i32
    %parallel_loop3A_670 = arith.constant 256 : i32
    %parallel_loop3A_671 = arith.constant 1 : i32
    scf.for %parallel_loop3A_894 = %parallel_loop3A_669 to %parallel_loop3A_670 step %parallel_loop3A_671  : i32 {
      %parallel_loop3A_895 = vector.broadcast %parallel_loop3A_894 : i32 to vector<16xi32>
      %parallel_loop3A_896 = arith.addi %get3A_665, %parallel_loop3A_895 : vector<16xi32>
      %parallel_loop3A_897 = tpu.vector_load_idx %arg5[%parallel_loop3A_896] : memref<2048xf32, #tpu.memory_space<vmem>>[vector<16xi32>], vector<16xf32>,
      %parallel_loop3A_898 = vector.broadcast %parallel_loop3A_894 : i32 to vector<16xi32>
      %parallel_loop3A_899 = arith.addi %add3A_668, %parallel_loop3A_898 : vector<16xi32>
      tpu.vector_store_idx %arg8[%parallel_loop3A_899], %parallel_loop3A_897 : memref<32768xf32, #tpu.memory_space<vmem>>[vector<16xi32>], vector<16xf32>,
    } {sc.loop_unroll_factor = 8 : i64, sc.parallel_access}
    %add3A_672 = arith.constant 0 : i32
    %add3A_673 = arith.addi %mul3A_2, %add3A_672 : i32
    %mul3A_674 = arith.constant 256 : i32
    %mul3A_675 = arith.muli %add3A_673, %mul3A_674 : i32
    %dma_start3A = tpu.memref_slice %arg4[%mul3A_675] : memref<4194304xf32, #tpu.memory_space<hbm>> -> memref<32768xf32, #tpu.memory_space<hbm>>
    %dma_start3A_676 = tpu.memref_slice %arg4[%mul3A_675] : memref<4194304xf32, #tpu.memory_space<hbm>> -> memref<32768xf32, #tpu.memory_space<hbm>>
    tpu.enqueue_dma source(%arg8 : memref<32768xf32, #tpu.memory_space<vmem>>) target(%dma_start3A_676 : memref<32768xf32, #tpu.memory_space<hbm>>) target_semaphore(%arg10 : memref<!tpu.dma_semaphore, #tpu.memory_space<semaphore_mem>>)
    %get3A_677 = arith.constant 128 : index
    %get3A_678 = tpu.vector_load %arg7[%get3A_677] {strides = array<i32>} : memref<512xi32, #tpu.memory_space<vmem>>, vector<16xi32>,
    %add3A_679 = arith.constant 0 : i32
    %add3A_680 = vector.broadcast %add3A_679 : i32 to vector<16xi32>
    %add3A_681 = arith.addi %mul3A_609, %add3A_680 : vector<16xi32>
    %parallel_loop3A_682 = arith.constant 0 : i32
    %parallel_loop3A_683 = arith.constant 256 : i32
    %parallel_loop3A_684 = arith.constant 1 : i32
    scf.for %parallel_loop3A_894 = %parallel_loop3A_682 to %parallel_loop3A_683 step %parallel_loop3A_684  : i32 {
      %parallel_loop3A_895 = vector.broadcast %parallel_loop3A_894 : i32 to vector<16xi32>
      %parallel_loop3A_896 = arith.addi %get3A_678, %parallel_loop3A_895 : vector<16xi32>
      %parallel_loop3A_897 = tpu.vector_load_idx %arg5[%parallel_loop3A_896] : memref<2048xf32, #tpu.memory_space<vmem>>[vector<16xi32>], vector<16xf32>,
      %parallel_loop3A_898 = vector.broadcast %parallel_loop3A_894 : i32 to vector<16xi32>
      %parallel_loop3A_899 = arith.addi %add3A_681, %parallel_loop3A_898 : vector<16xi32>
      tpu.vector_store_idx %arg9[%parallel_loop3A_899], %parallel_loop3A_897 : memref<32768xf32, #tpu.memory_space<vmem>>[vector<16xi32>], vector<16xf32>,
    } {sc.loop_unroll_factor = 8 : i64, sc.parallel_access}
    %get3A_685 = arith.constant 144 : index
    %get3A_686 = tpu.vector_load %arg7[%get3A_685] {strides = array<i32>} : memref<512xi32, #tpu.memory_space<vmem>>, vector<16xi32>,
    %add3A_687 = arith.constant 4096 : i32
    %add3A_688 = vector.broadcast %add3A_687 : i32 to vector<16xi32>
    %add3A_689 = arith.addi %mul3A_609, %add3A_688 : vector<16xi32>
    %parallel_loop3A_690 = arith.constant 0 : i32
    %parallel_loop3A_691 = arith.constant 256 : i32
    %parallel_loop3A_692 = arith.constant 1 : i32
    scf.for %parallel_loop3A_894 = %parallel_loop3A_690 to %parallel_loop3A_691 step %parallel_loop3A_692  : i32 {
      %parallel_loop3A_895 = vector.broadcast %parallel_loop3A_894 : i32 to vector<16xi32>
      %parallel_loop3A_896 = arith.addi %get3A_686, %parallel_loop3A_895 : vector<16xi32>
      %parallel_loop3A_897 = tpu.vector_load_idx %arg5[%parallel_loop3A_896] : memref<2048xf32, #tpu.memory_space<vmem>>[vector<16xi32>], vector<16xf32>,
      %parallel_loop3A_898 = vector.broadcast %parallel_loop3A_894 : i32 to vector<16xi32>
      %parallel_loop3A_899 = arith.addi %add3A_689, %parallel_loop3A_898 : vector<16xi32>
      tpu.vector_store_idx %arg9[%parallel_loop3A_899], %parallel_loop3A_897 : memref<32768xf32, #tpu.memory_space<vmem>>[vector<16xi32>], vector<16xf32>,
    } {sc.loop_unroll_factor = 8 : i64, sc.parallel_access}
    %get3A_693 = arith.constant 160 : index
    %get3A_694 = tpu.vector_load %arg7[%get3A_693] {strides = array<i32>} : memref<512xi32, #tpu.memory_space<vmem>>, vector<16xi32>,
    %add3A_695 = arith.constant 8192 : i32
    %add3A_696 = vector.broadcast %add3A_695 : i32 to vector<16xi32>
    %add3A_697 = arith.addi %mul3A_609, %add3A_696 : vector<16xi32>
    %parallel_loop3A_698 = arith.constant 0 : i32
    %parallel_loop3A_699 = arith.constant 256 : i32
    %parallel_loop3A_700 = arith.constant 1 : i32
    scf.for %parallel_loop3A_894 = %parallel_loop3A_698 to %parallel_loop3A_699 step %parallel_loop3A_700  : i32 {
      %parallel_loop3A_895 = vector.broadcast %parallel_loop3A_894 : i32 to vector<16xi32>
      %parallel_loop3A_896 = arith.addi %get3A_694, %parallel_loop3A_895 : vector<16xi32>
      %parallel_loop3A_897 = tpu.vector_load_idx %arg5[%parallel_loop3A_896] : memref<2048xf32, #tpu.memory_space<vmem>>[vector<16xi32>], vector<16xf32>,
      %parallel_loop3A_898 = vector.broadcast %parallel_loop3A_894 : i32 to vector<16xi32>
      %parallel_loop3A_899 = arith.addi %add3A_697, %parallel_loop3A_898 : vector<16xi32>
      tpu.vector_store_idx %arg9[%parallel_loop3A_899], %parallel_loop3A_897 : memref<32768xf32, #tpu.memory_space<vmem>>[vector<16xi32>], vector<16xf32>,
    } {sc.loop_unroll_factor = 8 : i64, sc.parallel_access}
    %get3A_701 = arith.constant 176 : index
    %get3A_702 = tpu.vector_load %arg7[%get3A_701] {strides = array<i32>} : memref<512xi32, #tpu.memory_space<vmem>>, vector<16xi32>,
    %add3A_703 = arith.constant 12288 : i32
    %add3A_704 = vector.broadcast %add3A_703 : i32 to vector<16xi32>
    %add3A_705 = arith.addi %mul3A_609, %add3A_704 : vector<16xi32>
    %parallel_loop3A_706 = arith.constant 0 : i32
    %parallel_loop3A_707 = arith.constant 256 : i32
    %parallel_loop3A_708 = arith.constant 1 : i32
    scf.for %parallel_loop3A_894 = %parallel_loop3A_706 to %parallel_loop3A_707 step %parallel_loop3A_708  : i32 {
      %parallel_loop3A_895 = vector.broadcast %parallel_loop3A_894 : i32 to vector<16xi32>
      %parallel_loop3A_896 = arith.addi %get3A_702, %parallel_loop3A_895 : vector<16xi32>
      %parallel_loop3A_897 = tpu.vector_load_idx %arg5[%parallel_loop3A_896] : memref<2048xf32, #tpu.memory_space<vmem>>[vector<16xi32>], vector<16xf32>,
      %parallel_loop3A_898 = vector.broadcast %parallel_loop3A_894 : i32 to vector<16xi32>
      %parallel_loop3A_899 = arith.addi %add3A_705, %parallel_loop3A_898 : vector<16xi32>
      tpu.vector_store_idx %arg9[%parallel_loop3A_899], %parallel_loop3A_897 : memref<32768xf32, #tpu.memory_space<vmem>>[vector<16xi32>], vector<16xf32>,
    } {sc.loop_unroll_factor = 8 : i64, sc.parallel_access}
    %get3A_709 = arith.constant 192 : index
    %get3A_710 = tpu.vector_load %arg7[%get3A_709] {strides = array<i32>} : memref<512xi32, #tpu.memory_space<vmem>>, vector<16xi32>,
    %add3A_711 = arith.constant 16384 : i32
    %add3A_712 = vector.broadcast %add3A_711 : i32 to vector<16xi32>
    %add3A_713 = arith.addi %mul3A_609, %add3A_712 : vector<16xi32>
    %parallel_loop3A_714 = arith.constant 0 : i32
    %parallel_loop3A_715 = arith.constant 256 : i32
    %parallel_loop3A_716 = arith.constant 1 : i32
    scf.for %parallel_loop3A_894 = %parallel_loop3A_714 to %parallel_loop3A_715 step %parallel_loop3A_716  : i32 {
      %parallel_loop3A_895 = vector.broadcast %parallel_loop3A_894 : i32 to vector<16xi32>
      %parallel_loop3A_896 = arith.addi %get3A_710, %parallel_loop3A_895 : vector<16xi32>
      %parallel_loop3A_897 = tpu.vector_load_idx %arg5[%parallel_loop3A_896] : memref<2048xf32, #tpu.memory_space<vmem>>[vector<16xi32>], vector<16xf32>,
      %parallel_loop3A_898 = vector.broadcast %parallel_loop3A_894 : i32 to vector<16xi32>
      %parallel_loop3A_899 = arith.addi %add3A_713, %parallel_loop3A_898 : vector<16xi32>
      tpu.vector_store_idx %arg9[%parallel_loop3A_899], %parallel_loop3A_897 : memref<32768xf32, #tpu.memory_space<vmem>>[vector<16xi32>], vector<16xf32>,
    } {sc.loop_unroll_factor = 8 : i64, sc.parallel_access}
    %get3A_717 = arith.constant 208 : index
    %get3A_718 = tpu.vector_load %arg7[%get3A_717] {strides = array<i32>} : memref<512xi32, #tpu.memory_space<vmem>>, vector<16xi32>,
    %add3A_719 = arith.constant 20480 : i32
    %add3A_720 = vector.broadcast %add3A_719 : i32 to vector<16xi32>
    %add3A_721 = arith.addi %mul3A_609, %add3A_720 : vector<16xi32>
    %parallel_loop3A_722 = arith.constant 0 : i32
    %parallel_loop3A_723 = arith.constant 256 : i32
    %parallel_loop3A_724 = arith.constant 1 : i32
    scf.for %parallel_loop3A_894 = %parallel_loop3A_722 to %parallel_loop3A_723 step %parallel_loop3A_724  : i32 {
      %parallel_loop3A_895 = vector.broadcast %parallel_loop3A_894 : i32 to vector<16xi32>
      %parallel_loop3A_896 = arith.addi %get3A_718, %parallel_loop3A_895 : vector<16xi32>
      %parallel_loop3A_897 = tpu.vector_load_idx %arg5[%parallel_loop3A_896] : memref<2048xf32, #tpu.memory_space<vmem>>[vector<16xi32>], vector<16xf32>,
      %parallel_loop3A_898 = vector.broadcast %parallel_loop3A_894 : i32 to vector<16xi32>
      %parallel_loop3A_899 = arith.addi %add3A_721, %parallel_loop3A_898 : vector<16xi32>
      tpu.vector_store_idx %arg9[%parallel_loop3A_899], %parallel_loop3A_897 : memref<32768xf32, #tpu.memory_space<vmem>>[vector<16xi32>], vector<16xf32>,
    } {sc.loop_unroll_factor = 8 : i64, sc.parallel_access}
    %get3A_725 = arith.constant 224 : index
    %get3A_726 = tpu.vector_load %arg7[%get3A_725] {strides = array<i32>} : memref<512xi32, #tpu.memory_space<vmem>>, vector<16xi32>,
    %add3A_727 = arith.constant 24576 : i32
    %add3A_728 = vector.broadcast %add3A_727 : i32 to vector<16xi32>
    %add3A_729 = arith.addi %mul3A_609, %add3A_728 : vector<16xi32>
    %parallel_loop3A_730 = arith.constant 0 : i32
    %parallel_loop3A_731 = arith.constant 256 : i32
    %parallel_loop3A_732 = arith.constant 1 : i32
    scf.for %parallel_loop3A_894 = %parallel_loop3A_730 to %parallel_loop3A_731 step %parallel_loop3A_732  : i32 {
      %parallel_loop3A_895 = vector.broadcast %parallel_loop3A_894 : i32 to vector<16xi32>
      %parallel_loop3A_896 = arith.addi %get3A_726, %parallel_loop3A_895 : vector<16xi32>
      %parallel_loop3A_897 = tpu.vector_load_idx %arg5[%parallel_loop3A_896] : memref<2048xf32, #tpu.memory_space<vmem>>[vector<16xi32>], vector<16xf32>,
      %parallel_loop3A_898 = vector.broadcast %parallel_loop3A_894 : i32 to vector<16xi32>
      %parallel_loop3A_899 = arith.addi %add3A_729, %parallel_loop3A_898 : vector<16xi32>
      tpu.vector_store_idx %arg9[%parallel_loop3A_899], %parallel_loop3A_897 : memref<32768xf32, #tpu.memory_space<vmem>>[vector<16xi32>], vector<16xf32>,
    } {sc.loop_unroll_factor = 8 : i64, sc.parallel_access}
    %get3A_733 = arith.constant 240 : index
    %get3A_734 = tpu.vector_load %arg7[%get3A_733] {strides = array<i32>} : memref<512xi32, #tpu.memory_space<vmem>>, vector<16xi32>,
    %add3A_735 = arith.constant 28672 : i32
    %add3A_736 = vector.broadcast %add3A_735 : i32 to vector<16xi32>
    %add3A_737 = arith.addi %mul3A_609, %add3A_736 : vector<16xi32>
    %parallel_loop3A_738 = arith.constant 0 : i32
    %parallel_loop3A_739 = arith.constant 256 : i32
    %parallel_loop3A_740 = arith.constant 1 : i32
    scf.for %parallel_loop3A_894 = %parallel_loop3A_738 to %parallel_loop3A_739 step %parallel_loop3A_740  : i32 {
      %parallel_loop3A_895 = vector.broadcast %parallel_loop3A_894 : i32 to vector<16xi32>
      %parallel_loop3A_896 = arith.addi %get3A_734, %parallel_loop3A_895 : vector<16xi32>
      %parallel_loop3A_897 = tpu.vector_load_idx %arg5[%parallel_loop3A_896] : memref<2048xf32, #tpu.memory_space<vmem>>[vector<16xi32>], vector<16xf32>,
      %parallel_loop3A_898 = vector.broadcast %parallel_loop3A_894 : i32 to vector<16xi32>
      %parallel_loop3A_899 = arith.addi %add3A_737, %parallel_loop3A_898 : vector<16xi32>
      tpu.vector_store_idx %arg9[%parallel_loop3A_899], %parallel_loop3A_897 : memref<32768xf32, #tpu.memory_space<vmem>>[vector<16xi32>], vector<16xf32>,
    } {sc.loop_unroll_factor = 8 : i64, sc.parallel_access}
    %add3A_741 = arith.constant 128 : i32
    %add3A_742 = arith.addi %mul3A_2, %add3A_741 : i32
    %mul3A_743 = arith.constant 256 : i32
    %mul3A_744 = arith.muli %add3A_742, %mul3A_743 : i32
    %dma_start3A_745 = tpu.memref_slice %arg4[%mul3A_744] : memref<4194304xf32, #tpu.memory_space<hbm>> -> memref<32768xf32, #tpu.memory_space<hbm>>
    %dma_start3A_746 = tpu.memref_slice %arg4[%mul3A_744] : memref<4194304xf32, #tpu.memory_space<hbm>> -> memref<32768xf32, #tpu.memory_space<hbm>>
    tpu.enqueue_dma source(%arg9 : memref<32768xf32, #tpu.memory_space<vmem>>) target(%dma_start3A_746 : memref<32768xf32, #tpu.memory_space<hbm>>) target_semaphore(%arg10 : memref<!tpu.dma_semaphore, #tpu.memory_space<semaphore_mem>>)
    %dma_wait3A = tpu.memref_slice %arg4[%mul3A_675] : memref<4194304xf32, #tpu.memory_space<hbm>> -> memref<32768xf32, #tpu.memory_space<hbm>>
    %dma_wait3A_747 = tpu.memref_slice %arg4[%mul3A_675] : memref<4194304xf32, #tpu.memory_space<hbm>> -> memref<32768xf32, #tpu.memory_space<hbm>>
    tpu.wait_dma2 semaphore(%arg10 : memref<!tpu.dma_semaphore, #tpu.memory_space<semaphore_mem>>) src(%arg8 : memref<32768xf32, #tpu.memory_space<vmem>>) dst(%dma_wait3A_747 : memref<32768xf32, #tpu.memory_space<hbm>>)
    %get3A_748 = arith.constant 256 : index
    %get3A_749 = tpu.vector_load %arg7[%get3A_748] {strides = array<i32>} : memref<512xi32, #tpu.memory_space<vmem>>, vector<16xi32>,
    %add3A_750 = arith.constant 0 : i32
    %add3A_751 = vector.broadcast %add3A_750 : i32 to vector<16xi32>
    %add3A_752 = arith.addi %mul3A_609, %add3A_751 : vector<16xi32>
    %parallel_loop3A_753 = arith.constant 0 : i32
    %parallel_loop3A_754 = arith.constant 256 : i32
    %parallel_loop3A_755 = arith.constant 1 : i32
    scf.for %parallel_loop3A_894 = %parallel_loop3A_753 to %parallel_loop3A_754 step %parallel_loop3A_755  : i32 {
      %parallel_loop3A_895 = vector.broadcast %parallel_loop3A_894 : i32 to vector<16xi32>
      %parallel_loop3A_896 = arith.addi %get3A_749, %parallel_loop3A_895 : vector<16xi32>
      %parallel_loop3A_897 = tpu.vector_load_idx %arg5[%parallel_loop3A_896] : memref<2048xf32, #tpu.memory_space<vmem>>[vector<16xi32>], vector<16xf32>,
      %parallel_loop3A_898 = vector.broadcast %parallel_loop3A_894 : i32 to vector<16xi32>
      %parallel_loop3A_899 = arith.addi %add3A_752, %parallel_loop3A_898 : vector<16xi32>
      tpu.vector_store_idx %arg8[%parallel_loop3A_899], %parallel_loop3A_897 : memref<32768xf32, #tpu.memory_space<vmem>>[vector<16xi32>], vector<16xf32>,
    } {sc.loop_unroll_factor = 8 : i64, sc.parallel_access}
    %get3A_756 = arith.constant 272 : index
    %get3A_757 = tpu.vector_load %arg7[%get3A_756] {strides = array<i32>} : memref<512xi32, #tpu.memory_space<vmem>>, vector<16xi32>,
    %add3A_758 = arith.constant 4096 : i32
    %add3A_759 = vector.broadcast %add3A_758 : i32 to vector<16xi32>
    %add3A_760 = arith.addi %mul3A_609, %add3A_759 : vector<16xi32>
    %parallel_loop3A_761 = arith.constant 0 : i32
    %parallel_loop3A_762 = arith.constant 256 : i32
    %parallel_loop3A_763 = arith.constant 1 : i32
    scf.for %parallel_loop3A_894 = %parallel_loop3A_761 to %parallel_loop3A_762 step %parallel_loop3A_763  : i32 {
      %parallel_loop3A_895 = vector.broadcast %parallel_loop3A_894 : i32 to vector<16xi32>
      %parallel_loop3A_896 = arith.addi %get3A_757, %parallel_loop3A_895 : vector<16xi32>
      %parallel_loop3A_897 = tpu.vector_load_idx %arg5[%parallel_loop3A_896] : memref<2048xf32, #tpu.memory_space<vmem>>[vector<16xi32>], vector<16xf32>,
      %parallel_loop3A_898 = vector.broadcast %parallel_loop3A_894 : i32 to vector<16xi32>
      %parallel_loop3A_899 = arith.addi %add3A_760, %parallel_loop3A_898 : vector<16xi32>
      tpu.vector_store_idx %arg8[%parallel_loop3A_899], %parallel_loop3A_897 : memref<32768xf32, #tpu.memory_space<vmem>>[vector<16xi32>], vector<16xf32>,
    } {sc.loop_unroll_factor = 8 : i64, sc.parallel_access}
    %get3A_764 = arith.constant 288 : index
    %get3A_765 = tpu.vector_load %arg7[%get3A_764] {strides = array<i32>} : memref<512xi32, #tpu.memory_space<vmem>>, vector<16xi32>,
    %add3A_766 = arith.constant 8192 : i32
    %add3A_767 = vector.broadcast %add3A_766 : i32 to vector<16xi32>
    %add3A_768 = arith.addi %mul3A_609, %add3A_767 : vector<16xi32>
    %parallel_loop3A_769 = arith.constant 0 : i32
    %parallel_loop3A_770 = arith.constant 256 : i32
    %parallel_loop3A_771 = arith.constant 1 : i32
    scf.for %parallel_loop3A_894 = %parallel_loop3A_769 to %parallel_loop3A_770 step %parallel_loop3A_771  : i32 {
      %parallel_loop3A_895 = vector.broadcast %parallel_loop3A_894 : i32 to vector<16xi32>
      %parallel_loop3A_896 = arith.addi %get3A_765, %parallel_loop3A_895 : vector<16xi32>
      %parallel_loop3A_897 = tpu.vector_load_idx %arg5[%parallel_loop3A_896] : memref<2048xf32, #tpu.memory_space<vmem>>[vector<16xi32>], vector<16xf32>,
      %parallel_loop3A_898 = vector.broadcast %parallel_loop3A_894 : i32 to vector<16xi32>
      %parallel_loop3A_899 = arith.addi %add3A_768, %parallel_loop3A_898 : vector<16xi32>
      tpu.vector_store_idx %arg8[%parallel_loop3A_899], %parallel_loop3A_897 : memref<32768xf32, #tpu.memory_space<vmem>>[vector<16xi32>], vector<16xf32>,
    } {sc.loop_unroll_factor = 8 : i64, sc.parallel_access}
    %get3A_772 = arith.constant 304 : index
    %get3A_773 = tpu.vector_load %arg7[%get3A_772] {strides = array<i32>} : memref<512xi32, #tpu.memory_space<vmem>>, vector<16xi32>,
    %add3A_774 = arith.constant 12288 : i32
    %add3A_775 = vector.broadcast %add3A_774 : i32 to vector<16xi32>
    %add3A_776 = arith.addi %mul3A_609, %add3A_775 : vector<16xi32>
    %parallel_loop3A_777 = arith.constant 0 : i32
    %parallel_loop3A_778 = arith.constant 256 : i32
    %parallel_loop3A_779 = arith.constant 1 : i32
    scf.for %parallel_loop3A_894 = %parallel_loop3A_777 to %parallel_loop3A_778 step %parallel_loop3A_779  : i32 {
      %parallel_loop3A_895 = vector.broadcast %parallel_loop3A_894 : i32 to vector<16xi32>
      %parallel_loop3A_896 = arith.addi %get3A_773, %parallel_loop3A_895 : vector<16xi32>
      %parallel_loop3A_897 = tpu.vector_load_idx %arg5[%parallel_loop3A_896] : memref<2048xf32, #tpu.memory_space<vmem>>[vector<16xi32>], vector<16xf32>,
      %parallel_loop3A_898 = vector.broadcast %parallel_loop3A_894 : i32 to vector<16xi32>
      %parallel_loop3A_899 = arith.addi %add3A_776, %parallel_loop3A_898 : vector<16xi32>
      tpu.vector_store_idx %arg8[%parallel_loop3A_899], %parallel_loop3A_897 : memref<32768xf32, #tpu.memory_space<vmem>>[vector<16xi32>], vector<16xf32>,
    } {sc.loop_unroll_factor = 8 : i64, sc.parallel_access}
    %get3A_780 = arith.constant 320 : index
    %get3A_781 = tpu.vector_load %arg7[%get3A_780] {strides = array<i32>} : memref<512xi32, #tpu.memory_space<vmem>>, vector<16xi32>,
    %add3A_782 = arith.constant 16384 : i32
    %add3A_783 = vector.broadcast %add3A_782 : i32 to vector<16xi32>
    %add3A_784 = arith.addi %mul3A_609, %add3A_783 : vector<16xi32>
    %parallel_loop3A_785 = arith.constant 0 : i32
    %parallel_loop3A_786 = arith.constant 256 : i32
    %parallel_loop3A_787 = arith.constant 1 : i32
    scf.for %parallel_loop3A_894 = %parallel_loop3A_785 to %parallel_loop3A_786 step %parallel_loop3A_787  : i32 {
      %parallel_loop3A_895 = vector.broadcast %parallel_loop3A_894 : i32 to vector<16xi32>
      %parallel_loop3A_896 = arith.addi %get3A_781, %parallel_loop3A_895 : vector<16xi32>
      %parallel_loop3A_897 = tpu.vector_load_idx %arg5[%parallel_loop3A_896] : memref<2048xf32, #tpu.memory_space<vmem>>[vector<16xi32>], vector<16xf32>,
      %parallel_loop3A_898 = vector.broadcast %parallel_loop3A_894 : i32 to vector<16xi32>
      %parallel_loop3A_899 = arith.addi %add3A_784, %parallel_loop3A_898 : vector<16xi32>
      tpu.vector_store_idx %arg8[%parallel_loop3A_899], %parallel_loop3A_897 : memref<32768xf32, #tpu.memory_space<vmem>>[vector<16xi32>], vector<16xf32>,
    } {sc.loop_unroll_factor = 8 : i64, sc.parallel_access}
    %get3A_788 = arith.constant 336 : index
    %get3A_789 = tpu.vector_load %arg7[%get3A_788] {strides = array<i32>} : memref<512xi32, #tpu.memory_space<vmem>>, vector<16xi32>,
    %add3A_790 = arith.constant 20480 : i32
    %add3A_791 = vector.broadcast %add3A_790 : i32 to vector<16xi32>
    %add3A_792 = arith.addi %mul3A_609, %add3A_791 : vector<16xi32>
    %parallel_loop3A_793 = arith.constant 0 : i32
    %parallel_loop3A_794 = arith.constant 256 : i32
    %parallel_loop3A_795 = arith.constant 1 : i32
    scf.for %parallel_loop3A_894 = %parallel_loop3A_793 to %parallel_loop3A_794 step %parallel_loop3A_795  : i32 {
      %parallel_loop3A_895 = vector.broadcast %parallel_loop3A_894 : i32 to vector<16xi32>
      %parallel_loop3A_896 = arith.addi %get3A_789, %parallel_loop3A_895 : vector<16xi32>
      %parallel_loop3A_897 = tpu.vector_load_idx %arg5[%parallel_loop3A_896] : memref<2048xf32, #tpu.memory_space<vmem>>[vector<16xi32>], vector<16xf32>,
      %parallel_loop3A_898 = vector.broadcast %parallel_loop3A_894 : i32 to vector<16xi32>
      %parallel_loop3A_899 = arith.addi %add3A_792, %parallel_loop3A_898 : vector<16xi32>
      tpu.vector_store_idx %arg8[%parallel_loop3A_899], %parallel_loop3A_897 : memref<32768xf32, #tpu.memory_space<vmem>>[vector<16xi32>], vector<16xf32>,
    } {sc.loop_unroll_factor = 8 : i64, sc.parallel_access}
    %get3A_796 = arith.constant 352 : index
    %get3A_797 = tpu.vector_load %arg7[%get3A_796] {strides = array<i32>} : memref<512xi32, #tpu.memory_space<vmem>>, vector<16xi32>,
    %add3A_798 = arith.constant 24576 : i32
    %add3A_799 = vector.broadcast %add3A_798 : i32 to vector<16xi32>
    %add3A_800 = arith.addi %mul3A_609, %add3A_799 : vector<16xi32>
    %parallel_loop3A_801 = arith.constant 0 : i32
    %parallel_loop3A_802 = arith.constant 256 : i32
    %parallel_loop3A_803 = arith.constant 1 : i32
    scf.for %parallel_loop3A_894 = %parallel_loop3A_801 to %parallel_loop3A_802 step %parallel_loop3A_803  : i32 {
      %parallel_loop3A_895 = vector.broadcast %parallel_loop3A_894 : i32 to vector<16xi32>
      %parallel_loop3A_896 = arith.addi %get3A_797, %parallel_loop3A_895 : vector<16xi32>
      %parallel_loop3A_897 = tpu.vector_load_idx %arg5[%parallel_loop3A_896] : memref<2048xf32, #tpu.memory_space<vmem>>[vector<16xi32>], vector<16xf32>,
      %parallel_loop3A_898 = vector.broadcast %parallel_loop3A_894 : i32 to vector<16xi32>
      %parallel_loop3A_899 = arith.addi %add3A_800, %parallel_loop3A_898 : vector<16xi32>
      tpu.vector_store_idx %arg8[%parallel_loop3A_899], %parallel_loop3A_897 : memref<32768xf32, #tpu.memory_space<vmem>>[vector<16xi32>], vector<16xf32>,
    } {sc.loop_unroll_factor = 8 : i64, sc.parallel_access}
    %get3A_804 = arith.constant 368 : index
    %get3A_805 = tpu.vector_load %arg7[%get3A_804] {strides = array<i32>} : memref<512xi32, #tpu.memory_space<vmem>>, vector<16xi32>,
    %add3A_806 = arith.constant 28672 : i32
    %add3A_807 = vector.broadcast %add3A_806 : i32 to vector<16xi32>
    %add3A_808 = arith.addi %mul3A_609, %add3A_807 : vector<16xi32>
    %parallel_loop3A_809 = arith.constant 0 : i32
    %parallel_loop3A_810 = arith.constant 256 : i32
    %parallel_loop3A_811 = arith.constant 1 : i32
    scf.for %parallel_loop3A_894 = %parallel_loop3A_809 to %parallel_loop3A_810 step %parallel_loop3A_811  : i32 {
      %parallel_loop3A_895 = vector.broadcast %parallel_loop3A_894 : i32 to vector<16xi32>
      %parallel_loop3A_896 = arith.addi %get3A_805, %parallel_loop3A_895 : vector<16xi32>
      %parallel_loop3A_897 = tpu.vector_load_idx %arg5[%parallel_loop3A_896] : memref<2048xf32, #tpu.memory_space<vmem>>[vector<16xi32>], vector<16xf32>,
      %parallel_loop3A_898 = vector.broadcast %parallel_loop3A_894 : i32 to vector<16xi32>
      %parallel_loop3A_899 = arith.addi %add3A_808, %parallel_loop3A_898 : vector<16xi32>
      tpu.vector_store_idx %arg8[%parallel_loop3A_899], %parallel_loop3A_897 : memref<32768xf32, #tpu.memory_space<vmem>>[vector<16xi32>], vector<16xf32>,
    } {sc.loop_unroll_factor = 8 : i64, sc.parallel_access}
    %add3A_812 = arith.constant 256 : i32
    %add3A_813 = arith.addi %mul3A_2, %add3A_812 : i32
    %mul3A_814 = arith.constant 256 : i32
    %mul3A_815 = arith.muli %add3A_813, %mul3A_814 : i32
    %dma_start3A_816 = tpu.memref_slice %arg4[%mul3A_815] : memref<4194304xf32, #tpu.memory_space<hbm>> -> memref<32768xf32, #tpu.memory_space<hbm>>
    %dma_start3A_817 = tpu.memref_slice %arg4[%mul3A_815] : memref<4194304xf32, #tpu.memory_space<hbm>> -> memref<32768xf32, #tpu.memory_space<hbm>>
    tpu.enqueue_dma source(%arg8 : memref<32768xf32, #tpu.memory_space<vmem>>) target(%dma_start3A_817 : memref<32768xf32, #tpu.memory_space<hbm>>) target_semaphore(%arg10 : memref<!tpu.dma_semaphore, #tpu.memory_space<semaphore_mem>>)
    %dma_wait3A_818 = tpu.memref_slice %arg4[%mul3A_744] : memref<4194304xf32, #tpu.memory_space<hbm>> -> memref<32768xf32, #tpu.memory_space<hbm>>
    %dma_wait3A_819 = tpu.memref_slice %arg4[%mul3A_744] : memref<4194304xf32, #tpu.memory_space<hbm>> -> memref<32768xf32, #tpu.memory_space<hbm>>
    tpu.wait_dma2 semaphore(%arg10 : memref<!tpu.dma_semaphore, #tpu.memory_space<semaphore_mem>>) src(%arg9 : memref<32768xf32, #tpu.memory_space<vmem>>) dst(%dma_wait3A_819 : memref<32768xf32, #tpu.memory_space<hbm>>)
    %get3A_820 = arith.constant 384 : index
    %get3A_821 = tpu.vector_load %arg7[%get3A_820] {strides = array<i32>} : memref<512xi32, #tpu.memory_space<vmem>>, vector<16xi32>,
    %add3A_822 = arith.constant 0 : i32
    %add3A_823 = vector.broadcast %add3A_822 : i32 to vector<16xi32>
    %add3A_824 = arith.addi %mul3A_609, %add3A_823 : vector<16xi32>
    %parallel_loop3A_825 = arith.constant 0 : i32
    %parallel_loop3A_826 = arith.constant 256 : i32
    %parallel_loop3A_827 = arith.constant 1 : i32
    scf.for %parallel_loop3A_894 = %parallel_loop3A_825 to %parallel_loop3A_826 step %parallel_loop3A_827  : i32 {
      %parallel_loop3A_895 = vector.broadcast %parallel_loop3A_894 : i32 to vector<16xi32>
      %parallel_loop3A_896 = arith.addi %get3A_821, %parallel_loop3A_895 : vector<16xi32>
      %parallel_loop3A_897 = tpu.vector_load_idx %arg5[%parallel_loop3A_896] : memref<2048xf32, #tpu.memory_space<vmem>>[vector<16xi32>], vector<16xf32>,
      %parallel_loop3A_898 = vector.broadcast %parallel_loop3A_894 : i32 to vector<16xi32>
      %parallel_loop3A_899 = arith.addi %add3A_824, %parallel_loop3A_898 : vector<16xi32>
      tpu.vector_store_idx %arg9[%parallel_loop3A_899], %parallel_loop3A_897 : memref<32768xf32, #tpu.memory_space<vmem>>[vector<16xi32>], vector<16xf32>,
    } {sc.loop_unroll_factor = 8 : i64, sc.parallel_access}
    %get3A_828 = arith.constant 400 : index
    %get3A_829 = tpu.vector_load %arg7[%get3A_828] {strides = array<i32>} : memref<512xi32, #tpu.memory_space<vmem>>, vector<16xi32>,
    %add3A_830 = arith.constant 4096 : i32
    %add3A_831 = vector.broadcast %add3A_830 : i32 to vector<16xi32>
    %add3A_832 = arith.addi %mul3A_609, %add3A_831 : vector<16xi32>
    %parallel_loop3A_833 = arith.constant 0 : i32
    %parallel_loop3A_834 = arith.constant 256 : i32
    %parallel_loop3A_835 = arith.constant 1 : i32
    scf.for %parallel_loop3A_894 = %parallel_loop3A_833 to %parallel_loop3A_834 step %parallel_loop3A_835  : i32 {
      %parallel_loop3A_895 = vector.broadcast %parallel_loop3A_894 : i32 to vector<16xi32>
      %parallel_loop3A_896 = arith.addi %get3A_829, %parallel_loop3A_895 : vector<16xi32>
      %parallel_loop3A_897 = tpu.vector_load_idx %arg5[%parallel_loop3A_896] : memref<2048xf32, #tpu.memory_space<vmem>>[vector<16xi32>], vector<16xf32>,
      %parallel_loop3A_898 = vector.broadcast %parallel_loop3A_894 : i32 to vector<16xi32>
      %parallel_loop3A_899 = arith.addi %add3A_832, %parallel_loop3A_898 : vector<16xi32>
      tpu.vector_store_idx %arg9[%parallel_loop3A_899], %parallel_loop3A_897 : memref<32768xf32, #tpu.memory_space<vmem>>[vector<16xi32>], vector<16xf32>,
    } {sc.loop_unroll_factor = 8 : i64, sc.parallel_access}
    %get3A_836 = arith.constant 416 : index
    %get3A_837 = tpu.vector_load %arg7[%get3A_836] {strides = array<i32>} : memref<512xi32, #tpu.memory_space<vmem>>, vector<16xi32>,
    %add3A_838 = arith.constant 8192 : i32
    %add3A_839 = vector.broadcast %add3A_838 : i32 to vector<16xi32>
    %add3A_840 = arith.addi %mul3A_609, %add3A_839 : vector<16xi32>
    %parallel_loop3A_841 = arith.constant 0 : i32
    %parallel_loop3A_842 = arith.constant 256 : i32
    %parallel_loop3A_843 = arith.constant 1 : i32
    scf.for %parallel_loop3A_894 = %parallel_loop3A_841 to %parallel_loop3A_842 step %parallel_loop3A_843  : i32 {
      %parallel_loop3A_895 = vector.broadcast %parallel_loop3A_894 : i32 to vector<16xi32>
      %parallel_loop3A_896 = arith.addi %get3A_837, %parallel_loop3A_895 : vector<16xi32>
      %parallel_loop3A_897 = tpu.vector_load_idx %arg5[%parallel_loop3A_896] : memref<2048xf32, #tpu.memory_space<vmem>>[vector<16xi32>], vector<16xf32>,
      %parallel_loop3A_898 = vector.broadcast %parallel_loop3A_894 : i32 to vector<16xi32>
      %parallel_loop3A_899 = arith.addi %add3A_840, %parallel_loop3A_898 : vector<16xi32>
      tpu.vector_store_idx %arg9[%parallel_loop3A_899], %parallel_loop3A_897 : memref<32768xf32, #tpu.memory_space<vmem>>[vector<16xi32>], vector<16xf32>,
    } {sc.loop_unroll_factor = 8 : i64, sc.parallel_access}
    %get3A_844 = arith.constant 432 : index
    %get3A_845 = tpu.vector_load %arg7[%get3A_844] {strides = array<i32>} : memref<512xi32, #tpu.memory_space<vmem>>, vector<16xi32>,
    %add3A_846 = arith.constant 12288 : i32
    %add3A_847 = vector.broadcast %add3A_846 : i32 to vector<16xi32>
    %add3A_848 = arith.addi %mul3A_609, %add3A_847 : vector<16xi32>
    %parallel_loop3A_849 = arith.constant 0 : i32
    %parallel_loop3A_850 = arith.constant 256 : i32
    %parallel_loop3A_851 = arith.constant 1 : i32
    scf.for %parallel_loop3A_894 = %parallel_loop3A_849 to %parallel_loop3A_850 step %parallel_loop3A_851  : i32 {
      %parallel_loop3A_895 = vector.broadcast %parallel_loop3A_894 : i32 to vector<16xi32>
      %parallel_loop3A_896 = arith.addi %get3A_845, %parallel_loop3A_895 : vector<16xi32>
      %parallel_loop3A_897 = tpu.vector_load_idx %arg5[%parallel_loop3A_896] : memref<2048xf32, #tpu.memory_space<vmem>>[vector<16xi32>], vector<16xf32>,
      %parallel_loop3A_898 = vector.broadcast %parallel_loop3A_894 : i32 to vector<16xi32>
      %parallel_loop3A_899 = arith.addi %add3A_848, %parallel_loop3A_898 : vector<16xi32>
      tpu.vector_store_idx %arg9[%parallel_loop3A_899], %parallel_loop3A_897 : memref<32768xf32, #tpu.memory_space<vmem>>[vector<16xi32>], vector<16xf32>,
    } {sc.loop_unroll_factor = 8 : i64, sc.parallel_access}
    %get3A_852 = arith.constant 448 : index
    %get3A_853 = tpu.vector_load %arg7[%get3A_852] {strides = array<i32>} : memref<512xi32, #tpu.memory_space<vmem>>, vector<16xi32>,
    %add3A_854 = arith.constant 16384 : i32
    %add3A_855 = vector.broadcast %add3A_854 : i32 to vector<16xi32>
    %add3A_856 = arith.addi %mul3A_609, %add3A_855 : vector<16xi32>
    %parallel_loop3A_857 = arith.constant 0 : i32
    %parallel_loop3A_858 = arith.constant 256 : i32
    %parallel_loop3A_859 = arith.constant 1 : i32
    scf.for %parallel_loop3A_894 = %parallel_loop3A_857 to %parallel_loop3A_858 step %parallel_loop3A_859  : i32 {
      %parallel_loop3A_895 = vector.broadcast %parallel_loop3A_894 : i32 to vector<16xi32>
      %parallel_loop3A_896 = arith.addi %get3A_853, %parallel_loop3A_895 : vector<16xi32>
      %parallel_loop3A_897 = tpu.vector_load_idx %arg5[%parallel_loop3A_896] : memref<2048xf32, #tpu.memory_space<vmem>>[vector<16xi32>], vector<16xf32>,
      %parallel_loop3A_898 = vector.broadcast %parallel_loop3A_894 : i32 to vector<16xi32>
      %parallel_loop3A_899 = arith.addi %add3A_856, %parallel_loop3A_898 : vector<16xi32>
      tpu.vector_store_idx %arg9[%parallel_loop3A_899], %parallel_loop3A_897 : memref<32768xf32, #tpu.memory_space<vmem>>[vector<16xi32>], vector<16xf32>,
    } {sc.loop_unroll_factor = 8 : i64, sc.parallel_access}
    %get3A_860 = arith.constant 464 : index
    %get3A_861 = tpu.vector_load %arg7[%get3A_860] {strides = array<i32>} : memref<512xi32, #tpu.memory_space<vmem>>, vector<16xi32>,
    %add3A_862 = arith.constant 20480 : i32
    %add3A_863 = vector.broadcast %add3A_862 : i32 to vector<16xi32>
    %add3A_864 = arith.addi %mul3A_609, %add3A_863 : vector<16xi32>
    %parallel_loop3A_865 = arith.constant 0 : i32
    %parallel_loop3A_866 = arith.constant 256 : i32
    %parallel_loop3A_867 = arith.constant 1 : i32
    scf.for %parallel_loop3A_894 = %parallel_loop3A_865 to %parallel_loop3A_866 step %parallel_loop3A_867  : i32 {
      %parallel_loop3A_895 = vector.broadcast %parallel_loop3A_894 : i32 to vector<16xi32>
      %parallel_loop3A_896 = arith.addi %get3A_861, %parallel_loop3A_895 : vector<16xi32>
      %parallel_loop3A_897 = tpu.vector_load_idx %arg5[%parallel_loop3A_896] : memref<2048xf32, #tpu.memory_space<vmem>>[vector<16xi32>], vector<16xf32>,
      %parallel_loop3A_898 = vector.broadcast %parallel_loop3A_894 : i32 to vector<16xi32>
      %parallel_loop3A_899 = arith.addi %add3A_864, %parallel_loop3A_898 : vector<16xi32>
      tpu.vector_store_idx %arg9[%parallel_loop3A_899], %parallel_loop3A_897 : memref<32768xf32, #tpu.memory_space<vmem>>[vector<16xi32>], vector<16xf32>,
    } {sc.loop_unroll_factor = 8 : i64, sc.parallel_access}
    %get3A_868 = arith.constant 480 : index
    %get3A_869 = tpu.vector_load %arg7[%get3A_868] {strides = array<i32>} : memref<512xi32, #tpu.memory_space<vmem>>, vector<16xi32>,
    %add3A_870 = arith.constant 24576 : i32
    %add3A_871 = vector.broadcast %add3A_870 : i32 to vector<16xi32>
    %add3A_872 = arith.addi %mul3A_609, %add3A_871 : vector<16xi32>
    %parallel_loop3A_873 = arith.constant 0 : i32
    %parallel_loop3A_874 = arith.constant 256 : i32
    %parallel_loop3A_875 = arith.constant 1 : i32
    scf.for %parallel_loop3A_894 = %parallel_loop3A_873 to %parallel_loop3A_874 step %parallel_loop3A_875  : i32 {
      %parallel_loop3A_895 = vector.broadcast %parallel_loop3A_894 : i32 to vector<16xi32>
      %parallel_loop3A_896 = arith.addi %get3A_869, %parallel_loop3A_895 : vector<16xi32>
      %parallel_loop3A_897 = tpu.vector_load_idx %arg5[%parallel_loop3A_896] : memref<2048xf32, #tpu.memory_space<vmem>>[vector<16xi32>], vector<16xf32>,
      %parallel_loop3A_898 = vector.broadcast %parallel_loop3A_894 : i32 to vector<16xi32>
      %parallel_loop3A_899 = arith.addi %add3A_872, %parallel_loop3A_898 : vector<16xi32>
      tpu.vector_store_idx %arg9[%parallel_loop3A_899], %parallel_loop3A_897 : memref<32768xf32, #tpu.memory_space<vmem>>[vector<16xi32>], vector<16xf32>,
    } {sc.loop_unroll_factor = 8 : i64, sc.parallel_access}
    %get3A_876 = arith.constant 496 : index
    %get3A_877 = tpu.vector_load %arg7[%get3A_876] {strides = array<i32>} : memref<512xi32, #tpu.memory_space<vmem>>, vector<16xi32>,
    %add3A_878 = arith.constant 28672 : i32
    %add3A_879 = vector.broadcast %add3A_878 : i32 to vector<16xi32>
    %add3A_880 = arith.addi %mul3A_609, %add3A_879 : vector<16xi32>
    %parallel_loop3A_881 = arith.constant 0 : i32
    %parallel_loop3A_882 = arith.constant 256 : i32
    %parallel_loop3A_883 = arith.constant 1 : i32
    scf.for %parallel_loop3A_894 = %parallel_loop3A_881 to %parallel_loop3A_882 step %parallel_loop3A_883  : i32 {
      %parallel_loop3A_895 = vector.broadcast %parallel_loop3A_894 : i32 to vector<16xi32>
      %parallel_loop3A_896 = arith.addi %get3A_877, %parallel_loop3A_895 : vector<16xi32>
      %parallel_loop3A_897 = tpu.vector_load_idx %arg5[%parallel_loop3A_896] : memref<2048xf32, #tpu.memory_space<vmem>>[vector<16xi32>], vector<16xf32>,
      %parallel_loop3A_898 = vector.broadcast %parallel_loop3A_894 : i32 to vector<16xi32>
      %parallel_loop3A_899 = arith.addi %add3A_880, %parallel_loop3A_898 : vector<16xi32>
      tpu.vector_store_idx %arg9[%parallel_loop3A_899], %parallel_loop3A_897 : memref<32768xf32, #tpu.memory_space<vmem>>[vector<16xi32>], vector<16xf32>,
    } {sc.loop_unroll_factor = 8 : i64, sc.parallel_access}
    %add3A_884 = arith.constant 384 : i32
    %add3A_885 = arith.addi %mul3A_2, %add3A_884 : i32
    %mul3A_886 = arith.constant 256 : i32
    %mul3A_887 = arith.muli %add3A_885, %mul3A_886 : i32
    %dma_start3A_888 = tpu.memref_slice %arg4[%mul3A_887] : memref<4194304xf32, #tpu.memory_space<hbm>> -> memref<32768xf32, #tpu.memory_space<hbm>>
    %dma_start3A_889 = tpu.memref_slice %arg4[%mul3A_887] : memref<4194304xf32, #tpu.memory_space<hbm>> -> memref<32768xf32, #tpu.memory_space<hbm>>
    tpu.enqueue_dma source(%arg9 : memref<32768xf32, #tpu.memory_space<vmem>>) target(%dma_start3A_889 : memref<32768xf32, #tpu.memory_space<hbm>>) target_semaphore(%arg10 : memref<!tpu.dma_semaphore, #tpu.memory_space<semaphore_mem>>)
    %dma_wait3A_890 = tpu.memref_slice %arg4[%mul3A_815] : memref<4194304xf32, #tpu.memory_space<hbm>> -> memref<32768xf32, #tpu.memory_space<hbm>>
    %dma_wait3A_891 = tpu.memref_slice %arg4[%mul3A_815] : memref<4194304xf32, #tpu.memory_space<hbm>> -> memref<32768xf32, #tpu.memory_space<hbm>>
    tpu.wait_dma2 semaphore(%arg10 : memref<!tpu.dma_semaphore, #tpu.memory_space<semaphore_mem>>) src(%arg8 : memref<32768xf32, #tpu.memory_space<vmem>>) dst(%dma_wait3A_891 : memref<32768xf32, #tpu.memory_space<hbm>>)
    %dma_wait3A_892 = tpu.memref_slice %arg4[%mul3A_887] : memref<4194304xf32, #tpu.memory_space<hbm>> -> memref<32768xf32, #tpu.memory_space<hbm>>
    %dma_wait3A_893 = tpu.memref_slice %arg4[%mul3A_887] : memref<4194304xf32, #tpu.memory_space<hbm>> -> memref<32768xf32, #tpu.memory_space<hbm>>
    tpu.wait_dma2 semaphore(%arg10 : memref<!tpu.dma_semaphore, #tpu.memory_space<semaphore_mem>>) src(%arg9 : memref<32768xf32, #tpu.memory_space<vmem>>) dst(%dma_wait3A_893 : memref<32768xf32, #tpu.memory_space<hbm>>)
    return
  }
}

</mosaic_0001>

<sc_bundles>
// kernel: kernel.3.cloned.1.call-start
scs
__scs_entry_jumppad:
0x0: {  	(pc) =	sbr.rel $0x88, $3  }
0x1: {  	(tag) =	ssettag $0x0;
	lr =	simm.s32 $0x1  }
0x2: {  	[smem:$0x3F9F] =	sst lr;
	_ =	strace $0xD0000000  }
0x3: {  	_ = 	snop  }
0x4: {  	_ = 	snop  }
0x5: {  	_ = 	snop  }
0x6: {  	_ = 	snop  }
0x7: {  	_ = 	snop  }
__scs_overlays_trampoline_lowered:
0x8: {  	[smem:$0x3FAE] =	sst s0  }
0x9: {  	[smem:$0x3FAF] =	sst s1  }
0xa: {  	[smem:$0x3FB0] =	sst s2  }
0xb: {  	[smem:$0x3FB1] =	sst s3  }
0xc: {  	[smem:$0x3FB2] =	sst s4  }
0xd: {  	[smem:$0x3FB3] =	sst s5  }
0xe: {  	[smem:$0x3FB4] =	sst s6  }
0xf: {  	[smem:$0x3FB5] =	sst s7  }
0x10: {  	[smem:$0x3FB6] =	sst s8  }
0x11: {  	[smem:$0x3FB7] =	sst s9;
	s0 =	simm.s32 @!p0 $0x0  }
0x12: {  	s1 =	sld [smem:$0x3F9D];
	s0 =	simm.s32 @p0 $0x1  }
0x13: {  	[smem:$0x3FB8] =	sst s0;
	s0 =	simm.s32 @!p1 $0x0  }
0x14: {  	s2 =	sld [smem:$0x3F9C];
	s0 =	simm.s32 @p1 $0x1  }
0x15: {  	[smem:$0x3FB9] =	sst s0;
	s0 =	simm.s32 @!p2 $0x0  }
0x16: {  	s3 =	sld [smem:$0x3FDB];
	s0 =	simm.s32 @p2 $0x1  }
0x17: {  	s4 =	simm.s32 $0x1BF5;
	[smem:$0x3FBB] =	sst s0  }
0x18: {  	s0 =	sld [smem:$0x3F9E];
	_ =	swait.ge [sflag:s4], $0x0  }
0x19: {  	s7 =	sld [smem:$0x3F9F]  }
0x1a: {  	s8 =	sadd.s32 $0xFFFFE003, lr  }
0x1b: {  	s9 =	sadd.s32 $0xFFFFFEF7, lr;
	s5 =	simm.s32 $0xFFFFFFFF;
	p2 =	slt.u32 s8, $0xFFFFF086  }
0x1c: {  	p1 =	slt.u32 s9, $0xF7A;
	s5 =	simm.s32 @!p2 $0x0  }
0x1d: {  	s5 =	simm.s32 @p1 $0x1;
	p0 =	seq.s32 s7, s2  }
0x1e: {  	s7 =	smul.u32 @!p0 $0xF7A, s2;
	p2 =	seq.s32 @!p0 s5, $0x0  }
0x1f: {  	s9 =	smul.u32 $0xF7A, s1;
	s8 =	simm.s32 @!p0 $0x1BF5;
	p2 =	por !p2, p0  }
0x20: {  	[sflag:s8] =	ssyncset.s32 @!p0 $0xFFFFF086;
	s6 =	sadd.s32 @!p0 s3, s7;
	s7 =	simm.s32 @!p0 $0x108  }
0x21: {  	s3 =	sadd.s32 s3, s9;
	s6 =	sadd.s32 @!p0 $0x88, s6;
	s7 =	simm.s32 @p2 $0x1082  }
0x22: {  	[simem:s7], [sflag:s8] =	dma.local @!p0 [hbm:s6], $0xF7A  }
0x23: {  	s9 =	sor.u32 $0xD0000000, s2;
	s6 =	simm.s32 $0x108;
	_ =	swait.ge @!p0 [sflag:s8], $0x0  }
0x24: {  	s3 =	sadd.s32 $0x88, s3;
	s6 =	simm.s32 @!p1 $0x1082;
	[sflag:s4] =	ssyncset.s32 $0xFFFFF086  }
0x25: {  	[simem:s6], [sflag:s4] =	dma.local [hbm:s3], $0xF7A  }
0x26: {  	[smem:$0x3F9F] =	sst s1;
	(tag) =	ssettag s2;
	_ =	strace s9  }
0x27: {  	s1 =	sld [smem:$0x3FAF]  }
0x28: {  	s2 =	sld [smem:$0x3FB0]  }
0x29: {  	s4 =	sld [smem:$0x3FB2]  }
0x2a: {  	p0 =	seq.s32 s5, $0x0;
	s5 =	sld [smem:$0x3FB3]  }
0x2b: {  	s6 =	sld [smem:$0x3FB4]  }
0x2c: {  	s7 =	sld [smem:$0x3FB5]  }
0x2d: {  	s3 =	simm.s32 $0x108;
	s8 =	sld [smem:$0x3FB6]  }
0x2e: {  	s3 =	simm.s32 @!p0 $0x1082;
	s9 =	sld [smem:$0x3FB7]  }
0x2f: {  	lr =	sadd.s32 s0, s3;
	s0 =	sld [smem:$0x3FAE]  }
0x30: {  	s3 =	sld [smem:$0x3FB1]  }
0x31: {  	[smem:$0x3FBA] =	sst s10  }
0x32: {  	s10 =	sld [smem:$0x3FB8];
	_ =	sdelay $0x3  }
0x33: {  	p0 =	seq.s32 s10, $0x1;
	s10 =	sld [smem:$0x3FBA];
	_ =	sdelay $0x3  }
0x34: {  	[smem:$0x3FBA] =	sst s10  }
0x35: {  	s10 =	sld [smem:$0x3FB9];
	_ =	sdelay $0x3  }
0x36: {  	p1 =	seq.s32 s10, $0x1;
	s10 =	sld [smem:$0x3FBA];
	_ =	sdelay $0x3  }
0x37: {  	[smem:$0x3FBA] =	sst s10  }
0x38: {  	s10 =	sld [smem:$0x3FBB]  }
0x39: {  	_ = 	snop;
	(pc) =	sbr.ind lr, $3  }
0x3a: {  	_ = 	snop  }
0x3b: {  	_ = 	snop  }
0x3c: {  	p2 =	seq.s32 s10, $0x1;
	s10 =	sld [smem:$0x3FBA]  }
0x3d: {  	_ =	shalt  }
0x3e: {  	_ =	shalt  }
0x3f: {  	_ =	shalt  }
0x40: {  	_ =	shalt  }
0x41: {  	_ =	shalt  }
0x42: {  	_ =	shalt  }
0x43: {  	_ =	shalt  }
0x44: {  	_ =	shalt  }
0x45: {  	_ =	shalt  }
0x46: {  	_ =	shalt  }
0x47: {  	_ =	shalt  }
0x48: {  	_ =	shalt  }
0x49: {  	_ =	shalt  }
0x4a: {  	_ =	shalt  }
0x4b: {  	_ =	shalt  }
0x4c: {  	_ =	shalt  }
0x4d: {  	_ =	shalt  }
0x4e: {  	_ =	shalt  }
0x4f: {  	_ =	shalt  }
0x50: {  	_ =	shalt  }
0x51: {  	_ =	shalt  }
0x52: {  	_ =	shalt  }
0x53: {  	_ =	shalt  }
0x54: {  	_ =	shalt  }
0x55: {  	_ =	shalt  }
0x56: {  	_ =	shalt  }
0x57: {  	_ =	shalt  }
0x58: {  	_ =	shalt  }
0x59: {  	_ =	shalt  }
0x5a: {  	_ =	shalt  }
0x5b: {  	_ =	shalt  }
0x5c: {  	_ =	shalt  }
0x5d: {  	_ =	shalt  }
0x5e: {  	_ =	shalt  }
0x5f: {  	_ =	shalt  }
0x60: {  	_ =	shalt  }
0x61: {  	_ =	shalt  }
0x62: {  	_ =	shalt  }
0x63: {  	_ =	shalt  }
0x64: {  	_ =	shalt  }
0x65: {  	_ =	shalt  }
0x66: {  	_ =	shalt  }
0x67: {  	_ =	shalt  }
0x68: {  	_ =	shalt  }
0x69: {  	_ =	shalt  }
0x6a: {  	_ =	shalt  }
0x6b: {  	_ =	shalt  }
0x6c: {  	_ =	shalt  }
0x6d: {  	_ =	shalt  }
0x6e: {  	_ =	shalt  }
0x6f: {  	_ =	shalt  }
0x70: {  	_ =	shalt  }
0x71: {  	_ =	shalt  }
0x72: {  	_ =	shalt  }
0x73: {  	_ =	shalt  }
0x74: {  	_ =	shalt  }
0x75: {  	_ =	shalt  }
0x76: {  	_ =	shalt  }
0x77: {  	_ =	shalt  }
0x78: {  	_ =	shalt  }
0x79: {  	_ =	shalt  }
0x7a: {  	_ =	shalt  }
0x7b: {  	_ =	shalt  }
0x7c: {  	_ =	shalt  }
0x7d: {  	_ =	shalt  }
0x7e: {  	_ =	shalt  }
0x7f: {  	_ =	shalt  }
0x80: {  	_ =	shalt  }
0x81: {  	_ =	shalt  }
0x82: {  	_ =	shalt  }
0x83: {  	_ =	shalt  }
0x84: {  	_ =	shalt  }
0x85: {  	_ =	shalt  }
0x86: {  	_ =	shalt  }
0x87: {  	_ =	shalt  }
.Lfunc_end0:
.L_simem_size_0:
called_computation_lowered:
.L_overlay_start_0:
0x88: {  	s2 =	sld [smem:$0x3FD9]  }
0x89: {  	s3 =	sld [smem:$0x3FFE];
	_ =	sdelay $0x1  }
0x8a: {  	s1 =	srdreg.scid  }
0x8b: {  	s0 =	sand.u32 $0x1, s1  }
0x8c: {  	s17 =	sshll.u32 s0, $0xA;
	s2 =	sadd.s32 s3, s2  }
0x8d: {  	s2 =	sadd.s32 s2, s17  }
0x8e: {  	[smem:$0x3FC6] =	sst s2  }
0x8f: {  	_ = 	snop  }
0x90: {  	s2 =	sld [smem:$0x3FD0];
	(tm) =	ssettm $0x1  }
0x91: {  	s18 =	sld [smem:$0x3FFB];
	_ =	sdelay $0x3  }
0x92: {  	_ =	strace s18  }
0x93: {  	s3 =	sld [smem:$0x3FFC];
	_ =	sdelay $0x3  }
0x94: {  	_ =	strace s3  }
0x95: {  	s3 =	sld [smem:$0x3FFD];
	_ =	sdelay $0x3  }
0x96: {  	_ =	strace s3  }
0x97: {  	_ =	strace $0x8FFFFFFF  }
0x98: {  	s19 =	sld [smem:$0x3FDB];
	_ =	sdelay $0x1  }
0x99: {  	s4 =	simm.s32 $_scs_section_size  }
0x9a: {  	s5 =	simm.s32 $_size__tile_overlayer_lowered;
	s6 =	simm.s32 $_tile_overlayer_lowered  }
0x9b: {  	s22 =	simm.s32 $0x1BFF;
	s21 =	sshll.u32 s6, $0x1;
	s3 =	sadd.s32 s4, s19  }
0x9c: {  	s7 =	simm.s32 $0x0;
	s20 =	sshll.u32 s5, $0x1;
	s5 =	sadd.s32 s21, s3  }
0x9d: {  	[timem:s7], [sflag:s22] =	dma.local [hbm:s5], s20  }
0x9e: {  	_ =	swait.ge [sflag:s22], s20  }
0x9f: {  	s4 =	ssub.s32 $0x0, s20;
	[sflag:s22] =	ssyncset.done $0x0  }
0xa0: {  	[sflag:s22] =	ssyncadd.s32 s4;
	_ =	sdelay $0x1  }
0xa1: {  	s23 =	simm.s32 $0x1B8B  }
0xa2: {  	_ =	swait.ge [sflag:s23], $0x1  }
0xa3: {  	[sflag:s23] =	ssyncset.done $0x0  }
0xa4: {  	s25 =	simm.s32 $0x1B8E;
	s24 =	sld [smem:$0x3FFE];
	[sflag:s23] =	ssyncadd.s32 $0xFFFFFFFF  }
0xa5: {  	s26 =	simm.s32 $execute0_lowered;
	[smem:$0x3FD2] =	sst s25  }
0xa6: {  	s5 =	sshll.u32 s26, $0x1;
	_ =	strace $0x80000046;
	[dreg:$0x1] =	wrdreg $0xFFFFFFFF  }
0xa7: {  	s28 =	simm.s32 $_size_execute0_lowered;
	s3 =	sadd.s32 s3, s5;
	[dreg:$0x0] =	wrdreg $0x0  }
0xa8: {  	s5 =	sshll.u32 s28, $0x1;
	[dreg:$0x2] =	wrdreg s3  }
0xa9: {  	[dreg:$0x3] =	wrdreg s5  }
0xaa: {  	[dreg:$0x4] =	wrdreg $0xC0  }
0xab: {  	_ =	task [dreg:s7], $0x5FFFF  }
0xac: {  	[dreg:$0x1] =	wrdreg $0xFFFFFFFF  }
0xad: {  	[dreg:$0x0] =	wrdreg $0x60  }
0xae: {  	[dreg:$0x2] =	wrdreg s2  }
0xaf: {  	[dreg:$0x3] =	wrdreg s24  }
0xb0: {  	[dreg:$0x4] =	wrdreg $0x9  }
0xb1: {  	_ =	task.clear_ibuf [dreg:s7], $0x5FFFF;
	_ =	strace $0x90000046  }
0xb2: {  	s29 =	simm.s32 $0x9;
	_ =	strace $0x80000048  }
0xb3: {  	_ =	swait.ge [sflag:s29], $0x1  }
0xb4: {  	[sflag:s29] =	ssyncadd.s32 $0xFFFFFFFF  }
0xb5: {  	_ =	strace $0x90000048  }
0xb6: {  	_ =	sfence  }
0xb7: {  	s30 =	sld [smem:$0x0];
	_ =	sdelay $0x2  }
0xb8: {  	s31 =	sshll.u32 s1, $0xD;
	s1 =	sshrl.u32 s1, $0x2  }
0xb9: {  	s3 =	sand.u32 $0x4000, s31;
	s1 =	sadd.s32 s1, s30  }
0xba: {  	s0 =	sor.u32 s3, s0;
	s1 =	sshll.u32 s1, $0x11  }
0xbb: {  	s0 =	sor.u32 s1, s0  }
0xbc: {  	s0 =	sadd.s32 $0x8F2B, s0  }
0xbd: {  	[sflag:s0] =	ssyncadd.remote.s32 $0x1  }
0xbe: {  	_ =	sfence.sel $0xFFFF  }
0xbf: {  	[dreg:$0x0] =	wrdreg $0xFFFFFFFF;
	(pc) =	sbr.abs _section_cstart, $3  }
0xc0: {  	[dreg:$0x1] =	wrdreg $0xFFFFFFFF  }
0xc1: {  	_ =	task.clear_ibuf [dreg:s7], $0x2FFFF;
	_ =	strace $0x9FFFFFFF  }
0xc2: {  	(tm) =	ssettm $0x7FFFFFFF  }
0xc3: {  	_ =	shalt  }
tec
execute0_lowered:
.L_overlay_start_1:
0x0: {  	(tag) =	ssettag $0x1  }
0x1: {  	v27 =	vlaneseq.u32  }
0x2: {  	v32 =	vmul.u32 $0x8, v27;
	_ =	sdelay $0x1  }
0x3: {  	v27 =	vmul.u32 $0x100, v27;
	v0 =	vor.u32 $0x2, v32  }
0x4: {  	v1 =	vor.u32 $0x82, v32;
	v2 =	vor.u32 $0x102, v32;
	v3 =	vor.u32 $0x182, v32  }
0x5: {  	s4 =	rddreg [dreg:$0x0];
	v4 =	vor.u32 $0x202, v32;
	v5 =	vor.u32 $0x282, v32;
	v6 =	vor.u32 $0x302, v32  }
0x6: {  	s5 =	rddreg [dreg:$0x1];
	v7 =	vor.u32 $0x382, v32;
	v8 =	vor.u32 $0x402, v32;
	v9 =	vor.u32 $0x482, v32  }
0x7: {  	s0 =	rddreg [dreg:$0x2];
	v10 =	vor.u32 $0x502, v32;
	v11 =	vor.u32 $0x582, v32;
	v12 =	vor.u32 $0x602, v32  }
0x8: {  	s2 =	simm.s32 $0x0;
	s3 =	srdreg.scid;
	s1 =	stileid.u32;
	v13 =	vor.u32 $0x682, v32;
	v14 =	vor.u32 $0x702, v32;
	v15 =	vor.u32 $0x782, v32  }
0x9: {  	s10 =	simm.s32 $0x2;
	s11 =	simm.s32 $0x800;
	s12 =	simm.s32 $0x1A00;
	v16 =	vor.u32 $0x802, v32;
	v17 =	vor.u32 $0x882, v32;
	v18 =	vor.u32 $0x902, v32  }
0xa: {  	s13 =	simm.s32 $0x9A00;
	s14 =	simm.s32 $0x1;
	s15 =	simm.s32 $0x0;
	v19 =	vor.u32 $0x982, v32;
	v20 =	vor.u32 $0xA02, v32;
	v21 =	vor.u32 $0xA82, v32  }
0xb: {  	[smem:$0x7FF] =	sst s2;
	s3 =	sand.u32 $0x1, s3;
	s6 =	sshll.u32 s1, $0x1;
	v22 =	vor.u32 $0xB02, v32;
	v23 =	vor.u32 $0xB82, v32;
	v24 =	vor.u32 $0xC02, v32  }
0xc: {  	s6 =	sor.u32 s3, s6;
	s7 =	ssub.s32 $0x2, s3;
	s3 =	sadd.s32 $0x400, s5;
	v25 =	vor.u32 $0xC82, v32;
	v26 =	vor.u32 $0xD02, v32;
	v28 =	vor.u32 $0xD82, v32  }
0xd: {  	s8 =	sshll.u32 s6, $0xE;
	s9 =	sshrl.u32 s7, $0x1;
	s31 =	sshll.u32 s6, $0x9;
	v29 =	vor.u32 $0xE02, v32;
	v30 =	vor.u32 $0xE82, v32;
	v31 =	vor.u32 $0xF02, v32  }
0xe: {  	v32 =	vor.u32 $0xF82, v32;
	v33 =	vor.u32 $0x1000, v27;
	v34 =	vor.u32 $0x2000, v27;
	[tilespmem:$0x1FFF0] =	vst v0;
	s8 =	sadd.s32 s8, s5;
	s9 =	ssub.s32 s7, s9;
	s4 =	sadd.s32 s4, s31  }
0xf: {  	v35 =	vor.u32 $0x3000, v27;
	v36 =	vor.u32 $0x4000, v27;
	_ =	strace $0x80000047;
	s5 =	sadd.s32 $0x600, s8;
	s6 =	sadd.s32 $0x1600, s8  }
0x10: {  	v37 =	vor.u32 $0x5000, v27;
	v38 =	vor.u32 $0x6000, v27;
	v39 =	vor.u32 $0x7000, v27;
	s7 =	sadd.s32 $0x2600, s8;
	s8 =	sadd.s32 $0x3600, s8;
	s9 =	smax.u32 s9, $0x1  }
.LBB2_1:
0x11: {  	[tilespmem:s2], [sflag:$0x2] =	stream.linear.gather [hbm4b:s3+s2], $0x800, $0x38;
	[tilespmem:$0x11A00] =	vst v63  }
0x12: {  	_ =	swait.ge [sflag:s10], $0x800  }
0x13: {  	[sflag:s10] =	ssyncset.done $0x0  }
0x14: {  	[sflag:s10] =	ssyncadd.s32 $0xFFFFF800  }
0x15: {  	[tilespmem:s11], [sflag:$0x2] =	stream.linear.gather [hbm4b:s4+s2], $0x1000, $0x38;
	[tilespmem:$0x11A00] =	vst v63  }
0x16: {  	_ =	swait.ge [sflag:s10], $0x1000  }
0x17: {  	v0 =	vld [tilespmem:$0x1FFF0];
	_ =	sdelay $0x5  }
0x18: {  	[sflag:s10] =	ssyncset.done $0x0  }
0x19: {  	[sflag:s10] =	ssyncadd.s32 $0xFFFFF000  }
0x1a: {  	v40 =	vld.idx.msk [tilespmem:v0+s11+$0x0], $0xffff;
	_ =	sdelay $0x4  }
0x1b: {  	v40 =	vtrunc.f32 v40  }
0x1c: {  	v40 =	vcvt.f32.s32 v40;
	_ =	sdelay $0x1  }
0x1d: {  	vm0 =	vgt.s32 v40, $0x0  }
0x1e: {  	v40 =	vnsel vm0, $0x0, v40  }
0x1f: {  	v40 =	vmin.u32 v40, $0x7  }
0x20: {  	v40 =	vshll.u32 v40, $0x8  }
0x21: {  	[tilespmem:$0x1800] =	vst v40  }
0x22: {  	v41 =	vld.idx.msk [tilespmem:v1+s11+$0x0], $0xffff;
	_ =	sdelay $0x4  }
0x23: {  	v41 =	vtrunc.f32 v41  }
0x24: {  	v41 =	vcvt.f32.s32 v41;
	_ =	sdelay $0x1  }
0x25: {  	vm9 =	vgt.s32 v41, $0x0  }
0x26: {  	v41 =	vnsel vm9, $0x0, v41  }
0x27: {  	v41 =	vmin.u32 v41, $0x7  }
0x28: {  	v41 =	vshll.u32 v41, $0x8  }
0x29: {  	[tilespmem:$0x1810] =	vst v41  }
0x2a: {  	v41 =	vld.idx.msk [tilespmem:v2+s11+$0x0], $0xffff;
	_ =	sdelay $0x4  }
0x2b: {  	v41 =	vtrunc.f32 v41  }
0x2c: {  	v41 =	vcvt.f32.s32 v41;
	_ =	sdelay $0x1  }
0x2d: {  	vm10 =	vgt.s32 v41, $0x0  }
0x2e: {  	v41 =	vnsel vm10, $0x0, v41  }
0x2f: {  	v41 =	vmin.u32 v41, $0x7  }
0x30: {  	v41 =	vshll.u32 v41, $0x8  }
0x31: {  	[tilespmem:$0x1820] =	vst v41  }
0x32: {  	v41 =	vld.idx.msk [tilespmem:v3+s11+$0x0], $0xffff;
	_ =	sdelay $0x4  }
0x33: {  	v41 =	vtrunc.f32 v41  }
0x34: {  	v41 =	vcvt.f32.s32 v41;
	_ =	sdelay $0x1  }
0x35: {  	vm11 =	vgt.s32 v41, $0x0  }
0x36: {  	v41 =	vnsel vm11, $0x0, v41  }
0x37: {  	v41 =	vmin.u32 v41, $0x7  }
0x38: {  	v41 =	vshll.u32 v41, $0x8  }
0x39: {  	[tilespmem:$0x1830] =	vst v41  }
0x3a: {  	v41 =	vld.idx.msk [tilespmem:v4+s11+$0x0], $0xffff;
	_ =	sdelay $0x4  }
0x3b: {  	v41 =	vtrunc.f32 v41  }
0x3c: {  	v41 =	vcvt.f32.s32 v41;
	_ =	sdelay $0x1  }
0x3d: {  	vm12 =	vgt.s32 v41, $0x0  }
0x3e: {  	v41 =	vnsel vm12, $0x0, v41  }
0x3f: {  	v41 =	vmin.u32 v41, $0x7  }
0x40: {  	v41 =	vshll.u32 v41, $0x8  }
0x41: {  	[tilespmem:$0x1840] =	vst v41  }
0x42: {  	v41 =	vld.idx.msk [tilespmem:v5+s11+$0x0], $0xffff;
	_ =	sdelay $0x4  }
0x43: {  	v41 =	vtrunc.f32 v41  }
0x44: {  	v41 =	vcvt.f32.s32 v41;
	_ =	sdelay $0x1  }
0x45: {  	vm13 =	vgt.s32 v41, $0x0  }
0x46: {  	v41 =	vnsel vm13, $0x0, v41  }
0x47: {  	v41 =	vmin.u32 v41, $0x7  }
0x48: {  	v41 =	vshll.u32 v41, $0x8  }
0x49: {  	[tilespmem:$0x1850] =	vst v41  }
0x4a: {  	v41 =	vld.idx.msk [tilespmem:v6+s11+$0x0], $0xffff;
	_ =	sdelay $0x4  }
0x4b: {  	v41 =	vtrunc.f32 v41  }
0x4c: {  	v41 =	vcvt.f32.s32 v41;
	_ =	sdelay $0x1  }
0x4d: {  	vm14 =	vgt.s32 v41, $0x0  }
0x4e: {  	v41 =	vnsel vm14, $0x0, v41  }
0x4f: {  	v41 =	vmin.u32 v41, $0x7  }
0x50: {  	v41 =	vshll.u32 v41, $0x8  }
0x51: {  	[tilespmem:$0x1860] =	vst v41  }
0x52: {  	v41 =	vld.idx.msk [tilespmem:v7+s11+$0x0], $0xffff;
	_ =	sdelay $0x4  }
0x53: {  	v41 =	vtrunc.f32 v41  }
0x54: {  	v41 =	vcvt.f32.s32 v41;
	_ =	sdelay $0x1  }
0x55: {  	vm15 =	vgt.s32 v41, $0x0  }
0x56: {  	v41 =	vnsel vm15, $0x0, v41  }
0x57: {  	v41 =	vmin.u32 v41, $0x7  }
0x58: {  	v41 =	vshll.u32 v41, $0x8  }
0x59: {  	[tilespmem:$0x1870] =	vst v41  }
0x5a: {  	v41 =	vld.idx.msk [tilespmem:v8+s11+$0x0], $0xffff;
	_ =	sdelay $0x4  }
0x5b: {  	v41 =	vtrunc.f32 v41  }
0x5c: {  	v41 =	vcvt.f32.s32 v41;
	_ =	sdelay $0x1  }
0x5d: {  	vm4 =	vgt.s32 v41, $0x0  }
0x5e: {  	v41 =	vnsel vm4, $0x0, v41  }
0x5f: {  	v41 =	vmin.u32 v41, $0x7  }
0x60: {  	v41 =	vshll.u32 v41, $0x8  }
0x61: {  	[tilespmem:$0x1880] =	vst v41  }
0x62: {  	v41 =	vld.idx.msk [tilespmem:v9+s11+$0x0], $0xffff;
	_ =	sdelay $0x4  }
0x63: {  	v41 =	vtrunc.f32 v41  }
0x64: {  	v41 =	vcvt.f32.s32 v41;
	_ =	sdelay $0x1  }
0x65: {  	vm5 =	vgt.s32 v41, $0x0  }
0x66: {  	v41 =	vnsel vm5, $0x0, v41  }
0x67: {  	v41 =	vmin.u32 v41, $0x7  }
0x68: {  	v41 =	vshll.u32 v41, $0x8  }
0x69: {  	[tilespmem:$0x1890] =	vst v41  }
0x6a: {  	v41 =	vld.idx.msk [tilespmem:v10+s11+$0x0], $0xffff;
	_ =	sdelay $0x4  }
0x6b: {  	v41 =	vtrunc.f32 v41  }
0x6c: {  	v41 =	vcvt.f32.s32 v41;
	_ =	sdelay $0x1  }
0x6d: {  	vm6 =	vgt.s32 v41, $0x0  }
0x6e: {  	v41 =	vnsel vm6, $0x0, v41  }
0x6f: {  	v41 =	vmin.u32 v41, $0x7  }
0x70: {  	v41 =	vshll.u32 v41, $0x8  }
0x71: {  	[tilespmem:$0x18A0] =	vst v41  }
0x72: {  	v41 =	vld.idx.msk [tilespmem:v11+s11+$0x0], $0xffff;
	_ =	sdelay $0x4  }
0x73: {  	v41 =	vtrunc.f32 v41  }
0x74: {  	v41 =	vcvt.f32.s32 v41;
	_ =	sdelay $0x1  }
0x75: {  	vm7 =	vgt.s32 v41, $0x0  }
0x76: {  	v41 =	vnsel vm7, $0x0, v41  }
0x77: {  	v41 =	vmin.u32 v41, $0x7  }
0x78: {  	v41 =	vshll.u32 v41, $0x8  }
0x79: {  	[tilespmem:$0x18B0] =	vst v41  }
0x7a: {  	v41 =	vld.idx.msk [tilespmem:v12+s11+$0x0], $0xffff;
	_ =	sdelay $0x4  }
0x7b: {  	v41 =	vtrunc.f32 v41  }
0x7c: {  	v41 =	vcvt.f32.s32 v41;
	_ =	sdelay $0x1  }
0x7d: {  	vm8 =	vgt.s32 v41, $0x0  }
0x7e: {  	v41 =	vnsel vm8, $0x0, v41  }
0x7f: {  	v41 =	vmin.u32 v41, $0x7  }
0x80: {  	v41 =	vshll.u32 v41, $0x8  }
0x81: {  	[tilespmem:$0x18C0] =	vst v41  }
0x82: {  	v41 =	vld.idx.msk [tilespmem:v13+s11+$0x0], $0xffff;
	_ =	sdelay $0x4  }
0x83: {  	v41 =	vtrunc.f32 v41  }
0x84: {  	v41 =	vcvt.f32.s32 v41;
	_ =	sdelay $0x1  }
0x85: {  	vm9 =	vgt.s32 v41, $0x0  }
0x86: {  	v41 =	vnsel vm9, $0x0, v41  }
0x87: {  	v41 =	vmin.u32 v41, $0x7  }
0x88: {  	v41 =	vshll.u32 v41, $0x8  }
0x89: {  	[tilespmem:$0x18D0] =	vst v41  }
0x8a: {  	v41 =	vld.idx.msk [tilespmem:v14+s11+$0x0], $0xffff;
	_ =	sdelay $0x4  }
0x8b: {  	v41 =	vtrunc.f32 v41  }
0x8c: {  	v41 =	vcvt.f32.s32 v41;
	_ =	sdelay $0x1  }
0x8d: {  	vm10 =	vgt.s32 v41, $0x0  }
0x8e: {  	v41 =	vnsel vm10, $0x0, v41  }
0x8f: {  	v41 =	vmin.u32 v41, $0x7  }
0x90: {  	v41 =	vshll.u32 v41, $0x8  }
0x91: {  	[tilespmem:$0x18E0] =	vst v41  }
0x92: {  	v41 =	vld.idx.msk [tilespmem:v15+s11+$0x0], $0xffff;
	_ =	sdelay $0x4  }
0x93: {  	v41 =	vtrunc.f32 v41  }
0x94: {  	v41 =	vcvt.f32.s32 v41;
	_ =	sdelay $0x1  }
0x95: {  	vm11 =	vgt.s32 v41, $0x0  }
0x96: {  	v41 =	vnsel vm11, $0x0, v41  }
0x97: {  	v41 =	vmin.u32 v41, $0x7  }
0x98: {  	v41 =	vshll.u32 v41, $0x8  }
0x99: {  	[tilespmem:$0x18F0] =	vst v41  }
0x9a: {  	v41 =	vld.idx.msk [tilespmem:v16+s11+$0x0], $0xffff;
	_ =	sdelay $0x4  }
0x9b: {  	v41 =	vtrunc.f32 v41  }
0x9c: {  	v41 =	vcvt.f32.s32 v41;
	_ =	sdelay $0x1  }
0x9d: {  	vm12 =	vgt.s32 v41, $0x0  }
0x9e: {  	v41 =	vnsel vm12, $0x0, v41  }
0x9f: {  	v41 =	vmin.u32 v41, $0x7  }
0xa0: {  	v41 =	vshll.u32 v41, $0x8  }
0xa1: {  	[tilespmem:$0x1900] =	vst v41  }
0xa2: {  	v41 =	vld.idx.msk [tilespmem:v17+s11+$0x0], $0xffff;
	_ =	sdelay $0x4  }
0xa3: {  	v41 =	vtrunc.f32 v41  }
0xa4: {  	v41 =	vcvt.f32.s32 v41;
	_ =	sdelay $0x1  }
0xa5: {  	vm13 =	vgt.s32 v41, $0x0  }
0xa6: {  	v41 =	vnsel vm13, $0x0, v41  }
0xa7: {  	v41 =	vmin.u32 v41, $0x7  }
0xa8: {  	v41 =	vshll.u32 v41, $0x8  }
0xa9: {  	[tilespmem:$0x1910] =	vst v41  }
0xaa: {  	v41 =	vld.idx.msk [tilespmem:v18+s11+$0x0], $0xffff;
	_ =	sdelay $0x4  }
0xab: {  	v41 =	vtrunc.f32 v41  }
0xac: {  	v41 =	vcvt.f32.s32 v41;
	_ =	sdelay $0x1  }
0xad: {  	vm14 =	vgt.s32 v41, $0x0  }
0xae: {  	v41 =	vnsel vm14, $0x0, v41  }
0xaf: {  	v41 =	vmin.u32 v41, $0x7  }
0xb0: {  	v41 =	vshll.u32 v41, $0x8  }
0xb1: {  	[tilespmem:$0x1920] =	vst v41  }
0xb2: {  	v41 =	vld.idx.msk [tilespmem:v19+s11+$0x0], $0xffff;
	_ =	sdelay $0x4  }
0xb3: {  	v41 =	vtrunc.f32 v41  }
0xb4: {  	v41 =	vcvt.f32.s32 v41;
	_ =	sdelay $0x1  }
0xb5: {  	vm15 =	vgt.s32 v41, $0x0  }
0xb6: {  	v41 =	vnsel vm15, $0x0, v41  }
0xb7: {  	v41 =	vmin.u32 v41, $0x7  }
0xb8: {  	v41 =	vshll.u32 v41, $0x8  }
0xb9: {  	[tilespmem:$0x1930] =	vst v41  }
0xba: {  	v41 =	vld.idx.msk [tilespmem:v20+s11+$0x0], $0xffff;
	_ =	sdelay $0x4  }
0xbb: {  	v41 =	vtrunc.f32 v41  }
0xbc: {  	v41 =	vcvt.f32.s32 v41;
	_ =	sdelay $0x1  }
0xbd: {  	vm4 =	vgt.s32 v41, $0x0  }
0xbe: {  	v41 =	vnsel vm4, $0x0, v41  }
0xbf: {  	v41 =	vmin.u32 v41, $0x7  }
0xc0: {  	v41 =	vshll.u32 v41, $0x8  }
0xc1: {  	[tilespmem:$0x1940] =	vst v41  }
0xc2: {  	v41 =	vld.idx.msk [tilespmem:v21+s11+$0x0], $0xffff;
	_ =	sdelay $0x4  }
0xc3: {  	v41 =	vtrunc.f32 v41  }
0xc4: {  	v41 =	vcvt.f32.s32 v41;
	_ =	sdelay $0x1  }
0xc5: {  	vm5 =	vgt.s32 v41, $0x0  }
0xc6: {  	v41 =	vnsel vm5, $0x0, v41  }
0xc7: {  	v41 =	vmin.u32 v41, $0x7  }
0xc8: {  	v41 =	vshll.u32 v41, $0x8  }
0xc9: {  	[tilespmem:$0x1950] =	vst v41  }
0xca: {  	v41 =	vld.idx.msk [tilespmem:v22+s11+$0x0], $0xffff;
	_ =	sdelay $0x4  }
0xcb: {  	v41 =	vtrunc.f32 v41  }
0xcc: {  	v41 =	vcvt.f32.s32 v41;
	_ =	sdelay $0x1  }
0xcd: {  	vm6 =	vgt.s32 v41, $0x0  }
0xce: {  	v41 =	vnsel vm6, $0x0, v41  }
0xcf: {  	v41 =	vmin.u32 v41, $0x7  }
0xd0: {  	v41 =	vshll.u32 v41, $0x8  }
0xd1: {  	[tilespmem:$0x1960] =	vst v41  }
0xd2: {  	v41 =	vld.idx.msk [tilespmem:v23+s11+$0x0], $0xffff;
	_ =	sdelay $0x4  }
0xd3: {  	v41 =	vtrunc.f32 v41  }
0xd4: {  	v41 =	vcvt.f32.s32 v41;
	_ =	sdelay $0x1  }
0xd5: {  	vm7 =	vgt.s32 v41, $0x0  }
0xd6: {  	v41 =	vnsel vm7, $0x0, v41  }
0xd7: {  	v41 =	vmin.u32 v41, $0x7  }
0xd8: {  	v41 =	vshll.u32 v41, $0x8  }
0xd9: {  	[tilespmem:$0x1970] =	vst v41  }
0xda: {  	v41 =	vld.idx.msk [tilespmem:v24+s11+$0x0], $0xffff;
	_ =	sdelay $0x4  }
0xdb: {  	v41 =	vtrunc.f32 v41  }
0xdc: {  	v41 =	vcvt.f32.s32 v41;
	_ =	sdelay $0x1  }
0xdd: {  	vm8 =	vgt.s32 v41, $0x0  }
0xde: {  	v41 =	vnsel vm8, $0x0, v41  }
0xdf: {  	v41 =	vmin.u32 v41, $0x7  }
0xe0: {  	v41 =	vshll.u32 v41, $0x8  }
0xe1: {  	[tilespmem:$0x1980] =	vst v41  }
0xe2: {  	v41 =	vld.idx.msk [tilespmem:v25+s11+$0x0], $0xffff;
	_ =	sdelay $0x4  }
0xe3: {  	v41 =	vtrunc.f32 v41  }
0xe4: {  	v41 =	vcvt.f32.s32 v41;
	_ =	sdelay $0x1  }
0xe5: {  	vm9 =	vgt.s32 v41, $0x0  }
0xe6: {  	v41 =	vnsel vm9, $0x0, v41  }
0xe7: {  	v41 =	vmin.u32 v41, $0x7  }
0xe8: {  	v41 =	vshll.u32 v41, $0x8  }
0xe9: {  	[tilespmem:$0x1990] =	vst v41  }
0xea: {  	v41 =	vld.idx.msk [tilespmem:v26+s11+$0x0], $0xffff;
	_ =	sdelay $0x4  }
0xeb: {  	v41 =	vtrunc.f32 v41  }
0xec: {  	v41 =	vcvt.f32.s32 v41;
	_ =	sdelay $0x1  }
0xed: {  	vm10 =	vgt.s32 v41, $0x0  }
0xee: {  	v41 =	vnsel vm10, $0x0, v41  }
0xef: {  	v41 =	vmin.u32 v41, $0x7  }
0xf0: {  	v41 =	vshll.u32 v41, $0x8  }
0xf1: {  	[tilespmem:$0x19A0] =	vst v41  }
0xf2: {  	v41 =	vld.idx.msk [tilespmem:v28+s11+$0x0], $0xffff;
	_ =	sdelay $0x4  }
0xf3: {  	v41 =	vtrunc.f32 v41  }
0xf4: {  	v41 =	vcvt.f32.s32 v41;
	_ =	sdelay $0x1  }
0xf5: {  	vm11 =	vgt.s32 v41, $0x0  }
0xf6: {  	v41 =	vnsel vm11, $0x0, v41  }
0xf7: {  	v41 =	vmin.u32 v41, $0x7  }
0xf8: {  	v41 =	vshll.u32 v41, $0x8  }
0xf9: {  	[tilespmem:$0x19B0] =	vst v41  }
0xfa: {  	v41 =	vld.idx.msk [tilespmem:v29+s11+$0x0], $0xffff;
	_ =	sdelay $0x4  }
0xfb: {  	v41 =	vtrunc.f32 v41  }
0xfc: {  	v41 =	vcvt.f32.s32 v41;
	_ =	sdelay $0x1  }
0xfd: {  	vm12 =	vgt.s32 v41, $0x0  }
0xfe: {  	v41 =	vnsel vm12, $0x0, v41  }
0xff: {  	v41 =	vmin.u32 v41, $0x7  }
0x100: {  	v41 =	vshll.u32 v41, $0x8  }
0x101: {  	[tilespmem:$0x19C0] =	vst v41  }
0x102: {  	v41 =	vld.idx.msk [tilespmem:v30+s11+$0x0], $0xffff;
	_ =	sdelay $0x4  }
0x103: {  	v41 =	vtrunc.f32 v41  }
0x104: {  	v41 =	vcvt.f32.s32 v41;
	_ =	sdelay $0x1  }
0x105: {  	vm13 =	vgt.s32 v41, $0x0  }
0x106: {  	v41 =	vnsel vm13, $0x0, v41  }
0x107: {  	v41 =	vmin.u32 v41, $0x7  }
0x108: {  	v41 =	vshll.u32 v41, $0x8  }
0x109: {  	[tilespmem:$0x19D0] =	vst v41  }
0x10a: {  	v41 =	vld.idx.msk [tilespmem:v31+s11+$0x0], $0xffff;
	_ =	sdelay $0x4  }
0x10b: {  	v41 =	vtrunc.f32 v41  }
0x10c: {  	v41 =	vcvt.f32.s32 v41;
	_ =	sdelay $0x1  }
0x10d: {  	vm14 =	vgt.s32 v41, $0x0  }
0x10e: {  	v41 =	vnsel vm14, $0x0, v41  }
0x10f: {  	v41 =	vmin.u32 v41, $0x7  }
0x110: {  	v41 =	vshll.u32 v41, $0x8  }
0x111: {  	[tilespmem:$0x19E0] =	vst v41  }
0x112: {  	v41 =	vld.idx.msk [tilespmem:v32+s11+$0x0], $0xffff;
	_ =	sdelay $0x4  }
0x113: {  	v41 =	vtrunc.f32 v41  }
0x114: {  	v41 =	vcvt.f32.s32 v41;
	_ =	sdelay $0x1  }
0x115: {  	s16 =	simm.s32 $0x7;
	v42 =	vor.u32 s2, v40;
	vm15 =	vgt.s32 v41, $0x0  }
0x116: {  	s17 =	simm.s32 $0x6;
	v43 =	vor.u32 s16, v40;
	v41 =	vnsel vm15, $0x0, v41  }
0x117: {  	s19 =	simm.s32 $0x5;
	v44 =	vor.u32 s17, v40;
	v41 =	vmin.u32 v41, $0x7  }
0x118: {  	s20 =	simm.s32 $0x4;
	v45 =	vor.u32 s19, v40;
	v41 =	vshll.u32 v41, $0x8  }
0x119: {  	s22 =	simm.s32 $0x2;
	v63 =	vor.u32 s20, v40;
	[tilespmem:$0x19F0] =	vst v41  }
0x11a: {  	s21 =	simm.s32 $0x3;
	v51 =	vor.u32 s22, v40;
	v48 =	vld.idx.msk [tilespmem:v42+s2+$0x0], $0xffff  }
0x11b: {  	v49 =	vor.u32 s2, v27;
	s23 =	simm.s32 $0x1;
	v42 =	vor.u32 s21, v40;
	v53 =	vld.idx.msk [tilespmem:v43+s2+$0x0], $0xffff  }
0x11c: {  	s24 =	simm.s32 $0x8;
	v55 =	vor.u32 s16, v27;
	v52 =	vor.u32 s23, v40;
	v54 =	vld.idx.msk [tilespmem:v44+s2+$0x0], $0xffff  }
0x11d: {  	s18 =	simm.s32 $0xF;
	v58 =	vor.u32 s17, v27;
	v56 =	vor.u32 s24, v40;
	v57 =	vld.idx.msk [tilespmem:v45+s2+$0x0], $0xffff  }
0x11e: {  	v60 =	vor.u32 s19, v27;
	s16 =	simm.s32 $0xE;
	v59 =	vor.u32 s18, v40;
	v41 =	vld.idx.msk [tilespmem:v63+s2+$0x0], $0xffff  }
0x11f: {  	v50 =	vor.u32 s20, v27;
	s17 =	simm.s32 $0xD;
	v46 =	vor.u32 s16, v40;
	v43 =	vld.idx.msk [tilespmem:v51+s2+$0x0], $0xffff  }
0x120: {  	s19 =	simm.s32 $0xC;
	v47 =	vor.u32 s17, v40;
	v51 =	vor.u32 s21, v27;
	v42 =	vld.idx.msk [tilespmem:v42+s2+$0x0], $0xffff;
	[tilespmem:v49+s12+$0x0] =	vst.idx.msk $0xffff, v48  }
0x121: {  	s20 =	simm.s32 $0xB;
	v44 =	vld.idx.msk [tilespmem:v52+s2+$0x0], $0xffff;
	v52 =	vor.u32 s22, v27;
	v49 =	vor.u32 s19, v40;
	[tilespmem:v55+s12+$0x0] =	vst.idx.msk $0xffff, v53  }
0x122: {  	v45 =	vld.idx.msk [tilespmem:v56+s2+$0x0], $0xffff;
	s21 =	simm.s32 $0xA;
	v53 =	vor.u32 s20, v40;
	v55 =	vor.u32 s23, v27;
	[tilespmem:v58+s12+$0x0] =	vst.idx.msk $0xffff, v54  }
0x123: {  	s22 =	simm.s32 $0x9;
	v56 =	vor.u32 s21, v40;
	v54 =	vor.u32 s24, v27;
	v48 =	vld.idx.msk [tilespmem:v59+s2+$0x0], $0xffff;
	s23 =	simm.s32 $0x10;
	[tilespmem:v60+s12+$0x0] =	vst.idx.msk $0xffff, v57  }
.LBB2_2:
0x124: {  	p0 =	slt.u32 s23, $0xF8;
	v57 =	vor.u32 s22, v40;
	v58 =	vld.idx.msk [tilespmem:v46+s2+$0x0], $0xffff;
	v59 =	vor.u32 s18, v27;
	[tilespmem:v50+s12+$0x0] =	vst.idx.msk $0xffff, v41  }
0x125: {  	v60 =	vor.u32 s23, v40;
	s18 =	sadd.s32 $0x7, s23;
	v62 =	vor.u32 s16, v27;
	v61 =	vld.idx.msk [tilespmem:v47+s2+$0x0], $0xffff;
	[tilespmem:v51+s12+$0x0] =	vst.idx.msk $0xffff, v42  }
0x126: {  	s16 =	sadd.s32 $0x6, s23;
	v0 =	vor.u32 s17, v27;
	v63 =	vor.u32 s18, v40;
	v41 =	vld.idx.msk [tilespmem:v49+s2+$0x0], $0xffff;
	[tilespmem:v52+s12+$0x0] =	vst.idx.msk $0xffff, v43  }
.Ltmp0:
0x127: {  	s17 =	sadd.s32 $0x5, s23;
	v50 =	vor.u32 s19, v27;
	v46 =	vor.u32 s16, v40;
	v42 =	vld.idx.msk [tilespmem:v53+s2+$0x0], $0xffff;
	[tilespmem:v55+s12+$0x0] =	vst.idx.msk $0xffff, v44;
	(pc) =	sbr.rel @p0 .LBB2_2-.Ltmp0, $4  }
0x128: {  	s19 =	sadd.s32 $0x4, s23;
	v47 =	vor.u32 s17, v40;
	v51 =	vor.u32 s20, v27;
	[tilespmem:v54+s12+$0x0] =	vst.idx.msk $0xffff, v45;
	v43 =	vld.idx.msk [tilespmem:v56+s2+$0x0], $0xffff  }
0x129: {  	s20 =	sadd.s32 $0x3, s23;
	v49 =	vor.u32 s19, v40;
	v52 =	vor.u32 s21, v27;
	v44 =	vld.idx.msk [tilespmem:v57+s2+$0x0], $0xffff;
	[tilespmem:v59+s12+$0x0] =	vst.idx.msk $0xffff, v48  }
0x12a: {  	s21 =	sadd.s32 $0x2, s23;
	v53 =	vor.u32 s20, v40;
	v55 =	vor.u32 s22, v27;
	v45 =	vld.idx.msk [tilespmem:v60+s2+$0x0], $0xffff;
	[tilespmem:v62+s12+$0x0] =	vst.idx.msk $0xffff, v58  }
0x12b: {  	s22 =	sadd.s32 $0x1, s23;
	v54 =	vor.u32 s23, v27;
	v56 =	vor.u32 s21, v40;
	s23 =	sadd.s32 $0x8, s23;
	v48 =	vld.idx.msk [tilespmem:v63+s2+$0x0], $0xffff;
	[tilespmem:v0+s12+$0x0] =	vst.idx.msk $0xffff, v61  }
0x12c: {  	_ =	sdelay $0x3  }
0x12d: {  	v0 =	vor.u32 s18, v27;
	[tilespmem:v50+s12+$0x0] =	vst.idx.msk $0xffff, v41  }
0x12e: {  	v40 =	vor.u32 s22, v40;
	v41 =	vld.idx.msk [tilespmem:v46+s2+$0x0], $0xffff;
	v46 =	vor.u32 s16, v27;
	[tilespmem:v51+s12+$0x0] =	vst.idx.msk $0xffff, v42  }
0x12f: {  	v42 =	vld.idx.msk [tilespmem:v47+s2+$0x0], $0xffff;
	v60 =	vor.u32 s17, v27;
	[tilespmem:v52+s12+$0x0] =	vst.idx.msk $0xffff, v43  }
0x130: {  	v61 =	vld.idx.msk [tilespmem:v49+s2+$0x0], $0xffff;
	v62 =	vor.u32 s19, v27;
	[tilespmem:v55+s12+$0x0] =	vst.idx.msk $0xffff, v44  }
0x131: {  	v57 =	vld.idx.msk [tilespmem:v56+s2+$0x0], $0xffff;
	v58 =	vor.u32 s21, v27;
	[tilespmem:v54+s12+$0x0] =	vst.idx.msk $0xffff, v45  }
0x132: {  	v63 =	vld.idx.msk [tilespmem:v53+s2+$0x0], $0xffff;
	v55 =	vor.u32 s20, v27;
	[tilespmem:v0+s12+$0x0] =	vst.idx.msk $0xffff, v48  }
0x133: {  	v59 =	vor.u32 s22, v27;
	v0 =	vld.idx.msk [tilespmem:v40+s2+$0x0], $0xffff;
	[tilespmem:v46+s12+$0x0] =	vst.idx.msk $0xffff, v41  }
0x134: {  	[tilespmem:v60+s12+$0x0] =	vst.idx.msk $0xffff, v42  }
0x135: {  	[tilespmem:v62+s12+$0x0] =	vst.idx.msk $0xffff, v61  }
0x136: {  	[tilespmem:v58+s12+$0x0] =	vst.idx.msk $0xffff, v57  }
0x137: {  	[tilespmem:v55+s12+$0x0] =	vst.idx.msk $0xffff, v63  }
0x138: {  	[tilespmem:v59+s12+$0x0] =	vst.idx.msk $0xffff, v0  }
0x139: {  	v40 =	vld [tilespmem:$0x1810];
	_ =	sdelay $0x3  }
0x13a: {  	s25 =	simm.s32 $0x0  }
0x13b: {  	s26 =	simm.s32 $0x7;
	v0 =	vadd.s32 s25, v40  }
0x13c: {  	s28 =	simm.s32 $0x6;
	v60 =	vadd.s32 s26, v40  }
0x13d: {  	s29 =	simm.s32 $0x5;
	v61 =	vadd.s32 s28, v40  }
0x13e: {  	s30 =	simm.s32 $0x4;
	v62 =	vadd.s32 s29, v40  }
0x13f: {  	s31 =	simm.s32 $0x3;
	v63 =	vadd.s32 s30, v40  }
0x140: {  	s23 =	simm.s32 $0x2;
	v45 =	vadd.s32 s31, v40;
	v0 =	vld.idx.msk [tilespmem:v0+s2+$0x0], $0xffff  }
0x141: {  	s24 =	simm.s32 $0x1;
	v48 =	vor.u32 s25, v33;
	v49 =	vadd.s32 s23, v40;
	v53 =	vld.idx.msk [tilespmem:v60+s2+$0x0], $0xffff  }
0x142: {  	v55 =	vor.u32 s26, v33;
	s25 =	simm.s32 $0x8;
	v52 =	vadd.s32 s24, v40;
	v54 =	vld.idx.msk [tilespmem:v61+s2+$0x0], $0xffff  }
0x143: {  	s18 =	simm.s32 $0xF;
	v58 =	vor.u32 s28, v33;
	v56 =	vadd.s32 s25, v40;
	v57 =	vld.idx.msk [tilespmem:v62+s2+$0x0], $0xffff  }
0x144: {  	s16 =	simm.s32 $0xE;
	v59 =	vadd.s32 s18, v40;
	v41 =	vld.idx.msk [tilespmem:v63+s2+$0x0], $0xffff;
	v60 =	vor.u32 s29, v33  }
0x145: {  	s17 =	simm.s32 $0xD;
	v50 =	vor.u32 s30, v33;
	v46 =	vadd.s32 s16, v40;
	v42 =	vld.idx.msk [tilespmem:v45+s2+$0x0], $0xffff  }
0x146: {  	s19 =	simm.s32 $0xC;
	v51 =	vor.u32 s31, v33;
	v47 =	vadd.s32 s17, v40;
	v43 =	vld.idx.msk [tilespmem:v49+s2+$0x0], $0xffff;
	[tilespmem:v48+s12+$0x0] =	vst.idx.msk $0xffff, v0  }
0x147: {  	s20 =	simm.s32 $0xB;
	v49 =	vadd.s32 s19, v40;
	v44 =	vld.idx.msk [tilespmem:v52+s2+$0x0], $0xffff;
	v52 =	vor.u32 s23, v33;
	[tilespmem:v55+s12+$0x0] =	vst.idx.msk $0xffff, v53  }
0x148: {  	s21 =	simm.s32 $0xA;
	v45 =	vld.idx.msk [tilespmem:v56+s2+$0x0], $0xffff;
	v53 =	vadd.s32 s20, v40;
	v55 =	vor.u32 s24, v33;
	[tilespmem:v58+s12+$0x0] =	vst.idx.msk $0xffff, v54  }
0x149: {  	s22 =	simm.s32 $0x9;
	s23 =	simm.s32 $0x10;
	v56 =	vadd.s32 s21, v40;
	v54 =	vor.u32 s25, v33;
	v48 =	vld.idx.msk [tilespmem:v59+s2+$0x0], $0xffff;
	[tilespmem:v60+s12+$0x0] =	vst.idx.msk $0xffff, v57  }
.LBB2_4:
0x14a: {  	p0 =	slt.u32 s23, $0xF8;
	v0 =	vadd.s32 s22, v40;
	v57 =	vld.idx.msk [tilespmem:v46+s2+$0x0], $0xffff;
	v58 =	vor.u32 s18, v33;
	[tilespmem:v50+s12+$0x0] =	vst.idx.msk $0xffff, v41  }
0x14b: {  	v59 =	vadd.s32 s23, v40;
	s18 =	sadd.s32 $0x7, s23;
	v61 =	vor.u32 s16, v33;
	v60 =	vld.idx.msk [tilespmem:v47+s2+$0x0], $0xffff;
	[tilespmem:v51+s12+$0x0] =	vst.idx.msk $0xffff, v42  }
0x14c: {  	s16 =	sadd.s32 $0x6, s23;
	v63 =	vor.u32 s17, v33;
	v62 =	vadd.s32 s18, v40;
	v41 =	vld.idx.msk [tilespmem:v49+s2+$0x0], $0xffff;
	[tilespmem:v52+s12+$0x0] =	vst.idx.msk $0xffff, v43  }
.Ltmp1:
0x14d: {  	s17 =	sadd.s32 $0x5, s23;
	v50 =	vor.u32 s19, v33;
	v46 =	vadd.s32 s16, v40;
	v42 =	vld.idx.msk [tilespmem:v53+s2+$0x0], $0xffff;
	[tilespmem:v55+s12+$0x0] =	vst.idx.msk $0xffff, v44;
	(pc) =	sbr.rel @p0 .LBB2_4-.Ltmp1, $4  }
0x14e: {  	s19 =	sadd.s32 $0x4, s23;
	v47 =	vadd.s32 s17, v40;
	v51 =	vor.u32 s20, v33;
	[tilespmem:v54+s12+$0x0] =	vst.idx.msk $0xffff, v45;
	v43 =	vld.idx.msk [tilespmem:v56+s2+$0x0], $0xffff  }
0x14f: {  	s20 =	sadd.s32 $0x3, s23;
	v49 =	vadd.s32 s19, v40;
	v52 =	vor.u32 s21, v33;
	v44 =	vld.idx.msk [tilespmem:v0+s2+$0x0], $0xffff;
	[tilespmem:v58+s12+$0x0] =	vst.idx.msk $0xffff, v48  }
0x150: {  	s21 =	sadd.s32 $0x2, s23;
	v53 =	vadd.s32 s20, v40;
	v55 =	vor.u32 s22, v33;
	v45 =	vld.idx.msk [tilespmem:v59+s2+$0x0], $0xffff;
	[tilespmem:v61+s12+$0x0] =	vst.idx.msk $0xffff, v57  }
0x151: {  	s22 =	sadd.s32 $0x1, s23;
	v54 =	vor.u32 s23, v33;
	v56 =	vadd.s32 s21, v40;
	s23 =	sadd.s32 $0x8, s23;
	v48 =	vld.idx.msk [tilespmem:v62+s2+$0x0], $0xffff;
	[tilespmem:v63+s12+$0x0] =	vst.idx.msk $0xffff, v60  }
0x152: {  	_ =	sdelay $0x3  }
0x153: {  	v0 =	vor.u32 s18, v33;
	[tilespmem:v50+s12+$0x0] =	vst.idx.msk $0xffff, v41  }
0x154: {  	v40 =	vadd.s32 s22, v40;
	v41 =	vld.idx.msk [tilespmem:v46+s2+$0x0], $0xffff;
	v46 =	vor.u32 s16, v33;
	[tilespmem:v51+s12+$0x0] =	vst.idx.msk $0xffff, v42  }
0x155: {  	v42 =	vld.idx.msk [tilespmem:v47+s2+$0x0], $0xffff;
	v60 =	vor.u32 s17, v33;
	[tilespmem:v52+s12+$0x0] =	vst.idx.msk $0xffff, v43  }
0x156: {  	v61 =	vld.idx.msk [tilespmem:v49+s2+$0x0], $0xffff;
	v62 =	vor.u32 s19, v33;
	[tilespmem:v55+s12+$0x0] =	vst.idx.msk $0xffff, v44  }
0x157: {  	v57 =	vld.idx.msk [tilespmem:v56+s2+$0x0], $0xffff;
	v58 =	vor.u32 s21, v33;
	[tilespmem:v54+s12+$0x0] =	vst.idx.msk $0xffff, v45  }
0x158: {  	v63 =	vld.idx.msk [tilespmem:v53+s2+$0x0], $0xffff;
	v55 =	vor.u32 s20, v33;
	[tilespmem:v0+s12+$0x0] =	vst.idx.msk $0xffff, v48  }
0x159: {  	v59 =	vor.u32 s22, v33;
	v0 =	vld.idx.msk [tilespmem:v40+s2+$0x0], $0xffff;
	[tilespmem:v46+s12+$0x0] =	vst.idx.msk $0xffff, v41  }
0x15a: {  	[tilespmem:v60+s12+$0x0] =	vst.idx.msk $0xffff, v42  }
0x15b: {  	[tilespmem:v62+s12+$0x0] =	vst.idx.msk $0xffff, v61  }
0x15c: {  	[tilespmem:v58+s12+$0x0] =	vst.idx.msk $0xffff, v57  }
0x15d: {  	[tilespmem:v55+s12+$0x0] =	vst.idx.msk $0xffff, v63  }
0x15e: {  	[tilespmem:v59+s12+$0x0] =	vst.idx.msk $0xffff, v0  }
0x15f: {  	v40 =	vld [tilespmem:$0x1820];
	_ =	sdelay $0x3  }
0x160: {  	s25 =	simm.s32 $0x0  }
0x161: {  	s26 =	simm.s32 $0x7;
	v0 =	vadd.s32 s25, v40  }
0x162: {  	s28 =	simm.s32 $0x6;
	v60 =	vadd.s32 s26, v40  }
0x163: {  	s29 =	simm.s32 $0x5;
	v61 =	vadd.s32 s28, v40  }
0x164: {  	s30 =	simm.s32 $0x4;
	v62 =	vadd.s32 s29, v40  }
0x165: {  	s31 =	simm.s32 $0x3;
	v63 =	vadd.s32 s30, v40  }
0x166: {  	s23 =	simm.s32 $0x2;
	v45 =	vadd.s32 s31, v40;
	v0 =	vld.idx.msk [tilespmem:v0+s2+$0x0], $0xffff  }
0x167: {  	s24 =	simm.s32 $0x1;
	v48 =	vor.u32 s25, v34;
	v49 =	vadd.s32 s23, v40;
	v53 =	vld.idx.msk [tilespmem:v60+s2+$0x0], $0xffff  }
0x168: {  	v55 =	vor.u32 s26, v34;
	s25 =	simm.s32 $0x8;
	v52 =	vadd.s32 s24, v40;
	v54 =	vld.idx.msk [tilespmem:v61+s2+$0x0], $0xffff  }
0x169: {  	s18 =	simm.s32 $0xF;
	v58 =	vor.u32 s28, v34;
	v56 =	vadd.s32 s25, v40;
	v57 =	vld.idx.msk [tilespmem:v62+s2+$0x0], $0xffff  }
0x16a: {  	s16 =	simm.s32 $0xE;
	v59 =	vadd.s32 s18, v40;
	v41 =	vld.idx.msk [tilespmem:v63+s2+$0x0], $0xffff;
	v60 =	vor.u32 s29, v34  }
0x16b: {  	s17 =	simm.s32 $0xD;
	v50 =	vor.u32 s30, v34;
	v46 =	vadd.s32 s16, v40;
	v42 =	vld.idx.msk [tilespmem:v45+s2+$0x0], $0xffff  }
0x16c: {  	s19 =	simm.s32 $0xC;
	v51 =	vor.u32 s31, v34;
	v47 =	vadd.s32 s17, v40;
	v43 =	vld.idx.msk [tilespmem:v49+s2+$0x0], $0xffff;
	[tilespmem:v48+s12+$0x0] =	vst.idx.msk $0xffff, v0  }
0x16d: {  	s20 =	simm.s32 $0xB;
	v49 =	vadd.s32 s19, v40;
	v44 =	vld.idx.msk [tilespmem:v52+s2+$0x0], $0xffff;
	v52 =	vor.u32 s23, v34;
	[tilespmem:v55+s12+$0x0] =	vst.idx.msk $0xffff, v53  }
0x16e: {  	s21 =	simm.s32 $0xA;
	v45 =	vld.idx.msk [tilespmem:v56+s2+$0x0], $0xffff;
	v53 =	vadd.s32 s20, v40;
	v55 =	vor.u32 s24, v34;
	[tilespmem:v58+s12+$0x0] =	vst.idx.msk $0xffff, v54  }
0x16f: {  	s22 =	simm.s32 $0x9;
	s23 =	simm.s32 $0x10;
	v56 =	vadd.s32 s21, v40;
	v54 =	vor.u32 s25, v34;
	v48 =	vld.idx.msk [tilespmem:v59+s2+$0x0], $0xffff;
	[tilespmem:v60+s12+$0x0] =	vst.idx.msk $0xffff, v57  }
.LBB2_6:
0x170: {  	p0 =	slt.u32 s23, $0xF8;
	v0 =	vadd.s32 s22, v40;
	v57 =	vld.idx.msk [tilespmem:v46+s2+$0x0], $0xffff;
	v58 =	vor.u32 s18, v34;
	[tilespmem:v50+s12+$0x0] =	vst.idx.msk $0xffff, v41  }
0x171: {  	v59 =	vadd.s32 s23, v40;
	s18 =	sadd.s32 $0x7, s23;
	v61 =	vor.u32 s16, v34;
	v60 =	vld.idx.msk [tilespmem:v47+s2+$0x0], $0xffff;
	[tilespmem:v51+s12+$0x0] =	vst.idx.msk $0xffff, v42  }
0x172: {  	s16 =	sadd.s32 $0x6, s23;
	v63 =	vor.u32 s17, v34;
	v62 =	vadd.s32 s18, v40;
	v41 =	vld.idx.msk [tilespmem:v49+s2+$0x0], $0xffff;
	[tilespmem:v52+s12+$0x0] =	vst.idx.msk $0xffff, v43  }
.Ltmp2:
0x173: {  	s17 =	sadd.s32 $0x5, s23;
	v50 =	vor.u32 s19, v34;
	v46 =	vadd.s32 s16, v40;
	v42 =	vld.idx.msk [tilespmem:v53+s2+$0x0], $0xffff;
	[tilespmem:v55+s12+$0x0] =	vst.idx.msk $0xffff, v44;
	(pc) =	sbr.rel @p0 .LBB2_6-.Ltmp2, $4  }
0x174: {  	s19 =	sadd.s32 $0x4, s23;
	v47 =	vadd.s32 s17, v40;
	v51 =	vor.u32 s20, v34;
	[tilespmem:v54+s12+$0x0] =	vst.idx.msk $0xffff, v45;
	v43 =	vld.idx.msk [tilespmem:v56+s2+$0x0], $0xffff  }
0x175: {  	s20 =	sadd.s32 $0x3, s23;
	v49 =	vadd.s32 s19, v40;
	v52 =	vor.u32 s21, v34;
	v44 =	vld.idx.msk [tilespmem:v0+s2+$0x0], $0xffff;
	[tilespmem:v58+s12+$0x0] =	vst.idx.msk $0xffff, v48  }
0x176: {  	s21 =	sadd.s32 $0x2, s23;
	v53 =	vadd.s32 s20, v40;
	v55 =	vor.u32 s22, v34;
	v45 =	vld.idx.msk [tilespmem:v59+s2+$0x0], $0xffff;
	[tilespmem:v61+s12+$0x0] =	vst.idx.msk $0xffff, v57  }
0x177: {  	s22 =	sadd.s32 $0x1, s23;
	v54 =	vor.u32 s23, v34;
	v56 =	vadd.s32 s21, v40;
	s23 =	sadd.s32 $0x8, s23;
	v48 =	vld.idx.msk [tilespmem:v62+s2+$0x0], $0xffff;
	[tilespmem:v63+s12+$0x0] =	vst.idx.msk $0xffff, v60  }
0x178: {  	_ =	sdelay $0x3  }
0x179: {  	v0 =	vor.u32 s18, v34;
	[tilespmem:v50+s12+$0x0] =	vst.idx.msk $0xffff, v41  }
0x17a: {  	v40 =	vadd.s32 s22, v40;
	v41 =	vld.idx.msk [tilespmem:v46+s2+$0x0], $0xffff;
	v46 =	vor.u32 s16, v34;
	[tilespmem:v51+s12+$0x0] =	vst.idx.msk $0xffff, v42  }
0x17b: {  	v42 =	vld.idx.msk [tilespmem:v47+s2+$0x0], $0xffff;
	v60 =	vor.u32 s17, v34;
	[tilespmem:v52+s12+$0x0] =	vst.idx.msk $0xffff, v43  }
0x17c: {  	v61 =	vld.idx.msk [tilespmem:v49+s2+$0x0], $0xffff;
	v62 =	vor.u32 s19, v34;
	[tilespmem:v55+s12+$0x0] =	vst.idx.msk $0xffff, v44  }
0x17d: {  	v57 =	vld.idx.msk [tilespmem:v56+s2+$0x0], $0xffff;
	v58 =	vor.u32 s21, v34;
	[tilespmem:v54+s12+$0x0] =	vst.idx.msk $0xffff, v45  }
0x17e: {  	v63 =	vld.idx.msk [tilespmem:v53+s2+$0x0], $0xffff;
	v55 =	vor.u32 s20, v34;
	[tilespmem:v0+s12+$0x0] =	vst.idx.msk $0xffff, v48  }
0x17f: {  	v59 =	vor.u32 s22, v34;
	v0 =	vld.idx.msk [tilespmem:v40+s2+$0x0], $0xffff;
	[tilespmem:v46+s12+$0x0] =	vst.idx.msk $0xffff, v41  }
0x180: {  	[tilespmem:v60+s12+$0x0] =	vst.idx.msk $0xffff, v42  }
0x181: {  	[tilespmem:v62+s12+$0x0] =	vst.idx.msk $0xffff, v61  }
0x182: {  	[tilespmem:v58+s12+$0x0] =	vst.idx.msk $0xffff, v57  }
0x183: {  	[tilespmem:v55+s12+$0x0] =	vst.idx.msk $0xffff, v63  }
0x184: {  	[tilespmem:v59+s12+$0x0] =	vst.idx.msk $0xffff, v0  }
0x185: {  	v40 =	vld [tilespmem:$0x1830];
	_ =	sdelay $0x3  }
0x186: {  	s25 =	simm.s32 $0x0  }
0x187: {  	s26 =	simm.s32 $0x7;
	v0 =	vadd.s32 s25, v40  }
0x188: {  	s28 =	simm.s32 $0x6;
	v60 =	vadd.s32 s26, v40  }
0x189: {  	s29 =	simm.s32 $0x5;
	v61 =	vadd.s32 s28, v40  }
0x18a: {  	s30 =	simm.s32 $0x4;
	v62 =	vadd.s32 s29, v40  }
0x18b: {  	s31 =	simm.s32 $0x3;
	v63 =	vadd.s32 s30, v40  }
0x18c: {  	s23 =	simm.s32 $0x2;
	v45 =	vadd.s32 s31, v40;
	v0 =	vld.idx.msk [tilespmem:v0+s2+$0x0], $0xffff  }
0x18d: {  	s24 =	simm.s32 $0x1;
	v48 =	vor.u32 s25, v35;
	v49 =	vadd.s32 s23, v40;
	v53 =	vld.idx.msk [tilespmem:v60+s2+$0x0], $0xffff  }
0x18e: {  	v55 =	vor.u32 s26, v35;
	s25 =	simm.s32 $0x8;
	v52 =	vadd.s32 s24, v40;
	v54 =	vld.idx.msk [tilespmem:v61+s2+$0x0], $0xffff  }
0x18f: {  	s18 =	simm.s32 $0xF;
	v58 =	vor.u32 s28, v35;
	v56 =	vadd.s32 s25, v40;
	v57 =	vld.idx.msk [tilespmem:v62+s2+$0x0], $0xffff  }
0x190: {  	s16 =	simm.s32 $0xE;
	v59 =	vadd.s32 s18, v40;
	v41 =	vld.idx.msk [tilespmem:v63+s2+$0x0], $0xffff;
	v60 =	vor.u32 s29, v35  }
0x191: {  	s17 =	simm.s32 $0xD;
	v50 =	vor.u32 s30, v35;
	v46 =	vadd.s32 s16, v40;
	v42 =	vld.idx.msk [tilespmem:v45+s2+$0x0], $0xffff  }
0x192: {  	s19 =	simm.s32 $0xC;
	v51 =	vor.u32 s31, v35;
	v47 =	vadd.s32 s17, v40;
	v43 =	vld.idx.msk [tilespmem:v49+s2+$0x0], $0xffff;
	[tilespmem:v48+s12+$0x0] =	vst.idx.msk $0xffff, v0  }
0x193: {  	s20 =	simm.s32 $0xB;
	v49 =	vadd.s32 s19, v40;
	v44 =	vld.idx.msk [tilespmem:v52+s2+$0x0], $0xffff;
	v52 =	vor.u32 s23, v35;
	[tilespmem:v55+s12+$0x0] =	vst.idx.msk $0xffff, v53  }
0x194: {  	s21 =	simm.s32 $0xA;
	v45 =	vld.idx.msk [tilespmem:v56+s2+$0x0], $0xffff;
	v53 =	vadd.s32 s20, v40;
	v55 =	vor.u32 s24, v35;
	[tilespmem:v58+s12+$0x0] =	vst.idx.msk $0xffff, v54  }
0x195: {  	s22 =	simm.s32 $0x9;
	s23 =	simm.s32 $0x10;
	v56 =	vadd.s32 s21, v40;
	v54 =	vor.u32 s25, v35;
	v48 =	vld.idx.msk [tilespmem:v59+s2+$0x0], $0xffff;
	[tilespmem:v60+s12+$0x0] =	vst.idx.msk $0xffff, v57  }
.LBB2_8:
0x196: {  	p0 =	slt.u32 s23, $0xF8;
	v0 =	vadd.s32 s22, v40;
	v57 =	vld.idx.msk [tilespmem:v46+s2+$0x0], $0xffff;
	v58 =	vor.u32 s18, v35;
	[tilespmem:v50+s12+$0x0] =	vst.idx.msk $0xffff, v41  }
0x197: {  	v59 =	vadd.s32 s23, v40;
	s18 =	sadd.s32 $0x7, s23;
	v61 =	vor.u32 s16, v35;
	v60 =	vld.idx.msk [tilespmem:v47+s2+$0x0], $0xffff;
	[tilespmem:v51+s12+$0x0] =	vst.idx.msk $0xffff, v42  }
0x198: {  	s16 =	sadd.s32 $0x6, s23;
	v63 =	vor.u32 s17, v35;
	v62 =	vadd.s32 s18, v40;
	v41 =	vld.idx.msk [tilespmem:v49+s2+$0x0], $0xffff;
	[tilespmem:v52+s12+$0x0] =	vst.idx.msk $0xffff, v43  }
.Ltmp3:
0x199: {  	s17 =	sadd.s32 $0x5, s23;
	v50 =	vor.u32 s19, v35;
	v46 =	vadd.s32 s16, v40;
	v42 =	vld.idx.msk [tilespmem:v53+s2+$0x0], $0xffff;
	[tilespmem:v55+s12+$0x0] =	vst.idx.msk $0xffff, v44;
	(pc) =	sbr.rel @p0 .LBB2_8-.Ltmp3, $4  }
0x19a: {  	s19 =	sadd.s32 $0x4, s23;
	v47 =	vadd.s32 s17, v40;
	v51 =	vor.u32 s20, v35;
	[tilespmem:v54+s12+$0x0] =	vst.idx.msk $0xffff, v45;
	v43 =	vld.idx.msk [tilespmem:v56+s2+$0x0], $0xffff  }
0x19b: {  	s20 =	sadd.s32 $0x3, s23;
	v49 =	vadd.s32 s19, v40;
	v52 =	vor.u32 s21, v35;
	v44 =	vld.idx.msk [tilespmem:v0+s2+$0x0], $0xffff;
	[tilespmem:v58+s12+$0x0] =	vst.idx.msk $0xffff, v48  }
0x19c: {  	s21 =	sadd.s32 $0x2, s23;
	v53 =	vadd.s32 s20, v40;
	v55 =	vor.u32 s22, v35;
	v45 =	vld.idx.msk [tilespmem:v59+s2+$0x0], $0xffff;
	[tilespmem:v61+s12+$0x0] =	vst.idx.msk $0xffff, v57  }
0x19d: {  	s22 =	sadd.s32 $0x1, s23;
	v54 =	vor.u32 s23, v35;
	v56 =	vadd.s32 s21, v40;
	s23 =	sadd.s32 $0x8, s23;
	v48 =	vld.idx.msk [tilespmem:v62+s2+$0x0], $0xffff;
	[tilespmem:v63+s12+$0x0] =	vst.idx.msk $0xffff, v60  }
0x19e: {  	_ =	sdelay $0x3  }
0x19f: {  	v0 =	vor.u32 s18, v35;
	[tilespmem:v50+s12+$0x0] =	vst.idx.msk $0xffff, v41  }
0x1a0: {  	v40 =	vadd.s32 s22, v40;
	v41 =	vld.idx.msk [tilespmem:v46+s2+$0x0], $0xffff;
	v46 =	vor.u32 s16, v35;
	[tilespmem:v51+s12+$0x0] =	vst.idx.msk $0xffff, v42  }
0x1a1: {  	v42 =	vld.idx.msk [tilespmem:v47+s2+$0x0], $0xffff;
	v60 =	vor.u32 s17, v35;
	[tilespmem:v52+s12+$0x0] =	vst.idx.msk $0xffff, v43  }
0x1a2: {  	v61 =	vld.idx.msk [tilespmem:v49+s2+$0x0], $0xffff;
	v62 =	vor.u32 s19, v35;
	[tilespmem:v55+s12+$0x0] =	vst.idx.msk $0xffff, v44  }
0x1a3: {  	v57 =	vld.idx.msk [tilespmem:v56+s2+$0x0], $0xffff;
	v58 =	vor.u32 s21, v35;
	[tilespmem:v54+s12+$0x0] =	vst.idx.msk $0xffff, v45  }
0x1a4: {  	v63 =	vld.idx.msk [tilespmem:v53+s2+$0x0], $0xffff;
	v55 =	vor.u32 s20, v35;
	[tilespmem:v0+s12+$0x0] =	vst.idx.msk $0xffff, v48  }
0x1a5: {  	v59 =	vor.u32 s22, v35;
	v0 =	vld.idx.msk [tilespmem:v40+s2+$0x0], $0xffff;
	[tilespmem:v46+s12+$0x0] =	vst.idx.msk $0xffff, v41  }
0x1a6: {  	[tilespmem:v60+s12+$0x0] =	vst.idx.msk $0xffff, v42  }
0x1a7: {  	[tilespmem:v62+s12+$0x0] =	vst.idx.msk $0xffff, v61  }
0x1a8: {  	[tilespmem:v58+s12+$0x0] =	vst.idx.msk $0xffff, v57  }
0x1a9: {  	[tilespmem:v55+s12+$0x0] =	vst.idx.msk $0xffff, v63  }
0x1aa: {  	[tilespmem:v59+s12+$0x0] =	vst.idx.msk $0xffff, v0  }
0x1ab: {  	v40 =	vld [tilespmem:$0x1840];
	_ =	sdelay $0x3  }
0x1ac: {  	s25 =	simm.s32 $0x0  }
0x1ad: {  	s26 =	simm.s32 $0x7;
	v0 =	vadd.s32 s25, v40  }
0x1ae: {  	s28 =	simm.s32 $0x6;
	v60 =	vadd.s32 s26, v40  }
0x1af: {  	s29 =	simm.s32 $0x5;
	v61 =	vadd.s32 s28, v40  }
0x1b0: {  	s30 =	simm.s32 $0x4;
	v62 =	vadd.s32 s29, v40  }
0x1b1: {  	s31 =	simm.s32 $0x3;
	v63 =	vadd.s32 s30, v40  }
0x1b2: {  	s23 =	simm.s32 $0x2;
	v45 =	vadd.s32 s31, v40;
	v0 =	vld.idx.msk [tilespmem:v0+s2+$0x0], $0xffff  }
0x1b3: {  	s24 =	simm.s32 $0x1;
	v48 =	vor.u32 s25, v36;
	v49 =	vadd.s32 s23, v40;
	v53 =	vld.idx.msk [tilespmem:v60+s2+$0x0], $0xffff  }
0x1b4: {  	v55 =	vor.u32 s26, v36;
	s25 =	simm.s32 $0x8;
	v52 =	vadd.s32 s24, v40;
	v54 =	vld.idx.msk [tilespmem:v61+s2+$0x0], $0xffff  }
0x1b5: {  	s18 =	simm.s32 $0xF;
	v58 =	vor.u32 s28, v36;
	v56 =	vadd.s32 s25, v40;
	v57 =	vld.idx.msk [tilespmem:v62+s2+$0x0], $0xffff  }
0x1b6: {  	s16 =	simm.s32 $0xE;
	v59 =	vadd.s32 s18, v40;
	v41 =	vld.idx.msk [tilespmem:v63+s2+$0x0], $0xffff;
	v60 =	vor.u32 s29, v36  }
0x1b7: {  	s17 =	simm.s32 $0xD;
	v50 =	vor.u32 s30, v36;
	v46 =	vadd.s32 s16, v40;
	v42 =	vld.idx.msk [tilespmem:v45+s2+$0x0], $0xffff  }
0x1b8: {  	s19 =	simm.s32 $0xC;
	v51 =	vor.u32 s31, v36;
	v47 =	vadd.s32 s17, v40;
	v43 =	vld.idx.msk [tilespmem:v49+s2+$0x0], $0xffff;
	[tilespmem:v48+s12+$0x0] =	vst.idx.msk $0xffff, v0  }
0x1b9: {  	s20 =	simm.s32 $0xB;
	v49 =	vadd.s32 s19, v40;
	v44 =	vld.idx.msk [tilespmem:v52+s2+$0x0], $0xffff;
	v52 =	vor.u32 s23, v36;
	[tilespmem:v55+s12+$0x0] =	vst.idx.msk $0xffff, v53  }
0x1ba: {  	s21 =	simm.s32 $0xA;
	v45 =	vld.idx.msk [tilespmem:v56+s2+$0x0], $0xffff;
	v53 =	vadd.s32 s20, v40;
	v55 =	vor.u32 s24, v36;
	[tilespmem:v58+s12+$0x0] =	vst.idx.msk $0xffff, v54  }
0x1bb: {  	s22 =	simm.s32 $0x9;
	s23 =	simm.s32 $0x10;
	v56 =	vadd.s32 s21, v40;
	v54 =	vor.u32 s25, v36;
	v48 =	vld.idx.msk [tilespmem:v59+s2+$0x0], $0xffff;
	[tilespmem:v60+s12+$0x0] =	vst.idx.msk $0xffff, v57  }
.LBB2_10:
0x1bc: {  	p0 =	slt.u32 s23, $0xF8;
	v0 =	vadd.s32 s22, v40;
	v57 =	vld.idx.msk [tilespmem:v46+s2+$0x0], $0xffff;
	v58 =	vor.u32 s18, v36;
	[tilespmem:v50+s12+$0x0] =	vst.idx.msk $0xffff, v41  }
0x1bd: {  	v59 =	vadd.s32 s23, v40;
	s18 =	sadd.s32 $0x7, s23;
	v61 =	vor.u32 s16, v36;
	v60 =	vld.idx.msk [tilespmem:v47+s2+$0x0], $0xffff;
	[tilespmem:v51+s12+$0x0] =	vst.idx.msk $0xffff, v42  }
0x1be: {  	s16 =	sadd.s32 $0x6, s23;
	v63 =	vor.u32 s17, v36;
	v62 =	vadd.s32 s18, v40;
	v41 =	vld.idx.msk [tilespmem:v49+s2+$0x0], $0xffff;
	[tilespmem:v52+s12+$0x0] =	vst.idx.msk $0xffff, v43  }
.Ltmp4:
0x1bf: {  	s17 =	sadd.s32 $0x5, s23;
	v50 =	vor.u32 s19, v36;
	v46 =	vadd.s32 s16, v40;
	v42 =	vld.idx.msk [tilespmem:v53+s2+$0x0], $0xffff;
	[tilespmem:v55+s12+$0x0] =	vst.idx.msk $0xffff, v44;
	(pc) =	sbr.rel @p0 .LBB2_10-.Ltmp4, $4  }
0x1c0: {  	s19 =	sadd.s32 $0x4, s23;
	v47 =	vadd.s32 s17, v40;
	v51 =	vor.u32 s20, v36;
	[tilespmem:v54+s12+$0x0] =	vst.idx.msk $0xffff, v45;
	v43 =	vld.idx.msk [tilespmem:v56+s2+$0x0], $0xffff  }
0x1c1: {  	s20 =	sadd.s32 $0x3, s23;
	v49 =	vadd.s32 s19, v40;
	v52 =	vor.u32 s21, v36;
	v44 =	vld.idx.msk [tilespmem:v0+s2+$0x0], $0xffff;
	[tilespmem:v58+s12+$0x0] =	vst.idx.msk $0xffff, v48  }
0x1c2: {  	s21 =	sadd.s32 $0x2, s23;
	v53 =	vadd.s32 s20, v40;
	v55 =	vor.u32 s22, v36;
	v45 =	vld.idx.msk [tilespmem:v59+s2+$0x0], $0xffff;
	[tilespmem:v61+s12+$0x0] =	vst.idx.msk $0xffff, v57  }
0x1c3: {  	s22 =	sadd.s32 $0x1, s23;
	v54 =	vor.u32 s23, v36;
	v56 =	vadd.s32 s21, v40;
	s23 =	sadd.s32 $0x8, s23;
	v48 =	vld.idx.msk [tilespmem:v62+s2+$0x0], $0xffff;
	[tilespmem:v63+s12+$0x0] =	vst.idx.msk $0xffff, v60  }
0x1c4: {  	_ =	sdelay $0x3  }
0x1c5: {  	v0 =	vor.u32 s18, v36;
	[tilespmem:v50+s12+$0x0] =	vst.idx.msk $0xffff, v41  }
0x1c6: {  	v40 =	vadd.s32 s22, v40;
	v41 =	vld.idx.msk [tilespmem:v46+s2+$0x0], $0xffff;
	v46 =	vor.u32 s16, v36;
	[tilespmem:v51+s12+$0x0] =	vst.idx.msk $0xffff, v42  }
0x1c7: {  	v42 =	vld.idx.msk [tilespmem:v47+s2+$0x0], $0xffff;
	v60 =	vor.u32 s17, v36;
	[tilespmem:v52+s12+$0x0] =	vst.idx.msk $0xffff, v43  }
0x1c8: {  	v61 =	vld.idx.msk [tilespmem:v49+s2+$0x0], $0xffff;
	v62 =	vor.u32 s19, v36;
	[tilespmem:v55+s12+$0x0] =	vst.idx.msk $0xffff, v44  }
0x1c9: {  	v57 =	vld.idx.msk [tilespmem:v56+s2+$0x0], $0xffff;
	v58 =	vor.u32 s21, v36;
	[tilespmem:v54+s12+$0x0] =	vst.idx.msk $0xffff, v45  }
0x1ca: {  	v63 =	vld.idx.msk [tilespmem:v53+s2+$0x0], $0xffff;
	v55 =	vor.u32 s20, v36;
	[tilespmem:v0+s12+$0x0] =	vst.idx.msk $0xffff, v48  }
0x1cb: {  	v59 =	vor.u32 s22, v36;
	v0 =	vld.idx.msk [tilespmem:v40+s2+$0x0], $0xffff;
	[tilespmem:v46+s12+$0x0] =	vst.idx.msk $0xffff, v41  }
0x1cc: {  	[tilespmem:v60+s12+$0x0] =	vst.idx.msk $0xffff, v42  }
0x1cd: {  	[tilespmem:v62+s12+$0x0] =	vst.idx.msk $0xffff, v61  }
0x1ce: {  	[tilespmem:v58+s12+$0x0] =	vst.idx.msk $0xffff, v57  }
0x1cf: {  	[tilespmem:v55+s12+$0x0] =	vst.idx.msk $0xffff, v63  }
0x1d0: {  	[tilespmem:v59+s12+$0x0] =	vst.idx.msk $0xffff, v0  }
0x1d1: {  	v40 =	vld [tilespmem:$0x1850];
	_ =	sdelay $0x3  }
0x1d2: {  	s25 =	simm.s32 $0x0  }
0x1d3: {  	s26 =	simm.s32 $0x7;
	v0 =	vadd.s32 s25, v40  }
0x1d4: {  	s28 =	simm.s32 $0x6;
	v60 =	vadd.s32 s26, v40  }
0x1d5: {  	s29 =	simm.s32 $0x5;
	v61 =	vadd.s32 s28, v40  }
0x1d6: {  	s30 =	simm.s32 $0x4;
	v62 =	vadd.s32 s29, v40  }
0x1d7: {  	s31 =	simm.s32 $0x3;
	v63 =	vadd.s32 s30, v40  }
0x1d8: {  	s23 =	simm.s32 $0x2;
	v45 =	vadd.s32 s31, v40;
	v0 =	vld.idx.msk [tilespmem:v0+s2+$0x0], $0xffff  }
0x1d9: {  	s24 =	simm.s32 $0x1;
	v48 =	vor.u32 s25, v37;
	v49 =	vadd.s32 s23, v40;
	v53 =	vld.idx.msk [tilespmem:v60+s2+$0x0], $0xffff  }
0x1da: {  	v55 =	vor.u32 s26, v37;
	s25 =	simm.s32 $0x8;
	v52 =	vadd.s32 s24, v40;
	v54 =	vld.idx.msk [tilespmem:v61+s2+$0x0], $0xffff  }
0x1db: {  	s18 =	simm.s32 $0xF;
	v58 =	vor.u32 s28, v37;
	v56 =	vadd.s32 s25, v40;
	v57 =	vld.idx.msk [tilespmem:v62+s2+$0x0], $0xffff  }
0x1dc: {  	s16 =	simm.s32 $0xE;
	v59 =	vadd.s32 s18, v40;
	v41 =	vld.idx.msk [tilespmem:v63+s2+$0x0], $0xffff;
	v60 =	vor.u32 s29, v37  }
0x1dd: {  	s17 =	simm.s32 $0xD;
	v50 =	vor.u32 s30, v37;
	v46 =	vadd.s32 s16, v40;
	v42 =	vld.idx.msk [tilespmem:v45+s2+$0x0], $0xffff  }
0x1de: {  	s19 =	simm.s32 $0xC;
	v51 =	vor.u32 s31, v37;
	v47 =	vadd.s32 s17, v40;
	v43 =	vld.idx.msk [tilespmem:v49+s2+$0x0], $0xffff;
	[tilespmem:v48+s12+$0x0] =	vst.idx.msk $0xffff, v0  }
0x1df: {  	s20 =	simm.s32 $0xB;
	v49 =	vadd.s32 s19, v40;
	v44 =	vld.idx.msk [tilespmem:v52+s2+$0x0], $0xffff;
	v52 =	vor.u32 s23, v37;
	[tilespmem:v55+s12+$0x0] =	vst.idx.msk $0xffff, v53  }
0x1e0: {  	s21 =	simm.s32 $0xA;
	v45 =	vld.idx.msk [tilespmem:v56+s2+$0x0], $0xffff;
	v53 =	vadd.s32 s20, v40;
	v55 =	vor.u32 s24, v37;
	[tilespmem:v58+s12+$0x0] =	vst.idx.msk $0xffff, v54  }
0x1e1: {  	s22 =	simm.s32 $0x9;
	s23 =	simm.s32 $0x10;
	v56 =	vadd.s32 s21, v40;
	v54 =	vor.u32 s25, v37;
	v48 =	vld.idx.msk [tilespmem:v59+s2+$0x0], $0xffff;
	[tilespmem:v60+s12+$0x0] =	vst.idx.msk $0xffff, v57  }
.LBB2_12:
0x1e2: {  	p0 =	slt.u32 s23, $0xF8;
	v0 =	vadd.s32 s22, v40;
	v57 =	vld.idx.msk [tilespmem:v46+s2+$0x0], $0xffff;
	v58 =	vor.u32 s18, v37;
	[tilespmem:v50+s12+$0x0] =	vst.idx.msk $0xffff, v41  }
0x1e3: {  	v59 =	vadd.s32 s23, v40;
	s18 =	sadd.s32 $0x7, s23;
	v61 =	vor.u32 s16, v37;
	v60 =	vld.idx.msk [tilespmem:v47+s2+$0x0], $0xffff;
	[tilespmem:v51+s12+$0x0] =	vst.idx.msk $0xffff, v42  }
0x1e4: {  	s16 =	sadd.s32 $0x6, s23;
	v63 =	vor.u32 s17, v37;
	v62 =	vadd.s32 s18, v40;
	v41 =	vld.idx.msk [tilespmem:v49+s2+$0x0], $0xffff;
	[tilespmem:v52+s12+$0x0] =	vst.idx.msk $0xffff, v43  }
.Ltmp5:
0x1e5: {  	s17 =	sadd.s32 $0x5, s23;
	v50 =	vor.u32 s19, v37;
	v46 =	vadd.s32 s16, v40;
	v42 =	vld.idx.msk [tilespmem:v53+s2+$0x0], $0xffff;
	[tilespmem:v55+s12+$0x0] =	vst.idx.msk $0xffff, v44;
	(pc) =	sbr.rel @p0 .LBB2_12-.Ltmp5, $4  }
0x1e6: {  	s19 =	sadd.s32 $0x4, s23;
	v47 =	vadd.s32 s17, v40;
	v51 =	vor.u32 s20, v37;
	[tilespmem:v54+s12+$0x0] =	vst.idx.msk $0xffff, v45;
	v43 =	vld.idx.msk [tilespmem:v56+s2+$0x0], $0xffff  }
0x1e7: {  	s20 =	sadd.s32 $0x3, s23;
	v49 =	vadd.s32 s19, v40;
	v52 =	vor.u32 s21, v37;
	v44 =	vld.idx.msk [tilespmem:v0+s2+$0x0], $0xffff;
	[tilespmem:v58+s12+$0x0] =	vst.idx.msk $0xffff, v48  }
0x1e8: {  	s21 =	sadd.s32 $0x2, s23;
	v53 =	vadd.s32 s20, v40;
	v55 =	vor.u32 s22, v37;
	v45 =	vld.idx.msk [tilespmem:v59+s2+$0x0], $0xffff;
	[tilespmem:v61+s12+$0x0] =	vst.idx.msk $0xffff, v57  }
0x1e9: {  	s22 =	sadd.s32 $0x1, s23;
	v54 =	vor.u32 s23, v37;
	v56 =	vadd.s32 s21, v40;
	s23 =	sadd.s32 $0x8, s23;
	v48 =	vld.idx.msk [tilespmem:v62+s2+$0x0], $0xffff;
	[tilespmem:v63+s12+$0x0] =	vst.idx.msk $0xffff, v60  }
0x1ea: {  	_ =	sdelay $0x3  }
0x1eb: {  	v0 =	vor.u32 s18, v37;
	[tilespmem:v50+s12+$0x0] =	vst.idx.msk $0xffff, v41  }
0x1ec: {  	v40 =	vadd.s32 s22, v40;
	v41 =	vld.idx.msk [tilespmem:v46+s2+$0x0], $0xffff;
	v46 =	vor.u32 s16, v37;
	[tilespmem:v51+s12+$0x0] =	vst.idx.msk $0xffff, v42  }
0x1ed: {  	v42 =	vld.idx.msk [tilespmem:v47+s2+$0x0], $0xffff;
	v60 =	vor.u32 s17, v37;
	[tilespmem:v52+s12+$0x0] =	vst.idx.msk $0xffff, v43  }
0x1ee: {  	v61 =	vld.idx.msk [tilespmem:v49+s2+$0x0], $0xffff;
	v62 =	vor.u32 s19, v37;
	[tilespmem:v55+s12+$0x0] =	vst.idx.msk $0xffff, v44  }
0x1ef: {  	v57 =	vld.idx.msk [tilespmem:v56+s2+$0x0], $0xffff;
	v58 =	vor.u32 s21, v37;
	[tilespmem:v54+s12+$0x0] =	vst.idx.msk $0xffff, v45  }
0x1f0: {  	v63 =	vld.idx.msk [tilespmem:v53+s2+$0x0], $0xffff;
	v55 =	vor.u32 s20, v37;
	[tilespmem:v0+s12+$0x0] =	vst.idx.msk $0xffff, v48  }
0x1f1: {  	v59 =	vor.u32 s22, v37;
	v0 =	vld.idx.msk [tilespmem:v40+s2+$0x0], $0xffff;
	[tilespmem:v46+s12+$0x0] =	vst.idx.msk $0xffff, v41  }
0x1f2: {  	[tilespmem:v60+s12+$0x0] =	vst.idx.msk $0xffff, v42  }
0x1f3: {  	[tilespmem:v62+s12+$0x0] =	vst.idx.msk $0xffff, v61  }
0x1f4: {  	[tilespmem:v58+s12+$0x0] =	vst.idx.msk $0xffff, v57  }
0x1f5: {  	[tilespmem:v55+s12+$0x0] =	vst.idx.msk $0xffff, v63  }
0x1f6: {  	[tilespmem:v59+s12+$0x0] =	vst.idx.msk $0xffff, v0  }
0x1f7: {  	v40 =	vld [tilespmem:$0x1860];
	_ =	sdelay $0x3  }
0x1f8: {  	s25 =	simm.s32 $0x0  }
0x1f9: {  	s26 =	simm.s32 $0x7;
	v0 =	vadd.s32 s25, v40  }
0x1fa: {  	s28 =	simm.s32 $0x6;
	v60 =	vadd.s32 s26, v40  }
0x1fb: {  	s29 =	simm.s32 $0x5;
	v61 =	vadd.s32 s28, v40  }
0x1fc: {  	s30 =	simm.s32 $0x4;
	v62 =	vadd.s32 s29, v40  }
0x1fd: {  	s31 =	simm.s32 $0x3;
	v63 =	vadd.s32 s30, v40  }
0x1fe: {  	s23 =	simm.s32 $0x2;
	v45 =	vadd.s32 s31, v40;
	v0 =	vld.idx.msk [tilespmem:v0+s2+$0x0], $0xffff  }
0x1ff: {  	s24 =	simm.s32 $0x1;
	v48 =	vor.u32 s25, v38;
	v49 =	vadd.s32 s23, v40;
	v53 =	vld.idx.msk [tilespmem:v60+s2+$0x0], $0xffff  }
0x200: {  	v55 =	vor.u32 s26, v38;
	s25 =	simm.s32 $0x8;
	v52 =	vadd.s32 s24, v40;
	v54 =	vld.idx.msk [tilespmem:v61+s2+$0x0], $0xffff  }
0x201: {  	s18 =	simm.s32 $0xF;
	v58 =	vor.u32 s28, v38;
	v56 =	vadd.s32 s25, v40;
	v57 =	vld.idx.msk [tilespmem:v62+s2+$0x0], $0xffff  }
0x202: {  	s16 =	simm.s32 $0xE;
	v59 =	vadd.s32 s18, v40;
	v41 =	vld.idx.msk [tilespmem:v63+s2+$0x0], $0xffff;
	v60 =	vor.u32 s29, v38  }
0x203: {  	s17 =	simm.s32 $0xD;
	v50 =	vor.u32 s30, v38;
	v46 =	vadd.s32 s16, v40;
	v42 =	vld.idx.msk [tilespmem:v45+s2+$0x0], $0xffff  }
0x204: {  	s19 =	simm.s32 $0xC;
	v51 =	vor.u32 s31, v38;
	v47 =	vadd.s32 s17, v40;
	v43 =	vld.idx.msk [tilespmem:v49+s2+$0x0], $0xffff;
	[tilespmem:v48+s12+$0x0] =	vst.idx.msk $0xffff, v0  }
0x205: {  	s20 =	simm.s32 $0xB;
	v49 =	vadd.s32 s19, v40;
	v44 =	vld.idx.msk [tilespmem:v52+s2+$0x0], $0xffff;
	v52 =	vor.u32 s23, v38;
	[tilespmem:v55+s12+$0x0] =	vst.idx.msk $0xffff, v53  }
0x206: {  	s21 =	simm.s32 $0xA;
	v45 =	vld.idx.msk [tilespmem:v56+s2+$0x0], $0xffff;
	v53 =	vadd.s32 s20, v40;
	v55 =	vor.u32 s24, v38;
	[tilespmem:v58+s12+$0x0] =	vst.idx.msk $0xffff, v54  }
0x207: {  	s22 =	simm.s32 $0x9;
	s23 =	simm.s32 $0x10;
	v56 =	vadd.s32 s21, v40;
	v54 =	vor.u32 s25, v38;
	v48 =	vld.idx.msk [tilespmem:v59+s2+$0x0], $0xffff;
	[tilespmem:v60+s12+$0x0] =	vst.idx.msk $0xffff, v57  }
.LBB2_14:
0x208: {  	p0 =	slt.u32 s23, $0xF8;
	v0 =	vadd.s32 s22, v40;
	v57 =	vld.idx.msk [tilespmem:v46+s2+$0x0], $0xffff;
	v58 =	vor.u32 s18, v38;
	[tilespmem:v50+s12+$0x0] =	vst.idx.msk $0xffff, v41  }
0x209: {  	v59 =	vadd.s32 s23, v40;
	s18 =	sadd.s32 $0x7, s23;
	v61 =	vor.u32 s16, v38;
	v60 =	vld.idx.msk [tilespmem:v47+s2+$0x0], $0xffff;
	[tilespmem:v51+s12+$0x0] =	vst.idx.msk $0xffff, v42  }
0x20a: {  	s16 =	sadd.s32 $0x6, s23;
	v63 =	vor.u32 s17, v38;
	v62 =	vadd.s32 s18, v40;
	v41 =	vld.idx.msk [tilespmem:v49+s2+$0x0], $0xffff;
	[tilespmem:v52+s12+$0x0] =	vst.idx.msk $0xffff, v43  }
.Ltmp6:
0x20b: {  	s17 =	sadd.s32 $0x5, s23;
	v50 =	vor.u32 s19, v38;
	v46 =	vadd.s32 s16, v40;
	v42 =	vld.idx.msk [tilespmem:v53+s2+$0x0], $0xffff;
	[tilespmem:v55+s12+$0x0] =	vst.idx.msk $0xffff, v44;
	(pc) =	sbr.rel @p0 .LBB2_14-.Ltmp6, $4  }
0x20c: {  	s19 =	sadd.s32 $0x4, s23;
	v47 =	vadd.s32 s17, v40;
	v51 =	vor.u32 s20, v38;
	[tilespmem:v54+s12+$0x0] =	vst.idx.msk $0xffff, v45;
	v43 =	vld.idx.msk [tilespmem:v56+s2+$0x0], $0xffff  }
0x20d: {  	s20 =	sadd.s32 $0x3, s23;
	v49 =	vadd.s32 s19, v40;
	v52 =	vor.u32 s21, v38;
	v44 =	vld.idx.msk [tilespmem:v0+s2+$0x0], $0xffff;
	[tilespmem:v58+s12+$0x0] =	vst.idx.msk $0xffff, v48  }
0x20e: {  	s21 =	sadd.s32 $0x2, s23;
	v53 =	vadd.s32 s20, v40;
	v55 =	vor.u32 s22, v38;
	v45 =	vld.idx.msk [tilespmem:v59+s2+$0x0], $0xffff;
	[tilespmem:v61+s12+$0x0] =	vst.idx.msk $0xffff, v57  }
0x20f: {  	s22 =	sadd.s32 $0x1, s23;
	v54 =	vor.u32 s23, v38;
	v56 =	vadd.s32 s21, v40;
	s23 =	sadd.s32 $0x8, s23;
	v48 =	vld.idx.msk [tilespmem:v62+s2+$0x0], $0xffff;
	[tilespmem:v63+s12+$0x0] =	vst.idx.msk $0xffff, v60  }
0x210: {  	_ =	sdelay $0x3  }
0x211: {  	v0 =	vor.u32 s18, v38;
	[tilespmem:v50+s12+$0x0] =	vst.idx.msk $0xffff, v41  }
0x212: {  	v40 =	vadd.s32 s22, v40;
	v41 =	vld.idx.msk [tilespmem:v46+s2+$0x0], $0xffff;
	v46 =	vor.u32 s16, v38;
	[tilespmem:v51+s12+$0x0] =	vst.idx.msk $0xffff, v42  }
0x213: {  	v42 =	vld.idx.msk [tilespmem:v47+s2+$0x0], $0xffff;
	v60 =	vor.u32 s17, v38;
	[tilespmem:v52+s12+$0x0] =	vst.idx.msk $0xffff, v43  }
0x214: {  	v61 =	vld.idx.msk [tilespmem:v49+s2+$0x0], $0xffff;
	v62 =	vor.u32 s19, v38;
	[tilespmem:v55+s12+$0x0] =	vst.idx.msk $0xffff, v44  }
0x215: {  	v57 =	vld.idx.msk [tilespmem:v56+s2+$0x0], $0xffff;
	v58 =	vor.u32 s21, v38;
	[tilespmem:v54+s12+$0x0] =	vst.idx.msk $0xffff, v45  }
0x216: {  	v63 =	vld.idx.msk [tilespmem:v53+s2+$0x0], $0xffff;
	v55 =	vor.u32 s20, v38;
	[tilespmem:v0+s12+$0x0] =	vst.idx.msk $0xffff, v48  }
0x217: {  	v59 =	vor.u32 s22, v38;
	v0 =	vld.idx.msk [tilespmem:v40+s2+$0x0], $0xffff;
	[tilespmem:v46+s12+$0x0] =	vst.idx.msk $0xffff, v41  }
0x218: {  	[tilespmem:v60+s12+$0x0] =	vst.idx.msk $0xffff, v42  }
0x219: {  	[tilespmem:v62+s12+$0x0] =	vst.idx.msk $0xffff, v61  }
0x21a: {  	[tilespmem:v58+s12+$0x0] =	vst.idx.msk $0xffff, v57  }
0x21b: {  	[tilespmem:v55+s12+$0x0] =	vst.idx.msk $0xffff, v63  }
0x21c: {  	[tilespmem:v59+s12+$0x0] =	vst.idx.msk $0xffff, v0  }
0x21d: {  	v40 =	vld [tilespmem:$0x1870];
	_ =	sdelay $0x3  }
0x21e: {  	s25 =	simm.s32 $0x0  }
0x21f: {  	s26 =	simm.s32 $0x7;
	v0 =	vadd.s32 s25, v40  }
0x220: {  	s28 =	simm.s32 $0x6;
	v60 =	vadd.s32 s26, v40  }
0x221: {  	s29 =	simm.s32 $0x5;
	v61 =	vadd.s32 s28, v40  }
0x222: {  	s30 =	simm.s32 $0x4;
	v62 =	vadd.s32 s29, v40  }
0x223: {  	s31 =	simm.s32 $0x3;
	v63 =	vadd.s32 s30, v40  }
0x224: {  	s23 =	simm.s32 $0x2;
	v45 =	vadd.s32 s31, v40;
	v0 =	vld.idx.msk [tilespmem:v0+s2+$0x0], $0xffff  }
0x225: {  	s24 =	simm.s32 $0x1;
	v48 =	vor.u32 s25, v39;
	v49 =	vadd.s32 s23, v40;
	v53 =	vld.idx.msk [tilespmem:v60+s2+$0x0], $0xffff  }
0x226: {  	v55 =	vor.u32 s26, v39;
	s25 =	simm.s32 $0x8;
	v52 =	vadd.s32 s24, v40;
	v54 =	vld.idx.msk [tilespmem:v61+s2+$0x0], $0xffff  }
0x227: {  	s18 =	simm.s32 $0xF;
	v58 =	vor.u32 s28, v39;
	v56 =	vadd.s32 s25, v40;
	v57 =	vld.idx.msk [tilespmem:v62+s2+$0x0], $0xffff  }
0x228: {  	s16 =	simm.s32 $0xE;
	v59 =	vadd.s32 s18, v40;
	v41 =	vld.idx.msk [tilespmem:v63+s2+$0x0], $0xffff;
	v60 =	vor.u32 s29, v39  }
0x229: {  	s17 =	simm.s32 $0xD;
	v50 =	vor.u32 s30, v39;
	v46 =	vadd.s32 s16, v40;
	v42 =	vld.idx.msk [tilespmem:v45+s2+$0x0], $0xffff  }
0x22a: {  	s19 =	simm.s32 $0xC;
	v51 =	vor.u32 s31, v39;
	v47 =	vadd.s32 s17, v40;
	v43 =	vld.idx.msk [tilespmem:v49+s2+$0x0], $0xffff;
	[tilespmem:v48+s12+$0x0] =	vst.idx.msk $0xffff, v0  }
0x22b: {  	s20 =	simm.s32 $0xB;
	v49 =	vadd.s32 s19, v40;
	v44 =	vld.idx.msk [tilespmem:v52+s2+$0x0], $0xffff;
	v52 =	vor.u32 s23, v39;
	[tilespmem:v55+s12+$0x0] =	vst.idx.msk $0xffff, v53  }
0x22c: {  	s21 =	simm.s32 $0xA;
	v45 =	vld.idx.msk [tilespmem:v56+s2+$0x0], $0xffff;
	v53 =	vadd.s32 s20, v40;
	v55 =	vor.u32 s24, v39;
	[tilespmem:v58+s12+$0x0] =	vst.idx.msk $0xffff, v54  }
0x22d: {  	s22 =	simm.s32 $0x9;
	s23 =	simm.s32 $0x10;
	v56 =	vadd.s32 s21, v40;
	v54 =	vor.u32 s25, v39;
	v48 =	vld.idx.msk [tilespmem:v59+s2+$0x0], $0xffff;
	[tilespmem:v60+s12+$0x0] =	vst.idx.msk $0xffff, v57  }
.LBB2_16:
0x22e: {  	p0 =	slt.u32 s23, $0xF8;
	v0 =	vadd.s32 s22, v40;
	v57 =	vld.idx.msk [tilespmem:v46+s2+$0x0], $0xffff;
	v58 =	vor.u32 s18, v39;
	[tilespmem:v50+s12+$0x0] =	vst.idx.msk $0xffff, v41  }
0x22f: {  	v59 =	vadd.s32 s23, v40;
	s18 =	sadd.s32 $0x7, s23;
	v61 =	vor.u32 s16, v39;
	v60 =	vld.idx.msk [tilespmem:v47+s2+$0x0], $0xffff;
	[tilespmem:v51+s12+$0x0] =	vst.idx.msk $0xffff, v42  }
0x230: {  	s16 =	sadd.s32 $0x6, s23;
	v63 =	vor.u32 s17, v39;
	v62 =	vadd.s32 s18, v40;
	v41 =	vld.idx.msk [tilespmem:v49+s2+$0x0], $0xffff;
	[tilespmem:v52+s12+$0x0] =	vst.idx.msk $0xffff, v43  }
.Ltmp7:
0x231: {  	s17 =	sadd.s32 $0x5, s23;
	v50 =	vor.u32 s19, v39;
	v46 =	vadd.s32 s16, v40;
	v42 =	vld.idx.msk [tilespmem:v53+s2+$0x0], $0xffff;
	[tilespmem:v55+s12+$0x0] =	vst.idx.msk $0xffff, v44;
	(pc) =	sbr.rel @p0 .LBB2_16-.Ltmp7, $4  }
0x232: {  	s19 =	sadd.s32 $0x4, s23;
	v47 =	vadd.s32 s17, v40;
	v51 =	vor.u32 s20, v39;
	[tilespmem:v54+s12+$0x0] =	vst.idx.msk $0xffff, v45;
	v43 =	vld.idx.msk [tilespmem:v56+s2+$0x0], $0xffff  }
0x233: {  	s20 =	sadd.s32 $0x3, s23;
	v49 =	vadd.s32 s19, v40;
	v52 =	vor.u32 s21, v39;
	v44 =	vld.idx.msk [tilespmem:v0+s2+$0x0], $0xffff;
	[tilespmem:v58+s12+$0x0] =	vst.idx.msk $0xffff, v48  }
0x234: {  	s21 =	sadd.s32 $0x2, s23;
	v53 =	vadd.s32 s20, v40;
	v55 =	vor.u32 s22, v39;
	v45 =	vld.idx.msk [tilespmem:v59+s2+$0x0], $0xffff;
	[tilespmem:v61+s12+$0x0] =	vst.idx.msk $0xffff, v57  }
0x235: {  	s22 =	sadd.s32 $0x1, s23;
	v54 =	vor.u32 s23, v39;
	v56 =	vadd.s32 s21, v40;
	s23 =	sadd.s32 $0x8, s23;
	v48 =	vld.idx.msk [tilespmem:v62+s2+$0x0], $0xffff;
	[tilespmem:v63+s12+$0x0] =	vst.idx.msk $0xffff, v60  }
0x236: {  	_ =	sdelay $0x3  }
0x237: {  	v0 =	vor.u32 s18, v39;
	[tilespmem:v50+s12+$0x0] =	vst.idx.msk $0xffff, v41  }
0x238: {  	v40 =	vadd.s32 s22, v40;
	v41 =	vld.idx.msk [tilespmem:v46+s2+$0x0], $0xffff;
	v46 =	vor.u32 s16, v39;
	[tilespmem:v51+s12+$0x0] =	vst.idx.msk $0xffff, v42  }
0x239: {  	v42 =	vld.idx.msk [tilespmem:v47+s2+$0x0], $0xffff;
	v60 =	vor.u32 s17, v39;
	[tilespmem:v52+s12+$0x0] =	vst.idx.msk $0xffff, v43  }
0x23a: {  	v61 =	vld.idx.msk [tilespmem:v49+s2+$0x0], $0xffff;
	v62 =	vor.u32 s19, v39;
	[tilespmem:v55+s12+$0x0] =	vst.idx.msk $0xffff, v44  }
0x23b: {  	v57 =	vld.idx.msk [tilespmem:v56+s2+$0x0], $0xffff;
	v58 =	vor.u32 s21, v39;
	[tilespmem:v54+s12+$0x0] =	vst.idx.msk $0xffff, v45  }
0x23c: {  	v63 =	vld.idx.msk [tilespmem:v53+s2+$0x0], $0xffff;
	v55 =	vor.u32 s20, v39;
	[tilespmem:v0+s12+$0x0] =	vst.idx.msk $0xffff, v48  }
0x23d: {  	v59 =	vor.u32 s22, v39;
	v0 =	vld.idx.msk [tilespmem:v40+s2+$0x0], $0xffff;
	[tilespmem:v46+s12+$0x0] =	vst.idx.msk $0xffff, v41  }
0x23e: {  	[tilespmem:v60+s12+$0x0] =	vst.idx.msk $0xffff, v42  }
0x23f: {  	[tilespmem:v62+s12+$0x0] =	vst.idx.msk $0xffff, v61  }
0x240: {  	[tilespmem:v58+s12+$0x0] =	vst.idx.msk $0xffff, v57  }
0x241: {  	[tilespmem:v55+s12+$0x0] =	vst.idx.msk $0xffff, v63  }
0x242: {  	s25 =	simm.s32 $0x0;
	[tilespmem:v59+s12+$0x0] =	vst.idx.msk $0xffff, v0  }
0x243: {  	[hbm4b:s5+s25] =	stream.linear.scatter [tilespmem:s12], [sflag:$0x1], $0x8000, $0x38;
	[tilespmem:$0x11A00] =	vst v63  }
0x244: {  	v40 =	vld [tilespmem:$0x1880];
	_ =	sdelay $0x4  }
0x245: {  	s26 =	simm.s32 $0x7;
	v0 =	vadd.s32 s25, v40  }
0x246: {  	s28 =	simm.s32 $0x6;
	v60 =	vadd.s32 s26, v40  }
0x247: {  	s29 =	simm.s32 $0x5;
	v61 =	vadd.s32 s28, v40  }
0x248: {  	s30 =	simm.s32 $0x4;
	v62 =	vadd.s32 s29, v40  }
0x249: {  	s31 =	simm.s32 $0x3;
	v63 =	vadd.s32 s30, v40  }
0x24a: {  	s23 =	simm.s32 $0x2;
	v45 =	vadd.s32 s31, v40;
	v0 =	vld.idx.msk [tilespmem:v0+s2+$0x0], $0xffff  }
0x24b: {  	s24 =	simm.s32 $0x1;
	v48 =	vor.u32 s25, v27;
	v49 =	vadd.s32 s23, v40;
	v53 =	vld.idx.msk [tilespmem:v60+s2+$0x0], $0xffff  }
0x24c: {  	v55 =	vor.u32 s26, v27;
	s25 =	simm.s32 $0x8;
	v52 =	vadd.s32 s24, v40;
	v54 =	vld.idx.msk [tilespmem:v61+s2+$0x0], $0xffff  }
0x24d: {  	s18 =	simm.s32 $0xF;
	v58 =	vor.u32 s28, v27;
	v56 =	vadd.s32 s25, v40;
	v57 =	vld.idx.msk [tilespmem:v62+s2+$0x0], $0xffff  }
0x24e: {  	s16 =	simm.s32 $0xE;
	v59 =	vadd.s32 s18, v40;
	v41 =	vld.idx.msk [tilespmem:v63+s2+$0x0], $0xffff;
	v60 =	vor.u32 s29, v27  }
0x24f: {  	s17 =	simm.s32 $0xD;
	v50 =	vor.u32 s30, v27;
	v46 =	vadd.s32 s16, v40;
	v42 =	vld.idx.msk [tilespmem:v45+s2+$0x0], $0xffff  }
0x250: {  	s19 =	simm.s32 $0xC;
	v51 =	vor.u32 s31, v27;
	v47 =	vadd.s32 s17, v40;
	v43 =	vld.idx.msk [tilespmem:v49+s2+$0x0], $0xffff;
	[tilespmem:v48+s13+$0x0] =	vst.idx.msk $0xffff, v0  }
0x251: {  	s20 =	simm.s32 $0xB;
	v49 =	vadd.s32 s19, v40;
	v44 =	vld.idx.msk [tilespmem:v52+s2+$0x0], $0xffff;
	v52 =	vor.u32 s23, v27;
	[tilespmem:v55+s13+$0x0] =	vst.idx.msk $0xffff, v53  }
0x252: {  	s21 =	simm.s32 $0xA;
	v45 =	vld.idx.msk [tilespmem:v56+s2+$0x0], $0xffff;
	v53 =	vadd.s32 s20, v40;
	v55 =	vor.u32 s24, v27;
	[tilespmem:v58+s13+$0x0] =	vst.idx.msk $0xffff, v54  }
0x253: {  	s22 =	simm.s32 $0x9;
	s23 =	simm.s32 $0x10;
	v56 =	vadd.s32 s21, v40;
	v54 =	vor.u32 s25, v27;
	v48 =	vld.idx.msk [tilespmem:v59+s2+$0x0], $0xffff;
	[tilespmem:v60+s13+$0x0] =	vst.idx.msk $0xffff, v57  }
.LBB2_18:
0x254: {  	p0 =	slt.u32 s23, $0xF8;
	v0 =	vadd.s32 s22, v40;
	v57 =	vld.idx.msk [tilespmem:v46+s2+$0x0], $0xffff;
	v58 =	vor.u32 s18, v27;
	[tilespmem:v50+s13+$0x0] =	vst.idx.msk $0xffff, v41  }
0x255: {  	v59 =	vadd.s32 s23, v40;
	s18 =	sadd.s32 $0x7, s23;
	v61 =	vor.u32 s16, v27;
	v60 =	vld.idx.msk [tilespmem:v47+s2+$0x0], $0xffff;
	[tilespmem:v51+s13+$0x0] =	vst.idx.msk $0xffff, v42  }
0x256: {  	s16 =	sadd.s32 $0x6, s23;
	v63 =	vor.u32 s17, v27;
	v62 =	vadd.s32 s18, v40;
	v41 =	vld.idx.msk [tilespmem:v49+s2+$0x0], $0xffff;
	[tilespmem:v52+s13+$0x0] =	vst.idx.msk $0xffff, v43  }
.Ltmp8:
0x257: {  	s17 =	sadd.s32 $0x5, s23;
	v50 =	vor.u32 s19, v27;
	v46 =	vadd.s32 s16, v40;
	v42 =	vld.idx.msk [tilespmem:v53+s2+$0x0], $0xffff;
	[tilespmem:v55+s13+$0x0] =	vst.idx.msk $0xffff, v44;
	(pc) =	sbr.rel @p0 .LBB2_18-.Ltmp8, $4  }
0x258: {  	s19 =	sadd.s32 $0x4, s23;
	v47 =	vadd.s32 s17, v40;
	v51 =	vor.u32 s20, v27;
	[tilespmem:v54+s13+$0x0] =	vst.idx.msk $0xffff, v45;
	v43 =	vld.idx.msk [tilespmem:v56+s2+$0x0], $0xffff  }
0x259: {  	s20 =	sadd.s32 $0x3, s23;
	v49 =	vadd.s32 s19, v40;
	v52 =	vor.u32 s21, v27;
	v44 =	vld.idx.msk [tilespmem:v0+s2+$0x0], $0xffff;
	[tilespmem:v58+s13+$0x0] =	vst.idx.msk $0xffff, v48  }
0x25a: {  	s21 =	sadd.s32 $0x2, s23;
	v53 =	vadd.s32 s20, v40;
	v55 =	vor.u32 s22, v27;
	v45 =	vld.idx.msk [tilespmem:v59+s2+$0x0], $0xffff;
	[tilespmem:v61+s13+$0x0] =	vst.idx.msk $0xffff, v57  }
0x25b: {  	s22 =	sadd.s32 $0x1, s23;
	v54 =	vor.u32 s23, v27;
	v56 =	vadd.s32 s21, v40;
	s23 =	sadd.s32 $0x8, s23;
	v48 =	vld.idx.msk [tilespmem:v62+s2+$0x0], $0xffff;
	[tilespmem:v63+s13+$0x0] =	vst.idx.msk $0xffff, v60  }
0x25c: {  	_ =	sdelay $0x3  }
0x25d: {  	v0 =	vor.u32 s18, v27;
	[tilespmem:v50+s13+$0x0] =	vst.idx.msk $0xffff, v41  }
0x25e: {  	v40 =	vadd.s32 s22, v40;
	v41 =	vld.idx.msk [tilespmem:v46+s2+$0x0], $0xffff;
	v46 =	vor.u32 s16, v27;
	[tilespmem:v51+s13+$0x0] =	vst.idx.msk $0xffff, v42  }
0x25f: {  	v42 =	vld.idx.msk [tilespmem:v47+s2+$0x0], $0xffff;
	v60 =	vor.u32 s17, v27;
	[tilespmem:v52+s13+$0x0] =	vst.idx.msk $0xffff, v43  }
0x260: {  	v61 =	vld.idx.msk [tilespmem:v49+s2+$0x0], $0xffff;
	v62 =	vor.u32 s19, v27;
	[tilespmem:v55+s13+$0x0] =	vst.idx.msk $0xffff, v44  }
0x261: {  	v57 =	vld.idx.msk [tilespmem:v56+s2+$0x0], $0xffff;
	v58 =	vor.u32 s21, v27;
	[tilespmem:v54+s13+$0x0] =	vst.idx.msk $0xffff, v45  }
0x262: {  	v63 =	vld.idx.msk [tilespmem:v53+s2+$0x0], $0xffff;
	v55 =	vor.u32 s20, v27;
	[tilespmem:v0+s13+$0x0] =	vst.idx.msk $0xffff, v48  }
0x263: {  	v59 =	vor.u32 s22, v27;
	v0 =	vld.idx.msk [tilespmem:v40+s2+$0x0], $0xffff;
	[tilespmem:v46+s13+$0x0] =	vst.idx.msk $0xffff, v41  }
0x264: {  	[tilespmem:v60+s13+$0x0] =	vst.idx.msk $0xffff, v42  }
0x265: {  	[tilespmem:v62+s13+$0x0] =	vst.idx.msk $0xffff, v61  }
0x266: {  	[tilespmem:v58+s13+$0x0] =	vst.idx.msk $0xffff, v57  }
0x267: {  	[tilespmem:v55+s13+$0x0] =	vst.idx.msk $0xffff, v63  }
0x268: {  	[tilespmem:v59+s13+$0x0] =	vst.idx.msk $0xffff, v0  }
0x269: {  	v40 =	vld [tilespmem:$0x1890];
	_ =	sdelay $0x3  }
0x26a: {  	s25 =	simm.s32 $0x0  }
0x26b: {  	s26 =	simm.s32 $0x7;
	v0 =	vadd.s32 s25, v40  }
0x26c: {  	s28 =	simm.s32 $0x6;
	v60 =	vadd.s32 s26, v40  }
0x26d: {  	s29 =	simm.s32 $0x5;
	v61 =	vadd.s32 s28, v40  }
0x26e: {  	s30 =	simm.s32 $0x4;
	v62 =	vadd.s32 s29, v40  }
0x26f: {  	s31 =	simm.s32 $0x3;
	v63 =	vadd.s32 s30, v40  }
0x270: {  	s23 =	simm.s32 $0x2;
	v45 =	vadd.s32 s31, v40;
	v0 =	vld.idx.msk [tilespmem:v0+s2+$0x0], $0xffff  }
0x271: {  	s24 =	simm.s32 $0x1;
	v48 =	vor.u32 s25, v33;
	v49 =	vadd.s32 s23, v40;
	v53 =	vld.idx.msk [tilespmem:v60+s2+$0x0], $0xffff  }
0x272: {  	v55 =	vor.u32 s26, v33;
	s25 =	simm.s32 $0x8;
	v52 =	vadd.s32 s24, v40;
	v54 =	vld.idx.msk [tilespmem:v61+s2+$0x0], $0xffff  }
0x273: {  	s18 =	simm.s32 $0xF;
	v58 =	vor.u32 s28, v33;
	v56 =	vadd.s32 s25, v40;
	v57 =	vld.idx.msk [tilespmem:v62+s2+$0x0], $0xffff  }
0x274: {  	s16 =	simm.s32 $0xE;
	v59 =	vadd.s32 s18, v40;
	v41 =	vld.idx.msk [tilespmem:v63+s2+$0x0], $0xffff;
	v60 =	vor.u32 s29, v33  }
0x275: {  	s17 =	simm.s32 $0xD;
	v50 =	vor.u32 s30, v33;
	v46 =	vadd.s32 s16, v40;
	v42 =	vld.idx.msk [tilespmem:v45+s2+$0x0], $0xffff  }
0x276: {  	s19 =	simm.s32 $0xC;
	v51 =	vor.u32 s31, v33;
	v47 =	vadd.s32 s17, v40;
	v43 =	vld.idx.msk [tilespmem:v49+s2+$0x0], $0xffff;
	[tilespmem:v48+s13+$0x0] =	vst.idx.msk $0xffff, v0  }
0x277: {  	s20 =	simm.s32 $0xB;
	v49 =	vadd.s32 s19, v40;
	v44 =	vld.idx.msk [tilespmem:v52+s2+$0x0], $0xffff;
	v52 =	vor.u32 s23, v33;
	[tilespmem:v55+s13+$0x0] =	vst.idx.msk $0xffff, v53  }
0x278: {  	s21 =	simm.s32 $0xA;
	v45 =	vld.idx.msk [tilespmem:v56+s2+$0x0], $0xffff;
	v53 =	vadd.s32 s20, v40;
	v55 =	vor.u32 s24, v33;
	[tilespmem:v58+s13+$0x0] =	vst.idx.msk $0xffff, v54  }
0x279: {  	s22 =	simm.s32 $0x9;
	s23 =	simm.s32 $0x10;
	v56 =	vadd.s32 s21, v40;
	v54 =	vor.u32 s25, v33;
	v48 =	vld.idx.msk [tilespmem:v59+s2+$0x0], $0xffff;
	[tilespmem:v60+s13+$0x0] =	vst.idx.msk $0xffff, v57  }
.LBB2_20:
0x27a: {  	p0 =	slt.u32 s23, $0xF8;
	v0 =	vadd.s32 s22, v40;
	v57 =	vld.idx.msk [tilespmem:v46+s2+$0x0], $0xffff;
	v58 =	vor.u32 s18, v33;
	[tilespmem:v50+s13+$0x0] =	vst.idx.msk $0xffff, v41  }
0x27b: {  	v59 =	vadd.s32 s23, v40;
	s18 =	sadd.s32 $0x7, s23;
	v61 =	vor.u32 s16, v33;
	v60 =	vld.idx.msk [tilespmem:v47+s2+$0x0], $0xffff;
	[tilespmem:v51+s13+$0x0] =	vst.idx.msk $0xffff, v42  }
0x27c: {  	s16 =	sadd.s32 $0x6, s23;
	v63 =	vor.u32 s17, v33;
	v62 =	vadd.s32 s18, v40;
	v41 =	vld.idx.msk [tilespmem:v49+s2+$0x0], $0xffff;
	[tilespmem:v52+s13+$0x0] =	vst.idx.msk $0xffff, v43  }
.Ltmp9:
0x27d: {  	s17 =	sadd.s32 $0x5, s23;
	v50 =	vor.u32 s19, v33;
	v46 =	vadd.s32 s16, v40;
	v42 =	vld.idx.msk [tilespmem:v53+s2+$0x0], $0xffff;
	[tilespmem:v55+s13+$0x0] =	vst.idx.msk $0xffff, v44;
	(pc) =	sbr.rel @p0 .LBB2_20-.Ltmp9, $4  }
0x27e: {  	s19 =	sadd.s32 $0x4, s23;
	v47 =	vadd.s32 s17, v40;
	v51 =	vor.u32 s20, v33;
	[tilespmem:v54+s13+$0x0] =	vst.idx.msk $0xffff, v45;
	v43 =	vld.idx.msk [tilespmem:v56+s2+$0x0], $0xffff  }
0x27f: {  	s20 =	sadd.s32 $0x3, s23;
	v49 =	vadd.s32 s19, v40;
	v52 =	vor.u32 s21, v33;
	v44 =	vld.idx.msk [tilespmem:v0+s2+$0x0], $0xffff;
	[tilespmem:v58+s13+$0x0] =	vst.idx.msk $0xffff, v48  }
0x280: {  	s21 =	sadd.s32 $0x2, s23;
	v53 =	vadd.s32 s20, v40;
	v55 =	vor.u32 s22, v33;
	v45 =	vld.idx.msk [tilespmem:v59+s2+$0x0], $0xffff;
	[tilespmem:v61+s13+$0x0] =	vst.idx.msk $0xffff, v57  }
0x281: {  	s22 =	sadd.s32 $0x1, s23;
	v54 =	vor.u32 s23, v33;
	v56 =	vadd.s32 s21, v40;
	s23 =	sadd.s32 $0x8, s23;
	v48 =	vld.idx.msk [tilespmem:v62+s2+$0x0], $0xffff;
	[tilespmem:v63+s13+$0x0] =	vst.idx.msk $0xffff, v60  }
0x282: {  	_ =	sdelay $0x3  }
0x283: {  	v0 =	vor.u32 s18, v33;
	[tilespmem:v50+s13+$0x0] =	vst.idx.msk $0xffff, v41  }
0x284: {  	v40 =	vadd.s32 s22, v40;
	v41 =	vld.idx.msk [tilespmem:v46+s2+$0x0], $0xffff;
	v46 =	vor.u32 s16, v33;
	[tilespmem:v51+s13+$0x0] =	vst.idx.msk $0xffff, v42  }
0x285: {  	v42 =	vld.idx.msk [tilespmem:v47+s2+$0x0], $0xffff;
	v60 =	vor.u32 s17, v33;
	[tilespmem:v52+s13+$0x0] =	vst.idx.msk $0xffff, v43  }
0x286: {  	v61 =	vld.idx.msk [tilespmem:v49+s2+$0x0], $0xffff;
	v62 =	vor.u32 s19, v33;
	[tilespmem:v55+s13+$0x0] =	vst.idx.msk $0xffff, v44  }
0x287: {  	v57 =	vld.idx.msk [tilespmem:v56+s2+$0x0], $0xffff;
	v58 =	vor.u32 s21, v33;
	[tilespmem:v54+s13+$0x0] =	vst.idx.msk $0xffff, v45  }
0x288: {  	v63 =	vld.idx.msk [tilespmem:v53+s2+$0x0], $0xffff;
	v55 =	vor.u32 s20, v33;
	[tilespmem:v0+s13+$0x0] =	vst.idx.msk $0xffff, v48  }
0x289: {  	v59 =	vor.u32 s22, v33;
	v0 =	vld.idx.msk [tilespmem:v40+s2+$0x0], $0xffff;
	[tilespmem:v46+s13+$0x0] =	vst.idx.msk $0xffff, v41  }
0x28a: {  	[tilespmem:v60+s13+$0x0] =	vst.idx.msk $0xffff, v42  }
0x28b: {  	[tilespmem:v62+s13+$0x0] =	vst.idx.msk $0xffff, v61  }
0x28c: {  	[tilespmem:v58+s13+$0x0] =	vst.idx.msk $0xffff, v57  }
0x28d: {  	[tilespmem:v55+s13+$0x0] =	vst.idx.msk $0xffff, v63  }
0x28e: {  	[tilespmem:v59+s13+$0x0] =	vst.idx.msk $0xffff, v0  }
0x28f: {  	v40 =	vld [tilespmem:$0x18A0];
	_ =	sdelay $0x3  }
0x290: {  	s25 =	simm.s32 $0x0  }
0x291: {  	s26 =	simm.s32 $0x7;
	v0 =	vadd.s32 s25, v40  }
0x292: {  	s28 =	simm.s32 $0x6;
	v60 =	vadd.s32 s26, v40  }
0x293: {  	s29 =	simm.s32 $0x5;
	v61 =	vadd.s32 s28, v40  }
0x294: {  	s30 =	simm.s32 $0x4;
	v62 =	vadd.s32 s29, v40  }
0x295: {  	s31 =	simm.s32 $0x3;
	v63 =	vadd.s32 s30, v40  }
0x296: {  	s23 =	simm.s32 $0x2;
	v45 =	vadd.s32 s31, v40;
	v0 =	vld.idx.msk [tilespmem:v0+s2+$0x0], $0xffff  }
0x297: {  	s24 =	simm.s32 $0x1;
	v48 =	vor.u32 s25, v34;
	v49 =	vadd.s32 s23, v40;
	v53 =	vld.idx.msk [tilespmem:v60+s2+$0x0], $0xffff  }
0x298: {  	v55 =	vor.u32 s26, v34;
	s25 =	simm.s32 $0x8;
	v52 =	vadd.s32 s24, v40;
	v54 =	vld.idx.msk [tilespmem:v61+s2+$0x0], $0xffff  }
0x299: {  	s18 =	simm.s32 $0xF;
	v58 =	vor.u32 s28, v34;
	v56 =	vadd.s32 s25, v40;
	v57 =	vld.idx.msk [tilespmem:v62+s2+$0x0], $0xffff  }
0x29a: {  	s16 =	simm.s32 $0xE;
	v59 =	vadd.s32 s18, v40;
	v41 =	vld.idx.msk [tilespmem:v63+s2+$0x0], $0xffff;
	v60 =	vor.u32 s29, v34  }
0x29b: {  	s17 =	simm.s32 $0xD;
	v50 =	vor.u32 s30, v34;
	v46 =	vadd.s32 s16, v40;
	v42 =	vld.idx.msk [tilespmem:v45+s2+$0x0], $0xffff  }
0x29c: {  	s19 =	simm.s32 $0xC;
	v51 =	vor.u32 s31, v34;
	v47 =	vadd.s32 s17, v40;
	v43 =	vld.idx.msk [tilespmem:v49+s2+$0x0], $0xffff;
	[tilespmem:v48+s13+$0x0] =	vst.idx.msk $0xffff, v0  }
0x29d: {  	s20 =	simm.s32 $0xB;
	v49 =	vadd.s32 s19, v40;
	v44 =	vld.idx.msk [tilespmem:v52+s2+$0x0], $0xffff;
	v52 =	vor.u32 s23, v34;
	[tilespmem:v55+s13+$0x0] =	vst.idx.msk $0xffff, v53  }
0x29e: {  	s21 =	simm.s32 $0xA;
	v45 =	vld.idx.msk [tilespmem:v56+s2+$0x0], $0xffff;
	v53 =	vadd.s32 s20, v40;
	v55 =	vor.u32 s24, v34;
	[tilespmem:v58+s13+$0x0] =	vst.idx.msk $0xffff, v54  }
0x29f: {  	s22 =	simm.s32 $0x9;
	s23 =	simm.s32 $0x10;
	v56 =	vadd.s32 s21, v40;
	v54 =	vor.u32 s25, v34;
	v48 =	vld.idx.msk [tilespmem:v59+s2+$0x0], $0xffff;
	[tilespmem:v60+s13+$0x0] =	vst.idx.msk $0xffff, v57  }
.LBB2_22:
0x2a0: {  	p0 =	slt.u32 s23, $0xF8;
	v0 =	vadd.s32 s22, v40;
	v57 =	vld.idx.msk [tilespmem:v46+s2+$0x0], $0xffff;
	v58 =	vor.u32 s18, v34;
	[tilespmem:v50+s13+$0x0] =	vst.idx.msk $0xffff, v41  }
0x2a1: {  	v59 =	vadd.s32 s23, v40;
	s18 =	sadd.s32 $0x7, s23;
	v61 =	vor.u32 s16, v34;
	v60 =	vld.idx.msk [tilespmem:v47+s2+$0x0], $0xffff;
	[tilespmem:v51+s13+$0x0] =	vst.idx.msk $0xffff, v42  }
0x2a2: {  	s16 =	sadd.s32 $0x6, s23;
	v63 =	vor.u32 s17, v34;
	v62 =	vadd.s32 s18, v40;
	v41 =	vld.idx.msk [tilespmem:v49+s2+$0x0], $0xffff;
	[tilespmem:v52+s13+$0x0] =	vst.idx.msk $0xffff, v43  }
.Ltmp10:
0x2a3: {  	s17 =	sadd.s32 $0x5, s23;
	v50 =	vor.u32 s19, v34;
	v46 =	vadd.s32 s16, v40;
	v42 =	vld.idx.msk [tilespmem:v53+s2+$0x0], $0xffff;
	[tilespmem:v55+s13+$0x0] =	vst.idx.msk $0xffff, v44;
	(pc) =	sbr.rel @p0 .LBB2_22-.Ltmp10, $4  }
0x2a4: {  	s19 =	sadd.s32 $0x4, s23;
	v47 =	vadd.s32 s17, v40;
	v51 =	vor.u32 s20, v34;
	[tilespmem:v54+s13+$0x0] =	vst.idx.msk $0xffff, v45;
	v43 =	vld.idx.msk [tilespmem:v56+s2+$0x0], $0xffff  }
0x2a5: {  	s20 =	sadd.s32 $0x3, s23;
	v49 =	vadd.s32 s19, v40;
	v52 =	vor.u32 s21, v34;
	v44 =	vld.idx.msk [tilespmem:v0+s2+$0x0], $0xffff;
	[tilespmem:v58+s13+$0x0] =	vst.idx.msk $0xffff, v48  }
0x2a6: {  	s21 =	sadd.s32 $0x2, s23;
	v53 =	vadd.s32 s20, v40;
	v55 =	vor.u32 s22, v34;
	v45 =	vld.idx.msk [tilespmem:v59+s2+$0x0], $0xffff;
	[tilespmem:v61+s13+$0x0] =	vst.idx.msk $0xffff, v57  }
0x2a7: {  	s22 =	sadd.s32 $0x1, s23;
	v54 =	vor.u32 s23, v34;
	v56 =	vadd.s32 s21, v40;
	s23 =	sadd.s32 $0x8, s23;
	v48 =	vld.idx.msk [tilespmem:v62+s2+$0x0], $0xffff;
	[tilespmem:v63+s13+$0x0] =	vst.idx.msk $0xffff, v60  }
0x2a8: {  	_ =	sdelay $0x3  }
0x2a9: {  	v0 =	vor.u32 s18, v34;
	[tilespmem:v50+s13+$0x0] =	vst.idx.msk $0xffff, v41  }
0x2aa: {  	v40 =	vadd.s32 s22, v40;
	v41 =	vld.idx.msk [tilespmem:v46+s2+$0x0], $0xffff;
	v46 =	vor.u32 s16, v34;
	[tilespmem:v51+s13+$0x0] =	vst.idx.msk $0xffff, v42  }
0x2ab: {  	v42 =	vld.idx.msk [tilespmem:v47+s2+$0x0], $0xffff;
	v60 =	vor.u32 s17, v34;
	[tilespmem:v52+s13+$0x0] =	vst.idx.msk $0xffff, v43  }
0x2ac: {  	v61 =	vld.idx.msk [tilespmem:v49+s2+$0x0], $0xffff;
	v62 =	vor.u32 s19, v34;
	[tilespmem:v55+s13+$0x0] =	vst.idx.msk $0xffff, v44  }
0x2ad: {  	v57 =	vld.idx.msk [tilespmem:v56+s2+$0x0], $0xffff;
	v58 =	vor.u32 s21, v34;
	[tilespmem:v54+s13+$0x0] =	vst.idx.msk $0xffff, v45  }
0x2ae: {  	v63 =	vld.idx.msk [tilespmem:v53+s2+$0x0], $0xffff;
	v55 =	vor.u32 s20, v34;
	[tilespmem:v0+s13+$0x0] =	vst.idx.msk $0xffff, v48  }
0x2af: {  	v59 =	vor.u32 s22, v34;
	v0 =	vld.idx.msk [tilespmem:v40+s2+$0x0], $0xffff;
	[tilespmem:v46+s13+$0x0] =	vst.idx.msk $0xffff, v41  }
0x2b0: {  	[tilespmem:v60+s13+$0x0] =	vst.idx.msk $0xffff, v42  }
0x2b1: {  	[tilespmem:v62+s13+$0x0] =	vst.idx.msk $0xffff, v61  }
0x2b2: {  	[tilespmem:v58+s13+$0x0] =	vst.idx.msk $0xffff, v57  }
0x2b3: {  	[tilespmem:v55+s13+$0x0] =	vst.idx.msk $0xffff, v63  }
0x2b4: {  	[tilespmem:v59+s13+$0x0] =	vst.idx.msk $0xffff, v0  }
0x2b5: {  	v40 =	vld [tilespmem:$0x18B0];
	_ =	sdelay $0x3  }
0x2b6: {  	s25 =	simm.s32 $0x0  }
0x2b7: {  	s26 =	simm.s32 $0x7;
	v0 =	vadd.s32 s25, v40  }
0x2b8: {  	s28 =	simm.s32 $0x6;
	v60 =	vadd.s32 s26, v40  }
0x2b9: {  	s29 =	simm.s32 $0x5;
	v61 =	vadd.s32 s28, v40  }
0x2ba: {  	s30 =	simm.s32 $0x4;
	v62 =	vadd.s32 s29, v40  }
0x2bb: {  	s31 =	simm.s32 $0x3;
	v63 =	vadd.s32 s30, v40  }
0x2bc: {  	s23 =	simm.s32 $0x2;
	v45 =	vadd.s32 s31, v40;
	v0 =	vld.idx.msk [tilespmem:v0+s2+$0x0], $0xffff  }
0x2bd: {  	s24 =	simm.s32 $0x1;
	v48 =	vor.u32 s25, v35;
	v49 =	vadd.s32 s23, v40;
	v53 =	vld.idx.msk [tilespmem:v60+s2+$0x0], $0xffff  }
0x2be: {  	v55 =	vor.u32 s26, v35;
	s25 =	simm.s32 $0x8;
	v52 =	vadd.s32 s24, v40;
	v54 =	vld.idx.msk [tilespmem:v61+s2+$0x0], $0xffff  }
0x2bf: {  	s18 =	simm.s32 $0xF;
	v58 =	vor.u32 s28, v35;
	v56 =	vadd.s32 s25, v40;
	v57 =	vld.idx.msk [tilespmem:v62+s2+$0x0], $0xffff  }
0x2c0: {  	s16 =	simm.s32 $0xE;
	v59 =	vadd.s32 s18, v40;
	v41 =	vld.idx.msk [tilespmem:v63+s2+$0x0], $0xffff;
	v60 =	vor.u32 s29, v35  }
0x2c1: {  	s17 =	simm.s32 $0xD;
	v50 =	vor.u32 s30, v35;
	v46 =	vadd.s32 s16, v40;
	v42 =	vld.idx.msk [tilespmem:v45+s2+$0x0], $0xffff  }
0x2c2: {  	s19 =	simm.s32 $0xC;
	v51 =	vor.u32 s31, v35;
	v47 =	vadd.s32 s17, v40;
	v43 =	vld.idx.msk [tilespmem:v49+s2+$0x0], $0xffff;
	[tilespmem:v48+s13+$0x0] =	vst.idx.msk $0xffff, v0  }
0x2c3: {  	s20 =	simm.s32 $0xB;
	v49 =	vadd.s32 s19, v40;
	v44 =	vld.idx.msk [tilespmem:v52+s2+$0x0], $0xffff;
	v52 =	vor.u32 s23, v35;
	[tilespmem:v55+s13+$0x0] =	vst.idx.msk $0xffff, v53  }
0x2c4: {  	s21 =	simm.s32 $0xA;
	v45 =	vld.idx.msk [tilespmem:v56+s2+$0x0], $0xffff;
	v53 =	vadd.s32 s20, v40;
	v55 =	vor.u32 s24, v35;
	[tilespmem:v58+s13+$0x0] =	vst.idx.msk $0xffff, v54  }
0x2c5: {  	s22 =	simm.s32 $0x9;
	s23 =	simm.s32 $0x10;
	v56 =	vadd.s32 s21, v40;
	v54 =	vor.u32 s25, v35;
	v48 =	vld.idx.msk [tilespmem:v59+s2+$0x0], $0xffff;
	[tilespmem:v60+s13+$0x0] =	vst.idx.msk $0xffff, v57  }
.LBB2_24:
0x2c6: {  	p0 =	slt.u32 s23, $0xF8;
	v0 =	vadd.s32 s22, v40;
	v57 =	vld.idx.msk [tilespmem:v46+s2+$0x0], $0xffff;
	v58 =	vor.u32 s18, v35;
	[tilespmem:v50+s13+$0x0] =	vst.idx.msk $0xffff, v41  }
0x2c7: {  	v59 =	vadd.s32 s23, v40;
	s18 =	sadd.s32 $0x7, s23;
	v61 =	vor.u32 s16, v35;
	v60 =	vld.idx.msk [tilespmem:v47+s2+$0x0], $0xffff;
	[tilespmem:v51+s13+$0x0] =	vst.idx.msk $0xffff, v42  }
0x2c8: {  	s16 =	sadd.s32 $0x6, s23;
	v63 =	vor.u32 s17, v35;
	v62 =	vadd.s32 s18, v40;
	v41 =	vld.idx.msk [tilespmem:v49+s2+$0x0], $0xffff;
	[tilespmem:v52+s13+$0x0] =	vst.idx.msk $0xffff, v43  }
.Ltmp11:
0x2c9: {  	s17 =	sadd.s32 $0x5, s23;
	v50 =	vor.u32 s19, v35;
	v46 =	vadd.s32 s16, v40;
	v42 =	vld.idx.msk [tilespmem:v53+s2+$0x0], $0xffff;
	[tilespmem:v55+s13+$0x0] =	vst.idx.msk $0xffff, v44;
	(pc) =	sbr.rel @p0 .LBB2_24-.Ltmp11, $4  }
0x2ca: {  	s19 =	sadd.s32 $0x4, s23;
	v47 =	vadd.s32 s17, v40;
	v51 =	vor.u32 s20, v35;
	[tilespmem:v54+s13+$0x0] =	vst.idx.msk $0xffff, v45;
	v43 =	vld.idx.msk [tilespmem:v56+s2+$0x0], $0xffff  }
0x2cb: {  	s20 =	sadd.s32 $0x3, s23;
	v49 =	vadd.s32 s19, v40;
	v52 =	vor.u32 s21, v35;
	v44 =	vld.idx.msk [tilespmem:v0+s2+$0x0], $0xffff;
	[tilespmem:v58+s13+$0x0] =	vst.idx.msk $0xffff, v48  }
0x2cc: {  	s21 =	sadd.s32 $0x2, s23;
	v53 =	vadd.s32 s20, v40;
	v55 =	vor.u32 s22, v35;
	v45 =	vld.idx.msk [tilespmem:v59+s2+$0x0], $0xffff;
	[tilespmem:v61+s13+$0x0] =	vst.idx.msk $0xffff, v57  }
0x2cd: {  	s22 =	sadd.s32 $0x1, s23;
	v54 =	vor.u32 s23, v35;
	v56 =	vadd.s32 s21, v40;
	s23 =	sadd.s32 $0x8, s23;
	v48 =	vld.idx.msk [tilespmem:v62+s2+$0x0], $0xffff;
	[tilespmem:v63+s13+$0x0] =	vst.idx.msk $0xffff, v60  }
0x2ce: {  	_ =	sdelay $0x3  }
0x2cf: {  	v0 =	vor.u32 s18, v35;
	[tilespmem:v50+s13+$0x0] =	vst.idx.msk $0xffff, v41  }
0x2d0: {  	v40 =	vadd.s32 s22, v40;
	v41 =	vld.idx.msk [tilespmem:v46+s2+$0x0], $0xffff;
	v46 =	vor.u32 s16, v35;
	[tilespmem:v51+s13+$0x0] =	vst.idx.msk $0xffff, v42  }
0x2d1: {  	v42 =	vld.idx.msk [tilespmem:v47+s2+$0x0], $0xffff;
	v60 =	vor.u32 s17, v35;
	[tilespmem:v52+s13+$0x0] =	vst.idx.msk $0xffff, v43  }
0x2d2: {  	v61 =	vld.idx.msk [tilespmem:v49+s2+$0x0], $0xffff;
	v62 =	vor.u32 s19, v35;
	[tilespmem:v55+s13+$0x0] =	vst.idx.msk $0xffff, v44  }
0x2d3: {  	v57 =	vld.idx.msk [tilespmem:v56+s2+$0x0], $0xffff;
	v58 =	vor.u32 s21, v35;
	[tilespmem:v54+s13+$0x0] =	vst.idx.msk $0xffff, v45  }
0x2d4: {  	v63 =	vld.idx.msk [tilespmem:v53+s2+$0x0], $0xffff;
	v55 =	vor.u32 s20, v35;
	[tilespmem:v0+s13+$0x0] =	vst.idx.msk $0xffff, v48  }
0x2d5: {  	v59 =	vor.u32 s22, v35;
	v0 =	vld.idx.msk [tilespmem:v40+s2+$0x0], $0xffff;
	[tilespmem:v46+s13+$0x0] =	vst.idx.msk $0xffff, v41  }
0x2d6: {  	[tilespmem:v60+s13+$0x0] =	vst.idx.msk $0xffff, v42  }
0x2d7: {  	[tilespmem:v62+s13+$0x0] =	vst.idx.msk $0xffff, v61  }
0x2d8: {  	[tilespmem:v58+s13+$0x0] =	vst.idx.msk $0xffff, v57  }
0x2d9: {  	[tilespmem:v55+s13+$0x0] =	vst.idx.msk $0xffff, v63  }
0x2da: {  	[tilespmem:v59+s13+$0x0] =	vst.idx.msk $0xffff, v0  }
0x2db: {  	v40 =	vld [tilespmem:$0x18C0];
	_ =	sdelay $0x3  }
0x2dc: {  	s25 =	simm.s32 $0x0  }
0x2dd: {  	s26 =	simm.s32 $0x7;
	v0 =	vadd.s32 s25, v40  }
0x2de: {  	s28 =	simm.s32 $0x6;
	v60 =	vadd.s32 s26, v40  }
0x2df: {  	s29 =	simm.s32 $0x5;
	v61 =	vadd.s32 s28, v40  }
0x2e0: {  	s30 =	simm.s32 $0x4;
	v62 =	vadd.s32 s29, v40  }
0x2e1: {  	s31 =	simm.s32 $0x3;
	v63 =	vadd.s32 s30, v40  }
0x2e2: {  	s23 =	simm.s32 $0x2;
	v45 =	vadd.s32 s31, v40;
	v0 =	vld.idx.msk [tilespmem:v0+s2+$0x0], $0xffff  }
0x2e3: {  	s24 =	simm.s32 $0x1;
	v48 =	vor.u32 s25, v36;
	v49 =	vadd.s32 s23, v40;
	v53 =	vld.idx.msk [tilespmem:v60+s2+$0x0], $0xffff  }
0x2e4: {  	v55 =	vor.u32 s26, v36;
	s25 =	simm.s32 $0x8;
	v52 =	vadd.s32 s24, v40;
	v54 =	vld.idx.msk [tilespmem:v61+s2+$0x0], $0xffff  }
0x2e5: {  	s18 =	simm.s32 $0xF;
	v58 =	vor.u32 s28, v36;
	v56 =	vadd.s32 s25, v40;
	v57 =	vld.idx.msk [tilespmem:v62+s2+$0x0], $0xffff  }
0x2e6: {  	s16 =	simm.s32 $0xE;
	v59 =	vadd.s32 s18, v40;
	v41 =	vld.idx.msk [tilespmem:v63+s2+$0x0], $0xffff;
	v60 =	vor.u32 s29, v36  }
0x2e7: {  	s17 =	simm.s32 $0xD;
	v50 =	vor.u32 s30, v36;
	v46 =	vadd.s32 s16, v40;
	v42 =	vld.idx.msk [tilespmem:v45+s2+$0x0], $0xffff  }
0x2e8: {  	s19 =	simm.s32 $0xC;
	v51 =	vor.u32 s31, v36;
	v47 =	vadd.s32 s17, v40;
	v43 =	vld.idx.msk [tilespmem:v49+s2+$0x0], $0xffff;
	[tilespmem:v48+s13+$0x0] =	vst.idx.msk $0xffff, v0  }
0x2e9: {  	s20 =	simm.s32 $0xB;
	v49 =	vadd.s32 s19, v40;
	v44 =	vld.idx.msk [tilespmem:v52+s2+$0x0], $0xffff;
	v52 =	vor.u32 s23, v36;
	[tilespmem:v55+s13+$0x0] =	vst.idx.msk $0xffff, v53  }
0x2ea: {  	s21 =	simm.s32 $0xA;
	v45 =	vld.idx.msk [tilespmem:v56+s2+$0x0], $0xffff;
	v53 =	vadd.s32 s20, v40;
	v55 =	vor.u32 s24, v36;
	[tilespmem:v58+s13+$0x0] =	vst.idx.msk $0xffff, v54  }
0x2eb: {  	s22 =	simm.s32 $0x9;
	s23 =	simm.s32 $0x10;
	v56 =	vadd.s32 s21, v40;
	v54 =	vor.u32 s25, v36;
	v48 =	vld.idx.msk [tilespmem:v59+s2+$0x0], $0xffff;
	[tilespmem:v60+s13+$0x0] =	vst.idx.msk $0xffff, v57  }
.LBB2_26:
0x2ec: {  	p0 =	slt.u32 s23, $0xF8;
	v0 =	vadd.s32 s22, v40;
	v57 =	vld.idx.msk [tilespmem:v46+s2+$0x0], $0xffff;
	v58 =	vor.u32 s18, v36;
	[tilespmem:v50+s13+$0x0] =	vst.idx.msk $0xffff, v41  }
0x2ed: {  	v59 =	vadd.s32 s23, v40;
	s18 =	sadd.s32 $0x7, s23;
	v61 =	vor.u32 s16, v36;
	v60 =	vld.idx.msk [tilespmem:v47+s2+$0x0], $0xffff;
	[tilespmem:v51+s13+$0x0] =	vst.idx.msk $0xffff, v42  }
0x2ee: {  	s16 =	sadd.s32 $0x6, s23;
	v63 =	vor.u32 s17, v36;
	v62 =	vadd.s32 s18, v40;
	v41 =	vld.idx.msk [tilespmem:v49+s2+$0x0], $0xffff;
	[tilespmem:v52+s13+$0x0] =	vst.idx.msk $0xffff, v43  }
.Ltmp12:
0x2ef: {  	s17 =	sadd.s32 $0x5, s23;
	v50 =	vor.u32 s19, v36;
	v46 =	vadd.s32 s16, v40;
	v42 =	vld.idx.msk [tilespmem:v53+s2+$0x0], $0xffff;
	[tilespmem:v55+s13+$0x0] =	vst.idx.msk $0xffff, v44;
	(pc) =	sbr.rel @p0 .LBB2_26-.Ltmp12, $4  }
0x2f0: {  	s19 =	sadd.s32 $0x4, s23;
	v47 =	vadd.s32 s17, v40;
	v51 =	vor.u32 s20, v36;
	[tilespmem:v54+s13+$0x0] =	vst.idx.msk $0xffff, v45;
	v43 =	vld.idx.msk [tilespmem:v56+s2+$0x0], $0xffff  }
0x2f1: {  	s20 =	sadd.s32 $0x3, s23;
	v49 =	vadd.s32 s19, v40;
	v52 =	vor.u32 s21, v36;
	v44 =	vld.idx.msk [tilespmem:v0+s2+$0x0], $0xffff;
	[tilespmem:v58+s13+$0x0] =	vst.idx.msk $0xffff, v48  }
0x2f2: {  	s21 =	sadd.s32 $0x2, s23;
	v53 =	vadd.s32 s20, v40;
	v55 =	vor.u32 s22, v36;
	v45 =	vld.idx.msk [tilespmem:v59+s2+$0x0], $0xffff;
	[tilespmem:v61+s13+$0x0] =	vst.idx.msk $0xffff, v57  }
0x2f3: {  	s22 =	sadd.s32 $0x1, s23;
	v54 =	vor.u32 s23, v36;
	v56 =	vadd.s32 s21, v40;
	s23 =	sadd.s32 $0x8, s23;
	v48 =	vld.idx.msk [tilespmem:v62+s2+$0x0], $0xffff;
	[tilespmem:v63+s13+$0x0] =	vst.idx.msk $0xffff, v60  }
0x2f4: {  	_ =	sdelay $0x3  }
0x2f5: {  	v0 =	vor.u32 s18, v36;
	[tilespmem:v50+s13+$0x0] =	vst.idx.msk $0xffff, v41  }
0x2f6: {  	v40 =	vadd.s32 s22, v40;
	v41 =	vld.idx.msk [tilespmem:v46+s2+$0x0], $0xffff;
	v46 =	vor.u32 s16, v36;
	[tilespmem:v51+s13+$0x0] =	vst.idx.msk $0xffff, v42  }
0x2f7: {  	v42 =	vld.idx.msk [tilespmem:v47+s2+$0x0], $0xffff;
	v60 =	vor.u32 s17, v36;
	[tilespmem:v52+s13+$0x0] =	vst.idx.msk $0xffff, v43  }
0x2f8: {  	v61 =	vld.idx.msk [tilespmem:v49+s2+$0x0], $0xffff;
	v62 =	vor.u32 s19, v36;
	[tilespmem:v55+s13+$0x0] =	vst.idx.msk $0xffff, v44  }
0x2f9: {  	v57 =	vld.idx.msk [tilespmem:v56+s2+$0x0], $0xffff;
	v58 =	vor.u32 s21, v36;
	[tilespmem:v54+s13+$0x0] =	vst.idx.msk $0xffff, v45  }
0x2fa: {  	v63 =	vld.idx.msk [tilespmem:v53+s2+$0x0], $0xffff;
	v55 =	vor.u32 s20, v36;
	[tilespmem:v0+s13+$0x0] =	vst.idx.msk $0xffff, v48  }
0x2fb: {  	v59 =	vor.u32 s22, v36;
	v0 =	vld.idx.msk [tilespmem:v40+s2+$0x0], $0xffff;
	[tilespmem:v46+s13+$0x0] =	vst.idx.msk $0xffff, v41  }
0x2fc: {  	[tilespmem:v60+s13+$0x0] =	vst.idx.msk $0xffff, v42  }
0x2fd: {  	[tilespmem:v62+s13+$0x0] =	vst.idx.msk $0xffff, v61  }
0x2fe: {  	[tilespmem:v58+s13+$0x0] =	vst.idx.msk $0xffff, v57  }
0x2ff: {  	[tilespmem:v55+s13+$0x0] =	vst.idx.msk $0xffff, v63  }
0x300: {  	[tilespmem:v59+s13+$0x0] =	vst.idx.msk $0xffff, v0  }
0x301: {  	v40 =	vld [tilespmem:$0x18D0];
	_ =	sdelay $0x3  }
0x302: {  	s25 =	simm.s32 $0x0  }
0x303: {  	s26 =	simm.s32 $0x7;
	v0 =	vadd.s32 s25, v40  }
0x304: {  	s28 =	simm.s32 $0x6;
	v60 =	vadd.s32 s26, v40  }
0x305: {  	s29 =	simm.s32 $0x5;
	v61 =	vadd.s32 s28, v40  }
0x306: {  	s30 =	simm.s32 $0x4;
	v62 =	vadd.s32 s29, v40  }
0x307: {  	s31 =	simm.s32 $0x3;
	v63 =	vadd.s32 s30, v40  }
0x308: {  	s23 =	simm.s32 $0x2;
	v45 =	vadd.s32 s31, v40;
	v0 =	vld.idx.msk [tilespmem:v0+s2+$0x0], $0xffff  }
0x309: {  	s24 =	simm.s32 $0x1;
	v48 =	vor.u32 s25, v37;
	v49 =	vadd.s32 s23, v40;
	v53 =	vld.idx.msk [tilespmem:v60+s2+$0x0], $0xffff  }
0x30a: {  	v55 =	vor.u32 s26, v37;
	s25 =	simm.s32 $0x8;
	v52 =	vadd.s32 s24, v40;
	v54 =	vld.idx.msk [tilespmem:v61+s2+$0x0], $0xffff  }
0x30b: {  	s18 =	simm.s32 $0xF;
	v58 =	vor.u32 s28, v37;
	v56 =	vadd.s32 s25, v40;
	v57 =	vld.idx.msk [tilespmem:v62+s2+$0x0], $0xffff  }
0x30c: {  	s16 =	simm.s32 $0xE;
	v59 =	vadd.s32 s18, v40;
	v41 =	vld.idx.msk [tilespmem:v63+s2+$0x0], $0xffff;
	v60 =	vor.u32 s29, v37  }
0x30d: {  	s17 =	simm.s32 $0xD;
	v50 =	vor.u32 s30, v37;
	v46 =	vadd.s32 s16, v40;
	v42 =	vld.idx.msk [tilespmem:v45+s2+$0x0], $0xffff  }
0x30e: {  	s19 =	simm.s32 $0xC;
	v51 =	vor.u32 s31, v37;
	v47 =	vadd.s32 s17, v40;
	v43 =	vld.idx.msk [tilespmem:v49+s2+$0x0], $0xffff;
	[tilespmem:v48+s13+$0x0] =	vst.idx.msk $0xffff, v0  }
0x30f: {  	s20 =	simm.s32 $0xB;
	v49 =	vadd.s32 s19, v40;
	v44 =	vld.idx.msk [tilespmem:v52+s2+$0x0], $0xffff;
	v52 =	vor.u32 s23, v37;
	[tilespmem:v55+s13+$0x0] =	vst.idx.msk $0xffff, v53  }
0x310: {  	s21 =	simm.s32 $0xA;
	v45 =	vld.idx.msk [tilespmem:v56+s2+$0x0], $0xffff;
	v53 =	vadd.s32 s20, v40;
	v55 =	vor.u32 s24, v37;
	[tilespmem:v58+s13+$0x0] =	vst.idx.msk $0xffff, v54  }
0x311: {  	s22 =	simm.s32 $0x9;
	s23 =	simm.s32 $0x10;
	v56 =	vadd.s32 s21, v40;
	v54 =	vor.u32 s25, v37;
	v48 =	vld.idx.msk [tilespmem:v59+s2+$0x0], $0xffff;
	[tilespmem:v60+s13+$0x0] =	vst.idx.msk $0xffff, v57  }
.LBB2_28:
0x312: {  	p0 =	slt.u32 s23, $0xF8;
	v0 =	vadd.s32 s22, v40;
	v57 =	vld.idx.msk [tilespmem:v46+s2+$0x0], $0xffff;
	v58 =	vor.u32 s18, v37;
	[tilespmem:v50+s13+$0x0] =	vst.idx.msk $0xffff, v41  }
0x313: {  	v59 =	vadd.s32 s23, v40;
	s18 =	sadd.s32 $0x7, s23;
	v61 =	vor.u32 s16, v37;
	v60 =	vld.idx.msk [tilespmem:v47+s2+$0x0], $0xffff;
	[tilespmem:v51+s13+$0x0] =	vst.idx.msk $0xffff, v42  }
0x314: {  	s16 =	sadd.s32 $0x6, s23;
	v63 =	vor.u32 s17, v37;
	v62 =	vadd.s32 s18, v40;
	v41 =	vld.idx.msk [tilespmem:v49+s2+$0x0], $0xffff;
	[tilespmem:v52+s13+$0x0] =	vst.idx.msk $0xffff, v43  }
.Ltmp13:
0x315: {  	s17 =	sadd.s32 $0x5, s23;
	v50 =	vor.u32 s19, v37;
	v46 =	vadd.s32 s16, v40;
	v42 =	vld.idx.msk [tilespmem:v53+s2+$0x0], $0xffff;
	[tilespmem:v55+s13+$0x0] =	vst.idx.msk $0xffff, v44;
	(pc) =	sbr.rel @p0 .LBB2_28-.Ltmp13, $4  }
0x316: {  	s19 =	sadd.s32 $0x4, s23;
	v47 =	vadd.s32 s17, v40;
	v51 =	vor.u32 s20, v37;
	[tilespmem:v54+s13+$0x0] =	vst.idx.msk $0xffff, v45;
	v43 =	vld.idx.msk [tilespmem:v56+s2+$0x0], $0xffff  }
0x317: {  	s20 =	sadd.s32 $0x3, s23;
	v49 =	vadd.s32 s19, v40;
	v52 =	vor.u32 s21, v37;
	v44 =	vld.idx.msk [tilespmem:v0+s2+$0x0], $0xffff;
	[tilespmem:v58+s13+$0x0] =	vst.idx.msk $0xffff, v48  }
0x318: {  	s21 =	sadd.s32 $0x2, s23;
	v53 =	vadd.s32 s20, v40;
	v55 =	vor.u32 s22, v37;
	v45 =	vld.idx.msk [tilespmem:v59+s2+$0x0], $0xffff;
	[tilespmem:v61+s13+$0x0] =	vst.idx.msk $0xffff, v57  }
0x319: {  	s22 =	sadd.s32 $0x1, s23;
	v54 =	vor.u32 s23, v37;
	v56 =	vadd.s32 s21, v40;
	s23 =	sadd.s32 $0x8, s23;
	v48 =	vld.idx.msk [tilespmem:v62+s2+$0x0], $0xffff;
	[tilespmem:v63+s13+$0x0] =	vst.idx.msk $0xffff, v60  }
0x31a: {  	_ =	sdelay $0x3  }
0x31b: {  	v0 =	vor.u32 s18, v37;
	[tilespmem:v50+s13+$0x0] =	vst.idx.msk $0xffff, v41  }
0x31c: {  	v40 =	vadd.s32 s22, v40;
	v41 =	vld.idx.msk [tilespmem:v46+s2+$0x0], $0xffff;
	v46 =	vor.u32 s16, v37;
	[tilespmem:v51+s13+$0x0] =	vst.idx.msk $0xffff, v42  }
0x31d: {  	v42 =	vld.idx.msk [tilespmem:v47+s2+$0x0], $0xffff;
	v60 =	vor.u32 s17, v37;
	[tilespmem:v52+s13+$0x0] =	vst.idx.msk $0xffff, v43  }
0x31e: {  	v61 =	vld.idx.msk [tilespmem:v49+s2+$0x0], $0xffff;
	v62 =	vor.u32 s19, v37;
	[tilespmem:v55+s13+$0x0] =	vst.idx.msk $0xffff, v44  }
0x31f: {  	v57 =	vld.idx.msk [tilespmem:v56+s2+$0x0], $0xffff;
	v58 =	vor.u32 s21, v37;
	[tilespmem:v54+s13+$0x0] =	vst.idx.msk $0xffff, v45  }
0x320: {  	v63 =	vld.idx.msk [tilespmem:v53+s2+$0x0], $0xffff;
	v55 =	vor.u32 s20, v37;
	[tilespmem:v0+s13+$0x0] =	vst.idx.msk $0xffff, v48  }
0x321: {  	v59 =	vor.u32 s22, v37;
	v0 =	vld.idx.msk [tilespmem:v40+s2+$0x0], $0xffff;
	[tilespmem:v46+s13+$0x0] =	vst.idx.msk $0xffff, v41  }
0x322: {  	[tilespmem:v60+s13+$0x0] =	vst.idx.msk $0xffff, v42  }
0x323: {  	[tilespmem:v62+s13+$0x0] =	vst.idx.msk $0xffff, v61  }
0x324: {  	[tilespmem:v58+s13+$0x0] =	vst.idx.msk $0xffff, v57  }
0x325: {  	[tilespmem:v55+s13+$0x0] =	vst.idx.msk $0xffff, v63  }
0x326: {  	[tilespmem:v59+s13+$0x0] =	vst.idx.msk $0xffff, v0  }
0x327: {  	v40 =	vld [tilespmem:$0x18E0];
	_ =	sdelay $0x3  }
0x328: {  	s25 =	simm.s32 $0x0  }
0x329: {  	s26 =	simm.s32 $0x7;
	v0 =	vadd.s32 s25, v40  }
0x32a: {  	s28 =	simm.s32 $0x6;
	v60 =	vadd.s32 s26, v40  }
0x32b: {  	s29 =	simm.s32 $0x5;
	v61 =	vadd.s32 s28, v40  }
0x32c: {  	s30 =	simm.s32 $0x4;
	v62 =	vadd.s32 s29, v40  }
0x32d: {  	s31 =	simm.s32 $0x3;
	v63 =	vadd.s32 s30, v40  }
0x32e: {  	s23 =	simm.s32 $0x2;
	v45 =	vadd.s32 s31, v40;
	v0 =	vld.idx.msk [tilespmem:v0+s2+$0x0], $0xffff  }
0x32f: {  	s24 =	simm.s32 $0x1;
	v48 =	vor.u32 s25, v38;
	v49 =	vadd.s32 s23, v40;
	v53 =	vld.idx.msk [tilespmem:v60+s2+$0x0], $0xffff  }
0x330: {  	v55 =	vor.u32 s26, v38;
	s25 =	simm.s32 $0x8;
	v52 =	vadd.s32 s24, v40;
	v54 =	vld.idx.msk [tilespmem:v61+s2+$0x0], $0xffff  }
0x331: {  	s18 =	simm.s32 $0xF;
	v58 =	vor.u32 s28, v38;
	v56 =	vadd.s32 s25, v40;
	v57 =	vld.idx.msk [tilespmem:v62+s2+$0x0], $0xffff  }
0x332: {  	s16 =	simm.s32 $0xE;
	v59 =	vadd.s32 s18, v40;
	v41 =	vld.idx.msk [tilespmem:v63+s2+$0x0], $0xffff;
	v60 =	vor.u32 s29, v38  }
0x333: {  	s17 =	simm.s32 $0xD;
	v50 =	vor.u32 s30, v38;
	v46 =	vadd.s32 s16, v40;
	v42 =	vld.idx.msk [tilespmem:v45+s2+$0x0], $0xffff  }
0x334: {  	s19 =	simm.s32 $0xC;
	v51 =	vor.u32 s31, v38;
	v47 =	vadd.s32 s17, v40;
	v43 =	vld.idx.msk [tilespmem:v49+s2+$0x0], $0xffff;
	[tilespmem:v48+s13+$0x0] =	vst.idx.msk $0xffff, v0  }
0x335: {  	s20 =	simm.s32 $0xB;
	v49 =	vadd.s32 s19, v40;
	v44 =	vld.idx.msk [tilespmem:v52+s2+$0x0], $0xffff;
	v52 =	vor.u32 s23, v38;
	[tilespmem:v55+s13+$0x0] =	vst.idx.msk $0xffff, v53  }
0x336: {  	s21 =	simm.s32 $0xA;
	v45 =	vld.idx.msk [tilespmem:v56+s2+$0x0], $0xffff;
	v53 =	vadd.s32 s20, v40;
	v55 =	vor.u32 s24, v38;
	[tilespmem:v58+s13+$0x0] =	vst.idx.msk $0xffff, v54  }
0x337: {  	s22 =	simm.s32 $0x9;
	s23 =	simm.s32 $0x10;
	v56 =	vadd.s32 s21, v40;
	v54 =	vor.u32 s25, v38;
	v48 =	vld.idx.msk [tilespmem:v59+s2+$0x0], $0xffff;
	[tilespmem:v60+s13+$0x0] =	vst.idx.msk $0xffff, v57  }
.LBB2_30:
0x338: {  	p0 =	slt.u32 s23, $0xF8;
	v0 =	vadd.s32 s22, v40;
	v57 =	vld.idx.msk [tilespmem:v46+s2+$0x0], $0xffff;
	v58 =	vor.u32 s18, v38;
	[tilespmem:v50+s13+$0x0] =	vst.idx.msk $0xffff, v41  }
0x339: {  	v59 =	vadd.s32 s23, v40;
	s18 =	sadd.s32 $0x7, s23;
	v61 =	vor.u32 s16, v38;
	v60 =	vld.idx.msk [tilespmem:v47+s2+$0x0], $0xffff;
	[tilespmem:v51+s13+$0x0] =	vst.idx.msk $0xffff, v42  }
0x33a: {  	s16 =	sadd.s32 $0x6, s23;
	v63 =	vor.u32 s17, v38;
	v62 =	vadd.s32 s18, v40;
	v41 =	vld.idx.msk [tilespmem:v49+s2+$0x0], $0xffff;
	[tilespmem:v52+s13+$0x0] =	vst.idx.msk $0xffff, v43  }
.Ltmp14:
0x33b: {  	s17 =	sadd.s32 $0x5, s23;
	v50 =	vor.u32 s19, v38;
	v46 =	vadd.s32 s16, v40;
	v42 =	vld.idx.msk [tilespmem:v53+s2+$0x0], $0xffff;
	[tilespmem:v55+s13+$0x0] =	vst.idx.msk $0xffff, v44;
	(pc) =	sbr.rel @p0 .LBB2_30-.Ltmp14, $4  }
0x33c: {  	s19 =	sadd.s32 $0x4, s23;
	v47 =	vadd.s32 s17, v40;
	v51 =	vor.u32 s20, v38;
	[tilespmem:v54+s13+$0x0] =	vst.idx.msk $0xffff, v45;
	v43 =	vld.idx.msk [tilespmem:v56+s2+$0x0], $0xffff  }
0x33d: {  	s20 =	sadd.s32 $0x3, s23;
	v49 =	vadd.s32 s19, v40;
	v52 =	vor.u32 s21, v38;
	v44 =	vld.idx.msk [tilespmem:v0+s2+$0x0], $0xffff;
	[tilespmem:v58+s13+$0x0] =	vst.idx.msk $0xffff, v48  }
0x33e: {  	s21 =	sadd.s32 $0x2, s23;
	v53 =	vadd.s32 s20, v40;
	v55 =	vor.u32 s22, v38;
	v45 =	vld.idx.msk [tilespmem:v59+s2+$0x0], $0xffff;
	[tilespmem:v61+s13+$0x0] =	vst.idx.msk $0xffff, v57  }
0x33f: {  	s22 =	sadd.s32 $0x1, s23;
	v54 =	vor.u32 s23, v38;
	v56 =	vadd.s32 s21, v40;
	s23 =	sadd.s32 $0x8, s23;
	v48 =	vld.idx.msk [tilespmem:v62+s2+$0x0], $0xffff;
	[tilespmem:v63+s13+$0x0] =	vst.idx.msk $0xffff, v60  }
0x340: {  	_ =	sdelay $0x3  }
0x341: {  	v0 =	vor.u32 s18, v38;
	[tilespmem:v50+s13+$0x0] =	vst.idx.msk $0xffff, v41  }
0x342: {  	v40 =	vadd.s32 s22, v40;
	v41 =	vld.idx.msk [tilespmem:v46+s2+$0x0], $0xffff;
	v46 =	vor.u32 s16, v38;
	[tilespmem:v51+s13+$0x0] =	vst.idx.msk $0xffff, v42  }
0x343: {  	v42 =	vld.idx.msk [tilespmem:v47+s2+$0x0], $0xffff;
	v60 =	vor.u32 s17, v38;
	[tilespmem:v52+s13+$0x0] =	vst.idx.msk $0xffff, v43  }
0x344: {  	v61 =	vld.idx.msk [tilespmem:v49+s2+$0x0], $0xffff;
	v62 =	vor.u32 s19, v38;
	[tilespmem:v55+s13+$0x0] =	vst.idx.msk $0xffff, v44  }
0x345: {  	v57 =	vld.idx.msk [tilespmem:v56+s2+$0x0], $0xffff;
	v58 =	vor.u32 s21, v38;
	[tilespmem:v54+s13+$0x0] =	vst.idx.msk $0xffff, v45  }
0x346: {  	v63 =	vld.idx.msk [tilespmem:v53+s2+$0x0], $0xffff;
	v55 =	vor.u32 s20, v38;
	[tilespmem:v0+s13+$0x0] =	vst.idx.msk $0xffff, v48  }
0x347: {  	v59 =	vor.u32 s22, v38;
	v0 =	vld.idx.msk [tilespmem:v40+s2+$0x0], $0xffff;
	[tilespmem:v46+s13+$0x0] =	vst.idx.msk $0xffff, v41  }
0x348: {  	[tilespmem:v60+s13+$0x0] =	vst.idx.msk $0xffff, v42  }
0x349: {  	[tilespmem:v62+s13+$0x0] =	vst.idx.msk $0xffff, v61  }
0x34a: {  	[tilespmem:v58+s13+$0x0] =	vst.idx.msk $0xffff, v57  }
0x34b: {  	[tilespmem:v55+s13+$0x0] =	vst.idx.msk $0xffff, v63  }
0x34c: {  	[tilespmem:v59+s13+$0x0] =	vst.idx.msk $0xffff, v0  }
0x34d: {  	v40 =	vld [tilespmem:$0x18F0];
	_ =	sdelay $0x3  }
0x34e: {  	s25 =	simm.s32 $0x0  }
0x34f: {  	s26 =	simm.s32 $0x7;
	v0 =	vadd.s32 s25, v40  }
0x350: {  	s28 =	simm.s32 $0x6;
	v60 =	vadd.s32 s26, v40  }
0x351: {  	s29 =	simm.s32 $0x5;
	v61 =	vadd.s32 s28, v40  }
0x352: {  	s30 =	simm.s32 $0x4;
	v62 =	vadd.s32 s29, v40  }
0x353: {  	s31 =	simm.s32 $0x3;
	v63 =	vadd.s32 s30, v40  }
0x354: {  	s23 =	simm.s32 $0x2;
	v45 =	vadd.s32 s31, v40;
	v0 =	vld.idx.msk [tilespmem:v0+s2+$0x0], $0xffff  }
0x355: {  	s24 =	simm.s32 $0x1;
	v48 =	vor.u32 s25, v39;
	v49 =	vadd.s32 s23, v40;
	v53 =	vld.idx.msk [tilespmem:v60+s2+$0x0], $0xffff  }
0x356: {  	v55 =	vor.u32 s26, v39;
	s25 =	simm.s32 $0x8;
	v52 =	vadd.s32 s24, v40;
	v54 =	vld.idx.msk [tilespmem:v61+s2+$0x0], $0xffff  }
0x357: {  	s18 =	simm.s32 $0xF;
	v58 =	vor.u32 s28, v39;
	v56 =	vadd.s32 s25, v40;
	v57 =	vld.idx.msk [tilespmem:v62+s2+$0x0], $0xffff  }
0x358: {  	s16 =	simm.s32 $0xE;
	v59 =	vadd.s32 s18, v40;
	v41 =	vld.idx.msk [tilespmem:v63+s2+$0x0], $0xffff;
	v60 =	vor.u32 s29, v39  }
0x359: {  	s17 =	simm.s32 $0xD;
	v50 =	vor.u32 s30, v39;
	v46 =	vadd.s32 s16, v40;
	v42 =	vld.idx.msk [tilespmem:v45+s2+$0x0], $0xffff  }
0x35a: {  	s19 =	simm.s32 $0xC;
	v51 =	vor.u32 s31, v39;
	v47 =	vadd.s32 s17, v40;
	v43 =	vld.idx.msk [tilespmem:v49+s2+$0x0], $0xffff;
	[tilespmem:v48+s13+$0x0] =	vst.idx.msk $0xffff, v0  }
0x35b: {  	s20 =	simm.s32 $0xB;
	v49 =	vadd.s32 s19, v40;
	v44 =	vld.idx.msk [tilespmem:v52+s2+$0x0], $0xffff;
	v52 =	vor.u32 s23, v39;
	[tilespmem:v55+s13+$0x0] =	vst.idx.msk $0xffff, v53  }
0x35c: {  	s21 =	simm.s32 $0xA;
	v45 =	vld.idx.msk [tilespmem:v56+s2+$0x0], $0xffff;
	v53 =	vadd.s32 s20, v40;
	v55 =	vor.u32 s24, v39;
	[tilespmem:v58+s13+$0x0] =	vst.idx.msk $0xffff, v54  }
0x35d: {  	s22 =	simm.s32 $0x9;
	s23 =	simm.s32 $0x10;
	v56 =	vadd.s32 s21, v40;
	v54 =	vor.u32 s25, v39;
	v48 =	vld.idx.msk [tilespmem:v59+s2+$0x0], $0xffff;
	[tilespmem:v60+s13+$0x0] =	vst.idx.msk $0xffff, v57  }
.LBB2_32:
0x35e: {  	p0 =	slt.u32 s23, $0xF8;
	v0 =	vadd.s32 s22, v40;
	v57 =	vld.idx.msk [tilespmem:v46+s2+$0x0], $0xffff;
	v58 =	vor.u32 s18, v39;
	[tilespmem:v50+s13+$0x0] =	vst.idx.msk $0xffff, v41  }
0x35f: {  	v59 =	vadd.s32 s23, v40;
	s18 =	sadd.s32 $0x7, s23;
	v61 =	vor.u32 s16, v39;
	v60 =	vld.idx.msk [tilespmem:v47+s2+$0x0], $0xffff;
	[tilespmem:v51+s13+$0x0] =	vst.idx.msk $0xffff, v42  }
0x360: {  	s16 =	sadd.s32 $0x6, s23;
	v63 =	vor.u32 s17, v39;
	v62 =	vadd.s32 s18, v40;
	v41 =	vld.idx.msk [tilespmem:v49+s2+$0x0], $0xffff;
	[tilespmem:v52+s13+$0x0] =	vst.idx.msk $0xffff, v43  }
.Ltmp15:
0x361: {  	s17 =	sadd.s32 $0x5, s23;
	v50 =	vor.u32 s19, v39;
	v46 =	vadd.s32 s16, v40;
	v42 =	vld.idx.msk [tilespmem:v53+s2+$0x0], $0xffff;
	[tilespmem:v55+s13+$0x0] =	vst.idx.msk $0xffff, v44;
	(pc) =	sbr.rel @p0 .LBB2_32-.Ltmp15, $4  }
0x362: {  	s19 =	sadd.s32 $0x4, s23;
	v47 =	vadd.s32 s17, v40;
	v51 =	vor.u32 s20, v39;
	[tilespmem:v54+s13+$0x0] =	vst.idx.msk $0xffff, v45;
	v43 =	vld.idx.msk [tilespmem:v56+s2+$0x0], $0xffff  }
0x363: {  	s20 =	sadd.s32 $0x3, s23;
	v49 =	vadd.s32 s19, v40;
	v52 =	vor.u32 s21, v39;
	v44 =	vld.idx.msk [tilespmem:v0+s2+$0x0], $0xffff;
	[tilespmem:v58+s13+$0x0] =	vst.idx.msk $0xffff, v48  }
0x364: {  	s21 =	sadd.s32 $0x2, s23;
	v53 =	vadd.s32 s20, v40;
	v55 =	vor.u32 s22, v39;
	v45 =	vld.idx.msk [tilespmem:v59+s2+$0x0], $0xffff;
	[tilespmem:v61+s13+$0x0] =	vst.idx.msk $0xffff, v57  }
0x365: {  	s22 =	sadd.s32 $0x1, s23;
	v54 =	vor.u32 s23, v39;
	v56 =	vadd.s32 s21, v40;
	s23 =	sadd.s32 $0x8, s23;
	v48 =	vld.idx.msk [tilespmem:v62+s2+$0x0], $0xffff;
	[tilespmem:v63+s13+$0x0] =	vst.idx.msk $0xffff, v60  }
0x366: {  	_ =	sdelay $0x3  }
0x367: {  	v0 =	vor.u32 s18, v39;
	[tilespmem:v50+s13+$0x0] =	vst.idx.msk $0xffff, v41  }
0x368: {  	v40 =	vadd.s32 s22, v40;
	v41 =	vld.idx.msk [tilespmem:v46+s2+$0x0], $0xffff;
	v46 =	vor.u32 s16, v39;
	[tilespmem:v51+s13+$0x0] =	vst.idx.msk $0xffff, v42  }
0x369: {  	v42 =	vld.idx.msk [tilespmem:v47+s2+$0x0], $0xffff;
	v60 =	vor.u32 s17, v39;
	[tilespmem:v52+s13+$0x0] =	vst.idx.msk $0xffff, v43  }
0x36a: {  	v61 =	vld.idx.msk [tilespmem:v49+s2+$0x0], $0xffff;
	v62 =	vor.u32 s19, v39;
	[tilespmem:v55+s13+$0x0] =	vst.idx.msk $0xffff, v44  }
0x36b: {  	v57 =	vld.idx.msk [tilespmem:v56+s2+$0x0], $0xffff;
	v58 =	vor.u32 s21, v39;
	[tilespmem:v54+s13+$0x0] =	vst.idx.msk $0xffff, v45  }
0x36c: {  	v63 =	vld.idx.msk [tilespmem:v53+s2+$0x0], $0xffff;
	v55 =	vor.u32 s20, v39;
	[tilespmem:v0+s13+$0x0] =	vst.idx.msk $0xffff, v48  }
0x36d: {  	v59 =	vor.u32 s22, v39;
	v0 =	vld.idx.msk [tilespmem:v40+s2+$0x0], $0xffff;
	[tilespmem:v46+s13+$0x0] =	vst.idx.msk $0xffff, v41  }
0x36e: {  	[tilespmem:v60+s13+$0x0] =	vst.idx.msk $0xffff, v42  }
0x36f: {  	[tilespmem:v62+s13+$0x0] =	vst.idx.msk $0xffff, v61  }
0x370: {  	[tilespmem:v58+s13+$0x0] =	vst.idx.msk $0xffff, v57  }
0x371: {  	[tilespmem:v55+s13+$0x0] =	vst.idx.msk $0xffff, v63  }
0x372: {  	s25 =	simm.s32 $0x0;
	[tilespmem:v59+s13+$0x0] =	vst.idx.msk $0xffff, v0  }
0x373: {  	[hbm4b:s6+s25] =	stream.linear.scatter [tilespmem:s13], [sflag:$0x1], $0x8000, $0x38;
	[tilespmem:$0x11A00] =	vst v63  }
0x374: {  	_ =	swait.ge [sflag:s14], $0x8000  }
0x375: {  	[sflag:s14] =	ssyncset.done $0x0  }
0x376: {  	[sflag:s14] =	ssyncadd.s32 $0xFFFF8000  }
0x377: {  	v40 =	vld [tilespmem:$0x1900];
	_ =	sdelay $0x4  }
0x378: {  	s26 =	simm.s32 $0x7;
	v0 =	vadd.s32 s25, v40  }
0x379: {  	s28 =	simm.s32 $0x6;
	v60 =	vadd.s32 s26, v40  }
0x37a: {  	s29 =	simm.s32 $0x5;
	v61 =	vadd.s32 s28, v40  }
0x37b: {  	s30 =	simm.s32 $0x4;
	v62 =	vadd.s32 s29, v40  }
0x37c: {  	s31 =	simm.s32 $0x3;
	v63 =	vadd.s32 s30, v40  }
0x37d: {  	s23 =	simm.s32 $0x2;
	v45 =	vadd.s32 s31, v40;
	v0 =	vld.idx.msk [tilespmem:v0+s2+$0x0], $0xffff  }
0x37e: {  	s24 =	simm.s32 $0x1;
	v48 =	vor.u32 s25, v27;
	v49 =	vadd.s32 s23, v40;
	v53 =	vld.idx.msk [tilespmem:v60+s2+$0x0], $0xffff  }
0x37f: {  	v55 =	vor.u32 s26, v27;
	s25 =	simm.s32 $0x8;
	v52 =	vadd.s32 s24, v40;
	v54 =	vld.idx.msk [tilespmem:v61+s2+$0x0], $0xffff  }
0x380: {  	s18 =	simm.s32 $0xF;
	v58 =	vor.u32 s28, v27;
	v56 =	vadd.s32 s25, v40;
	v57 =	vld.idx.msk [tilespmem:v62+s2+$0x0], $0xffff  }
0x381: {  	s16 =	simm.s32 $0xE;
	v59 =	vadd.s32 s18, v40;
	v41 =	vld.idx.msk [tilespmem:v63+s2+$0x0], $0xffff;
	v60 =	vor.u32 s29, v27  }
0x382: {  	s17 =	simm.s32 $0xD;
	v50 =	vor.u32 s30, v27;
	v46 =	vadd.s32 s16, v40;
	v42 =	vld.idx.msk [tilespmem:v45+s2+$0x0], $0xffff  }
0x383: {  	s19 =	simm.s32 $0xC;
	v51 =	vor.u32 s31, v27;
	v47 =	vadd.s32 s17, v40;
	v43 =	vld.idx.msk [tilespmem:v49+s2+$0x0], $0xffff;
	[tilespmem:v48+s12+$0x0] =	vst.idx.msk $0xffff, v0  }
0x384: {  	s20 =	simm.s32 $0xB;
	v49 =	vadd.s32 s19, v40;
	v44 =	vld.idx.msk [tilespmem:v52+s2+$0x0], $0xffff;
	v52 =	vor.u32 s23, v27;
	[tilespmem:v55+s12+$0x0] =	vst.idx.msk $0xffff, v53  }
0x385: {  	s21 =	simm.s32 $0xA;
	v45 =	vld.idx.msk [tilespmem:v56+s2+$0x0], $0xffff;
	v53 =	vadd.s32 s20, v40;
	v55 =	vor.u32 s24, v27;
	[tilespmem:v58+s12+$0x0] =	vst.idx.msk $0xffff, v54  }
0x386: {  	s22 =	simm.s32 $0x9;
	s23 =	simm.s32 $0x10;
	v56 =	vadd.s32 s21, v40;
	v54 =	vor.u32 s25, v27;
	v48 =	vld.idx.msk [tilespmem:v59+s2+$0x0], $0xffff;
	[tilespmem:v60+s12+$0x0] =	vst.idx.msk $0xffff, v57  }
.LBB2_34:
0x387: {  	p0 =	slt.u32 s23, $0xF8;
	v0 =	vadd.s32 s22, v40;
	v57 =	vld.idx.msk [tilespmem:v46+s2+$0x0], $0xffff;
	v58 =	vor.u32 s18, v27;
	[tilespmem:v50+s12+$0x0] =	vst.idx.msk $0xffff, v41  }
0x388: {  	v59 =	vadd.s32 s23, v40;
	s18 =	sadd.s32 $0x7, s23;
	v61 =	vor.u32 s16, v27;
	v60 =	vld.idx.msk [tilespmem:v47+s2+$0x0], $0xffff;
	[tilespmem:v51+s12+$0x0] =	vst.idx.msk $0xffff, v42  }
0x389: {  	s16 =	sadd.s32 $0x6, s23;
	v63 =	vor.u32 s17, v27;
	v62 =	vadd.s32 s18, v40;
	v41 =	vld.idx.msk [tilespmem:v49+s2+$0x0], $0xffff;
	[tilespmem:v52+s12+$0x0] =	vst.idx.msk $0xffff, v43  }
.Ltmp16:
0x38a: {  	s17 =	sadd.s32 $0x5, s23;
	v50 =	vor.u32 s19, v27;
	v46 =	vadd.s32 s16, v40;
	v42 =	vld.idx.msk [tilespmem:v53+s2+$0x0], $0xffff;
	[tilespmem:v55+s12+$0x0] =	vst.idx.msk $0xffff, v44;
	(pc) =	sbr.rel @p0 .LBB2_34-.Ltmp16, $4  }
0x38b: {  	s19 =	sadd.s32 $0x4, s23;
	v47 =	vadd.s32 s17, v40;
	v51 =	vor.u32 s20, v27;
	[tilespmem:v54+s12+$0x0] =	vst.idx.msk $0xffff, v45;
	v43 =	vld.idx.msk [tilespmem:v56+s2+$0x0], $0xffff  }
0x38c: {  	s20 =	sadd.s32 $0x3, s23;
	v49 =	vadd.s32 s19, v40;
	v52 =	vor.u32 s21, v27;
	v44 =	vld.idx.msk [tilespmem:v0+s2+$0x0], $0xffff;
	[tilespmem:v58+s12+$0x0] =	vst.idx.msk $0xffff, v48  }
0x38d: {  	s21 =	sadd.s32 $0x2, s23;
	v53 =	vadd.s32 s20, v40;
	v55 =	vor.u32 s22, v27;
	v45 =	vld.idx.msk [tilespmem:v59+s2+$0x0], $0xffff;
	[tilespmem:v61+s12+$0x0] =	vst.idx.msk $0xffff, v57  }
0x38e: {  	s22 =	sadd.s32 $0x1, s23;
	v54 =	vor.u32 s23, v27;
	v56 =	vadd.s32 s21, v40;
	s23 =	sadd.s32 $0x8, s23;
	v48 =	vld.idx.msk [tilespmem:v62+s2+$0x0], $0xffff;
	[tilespmem:v63+s12+$0x0] =	vst.idx.msk $0xffff, v60  }
0x38f: {  	_ =	sdelay $0x3  }
0x390: {  	v0 =	vor.u32 s18, v27;
	[tilespmem:v50+s12+$0x0] =	vst.idx.msk $0xffff, v41  }
0x391: {  	v40 =	vadd.s32 s22, v40;
	v41 =	vld.idx.msk [tilespmem:v46+s2+$0x0], $0xffff;
	v46 =	vor.u32 s16, v27;
	[tilespmem:v51+s12+$0x0] =	vst.idx.msk $0xffff, v42  }
0x392: {  	v42 =	vld.idx.msk [tilespmem:v47+s2+$0x0], $0xffff;
	v60 =	vor.u32 s17, v27;
	[tilespmem:v52+s12+$0x0] =	vst.idx.msk $0xffff, v43  }
0x393: {  	v61 =	vld.idx.msk [tilespmem:v49+s2+$0x0], $0xffff;
	v62 =	vor.u32 s19, v27;
	[tilespmem:v55+s12+$0x0] =	vst.idx.msk $0xffff, v44  }
0x394: {  	v57 =	vld.idx.msk [tilespmem:v56+s2+$0x0], $0xffff;
	v58 =	vor.u32 s21, v27;
	[tilespmem:v54+s12+$0x0] =	vst.idx.msk $0xffff, v45  }
0x395: {  	v63 =	vld.idx.msk [tilespmem:v53+s2+$0x0], $0xffff;
	v55 =	vor.u32 s20, v27;
	[tilespmem:v0+s12+$0x0] =	vst.idx.msk $0xffff, v48  }
0x396: {  	v59 =	vor.u32 s22, v27;
	v0 =	vld.idx.msk [tilespmem:v40+s2+$0x0], $0xffff;
	[tilespmem:v46+s12+$0x0] =	vst.idx.msk $0xffff, v41  }
0x397: {  	[tilespmem:v60+s12+$0x0] =	vst.idx.msk $0xffff, v42  }
0x398: {  	[tilespmem:v62+s12+$0x0] =	vst.idx.msk $0xffff, v61  }
0x399: {  	[tilespmem:v58+s12+$0x0] =	vst.idx.msk $0xffff, v57  }
0x39a: {  	[tilespmem:v55+s12+$0x0] =	vst.idx.msk $0xffff, v63  }
0x39b: {  	[tilespmem:v59+s12+$0x0] =	vst.idx.msk $0xffff, v0  }
0x39c: {  	v40 =	vld [tilespmem:$0x1910];
	_ =	sdelay $0x3  }
0x39d: {  	s25 =	simm.s32 $0x0  }
0x39e: {  	s26 =	simm.s32 $0x7;
	v0 =	vadd.s32 s25, v40  }
0x39f: {  	s28 =	simm.s32 $0x6;
	v60 =	vadd.s32 s26, v40  }
0x3a0: {  	s29 =	simm.s32 $0x5;
	v61 =	vadd.s32 s28, v40  }
0x3a1: {  	s30 =	simm.s32 $0x4;
	v62 =	vadd.s32 s29, v40  }
0x3a2: {  	s31 =	simm.s32 $0x3;
	v63 =	vadd.s32 s30, v40  }
0x3a3: {  	s23 =	simm.s32 $0x2;
	v45 =	vadd.s32 s31, v40;
	v0 =	vld.idx.msk [tilespmem:v0+s2+$0x0], $0xffff  }
0x3a4: {  	s24 =	simm.s32 $0x1;
	v48 =	vor.u32 s25, v33;
	v49 =	vadd.s32 s23, v40;
	v53 =	vld.idx.msk [tilespmem:v60+s2+$0x0], $0xffff  }
0x3a5: {  	v55 =	vor.u32 s26, v33;
	s25 =	simm.s32 $0x8;
	v52 =	vadd.s32 s24, v40;
	v54 =	vld.idx.msk [tilespmem:v61+s2+$0x0], $0xffff  }
0x3a6: {  	s18 =	simm.s32 $0xF;
	v58 =	vor.u32 s28, v33;
	v56 =	vadd.s32 s25, v40;
	v57 =	vld.idx.msk [tilespmem:v62+s2+$0x0], $0xffff  }
0x3a7: {  	s16 =	simm.s32 $0xE;
	v59 =	vadd.s32 s18, v40;
	v41 =	vld.idx.msk [tilespmem:v63+s2+$0x0], $0xffff;
	v60 =	vor.u32 s29, v33  }
0x3a8: {  	s17 =	simm.s32 $0xD;
	v50 =	vor.u32 s30, v33;
	v46 =	vadd.s32 s16, v40;
	v42 =	vld.idx.msk [tilespmem:v45+s2+$0x0], $0xffff  }
0x3a9: {  	s19 =	simm.s32 $0xC;
	v51 =	vor.u32 s31, v33;
	v47 =	vadd.s32 s17, v40;
	v43 =	vld.idx.msk [tilespmem:v49+s2+$0x0], $0xffff;
	[tilespmem:v48+s12+$0x0] =	vst.idx.msk $0xffff, v0  }
0x3aa: {  	s20 =	simm.s32 $0xB;
	v49 =	vadd.s32 s19, v40;
	v44 =	vld.idx.msk [tilespmem:v52+s2+$0x0], $0xffff;
	v52 =	vor.u32 s23, v33;
	[tilespmem:v55+s12+$0x0] =	vst.idx.msk $0xffff, v53  }
0x3ab: {  	s21 =	simm.s32 $0xA;
	v45 =	vld.idx.msk [tilespmem:v56+s2+$0x0], $0xffff;
	v53 =	vadd.s32 s20, v40;
	v55 =	vor.u32 s24, v33;
	[tilespmem:v58+s12+$0x0] =	vst.idx.msk $0xffff, v54  }
0x3ac: {  	s22 =	simm.s32 $0x9;
	s23 =	simm.s32 $0x10;
	v56 =	vadd.s32 s21, v40;
	v54 =	vor.u32 s25, v33;
	v48 =	vld.idx.msk [tilespmem:v59+s2+$0x0], $0xffff;
	[tilespmem:v60+s12+$0x0] =	vst.idx.msk $0xffff, v57  }
.LBB2_36:
0x3ad: {  	p0 =	slt.u32 s23, $0xF8;
	v0 =	vadd.s32 s22, v40;
	v57 =	vld.idx.msk [tilespmem:v46+s2+$0x0], $0xffff;
	v58 =	vor.u32 s18, v33;
	[tilespmem:v50+s12+$0x0] =	vst.idx.msk $0xffff, v41  }
0x3ae: {  	v59 =	vadd.s32 s23, v40;
	s18 =	sadd.s32 $0x7, s23;
	v61 =	vor.u32 s16, v33;
	v60 =	vld.idx.msk [tilespmem:v47+s2+$0x0], $0xffff;
	[tilespmem:v51+s12+$0x0] =	vst.idx.msk $0xffff, v42  }
0x3af: {  	s16 =	sadd.s32 $0x6, s23;
	v63 =	vor.u32 s17, v33;
	v62 =	vadd.s32 s18, v40;
	v41 =	vld.idx.msk [tilespmem:v49+s2+$0x0], $0xffff;
	[tilespmem:v52+s12+$0x0] =	vst.idx.msk $0xffff, v43  }
.Ltmp17:
0x3b0: {  	s17 =	sadd.s32 $0x5, s23;
	v50 =	vor.u32 s19, v33;
	v46 =	vadd.s32 s16, v40;
	v42 =	vld.idx.msk [tilespmem:v53+s2+$0x0], $0xffff;
	[tilespmem:v55+s12+$0x0] =	vst.idx.msk $0xffff, v44;
	(pc) =	sbr.rel @p0 .LBB2_36-.Ltmp17, $4  }
0x3b1: {  	s19 =	sadd.s32 $0x4, s23;
	v47 =	vadd.s32 s17, v40;
	v51 =	vor.u32 s20, v33;
	[tilespmem:v54+s12+$0x0] =	vst.idx.msk $0xffff, v45;
	v43 =	vld.idx.msk [tilespmem:v56+s2+$0x0], $0xffff  }
0x3b2: {  	s20 =	sadd.s32 $0x3, s23;
	v49 =	vadd.s32 s19, v40;
	v52 =	vor.u32 s21, v33;
	v44 =	vld.idx.msk [tilespmem:v0+s2+$0x0], $0xffff;
	[tilespmem:v58+s12+$0x0] =	vst.idx.msk $0xffff, v48  }
0x3b3: {  	s21 =	sadd.s32 $0x2, s23;
	v53 =	vadd.s32 s20, v40;
	v55 =	vor.u32 s22, v33;
	v45 =	vld.idx.msk [tilespmem:v59+s2+$0x0], $0xffff;
	[tilespmem:v61+s12+$0x0] =	vst.idx.msk $0xffff, v57  }
0x3b4: {  	s22 =	sadd.s32 $0x1, s23;
	v54 =	vor.u32 s23, v33;
	v56 =	vadd.s32 s21, v40;
	s23 =	sadd.s32 $0x8, s23;
	v48 =	vld.idx.msk [tilespmem:v62+s2+$0x0], $0xffff;
	[tilespmem:v63+s12+$0x0] =	vst.idx.msk $0xffff, v60  }
0x3b5: {  	_ =	sdelay $0x3  }
0x3b6: {  	v0 =	vor.u32 s18, v33;
	[tilespmem:v50+s12+$0x0] =	vst.idx.msk $0xffff, v41  }
0x3b7: {  	v40 =	vadd.s32 s22, v40;
	v41 =	vld.idx.msk [tilespmem:v46+s2+$0x0], $0xffff;
	v46 =	vor.u32 s16, v33;
	[tilespmem:v51+s12+$0x0] =	vst.idx.msk $0xffff, v42  }
0x3b8: {  	v42 =	vld.idx.msk [tilespmem:v47+s2+$0x0], $0xffff;
	v60 =	vor.u32 s17, v33;
	[tilespmem:v52+s12+$0x0] =	vst.idx.msk $0xffff, v43  }
0x3b9: {  	v61 =	vld.idx.msk [tilespmem:v49+s2+$0x0], $0xffff;
	v62 =	vor.u32 s19, v33;
	[tilespmem:v55+s12+$0x0] =	vst.idx.msk $0xffff, v44  }
0x3ba: {  	v57 =	vld.idx.msk [tilespmem:v56+s2+$0x0], $0xffff;
	v58 =	vor.u32 s21, v33;
	[tilespmem:v54+s12+$0x0] =	vst.idx.msk $0xffff, v45  }
0x3bb: {  	v63 =	vld.idx.msk [tilespmem:v53+s2+$0x0], $0xffff;
	v55 =	vor.u32 s20, v33;
	[tilespmem:v0+s12+$0x0] =	vst.idx.msk $0xffff, v48  }
0x3bc: {  	v59 =	vor.u32 s22, v33;
	v0 =	vld.idx.msk [tilespmem:v40+s2+$0x0], $0xffff;
	[tilespmem:v46+s12+$0x0] =	vst.idx.msk $0xffff, v41  }
0x3bd: {  	[tilespmem:v60+s12+$0x0] =	vst.idx.msk $0xffff, v42  }
0x3be: {  	[tilespmem:v62+s12+$0x0] =	vst.idx.msk $0xffff, v61  }
0x3bf: {  	[tilespmem:v58+s12+$0x0] =	vst.idx.msk $0xffff, v57  }
0x3c0: {  	[tilespmem:v55+s12+$0x0] =	vst.idx.msk $0xffff, v63  }
0x3c1: {  	[tilespmem:v59+s12+$0x0] =	vst.idx.msk $0xffff, v0  }
0x3c2: {  	v40 =	vld [tilespmem:$0x1920];
	_ =	sdelay $0x3  }
0x3c3: {  	s25 =	simm.s32 $0x0  }
0x3c4: {  	s26 =	simm.s32 $0x7;
	v0 =	vadd.s32 s25, v40  }
0x3c5: {  	s28 =	simm.s32 $0x6;
	v60 =	vadd.s32 s26, v40  }
0x3c6: {  	s29 =	simm.s32 $0x5;
	v61 =	vadd.s32 s28, v40  }
0x3c7: {  	s30 =	simm.s32 $0x4;
	v62 =	vadd.s32 s29, v40  }
0x3c8: {  	s31 =	simm.s32 $0x3;
	v63 =	vadd.s32 s30, v40  }
0x3c9: {  	s23 =	simm.s32 $0x2;
	v45 =	vadd.s32 s31, v40;
	v0 =	vld.idx.msk [tilespmem:v0+s2+$0x0], $0xffff  }
0x3ca: {  	s24 =	simm.s32 $0x1;
	v48 =	vor.u32 s25, v34;
	v49 =	vadd.s32 s23, v40;
	v53 =	vld.idx.msk [tilespmem:v60+s2+$0x0], $0xffff  }
0x3cb: {  	v55 =	vor.u32 s26, v34;
	s25 =	simm.s32 $0x8;
	v52 =	vadd.s32 s24, v40;
	v54 =	vld.idx.msk [tilespmem:v61+s2+$0x0], $0xffff  }
0x3cc: {  	s18 =	simm.s32 $0xF;
	v58 =	vor.u32 s28, v34;
	v56 =	vadd.s32 s25, v40;
	v57 =	vld.idx.msk [tilespmem:v62+s2+$0x0], $0xffff  }
0x3cd: {  	s16 =	simm.s32 $0xE;
	v59 =	vadd.s32 s18, v40;
	v41 =	vld.idx.msk [tilespmem:v63+s2+$0x0], $0xffff;
	v60 =	vor.u32 s29, v34  }
0x3ce: {  	s17 =	simm.s32 $0xD;
	v50 =	vor.u32 s30, v34;
	v46 =	vadd.s32 s16, v40;
	v42 =	vld.idx.msk [tilespmem:v45+s2+$0x0], $0xffff  }
0x3cf: {  	s19 =	simm.s32 $0xC;
	v51 =	vor.u32 s31, v34;
	v47 =	vadd.s32 s17, v40;
	v43 =	vld.idx.msk [tilespmem:v49+s2+$0x0], $0xffff;
	[tilespmem:v48+s12+$0x0] =	vst.idx.msk $0xffff, v0  }
0x3d0: {  	s20 =	simm.s32 $0xB;
	v49 =	vadd.s32 s19, v40;
	v44 =	vld.idx.msk [tilespmem:v52+s2+$0x0], $0xffff;
	v52 =	vor.u32 s23, v34;
	[tilespmem:v55+s12+$0x0] =	vst.idx.msk $0xffff, v53  }
0x3d1: {  	s21 =	simm.s32 $0xA;
	v45 =	vld.idx.msk [tilespmem:v56+s2+$0x0], $0xffff;
	v53 =	vadd.s32 s20, v40;
	v55 =	vor.u32 s24, v34;
	[tilespmem:v58+s12+$0x0] =	vst.idx.msk $0xffff, v54  }
0x3d2: {  	s22 =	simm.s32 $0x9;
	s23 =	simm.s32 $0x10;
	v56 =	vadd.s32 s21, v40;
	v54 =	vor.u32 s25, v34;
	v48 =	vld.idx.msk [tilespmem:v59+s2+$0x0], $0xffff;
	[tilespmem:v60+s12+$0x0] =	vst.idx.msk $0xffff, v57  }
.LBB2_38:
0x3d3: {  	p0 =	slt.u32 s23, $0xF8;
	v0 =	vadd.s32 s22, v40;
	v57 =	vld.idx.msk [tilespmem:v46+s2+$0x0], $0xffff;
	v58 =	vor.u32 s18, v34;
	[tilespmem:v50+s12+$0x0] =	vst.idx.msk $0xffff, v41  }
0x3d4: {  	v59 =	vadd.s32 s23, v40;
	s18 =	sadd.s32 $0x7, s23;
	v61 =	vor.u32 s16, v34;
	v60 =	vld.idx.msk [tilespmem:v47+s2+$0x0], $0xffff;
	[tilespmem:v51+s12+$0x0] =	vst.idx.msk $0xffff, v42  }
0x3d5: {  	s16 =	sadd.s32 $0x6, s23;
	v63 =	vor.u32 s17, v34;
	v62 =	vadd.s32 s18, v40;
	v41 =	vld.idx.msk [tilespmem:v49+s2+$0x0], $0xffff;
	[tilespmem:v52+s12+$0x0] =	vst.idx.msk $0xffff, v43  }
.Ltmp18:
0x3d6: {  	s17 =	sadd.s32 $0x5, s23;
	v50 =	vor.u32 s19, v34;
	v46 =	vadd.s32 s16, v40;
	v42 =	vld.idx.msk [tilespmem:v53+s2+$0x0], $0xffff;
	[tilespmem:v55+s12+$0x0] =	vst.idx.msk $0xffff, v44;
	(pc) =	sbr.rel @p0 .LBB2_38-.Ltmp18, $4  }
0x3d7: {  	s19 =	sadd.s32 $0x4, s23;
	v47 =	vadd.s32 s17, v40;
	v51 =	vor.u32 s20, v34;
	[tilespmem:v54+s12+$0x0] =	vst.idx.msk $0xffff, v45;
	v43 =	vld.idx.msk [tilespmem:v56+s2+$0x0], $0xffff  }
0x3d8: {  	s20 =	sadd.s32 $0x3, s23;
	v49 =	vadd.s32 s19, v40;
	v52 =	vor.u32 s21, v34;
	v44 =	vld.idx.msk [tilespmem:v0+s2+$0x0], $0xffff;
	[tilespmem:v58+s12+$0x0] =	vst.idx.msk $0xffff, v48  }
0x3d9: {  	s21 =	sadd.s32 $0x2, s23;
	v53 =	vadd.s32 s20, v40;
	v55 =	vor.u32 s22, v34;
	v45 =	vld.idx.msk [tilespmem:v59+s2+$0x0], $0xffff;
	[tilespmem:v61+s12+$0x0] =	vst.idx.msk $0xffff, v57  }
0x3da: {  	s22 =	sadd.s32 $0x1, s23;
	v54 =	vor.u32 s23, v34;
	v56 =	vadd.s32 s21, v40;
	s23 =	sadd.s32 $0x8, s23;
	v48 =	vld.idx.msk [tilespmem:v62+s2+$0x0], $0xffff;
	[tilespmem:v63+s12+$0x0] =	vst.idx.msk $0xffff, v60  }
0x3db: {  	_ =	sdelay $0x3  }
0x3dc: {  	v0 =	vor.u32 s18, v34;
	[tilespmem:v50+s12+$0x0] =	vst.idx.msk $0xffff, v41  }
0x3dd: {  	v40 =	vadd.s32 s22, v40;
	v41 =	vld.idx.msk [tilespmem:v46+s2+$0x0], $0xffff;
	v46 =	vor.u32 s16, v34;
	[tilespmem:v51+s12+$0x0] =	vst.idx.msk $0xffff, v42  }
0x3de: {  	v42 =	vld.idx.msk [tilespmem:v47+s2+$0x0], $0xffff;
	v60 =	vor.u32 s17, v34;
	[tilespmem:v52+s12+$0x0] =	vst.idx.msk $0xffff, v43  }
0x3df: {  	v61 =	vld.idx.msk [tilespmem:v49+s2+$0x0], $0xffff;
	v62 =	vor.u32 s19, v34;
	[tilespmem:v55+s12+$0x0] =	vst.idx.msk $0xffff, v44  }
0x3e0: {  	v57 =	vld.idx.msk [tilespmem:v56+s2+$0x0], $0xffff;
	v58 =	vor.u32 s21, v34;
	[tilespmem:v54+s12+$0x0] =	vst.idx.msk $0xffff, v45  }
0x3e1: {  	v63 =	vld.idx.msk [tilespmem:v53+s2+$0x0], $0xffff;
	v55 =	vor.u32 s20, v34;
	[tilespmem:v0+s12+$0x0] =	vst.idx.msk $0xffff, v48  }
0x3e2: {  	v59 =	vor.u32 s22, v34;
	v0 =	vld.idx.msk [tilespmem:v40+s2+$0x0], $0xffff;
	[tilespmem:v46+s12+$0x0] =	vst.idx.msk $0xffff, v41  }
0x3e3: {  	[tilespmem:v60+s12+$0x0] =	vst.idx.msk $0xffff, v42  }
0x3e4: {  	[tilespmem:v62+s12+$0x0] =	vst.idx.msk $0xffff, v61  }
0x3e5: {  	[tilespmem:v58+s12+$0x0] =	vst.idx.msk $0xffff, v57  }
0x3e6: {  	[tilespmem:v55+s12+$0x0] =	vst.idx.msk $0xffff, v63  }
0x3e7: {  	[tilespmem:v59+s12+$0x0] =	vst.idx.msk $0xffff, v0  }
0x3e8: {  	v40 =	vld [tilespmem:$0x1930];
	_ =	sdelay $0x3  }
0x3e9: {  	s25 =	simm.s32 $0x0  }
0x3ea: {  	s26 =	simm.s32 $0x7;
	v0 =	vadd.s32 s25, v40  }
0x3eb: {  	s28 =	simm.s32 $0x6;
	v60 =	vadd.s32 s26, v40  }
0x3ec: {  	s29 =	simm.s32 $0x5;
	v61 =	vadd.s32 s28, v40  }
0x3ed: {  	s30 =	simm.s32 $0x4;
	v62 =	vadd.s32 s29, v40  }
0x3ee: {  	s31 =	simm.s32 $0x3;
	v63 =	vadd.s32 s30, v40  }
0x3ef: {  	s23 =	simm.s32 $0x2;
	v45 =	vadd.s32 s31, v40;
	v0 =	vld.idx.msk [tilespmem:v0+s2+$0x0], $0xffff  }
0x3f0: {  	s24 =	simm.s32 $0x1;
	v48 =	vor.u32 s25, v35;
	v49 =	vadd.s32 s23, v40;
	v53 =	vld.idx.msk [tilespmem:v60+s2+$0x0], $0xffff  }
0x3f1: {  	v55 =	vor.u32 s26, v35;
	s25 =	simm.s32 $0x8;
	v52 =	vadd.s32 s24, v40;
	v54 =	vld.idx.msk [tilespmem:v61+s2+$0x0], $0xffff  }
0x3f2: {  	s18 =	simm.s32 $0xF;
	v58 =	vor.u32 s28, v35;
	v56 =	vadd.s32 s25, v40;
	v57 =	vld.idx.msk [tilespmem:v62+s2+$0x0], $0xffff  }
0x3f3: {  	s16 =	simm.s32 $0xE;
	v59 =	vadd.s32 s18, v40;
	v41 =	vld.idx.msk [tilespmem:v63+s2+$0x0], $0xffff;
	v60 =	vor.u32 s29, v35  }
0x3f4: {  	s17 =	simm.s32 $0xD;
	v50 =	vor.u32 s30, v35;
	v46 =	vadd.s32 s16, v40;
	v42 =	vld.idx.msk [tilespmem:v45+s2+$0x0], $0xffff  }
0x3f5: {  	s19 =	simm.s32 $0xC;
	v51 =	vor.u32 s31, v35;
	v47 =	vadd.s32 s17, v40;
	v43 =	vld.idx.msk [tilespmem:v49+s2+$0x0], $0xffff;
	[tilespmem:v48+s12+$0x0] =	vst.idx.msk $0xffff, v0  }
0x3f6: {  	s20 =	simm.s32 $0xB;
	v49 =	vadd.s32 s19, v40;
	v44 =	vld.idx.msk [tilespmem:v52+s2+$0x0], $0xffff;
	v52 =	vor.u32 s23, v35;
	[tilespmem:v55+s12+$0x0] =	vst.idx.msk $0xffff, v53  }
0x3f7: {  	s21 =	simm.s32 $0xA;
	v45 =	vld.idx.msk [tilespmem:v56+s2+$0x0], $0xffff;
	v53 =	vadd.s32 s20, v40;
	v55 =	vor.u32 s24, v35;
	[tilespmem:v58+s12+$0x0] =	vst.idx.msk $0xffff, v54  }
0x3f8: {  	s22 =	simm.s32 $0x9;
	s23 =	simm.s32 $0x10;
	v56 =	vadd.s32 s21, v40;
	v54 =	vor.u32 s25, v35;
	v48 =	vld.idx.msk [tilespmem:v59+s2+$0x0], $0xffff;
	[tilespmem:v60+s12+$0x0] =	vst.idx.msk $0xffff, v57  }
.LBB2_40:
0x3f9: {  	p0 =	slt.u32 s23, $0xF8;
	v0 =	vadd.s32 s22, v40;
	v57 =	vld.idx.msk [tilespmem:v46+s2+$0x0], $0xffff;
	v58 =	vor.u32 s18, v35;
	[tilespmem:v50+s12+$0x0] =	vst.idx.msk $0xffff, v41  }
0x3fa: {  	v59 =	vadd.s32 s23, v40;
	s18 =	sadd.s32 $0x7, s23;
	v61 =	vor.u32 s16, v35;
	v60 =	vld.idx.msk [tilespmem:v47+s2+$0x0], $0xffff;
	[tilespmem:v51+s12+$0x0] =	vst.idx.msk $0xffff, v42  }
0x3fb: {  	s16 =	sadd.s32 $0x6, s23;
	v63 =	vor.u32 s17, v35;
	v62 =	vadd.s32 s18, v40;
	v41 =	vld.idx.msk [tilespmem:v49+s2+$0x0], $0xffff;
	[tilespmem:v52+s12+$0x0] =	vst.idx.msk $0xffff, v43  }
.Ltmp19:
0x3fc: {  	s17 =	sadd.s32 $0x5, s23;
	v50 =	vor.u32 s19, v35;
	v46 =	vadd.s32 s16, v40;
	v42 =	vld.idx.msk [tilespmem:v53+s2+$0x0], $0xffff;
	[tilespmem:v55+s12+$0x0] =	vst.idx.msk $0xffff, v44;
	(pc) =	sbr.rel @p0 .LBB2_40-.Ltmp19, $4  }
0x3fd: {  	s19 =	sadd.s32 $0x4, s23;
	v47 =	vadd.s32 s17, v40;
	v51 =	vor.u32 s20, v35;
	[tilespmem:v54+s12+$0x0] =	vst.idx.msk $0xffff, v45;
	v43 =	vld.idx.msk [tilespmem:v56+s2+$0x0], $0xffff  }
0x3fe: {  	s20 =	sadd.s32 $0x3, s23;
	v49 =	vadd.s32 s19, v40;
	v52 =	vor.u32 s21, v35;
	v44 =	vld.idx.msk [tilespmem:v0+s2+$0x0], $0xffff;
	[tilespmem:v58+s12+$0x0] =	vst.idx.msk $0xffff, v48  }
0x3ff: {  	s21 =	sadd.s32 $0x2, s23;
	v53 =	vadd.s32 s20, v40;
	v55 =	vor.u32 s22, v35;
	v45 =	vld.idx.msk [tilespmem:v59+s2+$0x0], $0xffff;
	[tilespmem:v61+s12+$0x0] =	vst.idx.msk $0xffff, v57  }
0x400: {  	s22 =	sadd.s32 $0x1, s23;
	v54 =	vor.u32 s23, v35;
	v56 =	vadd.s32 s21, v40;
	s23 =	sadd.s32 $0x8, s23;
	v48 =	vld.idx.msk [tilespmem:v62+s2+$0x0], $0xffff;
	[tilespmem:v63+s12+$0x0] =	vst.idx.msk $0xffff, v60  }
0x401: {  	_ =	sdelay $0x3  }
0x402: {  	v0 =	vor.u32 s18, v35;
	[tilespmem:v50+s12+$0x0] =	vst.idx.msk $0xffff, v41  }
0x403: {  	v40 =	vadd.s32 s22, v40;
	v41 =	vld.idx.msk [tilespmem:v46+s2+$0x0], $0xffff;
	v46 =	vor.u32 s16, v35;
	[tilespmem:v51+s12+$0x0] =	vst.idx.msk $0xffff, v42  }
0x404: {  	v42 =	vld.idx.msk [tilespmem:v47+s2+$0x0], $0xffff;
	v60 =	vor.u32 s17, v35;
	[tilespmem:v52+s12+$0x0] =	vst.idx.msk $0xffff, v43  }
0x405: {  	v61 =	vld.idx.msk [tilespmem:v49+s2+$0x0], $0xffff;
	v62 =	vor.u32 s19, v35;
	[tilespmem:v55+s12+$0x0] =	vst.idx.msk $0xffff, v44  }
0x406: {  	v57 =	vld.idx.msk [tilespmem:v56+s2+$0x0], $0xffff;
	v58 =	vor.u32 s21, v35;
	[tilespmem:v54+s12+$0x0] =	vst.idx.msk $0xffff, v45  }
0x407: {  	v63 =	vld.idx.msk [tilespmem:v53+s2+$0x0], $0xffff;
	v55 =	vor.u32 s20, v35;
	[tilespmem:v0+s12+$0x0] =	vst.idx.msk $0xffff, v48  }
0x408: {  	v59 =	vor.u32 s22, v35;
	v0 =	vld.idx.msk [tilespmem:v40+s2+$0x0], $0xffff;
	[tilespmem:v46+s12+$0x0] =	vst.idx.msk $0xffff, v41  }
0x409: {  	[tilespmem:v60+s12+$0x0] =	vst.idx.msk $0xffff, v42  }
0x40a: {  	[tilespmem:v62+s12+$0x0] =	vst.idx.msk $0xffff, v61  }
0x40b: {  	[tilespmem:v58+s12+$0x0] =	vst.idx.msk $0xffff, v57  }
0x40c: {  	[tilespmem:v55+s12+$0x0] =	vst.idx.msk $0xffff, v63  }
0x40d: {  	[tilespmem:v59+s12+$0x0] =	vst.idx.msk $0xffff, v0  }
0x40e: {  	v40 =	vld [tilespmem:$0x1940];
	_ =	sdelay $0x3  }
0x40f: {  	s25 =	simm.s32 $0x0  }
0x410: {  	s26 =	simm.s32 $0x7;
	v0 =	vadd.s32 s25, v40  }
0x411: {  	s28 =	simm.s32 $0x6;
	v60 =	vadd.s32 s26, v40  }
0x412: {  	s29 =	simm.s32 $0x5;
	v61 =	vadd.s32 s28, v40  }
0x413: {  	s30 =	simm.s32 $0x4;
	v62 =	vadd.s32 s29, v40  }
0x414: {  	s31 =	simm.s32 $0x3;
	v63 =	vadd.s32 s30, v40  }
0x415: {  	s23 =	simm.s32 $0x2;
	v45 =	vadd.s32 s31, v40;
	v0 =	vld.idx.msk [tilespmem:v0+s2+$0x0], $0xffff  }
0x416: {  	s24 =	simm.s32 $0x1;
	v48 =	vor.u32 s25, v36;
	v49 =	vadd.s32 s23, v40;
	v53 =	vld.idx.msk [tilespmem:v60+s2+$0x0], $0xffff  }
0x417: {  	v55 =	vor.u32 s26, v36;
	s25 =	simm.s32 $0x8;
	v52 =	vadd.s32 s24, v40;
	v54 =	vld.idx.msk [tilespmem:v61+s2+$0x0], $0xffff  }
0x418: {  	s18 =	simm.s32 $0xF;
	v58 =	vor.u32 s28, v36;
	v56 =	vadd.s32 s25, v40;
	v57 =	vld.idx.msk [tilespmem:v62+s2+$0x0], $0xffff  }
0x419: {  	s16 =	simm.s32 $0xE;
	v59 =	vadd.s32 s18, v40;
	v41 =	vld.idx.msk [tilespmem:v63+s2+$0x0], $0xffff;
	v60 =	vor.u32 s29, v36  }
0x41a: {  	s17 =	simm.s32 $0xD;
	v50 =	vor.u32 s30, v36;
	v46 =	vadd.s32 s16, v40;
	v42 =	vld.idx.msk [tilespmem:v45+s2+$0x0], $0xffff  }
0x41b: {  	s19 =	simm.s32 $0xC;
	v51 =	vor.u32 s31, v36;
	v47 =	vadd.s32 s17, v40;
	v43 =	vld.idx.msk [tilespmem:v49+s2+$0x0], $0xffff;
	[tilespmem:v48+s12+$0x0] =	vst.idx.msk $0xffff, v0  }
0x41c: {  	s20 =	simm.s32 $0xB;
	v49 =	vadd.s32 s19, v40;
	v44 =	vld.idx.msk [tilespmem:v52+s2+$0x0], $0xffff;
	v52 =	vor.u32 s23, v36;
	[tilespmem:v55+s12+$0x0] =	vst.idx.msk $0xffff, v53  }
0x41d: {  	s21 =	simm.s32 $0xA;
	v45 =	vld.idx.msk [tilespmem:v56+s2+$0x0], $0xffff;
	v53 =	vadd.s32 s20, v40;
	v55 =	vor.u32 s24, v36;
	[tilespmem:v58+s12+$0x0] =	vst.idx.msk $0xffff, v54  }
0x41e: {  	s22 =	simm.s32 $0x9;
	s23 =	simm.s32 $0x10;
	v56 =	vadd.s32 s21, v40;
	v54 =	vor.u32 s25, v36;
	v48 =	vld.idx.msk [tilespmem:v59+s2+$0x0], $0xffff;
	[tilespmem:v60+s12+$0x0] =	vst.idx.msk $0xffff, v57  }
.LBB2_42:
0x41f: {  	p0 =	slt.u32 s23, $0xF8;
	v0 =	vadd.s32 s22, v40;
	v57 =	vld.idx.msk [tilespmem:v46+s2+$0x0], $0xffff;
	v58 =	vor.u32 s18, v36;
	[tilespmem:v50+s12+$0x0] =	vst.idx.msk $0xffff, v41  }
0x420: {  	v59 =	vadd.s32 s23, v40;
	s18 =	sadd.s32 $0x7, s23;
	v61 =	vor.u32 s16, v36;
	v60 =	vld.idx.msk [tilespmem:v47+s2+$0x0], $0xffff;
	[tilespmem:v51+s12+$0x0] =	vst.idx.msk $0xffff, v42  }
0x421: {  	s16 =	sadd.s32 $0x6, s23;
	v63 =	vor.u32 s17, v36;
	v62 =	vadd.s32 s18, v40;
	v41 =	vld.idx.msk [tilespmem:v49+s2+$0x0], $0xffff;
	[tilespmem:v52+s12+$0x0] =	vst.idx.msk $0xffff, v43  }
.Ltmp20:
0x422: {  	s17 =	sadd.s32 $0x5, s23;
	v50 =	vor.u32 s19, v36;
	v46 =	vadd.s32 s16, v40;
	v42 =	vld.idx.msk [tilespmem:v53+s2+$0x0], $0xffff;
	[tilespmem:v55+s12+$0x0] =	vst.idx.msk $0xffff, v44;
	(pc) =	sbr.rel @p0 .LBB2_42-.Ltmp20, $4  }
0x423: {  	s19 =	sadd.s32 $0x4, s23;
	v47 =	vadd.s32 s17, v40;
	v51 =	vor.u32 s20, v36;
	[tilespmem:v54+s12+$0x0] =	vst.idx.msk $0xffff, v45;
	v43 =	vld.idx.msk [tilespmem:v56+s2+$0x0], $0xffff  }
0x424: {  	s20 =	sadd.s32 $0x3, s23;
	v49 =	vadd.s32 s19, v40;
	v52 =	vor.u32 s21, v36;
	v44 =	vld.idx.msk [tilespmem:v0+s2+$0x0], $0xffff;
	[tilespmem:v58+s12+$0x0] =	vst.idx.msk $0xffff, v48  }
0x425: {  	s21 =	sadd.s32 $0x2, s23;
	v53 =	vadd.s32 s20, v40;
	v55 =	vor.u32 s22, v36;
	v45 =	vld.idx.msk [tilespmem:v59+s2+$0x0], $0xffff;
	[tilespmem:v61+s12+$0x0] =	vst.idx.msk $0xffff, v57  }
0x426: {  	s22 =	sadd.s32 $0x1, s23;
	v54 =	vor.u32 s23, v36;
	v56 =	vadd.s32 s21, v40;
	s23 =	sadd.s32 $0x8, s23;
	v48 =	vld.idx.msk [tilespmem:v62+s2+$0x0], $0xffff;
	[tilespmem:v63+s12+$0x0] =	vst.idx.msk $0xffff, v60  }
0x427: {  	_ =	sdelay $0x3  }
0x428: {  	v0 =	vor.u32 s18, v36;
	[tilespmem:v50+s12+$0x0] =	vst.idx.msk $0xffff, v41  }
0x429: {  	v40 =	vadd.s32 s22, v40;
	v41 =	vld.idx.msk [tilespmem:v46+s2+$0x0], $0xffff;
	v46 =	vor.u32 s16, v36;
	[tilespmem:v51+s12+$0x0] =	vst.idx.msk $0xffff, v42  }
0x42a: {  	v42 =	vld.idx.msk [tilespmem:v47+s2+$0x0], $0xffff;
	v60 =	vor.u32 s17, v36;
	[tilespmem:v52+s12+$0x0] =	vst.idx.msk $0xffff, v43  }
0x42b: {  	v61 =	vld.idx.msk [tilespmem:v49+s2+$0x0], $0xffff;
	v62 =	vor.u32 s19, v36;
	[tilespmem:v55+s12+$0x0] =	vst.idx.msk $0xffff, v44  }
0x42c: {  	v57 =	vld.idx.msk [tilespmem:v56+s2+$0x0], $0xffff;
	v58 =	vor.u32 s21, v36;
	[tilespmem:v54+s12+$0x0] =	vst.idx.msk $0xffff, v45  }
0x42d: {  	v63 =	vld.idx.msk [tilespmem:v53+s2+$0x0], $0xffff;
	v55 =	vor.u32 s20, v36;
	[tilespmem:v0+s12+$0x0] =	vst.idx.msk $0xffff, v48  }
0x42e: {  	v59 =	vor.u32 s22, v36;
	v0 =	vld.idx.msk [tilespmem:v40+s2+$0x0], $0xffff;
	[tilespmem:v46+s12+$0x0] =	vst.idx.msk $0xffff, v41  }
0x42f: {  	[tilespmem:v60+s12+$0x0] =	vst.idx.msk $0xffff, v42  }
0x430: {  	[tilespmem:v62+s12+$0x0] =	vst.idx.msk $0xffff, v61  }
0x431: {  	[tilespmem:v58+s12+$0x0] =	vst.idx.msk $0xffff, v57  }
0x432: {  	[tilespmem:v55+s12+$0x0] =	vst.idx.msk $0xffff, v63  }
0x433: {  	[tilespmem:v59+s12+$0x0] =	vst.idx.msk $0xffff, v0  }
0x434: {  	v40 =	vld [tilespmem:$0x1950];
	_ =	sdelay $0x3  }
0x435: {  	s25 =	simm.s32 $0x0  }
0x436: {  	s26 =	simm.s32 $0x7;
	v0 =	vadd.s32 s25, v40  }
0x437: {  	s28 =	simm.s32 $0x6;
	v60 =	vadd.s32 s26, v40  }
0x438: {  	s29 =	simm.s32 $0x5;
	v61 =	vadd.s32 s28, v40  }
0x439: {  	s30 =	simm.s32 $0x4;
	v62 =	vadd.s32 s29, v40  }
0x43a: {  	s31 =	simm.s32 $0x3;
	v63 =	vadd.s32 s30, v40  }
0x43b: {  	s23 =	simm.s32 $0x2;
	v45 =	vadd.s32 s31, v40;
	v0 =	vld.idx.msk [tilespmem:v0+s2+$0x0], $0xffff  }
0x43c: {  	s24 =	simm.s32 $0x1;
	v48 =	vor.u32 s25, v37;
	v49 =	vadd.s32 s23, v40;
	v53 =	vld.idx.msk [tilespmem:v60+s2+$0x0], $0xffff  }
0x43d: {  	v55 =	vor.u32 s26, v37;
	s25 =	simm.s32 $0x8;
	v52 =	vadd.s32 s24, v40;
	v54 =	vld.idx.msk [tilespmem:v61+s2+$0x0], $0xffff  }
0x43e: {  	s18 =	simm.s32 $0xF;
	v58 =	vor.u32 s28, v37;
	v56 =	vadd.s32 s25, v40;
	v57 =	vld.idx.msk [tilespmem:v62+s2+$0x0], $0xffff  }
0x43f: {  	s16 =	simm.s32 $0xE;
	v59 =	vadd.s32 s18, v40;
	v41 =	vld.idx.msk [tilespmem:v63+s2+$0x0], $0xffff;
	v60 =	vor.u32 s29, v37  }
0x440: {  	s17 =	simm.s32 $0xD;
	v50 =	vor.u32 s30, v37;
	v46 =	vadd.s32 s16, v40;
	v42 =	vld.idx.msk [tilespmem:v45+s2+$0x0], $0xffff  }
0x441: {  	s19 =	simm.s32 $0xC;
	v51 =	vor.u32 s31, v37;
	v47 =	vadd.s32 s17, v40;
	v43 =	vld.idx.msk [tilespmem:v49+s2+$0x0], $0xffff;
	[tilespmem:v48+s12+$0x0] =	vst.idx.msk $0xffff, v0  }
0x442: {  	s20 =	simm.s32 $0xB;
	v49 =	vadd.s32 s19, v40;
	v44 =	vld.idx.msk [tilespmem:v52+s2+$0x0], $0xffff;
	v52 =	vor.u32 s23, v37;
	[tilespmem:v55+s12+$0x0] =	vst.idx.msk $0xffff, v53  }
0x443: {  	s21 =	simm.s32 $0xA;
	v45 =	vld.idx.msk [tilespmem:v56+s2+$0x0], $0xffff;
	v53 =	vadd.s32 s20, v40;
	v55 =	vor.u32 s24, v37;
	[tilespmem:v58+s12+$0x0] =	vst.idx.msk $0xffff, v54  }
0x444: {  	s22 =	simm.s32 $0x9;
	s23 =	simm.s32 $0x10;
	v56 =	vadd.s32 s21, v40;
	v54 =	vor.u32 s25, v37;
	v48 =	vld.idx.msk [tilespmem:v59+s2+$0x0], $0xffff;
	[tilespmem:v60+s12+$0x0] =	vst.idx.msk $0xffff, v57  }
.LBB2_44:
0x445: {  	p0 =	slt.u32 s23, $0xF8;
	v0 =	vadd.s32 s22, v40;
	v57 =	vld.idx.msk [tilespmem:v46+s2+$0x0], $0xffff;
	v58 =	vor.u32 s18, v37;
	[tilespmem:v50+s12+$0x0] =	vst.idx.msk $0xffff, v41  }
0x446: {  	v59 =	vadd.s32 s23, v40;
	s18 =	sadd.s32 $0x7, s23;
	v61 =	vor.u32 s16, v37;
	v60 =	vld.idx.msk [tilespmem:v47+s2+$0x0], $0xffff;
	[tilespmem:v51+s12+$0x0] =	vst.idx.msk $0xffff, v42  }
0x447: {  	s16 =	sadd.s32 $0x6, s23;
	v63 =	vor.u32 s17, v37;
	v62 =	vadd.s32 s18, v40;
	v41 =	vld.idx.msk [tilespmem:v49+s2+$0x0], $0xffff;
	[tilespmem:v52+s12+$0x0] =	vst.idx.msk $0xffff, v43  }
.Ltmp21:
0x448: {  	s17 =	sadd.s32 $0x5, s23;
	v50 =	vor.u32 s19, v37;
	v46 =	vadd.s32 s16, v40;
	v42 =	vld.idx.msk [tilespmem:v53+s2+$0x0], $0xffff;
	[tilespmem:v55+s12+$0x0] =	vst.idx.msk $0xffff, v44;
	(pc) =	sbr.rel @p0 .LBB2_44-.Ltmp21, $4  }
0x449: {  	s19 =	sadd.s32 $0x4, s23;
	v47 =	vadd.s32 s17, v40;
	v51 =	vor.u32 s20, v37;
	[tilespmem:v54+s12+$0x0] =	vst.idx.msk $0xffff, v45;
	v43 =	vld.idx.msk [tilespmem:v56+s2+$0x0], $0xffff  }
0x44a: {  	s20 =	sadd.s32 $0x3, s23;
	v49 =	vadd.s32 s19, v40;
	v52 =	vor.u32 s21, v37;
	v44 =	vld.idx.msk [tilespmem:v0+s2+$0x0], $0xffff;
	[tilespmem:v58+s12+$0x0] =	vst.idx.msk $0xffff, v48  }
0x44b: {  	s21 =	sadd.s32 $0x2, s23;
	v53 =	vadd.s32 s20, v40;
	v55 =	vor.u32 s22, v37;
	v45 =	vld.idx.msk [tilespmem:v59+s2+$0x0], $0xffff;
	[tilespmem:v61+s12+$0x0] =	vst.idx.msk $0xffff, v57  }
0x44c: {  	s22 =	sadd.s32 $0x1, s23;
	v54 =	vor.u32 s23, v37;
	v56 =	vadd.s32 s21, v40;
	s23 =	sadd.s32 $0x8, s23;
	v48 =	vld.idx.msk [tilespmem:v62+s2+$0x0], $0xffff;
	[tilespmem:v63+s12+$0x0] =	vst.idx.msk $0xffff, v60  }
0x44d: {  	_ =	sdelay $0x3  }
0x44e: {  	v0 =	vor.u32 s18, v37;
	[tilespmem:v50+s12+$0x0] =	vst.idx.msk $0xffff, v41  }
0x44f: {  	v40 =	vadd.s32 s22, v40;
	v41 =	vld.idx.msk [tilespmem:v46+s2+$0x0], $0xffff;
	v46 =	vor.u32 s16, v37;
	[tilespmem:v51+s12+$0x0] =	vst.idx.msk $0xffff, v42  }
0x450: {  	v42 =	vld.idx.msk [tilespmem:v47+s2+$0x0], $0xffff;
	v60 =	vor.u32 s17, v37;
	[tilespmem:v52+s12+$0x0] =	vst.idx.msk $0xffff, v43  }
0x451: {  	v61 =	vld.idx.msk [tilespmem:v49+s2+$0x0], $0xffff;
	v62 =	vor.u32 s19, v37;
	[tilespmem:v55+s12+$0x0] =	vst.idx.msk $0xffff, v44  }
0x452: {  	v57 =	vld.idx.msk [tilespmem:v56+s2+$0x0], $0xffff;
	v58 =	vor.u32 s21, v37;
	[tilespmem:v54+s12+$0x0] =	vst.idx.msk $0xffff, v45  }
0x453: {  	v63 =	vld.idx.msk [tilespmem:v53+s2+$0x0], $0xffff;
	v55 =	vor.u32 s20, v37;
	[tilespmem:v0+s12+$0x0] =	vst.idx.msk $0xffff, v48  }
0x454: {  	v59 =	vor.u32 s22, v37;
	v0 =	vld.idx.msk [tilespmem:v40+s2+$0x0], $0xffff;
	[tilespmem:v46+s12+$0x0] =	vst.idx.msk $0xffff, v41  }
0x455: {  	[tilespmem:v60+s12+$0x0] =	vst.idx.msk $0xffff, v42  }
0x456: {  	[tilespmem:v62+s12+$0x0] =	vst.idx.msk $0xffff, v61  }
0x457: {  	[tilespmem:v58+s12+$0x0] =	vst.idx.msk $0xffff, v57  }
0x458: {  	[tilespmem:v55+s12+$0x0] =	vst.idx.msk $0xffff, v63  }
0x459: {  	[tilespmem:v59+s12+$0x0] =	vst.idx.msk $0xffff, v0  }
0x45a: {  	v40 =	vld [tilespmem:$0x1960];
	_ =	sdelay $0x3  }
0x45b: {  	s25 =	simm.s32 $0x0  }
0x45c: {  	s26 =	simm.s32 $0x7;
	v0 =	vadd.s32 s25, v40  }
0x45d: {  	s28 =	simm.s32 $0x6;
	v60 =	vadd.s32 s26, v40  }
0x45e: {  	s29 =	simm.s32 $0x5;
	v61 =	vadd.s32 s28, v40  }
0x45f: {  	s30 =	simm.s32 $0x4;
	v62 =	vadd.s32 s29, v40  }
0x460: {  	s31 =	simm.s32 $0x3;
	v63 =	vadd.s32 s30, v40  }
0x461: {  	s23 =	simm.s32 $0x2;
	v45 =	vadd.s32 s31, v40;
	v0 =	vld.idx.msk [tilespmem:v0+s2+$0x0], $0xffff  }
0x462: {  	s24 =	simm.s32 $0x1;
	v48 =	vor.u32 s25, v38;
	v49 =	vadd.s32 s23, v40;
	v53 =	vld.idx.msk [tilespmem:v60+s2+$0x0], $0xffff  }
0x463: {  	v55 =	vor.u32 s26, v38;
	s25 =	simm.s32 $0x8;
	v52 =	vadd.s32 s24, v40;
	v54 =	vld.idx.msk [tilespmem:v61+s2+$0x0], $0xffff  }
0x464: {  	s18 =	simm.s32 $0xF;
	v58 =	vor.u32 s28, v38;
	v56 =	vadd.s32 s25, v40;
	v57 =	vld.idx.msk [tilespmem:v62+s2+$0x0], $0xffff  }
0x465: {  	s16 =	simm.s32 $0xE;
	v59 =	vadd.s32 s18, v40;
	v41 =	vld.idx.msk [tilespmem:v63+s2+$0x0], $0xffff;
	v60 =	vor.u32 s29, v38  }
0x466: {  	s17 =	simm.s32 $0xD;
	v50 =	vor.u32 s30, v38;
	v46 =	vadd.s32 s16, v40;
	v42 =	vld.idx.msk [tilespmem:v45+s2+$0x0], $0xffff  }
0x467: {  	s19 =	simm.s32 $0xC;
	v51 =	vor.u32 s31, v38;
	v47 =	vadd.s32 s17, v40;
	v43 =	vld.idx.msk [tilespmem:v49+s2+$0x0], $0xffff;
	[tilespmem:v48+s12+$0x0] =	vst.idx.msk $0xffff, v0  }
0x468: {  	s20 =	simm.s32 $0xB;
	v49 =	vadd.s32 s19, v40;
	v44 =	vld.idx.msk [tilespmem:v52+s2+$0x0], $0xffff;
	v52 =	vor.u32 s23, v38;
	[tilespmem:v55+s12+$0x0] =	vst.idx.msk $0xffff, v53  }
0x469: {  	s21 =	simm.s32 $0xA;
	v45 =	vld.idx.msk [tilespmem:v56+s2+$0x0], $0xffff;
	v53 =	vadd.s32 s20, v40;
	v55 =	vor.u32 s24, v38;
	[tilespmem:v58+s12+$0x0] =	vst.idx.msk $0xffff, v54  }
0x46a: {  	s22 =	simm.s32 $0x9;
	s23 =	simm.s32 $0x10;
	v56 =	vadd.s32 s21, v40;
	v54 =	vor.u32 s25, v38;
	v48 =	vld.idx.msk [tilespmem:v59+s2+$0x0], $0xffff;
	[tilespmem:v60+s12+$0x0] =	vst.idx.msk $0xffff, v57  }
.LBB2_46:
0x46b: {  	p0 =	slt.u32 s23, $0xF8;
	v0 =	vadd.s32 s22, v40;
	v57 =	vld.idx.msk [tilespmem:v46+s2+$0x0], $0xffff;
	v58 =	vor.u32 s18, v38;
	[tilespmem:v50+s12+$0x0] =	vst.idx.msk $0xffff, v41  }
0x46c: {  	v59 =	vadd.s32 s23, v40;
	s18 =	sadd.s32 $0x7, s23;
	v61 =	vor.u32 s16, v38;
	v60 =	vld.idx.msk [tilespmem:v47+s2+$0x0], $0xffff;
	[tilespmem:v51+s12+$0x0] =	vst.idx.msk $0xffff, v42  }
0x46d: {  	s16 =	sadd.s32 $0x6, s23;
	v63 =	vor.u32 s17, v38;
	v62 =	vadd.s32 s18, v40;
	v41 =	vld.idx.msk [tilespmem:v49+s2+$0x0], $0xffff;
	[tilespmem:v52+s12+$0x0] =	vst.idx.msk $0xffff, v43  }
.Ltmp22:
0x46e: {  	s17 =	sadd.s32 $0x5, s23;
	v50 =	vor.u32 s19, v38;
	v46 =	vadd.s32 s16, v40;
	v42 =	vld.idx.msk [tilespmem:v53+s2+$0x0], $0xffff;
	[tilespmem:v55+s12+$0x0] =	vst.idx.msk $0xffff, v44;
	(pc) =	sbr.rel @p0 .LBB2_46-.Ltmp22, $4  }
0x46f: {  	s19 =	sadd.s32 $0x4, s23;
	v47 =	vadd.s32 s17, v40;
	v51 =	vor.u32 s20, v38;
	[tilespmem:v54+s12+$0x0] =	vst.idx.msk $0xffff, v45;
	v43 =	vld.idx.msk [tilespmem:v56+s2+$0x0], $0xffff  }
0x470: {  	s20 =	sadd.s32 $0x3, s23;
	v49 =	vadd.s32 s19, v40;
	v52 =	vor.u32 s21, v38;
	v44 =	vld.idx.msk [tilespmem:v0+s2+$0x0], $0xffff;
	[tilespmem:v58+s12+$0x0] =	vst.idx.msk $0xffff, v48  }
0x471: {  	s21 =	sadd.s32 $0x2, s23;
	v53 =	vadd.s32 s20, v40;
	v55 =	vor.u32 s22, v38;
	v45 =	vld.idx.msk [tilespmem:v59+s2+$0x0], $0xffff;
	[tilespmem:v61+s12+$0x0] =	vst.idx.msk $0xffff, v57  }
0x472: {  	s22 =	sadd.s32 $0x1, s23;
	v54 =	vor.u32 s23, v38;
	v56 =	vadd.s32 s21, v40;
	s23 =	sadd.s32 $0x8, s23;
	v48 =	vld.idx.msk [tilespmem:v62+s2+$0x0], $0xffff;
	[tilespmem:v63+s12+$0x0] =	vst.idx.msk $0xffff, v60  }
0x473: {  	_ =	sdelay $0x3  }
0x474: {  	v0 =	vor.u32 s18, v38;
	[tilespmem:v50+s12+$0x0] =	vst.idx.msk $0xffff, v41  }
0x475: {  	v40 =	vadd.s32 s22, v40;
	v41 =	vld.idx.msk [tilespmem:v46+s2+$0x0], $0xffff;
	v46 =	vor.u32 s16, v38;
	[tilespmem:v51+s12+$0x0] =	vst.idx.msk $0xffff, v42  }
0x476: {  	v42 =	vld.idx.msk [tilespmem:v47+s2+$0x0], $0xffff;
	v60 =	vor.u32 s17, v38;
	[tilespmem:v52+s12+$0x0] =	vst.idx.msk $0xffff, v43  }
0x477: {  	v61 =	vld.idx.msk [tilespmem:v49+s2+$0x0], $0xffff;
	v62 =	vor.u32 s19, v38;
	[tilespmem:v55+s12+$0x0] =	vst.idx.msk $0xffff, v44  }
0x478: {  	v57 =	vld.idx.msk [tilespmem:v56+s2+$0x0], $0xffff;
	v58 =	vor.u32 s21, v38;
	[tilespmem:v54+s12+$0x0] =	vst.idx.msk $0xffff, v45  }
0x479: {  	v63 =	vld.idx.msk [tilespmem:v53+s2+$0x0], $0xffff;
	v55 =	vor.u32 s20, v38;
	[tilespmem:v0+s12+$0x0] =	vst.idx.msk $0xffff, v48  }
0x47a: {  	v59 =	vor.u32 s22, v38;
	v0 =	vld.idx.msk [tilespmem:v40+s2+$0x0], $0xffff;
	[tilespmem:v46+s12+$0x0] =	vst.idx.msk $0xffff, v41  }
0x47b: {  	[tilespmem:v60+s12+$0x0] =	vst.idx.msk $0xffff, v42  }
0x47c: {  	[tilespmem:v62+s12+$0x0] =	vst.idx.msk $0xffff, v61  }
0x47d: {  	[tilespmem:v58+s12+$0x0] =	vst.idx.msk $0xffff, v57  }
0x47e: {  	[tilespmem:v55+s12+$0x0] =	vst.idx.msk $0xffff, v63  }
0x47f: {  	[tilespmem:v59+s12+$0x0] =	vst.idx.msk $0xffff, v0  }
0x480: {  	v40 =	vld [tilespmem:$0x1970];
	_ =	sdelay $0x3  }
0x481: {  	s25 =	simm.s32 $0x0  }
0x482: {  	s26 =	simm.s32 $0x7;
	v0 =	vadd.s32 s25, v40  }
0x483: {  	s28 =	simm.s32 $0x6;
	v60 =	vadd.s32 s26, v40  }
0x484: {  	s29 =	simm.s32 $0x5;
	v61 =	vadd.s32 s28, v40  }
0x485: {  	s30 =	simm.s32 $0x4;
	v62 =	vadd.s32 s29, v40  }
0x486: {  	s31 =	simm.s32 $0x3;
	v63 =	vadd.s32 s30, v40  }
0x487: {  	s23 =	simm.s32 $0x2;
	v45 =	vadd.s32 s31, v40;
	v0 =	vld.idx.msk [tilespmem:v0+s2+$0x0], $0xffff  }
0x488: {  	s24 =	simm.s32 $0x1;
	v48 =	vor.u32 s25, v39;
	v49 =	vadd.s32 s23, v40;
	v53 =	vld.idx.msk [tilespmem:v60+s2+$0x0], $0xffff  }
0x489: {  	v55 =	vor.u32 s26, v39;
	s25 =	simm.s32 $0x8;
	v52 =	vadd.s32 s24, v40;
	v54 =	vld.idx.msk [tilespmem:v61+s2+$0x0], $0xffff  }
0x48a: {  	s18 =	simm.s32 $0xF;
	v58 =	vor.u32 s28, v39;
	v56 =	vadd.s32 s25, v40;
	v57 =	vld.idx.msk [tilespmem:v62+s2+$0x0], $0xffff  }
0x48b: {  	s16 =	simm.s32 $0xE;
	v59 =	vadd.s32 s18, v40;
	v41 =	vld.idx.msk [tilespmem:v63+s2+$0x0], $0xffff;
	v60 =	vor.u32 s29, v39  }
0x48c: {  	s17 =	simm.s32 $0xD;
	v50 =	vor.u32 s30, v39;
	v46 =	vadd.s32 s16, v40;
	v42 =	vld.idx.msk [tilespmem:v45+s2+$0x0], $0xffff  }
0x48d: {  	s19 =	simm.s32 $0xC;
	v51 =	vor.u32 s31, v39;
	v47 =	vadd.s32 s17, v40;
	v43 =	vld.idx.msk [tilespmem:v49+s2+$0x0], $0xffff;
	[tilespmem:v48+s12+$0x0] =	vst.idx.msk $0xffff, v0  }
0x48e: {  	s20 =	simm.s32 $0xB;
	v49 =	vadd.s32 s19, v40;
	v44 =	vld.idx.msk [tilespmem:v52+s2+$0x0], $0xffff;
	v52 =	vor.u32 s23, v39;
	[tilespmem:v55+s12+$0x0] =	vst.idx.msk $0xffff, v53  }
0x48f: {  	s21 =	simm.s32 $0xA;
	v45 =	vld.idx.msk [tilespmem:v56+s2+$0x0], $0xffff;
	v53 =	vadd.s32 s20, v40;
	v55 =	vor.u32 s24, v39;
	[tilespmem:v58+s12+$0x0] =	vst.idx.msk $0xffff, v54  }
0x490: {  	s22 =	simm.s32 $0x9;
	s23 =	simm.s32 $0x10;
	v56 =	vadd.s32 s21, v40;
	v54 =	vor.u32 s25, v39;
	v48 =	vld.idx.msk [tilespmem:v59+s2+$0x0], $0xffff;
	[tilespmem:v60+s12+$0x0] =	vst.idx.msk $0xffff, v57  }
.LBB2_48:
0x491: {  	p0 =	slt.u32 s23, $0xF8;
	v0 =	vadd.s32 s22, v40;
	v57 =	vld.idx.msk [tilespmem:v46+s2+$0x0], $0xffff;
	v58 =	vor.u32 s18, v39;
	[tilespmem:v50+s12+$0x0] =	vst.idx.msk $0xffff, v41  }
0x492: {  	v59 =	vadd.s32 s23, v40;
	s18 =	sadd.s32 $0x7, s23;
	v61 =	vor.u32 s16, v39;
	v60 =	vld.idx.msk [tilespmem:v47+s2+$0x0], $0xffff;
	[tilespmem:v51+s12+$0x0] =	vst.idx.msk $0xffff, v42  }
0x493: {  	s16 =	sadd.s32 $0x6, s23;
	v63 =	vor.u32 s17, v39;
	v62 =	vadd.s32 s18, v40;
	v41 =	vld.idx.msk [tilespmem:v49+s2+$0x0], $0xffff;
	[tilespmem:v52+s12+$0x0] =	vst.idx.msk $0xffff, v43  }
.Ltmp23:
0x494: {  	s17 =	sadd.s32 $0x5, s23;
	v50 =	vor.u32 s19, v39;
	v46 =	vadd.s32 s16, v40;
	v42 =	vld.idx.msk [tilespmem:v53+s2+$0x0], $0xffff;
	[tilespmem:v55+s12+$0x0] =	vst.idx.msk $0xffff, v44;
	(pc) =	sbr.rel @p0 .LBB2_48-.Ltmp23, $4  }
0x495: {  	s19 =	sadd.s32 $0x4, s23;
	v47 =	vadd.s32 s17, v40;
	v51 =	vor.u32 s20, v39;
	[tilespmem:v54+s12+$0x0] =	vst.idx.msk $0xffff, v45;
	v43 =	vld.idx.msk [tilespmem:v56+s2+$0x0], $0xffff  }
0x496: {  	s20 =	sadd.s32 $0x3, s23;
	v49 =	vadd.s32 s19, v40;
	v52 =	vor.u32 s21, v39;
	v44 =	vld.idx.msk [tilespmem:v0+s2+$0x0], $0xffff;
	[tilespmem:v58+s12+$0x0] =	vst.idx.msk $0xffff, v48  }
0x497: {  	s21 =	sadd.s32 $0x2, s23;
	v53 =	vadd.s32 s20, v40;
	v55 =	vor.u32 s22, v39;
	v45 =	vld.idx.msk [tilespmem:v59+s2+$0x0], $0xffff;
	[tilespmem:v61+s12+$0x0] =	vst.idx.msk $0xffff, v57  }
0x498: {  	s22 =	sadd.s32 $0x1, s23;
	v54 =	vor.u32 s23, v39;
	v56 =	vadd.s32 s21, v40;
	s23 =	sadd.s32 $0x8, s23;
	v48 =	vld.idx.msk [tilespmem:v62+s2+$0x0], $0xffff;
	[tilespmem:v63+s12+$0x0] =	vst.idx.msk $0xffff, v60  }
0x499: {  	_ =	sdelay $0x3  }
0x49a: {  	v0 =	vor.u32 s18, v39;
	[tilespmem:v50+s12+$0x0] =	vst.idx.msk $0xffff, v41  }
0x49b: {  	v40 =	vadd.s32 s22, v40;
	v41 =	vld.idx.msk [tilespmem:v46+s2+$0x0], $0xffff;
	v46 =	vor.u32 s16, v39;
	[tilespmem:v51+s12+$0x0] =	vst.idx.msk $0xffff, v42  }
0x49c: {  	v42 =	vld.idx.msk [tilespmem:v47+s2+$0x0], $0xffff;
	v60 =	vor.u32 s17, v39;
	[tilespmem:v52+s12+$0x0] =	vst.idx.msk $0xffff, v43  }
0x49d: {  	v61 =	vld.idx.msk [tilespmem:v49+s2+$0x0], $0xffff;
	v62 =	vor.u32 s19, v39;
	[tilespmem:v55+s12+$0x0] =	vst.idx.msk $0xffff, v44  }
0x49e: {  	v57 =	vld.idx.msk [tilespmem:v56+s2+$0x0], $0xffff;
	v58 =	vor.u32 s21, v39;
	[tilespmem:v54+s12+$0x0] =	vst.idx.msk $0xffff, v45  }
0x49f: {  	v63 =	vld.idx.msk [tilespmem:v53+s2+$0x0], $0xffff;
	v55 =	vor.u32 s20, v39;
	[tilespmem:v0+s12+$0x0] =	vst.idx.msk $0xffff, v48  }
0x4a0: {  	v59 =	vor.u32 s22, v39;
	v0 =	vld.idx.msk [tilespmem:v40+s2+$0x0], $0xffff;
	[tilespmem:v46+s12+$0x0] =	vst.idx.msk $0xffff, v41  }
0x4a1: {  	[tilespmem:v60+s12+$0x0] =	vst.idx.msk $0xffff, v42  }
0x4a2: {  	[tilespmem:v62+s12+$0x0] =	vst.idx.msk $0xffff, v61  }
0x4a3: {  	[tilespmem:v58+s12+$0x0] =	vst.idx.msk $0xffff, v57  }
0x4a4: {  	[tilespmem:v55+s12+$0x0] =	vst.idx.msk $0xffff, v63  }
0x4a5: {  	s25 =	simm.s32 $0x0;
	[tilespmem:v59+s12+$0x0] =	vst.idx.msk $0xffff, v0  }
0x4a6: {  	[hbm4b:s7+s25] =	stream.linear.scatter [tilespmem:s12], [sflag:$0x1], $0x8000, $0x38;
	[tilespmem:$0x11A00] =	vst v63  }
0x4a7: {  	_ =	swait.ge [sflag:s14], $0x8000  }
0x4a8: {  	[sflag:s14] =	ssyncset.done $0x0  }
0x4a9: {  	[sflag:s14] =	ssyncadd.s32 $0xFFFF8000  }
0x4aa: {  	v40 =	vld [tilespmem:$0x1980];
	_ =	sdelay $0x4  }
0x4ab: {  	s26 =	simm.s32 $0x7;
	v0 =	vadd.s32 s25, v40  }
0x4ac: {  	s28 =	simm.s32 $0x6;
	v60 =	vadd.s32 s26, v40  }
0x4ad: {  	s29 =	simm.s32 $0x5;
	v61 =	vadd.s32 s28, v40  }
0x4ae: {  	s30 =	simm.s32 $0x4;
	v62 =	vadd.s32 s29, v40  }
0x4af: {  	s31 =	simm.s32 $0x3;
	v63 =	vadd.s32 s30, v40  }
0x4b0: {  	s23 =	simm.s32 $0x2;
	v45 =	vadd.s32 s31, v40;
	v0 =	vld.idx.msk [tilespmem:v0+s2+$0x0], $0xffff  }
0x4b1: {  	s24 =	simm.s32 $0x1;
	v48 =	vor.u32 s25, v27;
	v49 =	vadd.s32 s23, v40;
	v53 =	vld.idx.msk [tilespmem:v60+s2+$0x0], $0xffff  }
0x4b2: {  	v55 =	vor.u32 s26, v27;
	s25 =	simm.s32 $0x8;
	v52 =	vadd.s32 s24, v40;
	v54 =	vld.idx.msk [tilespmem:v61+s2+$0x0], $0xffff  }
0x4b3: {  	s18 =	simm.s32 $0xF;
	v58 =	vor.u32 s28, v27;
	v56 =	vadd.s32 s25, v40;
	v57 =	vld.idx.msk [tilespmem:v62+s2+$0x0], $0xffff  }
0x4b4: {  	s16 =	simm.s32 $0xE;
	v59 =	vadd.s32 s18, v40;
	v41 =	vld.idx.msk [tilespmem:v63+s2+$0x0], $0xffff;
	v60 =	vor.u32 s29, v27  }
0x4b5: {  	s17 =	simm.s32 $0xD;
	v50 =	vor.u32 s30, v27;
	v46 =	vadd.s32 s16, v40;
	v42 =	vld.idx.msk [tilespmem:v45+s2+$0x0], $0xffff  }
0x4b6: {  	s19 =	simm.s32 $0xC;
	v51 =	vor.u32 s31, v27;
	v47 =	vadd.s32 s17, v40;
	v43 =	vld.idx.msk [tilespmem:v49+s2+$0x0], $0xffff;
	[tilespmem:v48+s13+$0x0] =	vst.idx.msk $0xffff, v0  }
0x4b7: {  	s20 =	simm.s32 $0xB;
	v49 =	vadd.s32 s19, v40;
	v44 =	vld.idx.msk [tilespmem:v52+s2+$0x0], $0xffff;
	v52 =	vor.u32 s23, v27;
	[tilespmem:v55+s13+$0x0] =	vst.idx.msk $0xffff, v53  }
0x4b8: {  	s21 =	simm.s32 $0xA;
	v45 =	vld.idx.msk [tilespmem:v56+s2+$0x0], $0xffff;
	v53 =	vadd.s32 s20, v40;
	v55 =	vor.u32 s24, v27;
	[tilespmem:v58+s13+$0x0] =	vst.idx.msk $0xffff, v54  }
0x4b9: {  	s22 =	simm.s32 $0x9;
	s23 =	simm.s32 $0x10;
	v56 =	vadd.s32 s21, v40;
	v54 =	vor.u32 s25, v27;
	v48 =	vld.idx.msk [tilespmem:v59+s2+$0x0], $0xffff;
	[tilespmem:v60+s13+$0x0] =	vst.idx.msk $0xffff, v57  }
.LBB2_50:
0x4ba: {  	p0 =	slt.u32 s23, $0xF8;
	v0 =	vadd.s32 s22, v40;
	v57 =	vld.idx.msk [tilespmem:v46+s2+$0x0], $0xffff;
	v58 =	vor.u32 s18, v27;
	[tilespmem:v50+s13+$0x0] =	vst.idx.msk $0xffff, v41  }
0x4bb: {  	v59 =	vadd.s32 s23, v40;
	s18 =	sadd.s32 $0x7, s23;
	v61 =	vor.u32 s16, v27;
	v60 =	vld.idx.msk [tilespmem:v47+s2+$0x0], $0xffff;
	[tilespmem:v51+s13+$0x0] =	vst.idx.msk $0xffff, v42  }
0x4bc: {  	s16 =	sadd.s32 $0x6, s23;
	v63 =	vor.u32 s17, v27;
	v62 =	vadd.s32 s18, v40;
	v41 =	vld.idx.msk [tilespmem:v49+s2+$0x0], $0xffff;
	[tilespmem:v52+s13+$0x0] =	vst.idx.msk $0xffff, v43  }
.Ltmp24:
0x4bd: {  	s17 =	sadd.s32 $0x5, s23;
	v50 =	vor.u32 s19, v27;
	v46 =	vadd.s32 s16, v40;
	v42 =	vld.idx.msk [tilespmem:v53+s2+$0x0], $0xffff;
	[tilespmem:v55+s13+$0x0] =	vst.idx.msk $0xffff, v44;
	(pc) =	sbr.rel @p0 .LBB2_50-.Ltmp24, $4  }
0x4be: {  	s19 =	sadd.s32 $0x4, s23;
	v47 =	vadd.s32 s17, v40;
	v51 =	vor.u32 s20, v27;
	[tilespmem:v54+s13+$0x0] =	vst.idx.msk $0xffff, v45;
	v43 =	vld.idx.msk [tilespmem:v56+s2+$0x0], $0xffff  }
0x4bf: {  	s20 =	sadd.s32 $0x3, s23;
	v49 =	vadd.s32 s19, v40;
	v52 =	vor.u32 s21, v27;
	v44 =	vld.idx.msk [tilespmem:v0+s2+$0x0], $0xffff;
	[tilespmem:v58+s13+$0x0] =	vst.idx.msk $0xffff, v48  }
0x4c0: {  	s21 =	sadd.s32 $0x2, s23;
	v53 =	vadd.s32 s20, v40;
	v55 =	vor.u32 s22, v27;
	v45 =	vld.idx.msk [tilespmem:v59+s2+$0x0], $0xffff;
	[tilespmem:v61+s13+$0x0] =	vst.idx.msk $0xffff, v57  }
0x4c1: {  	s22 =	sadd.s32 $0x1, s23;
	v54 =	vor.u32 s23, v27;
	v56 =	vadd.s32 s21, v40;
	s23 =	sadd.s32 $0x8, s23;
	v48 =	vld.idx.msk [tilespmem:v62+s2+$0x0], $0xffff;
	[tilespmem:v63+s13+$0x0] =	vst.idx.msk $0xffff, v60  }
0x4c2: {  	_ =	sdelay $0x3  }
0x4c3: {  	v0 =	vor.u32 s18, v27;
	[tilespmem:v50+s13+$0x0] =	vst.idx.msk $0xffff, v41  }
0x4c4: {  	v40 =	vadd.s32 s22, v40;
	v41 =	vld.idx.msk [tilespmem:v46+s2+$0x0], $0xffff;
	v46 =	vor.u32 s16, v27;
	[tilespmem:v51+s13+$0x0] =	vst.idx.msk $0xffff, v42  }
0x4c5: {  	v42 =	vld.idx.msk [tilespmem:v47+s2+$0x0], $0xffff;
	v60 =	vor.u32 s17, v27;
	[tilespmem:v52+s13+$0x0] =	vst.idx.msk $0xffff, v43  }
0x4c6: {  	v61 =	vld.idx.msk [tilespmem:v49+s2+$0x0], $0xffff;
	v62 =	vor.u32 s19, v27;
	[tilespmem:v55+s13+$0x0] =	vst.idx.msk $0xffff, v44  }
0x4c7: {  	v57 =	vld.idx.msk [tilespmem:v56+s2+$0x0], $0xffff;
	v58 =	vor.u32 s21, v27;
	[tilespmem:v54+s13+$0x0] =	vst.idx.msk $0xffff, v45  }
0x4c8: {  	v63 =	vld.idx.msk [tilespmem:v53+s2+$0x0], $0xffff;
	v55 =	vor.u32 s20, v27;
	[tilespmem:v0+s13+$0x0] =	vst.idx.msk $0xffff, v48  }
0x4c9: {  	v59 =	vor.u32 s22, v27;
	v0 =	vld.idx.msk [tilespmem:v40+s2+$0x0], $0xffff;
	[tilespmem:v46+s13+$0x0] =	vst.idx.msk $0xffff, v41  }
0x4ca: {  	[tilespmem:v60+s13+$0x0] =	vst.idx.msk $0xffff, v42  }
0x4cb: {  	[tilespmem:v62+s13+$0x0] =	vst.idx.msk $0xffff, v61  }
0x4cc: {  	[tilespmem:v58+s13+$0x0] =	vst.idx.msk $0xffff, v57  }
0x4cd: {  	[tilespmem:v55+s13+$0x0] =	vst.idx.msk $0xffff, v63  }
0x4ce: {  	[tilespmem:v59+s13+$0x0] =	vst.idx.msk $0xffff, v0  }
0x4cf: {  	v40 =	vld [tilespmem:$0x1990];
	_ =	sdelay $0x3  }
0x4d0: {  	s25 =	simm.s32 $0x0  }
0x4d1: {  	s26 =	simm.s32 $0x7;
	v0 =	vadd.s32 s25, v40  }
0x4d2: {  	s28 =	simm.s32 $0x6;
	v60 =	vadd.s32 s26, v40  }
0x4d3: {  	s29 =	simm.s32 $0x5;
	v61 =	vadd.s32 s28, v40  }
0x4d4: {  	s30 =	simm.s32 $0x4;
	v62 =	vadd.s32 s29, v40  }
0x4d5: {  	s31 =	simm.s32 $0x3;
	v63 =	vadd.s32 s30, v40  }
0x4d6: {  	s23 =	simm.s32 $0x2;
	v45 =	vadd.s32 s31, v40;
	v0 =	vld.idx.msk [tilespmem:v0+s2+$0x0], $0xffff  }
0x4d7: {  	s24 =	simm.s32 $0x1;
	v48 =	vor.u32 s25, v33;
	v49 =	vadd.s32 s23, v40;
	v53 =	vld.idx.msk [tilespmem:v60+s2+$0x0], $0xffff  }
0x4d8: {  	v55 =	vor.u32 s26, v33;
	s25 =	simm.s32 $0x8;
	v52 =	vadd.s32 s24, v40;
	v54 =	vld.idx.msk [tilespmem:v61+s2+$0x0], $0xffff  }
0x4d9: {  	s18 =	simm.s32 $0xF;
	v58 =	vor.u32 s28, v33;
	v56 =	vadd.s32 s25, v40;
	v57 =	vld.idx.msk [tilespmem:v62+s2+$0x0], $0xffff  }
0x4da: {  	s16 =	simm.s32 $0xE;
	v59 =	vadd.s32 s18, v40;
	v41 =	vld.idx.msk [tilespmem:v63+s2+$0x0], $0xffff;
	v60 =	vor.u32 s29, v33  }
0x4db: {  	s17 =	simm.s32 $0xD;
	v50 =	vor.u32 s30, v33;
	v46 =	vadd.s32 s16, v40;
	v42 =	vld.idx.msk [tilespmem:v45+s2+$0x0], $0xffff  }
0x4dc: {  	s19 =	simm.s32 $0xC;
	v51 =	vor.u32 s31, v33;
	v47 =	vadd.s32 s17, v40;
	v43 =	vld.idx.msk [tilespmem:v49+s2+$0x0], $0xffff;
	[tilespmem:v48+s13+$0x0] =	vst.idx.msk $0xffff, v0  }
0x4dd: {  	s20 =	simm.s32 $0xB;
	v49 =	vadd.s32 s19, v40;
	v44 =	vld.idx.msk [tilespmem:v52+s2+$0x0], $0xffff;
	v52 =	vor.u32 s23, v33;
	[tilespmem:v55+s13+$0x0] =	vst.idx.msk $0xffff, v53  }
0x4de: {  	s21 =	simm.s32 $0xA;
	v45 =	vld.idx.msk [tilespmem:v56+s2+$0x0], $0xffff;
	v53 =	vadd.s32 s20, v40;
	v55 =	vor.u32 s24, v33;
	[tilespmem:v58+s13+$0x0] =	vst.idx.msk $0xffff, v54  }
0x4df: {  	s22 =	simm.s32 $0x9;
	s23 =	simm.s32 $0x10;
	v56 =	vadd.s32 s21, v40;
	v54 =	vor.u32 s25, v33;
	v48 =	vld.idx.msk [tilespmem:v59+s2+$0x0], $0xffff;
	[tilespmem:v60+s13+$0x0] =	vst.idx.msk $0xffff, v57  }
.LBB2_52:
0x4e0: {  	p0 =	slt.u32 s23, $0xF8;
	v0 =	vadd.s32 s22, v40;
	v57 =	vld.idx.msk [tilespmem:v46+s2+$0x0], $0xffff;
	v58 =	vor.u32 s18, v33;
	[tilespmem:v50+s13+$0x0] =	vst.idx.msk $0xffff, v41  }
0x4e1: {  	v59 =	vadd.s32 s23, v40;
	s18 =	sadd.s32 $0x7, s23;
	v61 =	vor.u32 s16, v33;
	v60 =	vld.idx.msk [tilespmem:v47+s2+$0x0], $0xffff;
	[tilespmem:v51+s13+$0x0] =	vst.idx.msk $0xffff, v42  }
0x4e2: {  	s16 =	sadd.s32 $0x6, s23;
	v63 =	vor.u32 s17, v33;
	v62 =	vadd.s32 s18, v40;
	v41 =	vld.idx.msk [tilespmem:v49+s2+$0x0], $0xffff;
	[tilespmem:v52+s13+$0x0] =	vst.idx.msk $0xffff, v43  }
.Ltmp25:
0x4e3: {  	s17 =	sadd.s32 $0x5, s23;
	v50 =	vor.u32 s19, v33;
	v46 =	vadd.s32 s16, v40;
	v42 =	vld.idx.msk [tilespmem:v53+s2+$0x0], $0xffff;
	[tilespmem:v55+s13+$0x0] =	vst.idx.msk $0xffff, v44;
	(pc) =	sbr.rel @p0 .LBB2_52-.Ltmp25, $4  }
0x4e4: {  	s19 =	sadd.s32 $0x4, s23;
	v47 =	vadd.s32 s17, v40;
	v51 =	vor.u32 s20, v33;
	[tilespmem:v54+s13+$0x0] =	vst.idx.msk $0xffff, v45;
	v43 =	vld.idx.msk [tilespmem:v56+s2+$0x0], $0xffff  }
0x4e5: {  	s20 =	sadd.s32 $0x3, s23;
	v49 =	vadd.s32 s19, v40;
	v52 =	vor.u32 s21, v33;
	v44 =	vld.idx.msk [tilespmem:v0+s2+$0x0], $0xffff;
	[tilespmem:v58+s13+$0x0] =	vst.idx.msk $0xffff, v48  }
0x4e6: {  	s21 =	sadd.s32 $0x2, s23;
	v53 =	vadd.s32 s20, v40;
	v55 =	vor.u32 s22, v33;
	v45 =	vld.idx.msk [tilespmem:v59+s2+$0x0], $0xffff;
	[tilespmem:v61+s13+$0x0] =	vst.idx.msk $0xffff, v57  }
0x4e7: {  	s22 =	sadd.s32 $0x1, s23;
	v54 =	vor.u32 s23, v33;
	v56 =	vadd.s32 s21, v40;
	s23 =	sadd.s32 $0x8, s23;
	v48 =	vld.idx.msk [tilespmem:v62+s2+$0x0], $0xffff;
	[tilespmem:v63+s13+$0x0] =	vst.idx.msk $0xffff, v60  }
0x4e8: {  	_ =	sdelay $0x3  }
0x4e9: {  	v0 =	vor.u32 s18, v33;
	[tilespmem:v50+s13+$0x0] =	vst.idx.msk $0xffff, v41  }
0x4ea: {  	v40 =	vadd.s32 s22, v40;
	v41 =	vld.idx.msk [tilespmem:v46+s2+$0x0], $0xffff;
	v46 =	vor.u32 s16, v33;
	[tilespmem:v51+s13+$0x0] =	vst.idx.msk $0xffff, v42  }
0x4eb: {  	v42 =	vld.idx.msk [tilespmem:v47+s2+$0x0], $0xffff;
	v60 =	vor.u32 s17, v33;
	[tilespmem:v52+s13+$0x0] =	vst.idx.msk $0xffff, v43  }
0x4ec: {  	v61 =	vld.idx.msk [tilespmem:v49+s2+$0x0], $0xffff;
	v62 =	vor.u32 s19, v33;
	[tilespmem:v55+s13+$0x0] =	vst.idx.msk $0xffff, v44  }
0x4ed: {  	v57 =	vld.idx.msk [tilespmem:v56+s2+$0x0], $0xffff;
	v58 =	vor.u32 s21, v33;
	[tilespmem:v54+s13+$0x0] =	vst.idx.msk $0xffff, v45  }
0x4ee: {  	v63 =	vld.idx.msk [tilespmem:v53+s2+$0x0], $0xffff;
	v55 =	vor.u32 s20, v33;
	[tilespmem:v0+s13+$0x0] =	vst.idx.msk $0xffff, v48  }
0x4ef: {  	v59 =	vor.u32 s22, v33;
	v0 =	vld.idx.msk [tilespmem:v40+s2+$0x0], $0xffff;
	[tilespmem:v46+s13+$0x0] =	vst.idx.msk $0xffff, v41  }
0x4f0: {  	[tilespmem:v60+s13+$0x0] =	vst.idx.msk $0xffff, v42  }
0x4f1: {  	[tilespmem:v62+s13+$0x0] =	vst.idx.msk $0xffff, v61  }
0x4f2: {  	[tilespmem:v58+s13+$0x0] =	vst.idx.msk $0xffff, v57  }
0x4f3: {  	[tilespmem:v55+s13+$0x0] =	vst.idx.msk $0xffff, v63  }
0x4f4: {  	[tilespmem:v59+s13+$0x0] =	vst.idx.msk $0xffff, v0  }
0x4f5: {  	v40 =	vld [tilespmem:$0x19A0];
	_ =	sdelay $0x3  }
0x4f6: {  	s25 =	simm.s32 $0x0  }
0x4f7: {  	s26 =	simm.s32 $0x7;
	v0 =	vadd.s32 s25, v40  }
0x4f8: {  	s28 =	simm.s32 $0x6;
	v60 =	vadd.s32 s26, v40  }
0x4f9: {  	s29 =	simm.s32 $0x5;
	v61 =	vadd.s32 s28, v40  }
0x4fa: {  	s30 =	simm.s32 $0x4;
	v62 =	vadd.s32 s29, v40  }
0x4fb: {  	s31 =	simm.s32 $0x3;
	v63 =	vadd.s32 s30, v40  }
0x4fc: {  	s23 =	simm.s32 $0x2;
	v45 =	vadd.s32 s31, v40;
	v0 =	vld.idx.msk [tilespmem:v0+s2+$0x0], $0xffff  }
0x4fd: {  	s24 =	simm.s32 $0x1;
	v48 =	vor.u32 s25, v34;
	v49 =	vadd.s32 s23, v40;
	v53 =	vld.idx.msk [tilespmem:v60+s2+$0x0], $0xffff  }
0x4fe: {  	v55 =	vor.u32 s26, v34;
	s25 =	simm.s32 $0x8;
	v52 =	vadd.s32 s24, v40;
	v54 =	vld.idx.msk [tilespmem:v61+s2+$0x0], $0xffff  }
0x4ff: {  	s18 =	simm.s32 $0xF;
	v58 =	vor.u32 s28, v34;
	v56 =	vadd.s32 s25, v40;
	v57 =	vld.idx.msk [tilespmem:v62+s2+$0x0], $0xffff  }
0x500: {  	s16 =	simm.s32 $0xE;
	v59 =	vadd.s32 s18, v40;
	v41 =	vld.idx.msk [tilespmem:v63+s2+$0x0], $0xffff;
	v60 =	vor.u32 s29, v34  }
0x501: {  	s17 =	simm.s32 $0xD;
	v50 =	vor.u32 s30, v34;
	v46 =	vadd.s32 s16, v40;
	v42 =	vld.idx.msk [tilespmem:v45+s2+$0x0], $0xffff  }
0x502: {  	s19 =	simm.s32 $0xC;
	v51 =	vor.u32 s31, v34;
	v47 =	vadd.s32 s17, v40;
	v43 =	vld.idx.msk [tilespmem:v49+s2+$0x0], $0xffff;
	[tilespmem:v48+s13+$0x0] =	vst.idx.msk $0xffff, v0  }
0x503: {  	s20 =	simm.s32 $0xB;
	v49 =	vadd.s32 s19, v40;
	v44 =	vld.idx.msk [tilespmem:v52+s2+$0x0], $0xffff;
	v52 =	vor.u32 s23, v34;
	[tilespmem:v55+s13+$0x0] =	vst.idx.msk $0xffff, v53  }
0x504: {  	s21 =	simm.s32 $0xA;
	v45 =	vld.idx.msk [tilespmem:v56+s2+$0x0], $0xffff;
	v53 =	vadd.s32 s20, v40;
	v55 =	vor.u32 s24, v34;
	[tilespmem:v58+s13+$0x0] =	vst.idx.msk $0xffff, v54  }
0x505: {  	s22 =	simm.s32 $0x9;
	s23 =	simm.s32 $0x10;
	v56 =	vadd.s32 s21, v40;
	v54 =	vor.u32 s25, v34;
	v48 =	vld.idx.msk [tilespmem:v59+s2+$0x0], $0xffff;
	[tilespmem:v60+s13+$0x0] =	vst.idx.msk $0xffff, v57  }
.LBB2_54:
0x506: {  	p0 =	slt.u32 s23, $0xF8;
	v0 =	vadd.s32 s22, v40;
	v57 =	vld.idx.msk [tilespmem:v46+s2+$0x0], $0xffff;
	v58 =	vor.u32 s18, v34;
	[tilespmem:v50+s13+$0x0] =	vst.idx.msk $0xffff, v41  }
0x507: {  	v59 =	vadd.s32 s23, v40;
	s18 =	sadd.s32 $0x7, s23;
	v61 =	vor.u32 s16, v34;
	v60 =	vld.idx.msk [tilespmem:v47+s2+$0x0], $0xffff;
	[tilespmem:v51+s13+$0x0] =	vst.idx.msk $0xffff, v42  }
0x508: {  	s16 =	sadd.s32 $0x6, s23;
	v63 =	vor.u32 s17, v34;
	v62 =	vadd.s32 s18, v40;
	v41 =	vld.idx.msk [tilespmem:v49+s2+$0x0], $0xffff;
	[tilespmem:v52+s13+$0x0] =	vst.idx.msk $0xffff, v43  }
.Ltmp26:
0x509: {  	s17 =	sadd.s32 $0x5, s23;
	v50 =	vor.u32 s19, v34;
	v46 =	vadd.s32 s16, v40;
	v42 =	vld.idx.msk [tilespmem:v53+s2+$0x0], $0xffff;
	[tilespmem:v55+s13+$0x0] =	vst.idx.msk $0xffff, v44;
	(pc) =	sbr.rel @p0 .LBB2_54-.Ltmp26, $4  }
0x50a: {  	s19 =	sadd.s32 $0x4, s23;
	v47 =	vadd.s32 s17, v40;
	v51 =	vor.u32 s20, v34;
	[tilespmem:v54+s13+$0x0] =	vst.idx.msk $0xffff, v45;
	v43 =	vld.idx.msk [tilespmem:v56+s2+$0x0], $0xffff  }
0x50b: {  	s20 =	sadd.s32 $0x3, s23;
	v49 =	vadd.s32 s19, v40;
	v52 =	vor.u32 s21, v34;
	v44 =	vld.idx.msk [tilespmem:v0+s2+$0x0], $0xffff;
	[tilespmem:v58+s13+$0x0] =	vst.idx.msk $0xffff, v48  }
0x50c: {  	s21 =	sadd.s32 $0x2, s23;
	v53 =	vadd.s32 s20, v40;
	v55 =	vor.u32 s22, v34;
	v45 =	vld.idx.msk [tilespmem:v59+s2+$0x0], $0xffff;
	[tilespmem:v61+s13+$0x0] =	vst.idx.msk $0xffff, v57  }
0x50d: {  	s22 =	sadd.s32 $0x1, s23;
	v54 =	vor.u32 s23, v34;
	v56 =	vadd.s32 s21, v40;
	s23 =	sadd.s32 $0x8, s23;
	v48 =	vld.idx.msk [tilespmem:v62+s2+$0x0], $0xffff;
	[tilespmem:v63+s13+$0x0] =	vst.idx.msk $0xffff, v60  }
0x50e: {  	_ =	sdelay $0x3  }
0x50f: {  	v0 =	vor.u32 s18, v34;
	[tilespmem:v50+s13+$0x0] =	vst.idx.msk $0xffff, v41  }
0x510: {  	v40 =	vadd.s32 s22, v40;
	v41 =	vld.idx.msk [tilespmem:v46+s2+$0x0], $0xffff;
	v46 =	vor.u32 s16, v34;
	[tilespmem:v51+s13+$0x0] =	vst.idx.msk $0xffff, v42  }
0x511: {  	v42 =	vld.idx.msk [tilespmem:v47+s2+$0x0], $0xffff;
	v60 =	vor.u32 s17, v34;
	[tilespmem:v52+s13+$0x0] =	vst.idx.msk $0xffff, v43  }
0x512: {  	v61 =	vld.idx.msk [tilespmem:v49+s2+$0x0], $0xffff;
	v62 =	vor.u32 s19, v34;
	[tilespmem:v55+s13+$0x0] =	vst.idx.msk $0xffff, v44  }
0x513: {  	v57 =	vld.idx.msk [tilespmem:v56+s2+$0x0], $0xffff;
	v58 =	vor.u32 s21, v34;
	[tilespmem:v54+s13+$0x0] =	vst.idx.msk $0xffff, v45  }
0x514: {  	v63 =	vld.idx.msk [tilespmem:v53+s2+$0x0], $0xffff;
	v55 =	vor.u32 s20, v34;
	[tilespmem:v0+s13+$0x0] =	vst.idx.msk $0xffff, v48  }
0x515: {  	v59 =	vor.u32 s22, v34;
	v0 =	vld.idx.msk [tilespmem:v40+s2+$0x0], $0xffff;
	[tilespmem:v46+s13+$0x0] =	vst.idx.msk $0xffff, v41  }
0x516: {  	[tilespmem:v60+s13+$0x0] =	vst.idx.msk $0xffff, v42  }
0x517: {  	[tilespmem:v62+s13+$0x0] =	vst.idx.msk $0xffff, v61  }
0x518: {  	[tilespmem:v58+s13+$0x0] =	vst.idx.msk $0xffff, v57  }
0x519: {  	[tilespmem:v55+s13+$0x0] =	vst.idx.msk $0xffff, v63  }
0x51a: {  	[tilespmem:v59+s13+$0x0] =	vst.idx.msk $0xffff, v0  }
0x51b: {  	v40 =	vld [tilespmem:$0x19B0];
	_ =	sdelay $0x3  }
0x51c: {  	s25 =	simm.s32 $0x0  }
0x51d: {  	s26 =	simm.s32 $0x7;
	v0 =	vadd.s32 s25, v40  }
0x51e: {  	s28 =	simm.s32 $0x6;
	v60 =	vadd.s32 s26, v40  }
0x51f: {  	s29 =	simm.s32 $0x5;
	v61 =	vadd.s32 s28, v40  }
0x520: {  	s30 =	simm.s32 $0x4;
	v62 =	vadd.s32 s29, v40  }
0x521: {  	s31 =	simm.s32 $0x3;
	v63 =	vadd.s32 s30, v40  }
0x522: {  	s23 =	simm.s32 $0x2;
	v45 =	vadd.s32 s31, v40;
	v0 =	vld.idx.msk [tilespmem:v0+s2+$0x0], $0xffff  }
0x523: {  	s24 =	simm.s32 $0x1;
	v48 =	vor.u32 s25, v35;
	v49 =	vadd.s32 s23, v40;
	v53 =	vld.idx.msk [tilespmem:v60+s2+$0x0], $0xffff  }
0x524: {  	v55 =	vor.u32 s26, v35;
	s25 =	simm.s32 $0x8;
	v52 =	vadd.s32 s24, v40;
	v54 =	vld.idx.msk [tilespmem:v61+s2+$0x0], $0xffff  }
0x525: {  	s18 =	simm.s32 $0xF;
	v58 =	vor.u32 s28, v35;
	v56 =	vadd.s32 s25, v40;
	v57 =	vld.idx.msk [tilespmem:v62+s2+$0x0], $0xffff  }
0x526: {  	s16 =	simm.s32 $0xE;
	v59 =	vadd.s32 s18, v40;
	v41 =	vld.idx.msk [tilespmem:v63+s2+$0x0], $0xffff;
	v60 =	vor.u32 s29, v35  }
0x527: {  	s17 =	simm.s32 $0xD;
	v50 =	vor.u32 s30, v35;
	v46 =	vadd.s32 s16, v40;
	v42 =	vld.idx.msk [tilespmem:v45+s2+$0x0], $0xffff  }
0x528: {  	s19 =	simm.s32 $0xC;
	v51 =	vor.u32 s31, v35;
	v47 =	vadd.s32 s17, v40;
	v43 =	vld.idx.msk [tilespmem:v49+s2+$0x0], $0xffff;
	[tilespmem:v48+s13+$0x0] =	vst.idx.msk $0xffff, v0  }
0x529: {  	s20 =	simm.s32 $0xB;
	v49 =	vadd.s32 s19, v40;
	v44 =	vld.idx.msk [tilespmem:v52+s2+$0x0], $0xffff;
	v52 =	vor.u32 s23, v35;
	[tilespmem:v55+s13+$0x0] =	vst.idx.msk $0xffff, v53  }
0x52a: {  	s21 =	simm.s32 $0xA;
	v45 =	vld.idx.msk [tilespmem:v56+s2+$0x0], $0xffff;
	v53 =	vadd.s32 s20, v40;
	v55 =	vor.u32 s24, v35;
	[tilespmem:v58+s13+$0x0] =	vst.idx.msk $0xffff, v54  }
0x52b: {  	s22 =	simm.s32 $0x9;
	s23 =	simm.s32 $0x10;
	v56 =	vadd.s32 s21, v40;
	v54 =	vor.u32 s25, v35;
	v48 =	vld.idx.msk [tilespmem:v59+s2+$0x0], $0xffff;
	[tilespmem:v60+s13+$0x0] =	vst.idx.msk $0xffff, v57  }
.LBB2_56:
0x52c: {  	p0 =	slt.u32 s23, $0xF8;
	v0 =	vadd.s32 s22, v40;
	v57 =	vld.idx.msk [tilespmem:v46+s2+$0x0], $0xffff;
	v58 =	vor.u32 s18, v35;
	[tilespmem:v50+s13+$0x0] =	vst.idx.msk $0xffff, v41  }
0x52d: {  	v59 =	vadd.s32 s23, v40;
	s18 =	sadd.s32 $0x7, s23;
	v61 =	vor.u32 s16, v35;
	v60 =	vld.idx.msk [tilespmem:v47+s2+$0x0], $0xffff;
	[tilespmem:v51+s13+$0x0] =	vst.idx.msk $0xffff, v42  }
0x52e: {  	s16 =	sadd.s32 $0x6, s23;
	v63 =	vor.u32 s17, v35;
	v62 =	vadd.s32 s18, v40;
	v41 =	vld.idx.msk [tilespmem:v49+s2+$0x0], $0xffff;
	[tilespmem:v52+s13+$0x0] =	vst.idx.msk $0xffff, v43  }
.Ltmp27:
0x52f: {  	s17 =	sadd.s32 $0x5, s23;
	v50 =	vor.u32 s19, v35;
	v46 =	vadd.s32 s16, v40;
	v42 =	vld.idx.msk [tilespmem:v53+s2+$0x0], $0xffff;
	[tilespmem:v55+s13+$0x0] =	vst.idx.msk $0xffff, v44;
	(pc) =	sbr.rel @p0 .LBB2_56-.Ltmp27, $4  }
0x530: {  	s19 =	sadd.s32 $0x4, s23;
	v47 =	vadd.s32 s17, v40;
	v51 =	vor.u32 s20, v35;
	[tilespmem:v54+s13+$0x0] =	vst.idx.msk $0xffff, v45;
	v43 =	vld.idx.msk [tilespmem:v56+s2+$0x0], $0xffff  }
0x531: {  	s20 =	sadd.s32 $0x3, s23;
	v49 =	vadd.s32 s19, v40;
	v52 =	vor.u32 s21, v35;
	v44 =	vld.idx.msk [tilespmem:v0+s2+$0x0], $0xffff;
	[tilespmem:v58+s13+$0x0] =	vst.idx.msk $0xffff, v48  }
0x532: {  	s21 =	sadd.s32 $0x2, s23;
	v53 =	vadd.s32 s20, v40;
	v55 =	vor.u32 s22, v35;
	v45 =	vld.idx.msk [tilespmem:v59+s2+$0x0], $0xffff;
	[tilespmem:v61+s13+$0x0] =	vst.idx.msk $0xffff, v57  }
0x533: {  	s22 =	sadd.s32 $0x1, s23;
	v54 =	vor.u32 s23, v35;
	v56 =	vadd.s32 s21, v40;
	s23 =	sadd.s32 $0x8, s23;
	v48 =	vld.idx.msk [tilespmem:v62+s2+$0x0], $0xffff;
	[tilespmem:v63+s13+$0x0] =	vst.idx.msk $0xffff, v60  }
0x534: {  	_ =	sdelay $0x3  }
0x535: {  	v0 =	vor.u32 s18, v35;
	[tilespmem:v50+s13+$0x0] =	vst.idx.msk $0xffff, v41  }
0x536: {  	v40 =	vadd.s32 s22, v40;
	v41 =	vld.idx.msk [tilespmem:v46+s2+$0x0], $0xffff;
	v46 =	vor.u32 s16, v35;
	[tilespmem:v51+s13+$0x0] =	vst.idx.msk $0xffff, v42  }
0x537: {  	v42 =	vld.idx.msk [tilespmem:v47+s2+$0x0], $0xffff;
	v60 =	vor.u32 s17, v35;
	[tilespmem:v52+s13+$0x0] =	vst.idx.msk $0xffff, v43  }
0x538: {  	v61 =	vld.idx.msk [tilespmem:v49+s2+$0x0], $0xffff;
	v62 =	vor.u32 s19, v35;
	[tilespmem:v55+s13+$0x0] =	vst.idx.msk $0xffff, v44  }
0x539: {  	v57 =	vld.idx.msk [tilespmem:v56+s2+$0x0], $0xffff;
	v58 =	vor.u32 s21, v35;
	[tilespmem:v54+s13+$0x0] =	vst.idx.msk $0xffff, v45  }
0x53a: {  	v63 =	vld.idx.msk [tilespmem:v53+s2+$0x0], $0xffff;
	v55 =	vor.u32 s20, v35;
	[tilespmem:v0+s13+$0x0] =	vst.idx.msk $0xffff, v48  }
0x53b: {  	v59 =	vor.u32 s22, v35;
	v0 =	vld.idx.msk [tilespmem:v40+s2+$0x0], $0xffff;
	[tilespmem:v46+s13+$0x0] =	vst.idx.msk $0xffff, v41  }
0x53c: {  	[tilespmem:v60+s13+$0x0] =	vst.idx.msk $0xffff, v42  }
0x53d: {  	[tilespmem:v62+s13+$0x0] =	vst.idx.msk $0xffff, v61  }
0x53e: {  	[tilespmem:v58+s13+$0x0] =	vst.idx.msk $0xffff, v57  }
0x53f: {  	[tilespmem:v55+s13+$0x0] =	vst.idx.msk $0xffff, v63  }
0x540: {  	[tilespmem:v59+s13+$0x0] =	vst.idx.msk $0xffff, v0  }
0x541: {  	v40 =	vld [tilespmem:$0x19C0];
	_ =	sdelay $0x3  }
0x542: {  	s25 =	simm.s32 $0x0  }
0x543: {  	s26 =	simm.s32 $0x7;
	v0 =	vadd.s32 s25, v40  }
0x544: {  	s28 =	simm.s32 $0x6;
	v60 =	vadd.s32 s26, v40  }
0x545: {  	s29 =	simm.s32 $0x5;
	v61 =	vadd.s32 s28, v40  }
0x546: {  	s30 =	simm.s32 $0x4;
	v62 =	vadd.s32 s29, v40  }
0x547: {  	s31 =	simm.s32 $0x3;
	v63 =	vadd.s32 s30, v40  }
0x548: {  	s23 =	simm.s32 $0x2;
	v45 =	vadd.s32 s31, v40;
	v0 =	vld.idx.msk [tilespmem:v0+s2+$0x0], $0xffff  }
0x549: {  	s24 =	simm.s32 $0x1;
	v48 =	vor.u32 s25, v36;
	v49 =	vadd.s32 s23, v40;
	v53 =	vld.idx.msk [tilespmem:v60+s2+$0x0], $0xffff  }
0x54a: {  	v55 =	vor.u32 s26, v36;
	s25 =	simm.s32 $0x8;
	v52 =	vadd.s32 s24, v40;
	v54 =	vld.idx.msk [tilespmem:v61+s2+$0x0], $0xffff  }
0x54b: {  	s18 =	simm.s32 $0xF;
	v58 =	vor.u32 s28, v36;
	v56 =	vadd.s32 s25, v40;
	v57 =	vld.idx.msk [tilespmem:v62+s2+$0x0], $0xffff  }
0x54c: {  	s16 =	simm.s32 $0xE;
	v59 =	vadd.s32 s18, v40;
	v41 =	vld.idx.msk [tilespmem:v63+s2+$0x0], $0xffff;
	v60 =	vor.u32 s29, v36  }
0x54d: {  	s17 =	simm.s32 $0xD;
	v50 =	vor.u32 s30, v36;
	v46 =	vadd.s32 s16, v40;
	v42 =	vld.idx.msk [tilespmem:v45+s2+$0x0], $0xffff  }
0x54e: {  	s19 =	simm.s32 $0xC;
	v51 =	vor.u32 s31, v36;
	v47 =	vadd.s32 s17, v40;
	v43 =	vld.idx.msk [tilespmem:v49+s2+$0x0], $0xffff;
	[tilespmem:v48+s13+$0x0] =	vst.idx.msk $0xffff, v0  }
0x54f: {  	s20 =	simm.s32 $0xB;
	v49 =	vadd.s32 s19, v40;
	v44 =	vld.idx.msk [tilespmem:v52+s2+$0x0], $0xffff;
	v52 =	vor.u32 s23, v36;
	[tilespmem:v55+s13+$0x0] =	vst.idx.msk $0xffff, v53  }
0x550: {  	s21 =	simm.s32 $0xA;
	v45 =	vld.idx.msk [tilespmem:v56+s2+$0x0], $0xffff;
	v53 =	vadd.s32 s20, v40;
	v55 =	vor.u32 s24, v36;
	[tilespmem:v58+s13+$0x0] =	vst.idx.msk $0xffff, v54  }
0x551: {  	s22 =	simm.s32 $0x9;
	s23 =	simm.s32 $0x10;
	v56 =	vadd.s32 s21, v40;
	v54 =	vor.u32 s25, v36;
	v48 =	vld.idx.msk [tilespmem:v59+s2+$0x0], $0xffff;
	[tilespmem:v60+s13+$0x0] =	vst.idx.msk $0xffff, v57  }
.LBB2_58:
0x552: {  	p0 =	slt.u32 s23, $0xF8;
	v0 =	vadd.s32 s22, v40;
	v57 =	vld.idx.msk [tilespmem:v46+s2+$0x0], $0xffff;
	v58 =	vor.u32 s18, v36;
	[tilespmem:v50+s13+$0x0] =	vst.idx.msk $0xffff, v41  }
0x553: {  	v59 =	vadd.s32 s23, v40;
	s18 =	sadd.s32 $0x7, s23;
	v61 =	vor.u32 s16, v36;
	v60 =	vld.idx.msk [tilespmem:v47+s2+$0x0], $0xffff;
	[tilespmem:v51+s13+$0x0] =	vst.idx.msk $0xffff, v42  }
0x554: {  	s16 =	sadd.s32 $0x6, s23;
	v63 =	vor.u32 s17, v36;
	v62 =	vadd.s32 s18, v40;
	v41 =	vld.idx.msk [tilespmem:v49+s2+$0x0], $0xffff;
	[tilespmem:v52+s13+$0x0] =	vst.idx.msk $0xffff, v43  }
.Ltmp28:
0x555: {  	s17 =	sadd.s32 $0x5, s23;
	v50 =	vor.u32 s19, v36;
	v46 =	vadd.s32 s16, v40;
	v42 =	vld.idx.msk [tilespmem:v53+s2+$0x0], $0xffff;
	[tilespmem:v55+s13+$0x0] =	vst.idx.msk $0xffff, v44;
	(pc) =	sbr.rel @p0 .LBB2_58-.Ltmp28, $4  }
0x556: {  	s19 =	sadd.s32 $0x4, s23;
	v47 =	vadd.s32 s17, v40;
	v51 =	vor.u32 s20, v36;
	[tilespmem:v54+s13+$0x0] =	vst.idx.msk $0xffff, v45;
	v43 =	vld.idx.msk [tilespmem:v56+s2+$0x0], $0xffff  }
0x557: {  	s20 =	sadd.s32 $0x3, s23;
	v49 =	vadd.s32 s19, v40;
	v52 =	vor.u32 s21, v36;
	v44 =	vld.idx.msk [tilespmem:v0+s2+$0x0], $0xffff;
	[tilespmem:v58+s13+$0x0] =	vst.idx.msk $0xffff, v48  }
0x558: {  	s21 =	sadd.s32 $0x2, s23;
	v53 =	vadd.s32 s20, v40;
	v55 =	vor.u32 s22, v36;
	v45 =	vld.idx.msk [tilespmem:v59+s2+$0x0], $0xffff;
	[tilespmem:v61+s13+$0x0] =	vst.idx.msk $0xffff, v57  }
0x559: {  	s22 =	sadd.s32 $0x1, s23;
	v54 =	vor.u32 s23, v36;
	v56 =	vadd.s32 s21, v40;
	s23 =	sadd.s32 $0x8, s23;
	v48 =	vld.idx.msk [tilespmem:v62+s2+$0x0], $0xffff;
	[tilespmem:v63+s13+$0x0] =	vst.idx.msk $0xffff, v60  }
0x55a: {  	_ =	sdelay $0x3  }
0x55b: {  	v0 =	vor.u32 s18, v36;
	[tilespmem:v50+s13+$0x0] =	vst.idx.msk $0xffff, v41  }
0x55c: {  	v40 =	vadd.s32 s22, v40;
	v41 =	vld.idx.msk [tilespmem:v46+s2+$0x0], $0xffff;
	v46 =	vor.u32 s16, v36;
	[tilespmem:v51+s13+$0x0] =	vst.idx.msk $0xffff, v42  }
0x55d: {  	v42 =	vld.idx.msk [tilespmem:v47+s2+$0x0], $0xffff;
	v60 =	vor.u32 s17, v36;
	[tilespmem:v52+s13+$0x0] =	vst.idx.msk $0xffff, v43  }
0x55e: {  	v61 =	vld.idx.msk [tilespmem:v49+s2+$0x0], $0xffff;
	v62 =	vor.u32 s19, v36;
	[tilespmem:v55+s13+$0x0] =	vst.idx.msk $0xffff, v44  }
0x55f: {  	v57 =	vld.idx.msk [tilespmem:v56+s2+$0x0], $0xffff;
	v58 =	vor.u32 s21, v36;
	[tilespmem:v54+s13+$0x0] =	vst.idx.msk $0xffff, v45  }
0x560: {  	v63 =	vld.idx.msk [tilespmem:v53+s2+$0x0], $0xffff;
	v55 =	vor.u32 s20, v36;
	[tilespmem:v0+s13+$0x0] =	vst.idx.msk $0xffff, v48  }
0x561: {  	v59 =	vor.u32 s22, v36;
	v0 =	vld.idx.msk [tilespmem:v40+s2+$0x0], $0xffff;
	[tilespmem:v46+s13+$0x0] =	vst.idx.msk $0xffff, v41  }
0x562: {  	[tilespmem:v60+s13+$0x0] =	vst.idx.msk $0xffff, v42  }
0x563: {  	[tilespmem:v62+s13+$0x0] =	vst.idx.msk $0xffff, v61  }
0x564: {  	[tilespmem:v58+s13+$0x0] =	vst.idx.msk $0xffff, v57  }
0x565: {  	[tilespmem:v55+s13+$0x0] =	vst.idx.msk $0xffff, v63  }
0x566: {  	[tilespmem:v59+s13+$0x0] =	vst.idx.msk $0xffff, v0  }
0x567: {  	v40 =	vld [tilespmem:$0x19D0];
	_ =	sdelay $0x3  }
0x568: {  	s25 =	simm.s32 $0x0  }
0x569: {  	s26 =	simm.s32 $0x7;
	v0 =	vadd.s32 s25, v40  }
0x56a: {  	s28 =	simm.s32 $0x6;
	v60 =	vadd.s32 s26, v40  }
0x56b: {  	s29 =	simm.s32 $0x5;
	v61 =	vadd.s32 s28, v40  }
0x56c: {  	s30 =	simm.s32 $0x4;
	v62 =	vadd.s32 s29, v40  }
0x56d: {  	s31 =	simm.s32 $0x3;
	v63 =	vadd.s32 s30, v40  }
0x56e: {  	s23 =	simm.s32 $0x2;
	v45 =	vadd.s32 s31, v40;
	v0 =	vld.idx.msk [tilespmem:v0+s2+$0x0], $0xffff  }
0x56f: {  	s24 =	simm.s32 $0x1;
	v48 =	vor.u32 s25, v37;
	v49 =	vadd.s32 s23, v40;
	v53 =	vld.idx.msk [tilespmem:v60+s2+$0x0], $0xffff  }
0x570: {  	v55 =	vor.u32 s26, v37;
	s25 =	simm.s32 $0x8;
	v52 =	vadd.s32 s24, v40;
	v54 =	vld.idx.msk [tilespmem:v61+s2+$0x0], $0xffff  }
0x571: {  	s18 =	simm.s32 $0xF;
	v58 =	vor.u32 s28, v37;
	v56 =	vadd.s32 s25, v40;
	v57 =	vld.idx.msk [tilespmem:v62+s2+$0x0], $0xffff  }
0x572: {  	s16 =	simm.s32 $0xE;
	v59 =	vadd.s32 s18, v40;
	v41 =	vld.idx.msk [tilespmem:v63+s2+$0x0], $0xffff;
	v60 =	vor.u32 s29, v37  }
0x573: {  	s17 =	simm.s32 $0xD;
	v50 =	vor.u32 s30, v37;
	v46 =	vadd.s32 s16, v40;
	v42 =	vld.idx.msk [tilespmem:v45+s2+$0x0], $0xffff  }
0x574: {  	s19 =	simm.s32 $0xC;
	v51 =	vor.u32 s31, v37;
	v47 =	vadd.s32 s17, v40;
	v43 =	vld.idx.msk [tilespmem:v49+s2+$0x0], $0xffff;
	[tilespmem:v48+s13+$0x0] =	vst.idx.msk $0xffff, v0  }
0x575: {  	s20 =	simm.s32 $0xB;
	v49 =	vadd.s32 s19, v40;
	v44 =	vld.idx.msk [tilespmem:v52+s2+$0x0], $0xffff;
	v52 =	vor.u32 s23, v37;
	[tilespmem:v55+s13+$0x0] =	vst.idx.msk $0xffff, v53  }
0x576: {  	s21 =	simm.s32 $0xA;
	v45 =	vld.idx.msk [tilespmem:v56+s2+$0x0], $0xffff;
	v53 =	vadd.s32 s20, v40;
	v55 =	vor.u32 s24, v37;
	[tilespmem:v58+s13+$0x0] =	vst.idx.msk $0xffff, v54  }
0x577: {  	s22 =	simm.s32 $0x9;
	s23 =	simm.s32 $0x10;
	v56 =	vadd.s32 s21, v40;
	v54 =	vor.u32 s25, v37;
	v48 =	vld.idx.msk [tilespmem:v59+s2+$0x0], $0xffff;
	[tilespmem:v60+s13+$0x0] =	vst.idx.msk $0xffff, v57  }
.LBB2_60:
0x578: {  	p0 =	slt.u32 s23, $0xF8;
	v0 =	vadd.s32 s22, v40;
	v57 =	vld.idx.msk [tilespmem:v46+s2+$0x0], $0xffff;
	v58 =	vor.u32 s18, v37;
	[tilespmem:v50+s13+$0x0] =	vst.idx.msk $0xffff, v41  }
0x579: {  	v59 =	vadd.s32 s23, v40;
	s18 =	sadd.s32 $0x7, s23;
	v61 =	vor.u32 s16, v37;
	v60 =	vld.idx.msk [tilespmem:v47+s2+$0x0], $0xffff;
	[tilespmem:v51+s13+$0x0] =	vst.idx.msk $0xffff, v42  }
0x57a: {  	s16 =	sadd.s32 $0x6, s23;
	v63 =	vor.u32 s17, v37;
	v62 =	vadd.s32 s18, v40;
	v41 =	vld.idx.msk [tilespmem:v49+s2+$0x0], $0xffff;
	[tilespmem:v52+s13+$0x0] =	vst.idx.msk $0xffff, v43  }
.Ltmp29:
0x57b: {  	s17 =	sadd.s32 $0x5, s23;
	v50 =	vor.u32 s19, v37;
	v46 =	vadd.s32 s16, v40;
	v42 =	vld.idx.msk [tilespmem:v53+s2+$0x0], $0xffff;
	[tilespmem:v55+s13+$0x0] =	vst.idx.msk $0xffff, v44;
	(pc) =	sbr.rel @p0 .LBB2_60-.Ltmp29, $4  }
0x57c: {  	s19 =	sadd.s32 $0x4, s23;
	v47 =	vadd.s32 s17, v40;
	v51 =	vor.u32 s20, v37;
	[tilespmem:v54+s13+$0x0] =	vst.idx.msk $0xffff, v45;
	v43 =	vld.idx.msk [tilespmem:v56+s2+$0x0], $0xffff  }
0x57d: {  	s20 =	sadd.s32 $0x3, s23;
	v49 =	vadd.s32 s19, v40;
	v52 =	vor.u32 s21, v37;
	v44 =	vld.idx.msk [tilespmem:v0+s2+$0x0], $0xffff;
	[tilespmem:v58+s13+$0x0] =	vst.idx.msk $0xffff, v48  }
0x57e: {  	s21 =	sadd.s32 $0x2, s23;
	v53 =	vadd.s32 s20, v40;
	v55 =	vor.u32 s22, v37;
	v45 =	vld.idx.msk [tilespmem:v59+s2+$0x0], $0xffff;
	[tilespmem:v61+s13+$0x0] =	vst.idx.msk $0xffff, v57  }
0x57f: {  	s22 =	sadd.s32 $0x1, s23;
	v54 =	vor.u32 s23, v37;
	v56 =	vadd.s32 s21, v40;
	s23 =	sadd.s32 $0x8, s23;
	v48 =	vld.idx.msk [tilespmem:v62+s2+$0x0], $0xffff;
	[tilespmem:v63+s13+$0x0] =	vst.idx.msk $0xffff, v60  }
0x580: {  	_ =	sdelay $0x3  }
0x581: {  	v0 =	vor.u32 s18, v37;
	[tilespmem:v50+s13+$0x0] =	vst.idx.msk $0xffff, v41  }
0x582: {  	v40 =	vadd.s32 s22, v40;
	v41 =	vld.idx.msk [tilespmem:v46+s2+$0x0], $0xffff;
	v46 =	vor.u32 s16, v37;
	[tilespmem:v51+s13+$0x0] =	vst.idx.msk $0xffff, v42  }
0x583: {  	v42 =	vld.idx.msk [tilespmem:v47+s2+$0x0], $0xffff;
	v60 =	vor.u32 s17, v37;
	[tilespmem:v52+s13+$0x0] =	vst.idx.msk $0xffff, v43  }
0x584: {  	v61 =	vld.idx.msk [tilespmem:v49+s2+$0x0], $0xffff;
	v62 =	vor.u32 s19, v37;
	[tilespmem:v55+s13+$0x0] =	vst.idx.msk $0xffff, v44  }
0x585: {  	v57 =	vld.idx.msk [tilespmem:v56+s2+$0x0], $0xffff;
	v58 =	vor.u32 s21, v37;
	[tilespmem:v54+s13+$0x0] =	vst.idx.msk $0xffff, v45  }
0x586: {  	v63 =	vld.idx.msk [tilespmem:v53+s2+$0x0], $0xffff;
	v55 =	vor.u32 s20, v37;
	[tilespmem:v0+s13+$0x0] =	vst.idx.msk $0xffff, v48  }
0x587: {  	v59 =	vor.u32 s22, v37;
	v0 =	vld.idx.msk [tilespmem:v40+s2+$0x0], $0xffff;
	[tilespmem:v46+s13+$0x0] =	vst.idx.msk $0xffff, v41  }
0x588: {  	[tilespmem:v60+s13+$0x0] =	vst.idx.msk $0xffff, v42  }
0x589: {  	[tilespmem:v62+s13+$0x0] =	vst.idx.msk $0xffff, v61  }
0x58a: {  	[tilespmem:v58+s13+$0x0] =	vst.idx.msk $0xffff, v57  }
0x58b: {  	[tilespmem:v55+s13+$0x0] =	vst.idx.msk $0xffff, v63  }
0x58c: {  	[tilespmem:v59+s13+$0x0] =	vst.idx.msk $0xffff, v0  }
0x58d: {  	v40 =	vld [tilespmem:$0x19E0];
	_ =	sdelay $0x3  }
0x58e: {  	s25 =	simm.s32 $0x0  }
0x58f: {  	s26 =	simm.s32 $0x7;
	v0 =	vadd.s32 s25, v40  }
0x590: {  	s28 =	simm.s32 $0x6;
	v60 =	vadd.s32 s26, v40  }
0x591: {  	s29 =	simm.s32 $0x5;
	v61 =	vadd.s32 s28, v40  }
0x592: {  	s30 =	simm.s32 $0x4;
	v62 =	vadd.s32 s29, v40  }
0x593: {  	s31 =	simm.s32 $0x3;
	v63 =	vadd.s32 s30, v40  }
0x594: {  	s23 =	simm.s32 $0x2;
	v45 =	vadd.s32 s31, v40;
	v0 =	vld.idx.msk [tilespmem:v0+s2+$0x0], $0xffff  }
0x595: {  	s24 =	simm.s32 $0x1;
	v48 =	vor.u32 s25, v38;
	v49 =	vadd.s32 s23, v40;
	v53 =	vld.idx.msk [tilespmem:v60+s2+$0x0], $0xffff  }
0x596: {  	v55 =	vor.u32 s26, v38;
	s25 =	simm.s32 $0x8;
	v52 =	vadd.s32 s24, v40;
	v54 =	vld.idx.msk [tilespmem:v61+s2+$0x0], $0xffff  }
0x597: {  	s18 =	simm.s32 $0xF;
	v58 =	vor.u32 s28, v38;
	v56 =	vadd.s32 s25, v40;
	v57 =	vld.idx.msk [tilespmem:v62+s2+$0x0], $0xffff  }
0x598: {  	s16 =	simm.s32 $0xE;
	v59 =	vadd.s32 s18, v40;
	v41 =	vld.idx.msk [tilespmem:v63+s2+$0x0], $0xffff;
	v60 =	vor.u32 s29, v38  }
0x599: {  	s17 =	simm.s32 $0xD;
	v50 =	vor.u32 s30, v38;
	v46 =	vadd.s32 s16, v40;
	v42 =	vld.idx.msk [tilespmem:v45+s2+$0x0], $0xffff  }
0x59a: {  	s19 =	simm.s32 $0xC;
	v51 =	vor.u32 s31, v38;
	v47 =	vadd.s32 s17, v40;
	v43 =	vld.idx.msk [tilespmem:v49+s2+$0x0], $0xffff;
	[tilespmem:v48+s13+$0x0] =	vst.idx.msk $0xffff, v0  }
0x59b: {  	s20 =	simm.s32 $0xB;
	v49 =	vadd.s32 s19, v40;
	v44 =	vld.idx.msk [tilespmem:v52+s2+$0x0], $0xffff;
	v52 =	vor.u32 s23, v38;
	[tilespmem:v55+s13+$0x0] =	vst.idx.msk $0xffff, v53  }
0x59c: {  	s21 =	simm.s32 $0xA;
	v45 =	vld.idx.msk [tilespmem:v56+s2+$0x0], $0xffff;
	v53 =	vadd.s32 s20, v40;
	v55 =	vor.u32 s24, v38;
	[tilespmem:v58+s13+$0x0] =	vst.idx.msk $0xffff, v54  }
0x59d: {  	s22 =	simm.s32 $0x9;
	s23 =	simm.s32 $0x10;
	v56 =	vadd.s32 s21, v40;
	v54 =	vor.u32 s25, v38;
	v48 =	vld.idx.msk [tilespmem:v59+s2+$0x0], $0xffff;
	[tilespmem:v60+s13+$0x0] =	vst.idx.msk $0xffff, v57  }
.LBB2_62:
0x59e: {  	p0 =	slt.u32 s23, $0xF8;
	v0 =	vadd.s32 s22, v40;
	v57 =	vld.idx.msk [tilespmem:v46+s2+$0x0], $0xffff;
	v58 =	vor.u32 s18, v38;
	[tilespmem:v50+s13+$0x0] =	vst.idx.msk $0xffff, v41  }
0x59f: {  	v59 =	vadd.s32 s23, v40;
	s18 =	sadd.s32 $0x7, s23;
	v61 =	vor.u32 s16, v38;
	v60 =	vld.idx.msk [tilespmem:v47+s2+$0x0], $0xffff;
	[tilespmem:v51+s13+$0x0] =	vst.idx.msk $0xffff, v42  }
0x5a0: {  	s16 =	sadd.s32 $0x6, s23;
	v63 =	vor.u32 s17, v38;
	v62 =	vadd.s32 s18, v40;
	v41 =	vld.idx.msk [tilespmem:v49+s2+$0x0], $0xffff;
	[tilespmem:v52+s13+$0x0] =	vst.idx.msk $0xffff, v43  }
.Ltmp30:
0x5a1: {  	s17 =	sadd.s32 $0x5, s23;
	v50 =	vor.u32 s19, v38;
	v46 =	vadd.s32 s16, v40;
	v42 =	vld.idx.msk [tilespmem:v53+s2+$0x0], $0xffff;
	[tilespmem:v55+s13+$0x0] =	vst.idx.msk $0xffff, v44;
	(pc) =	sbr.rel @p0 .LBB2_62-.Ltmp30, $4  }
0x5a2: {  	s19 =	sadd.s32 $0x4, s23;
	v47 =	vadd.s32 s17, v40;
	v51 =	vor.u32 s20, v38;
	[tilespmem:v54+s13+$0x0] =	vst.idx.msk $0xffff, v45;
	v43 =	vld.idx.msk [tilespmem:v56+s2+$0x0], $0xffff  }
0x5a3: {  	s20 =	sadd.s32 $0x3, s23;
	v49 =	vadd.s32 s19, v40;
	v52 =	vor.u32 s21, v38;
	v44 =	vld.idx.msk [tilespmem:v0+s2+$0x0], $0xffff;
	[tilespmem:v58+s13+$0x0] =	vst.idx.msk $0xffff, v48  }
0x5a4: {  	s21 =	sadd.s32 $0x2, s23;
	v53 =	vadd.s32 s20, v40;
	v55 =	vor.u32 s22, v38;
	v45 =	vld.idx.msk [tilespmem:v59+s2+$0x0], $0xffff;
	[tilespmem:v61+s13+$0x0] =	vst.idx.msk $0xffff, v57  }
0x5a5: {  	s22 =	sadd.s32 $0x1, s23;
	v54 =	vor.u32 s23, v38;
	v56 =	vadd.s32 s21, v40;
	s23 =	sadd.s32 $0x8, s23;
	v48 =	vld.idx.msk [tilespmem:v62+s2+$0x0], $0xffff;
	[tilespmem:v63+s13+$0x0] =	vst.idx.msk $0xffff, v60  }
0x5a6: {  	_ =	sdelay $0x3  }
0x5a7: {  	v0 =	vor.u32 s18, v38;
	[tilespmem:v50+s13+$0x0] =	vst.idx.msk $0xffff, v41  }
0x5a8: {  	v40 =	vadd.s32 s22, v40;
	v41 =	vld.idx.msk [tilespmem:v46+s2+$0x0], $0xffff;
	v46 =	vor.u32 s16, v38;
	[tilespmem:v51+s13+$0x0] =	vst.idx.msk $0xffff, v42  }
0x5a9: {  	v42 =	vld.idx.msk [tilespmem:v47+s2+$0x0], $0xffff;
	v60 =	vor.u32 s17, v38;
	[tilespmem:v52+s13+$0x0] =	vst.idx.msk $0xffff, v43  }
0x5aa: {  	v61 =	vld.idx.msk [tilespmem:v49+s2+$0x0], $0xffff;
	v62 =	vor.u32 s19, v38;
	[tilespmem:v55+s13+$0x0] =	vst.idx.msk $0xffff, v44  }
0x5ab: {  	v57 =	vld.idx.msk [tilespmem:v56+s2+$0x0], $0xffff;
	v58 =	vor.u32 s21, v38;
	[tilespmem:v54+s13+$0x0] =	vst.idx.msk $0xffff, v45  }
0x5ac: {  	v63 =	vld.idx.msk [tilespmem:v53+s2+$0x0], $0xffff;
	v55 =	vor.u32 s20, v38;
	[tilespmem:v0+s13+$0x0] =	vst.idx.msk $0xffff, v48  }
0x5ad: {  	v59 =	vor.u32 s22, v38;
	v0 =	vld.idx.msk [tilespmem:v40+s2+$0x0], $0xffff;
	[tilespmem:v46+s13+$0x0] =	vst.idx.msk $0xffff, v41  }
0x5ae: {  	[tilespmem:v60+s13+$0x0] =	vst.idx.msk $0xffff, v42  }
0x5af: {  	[tilespmem:v62+s13+$0x0] =	vst.idx.msk $0xffff, v61  }
0x5b0: {  	[tilespmem:v58+s13+$0x0] =	vst.idx.msk $0xffff, v57  }
0x5b1: {  	[tilespmem:v55+s13+$0x0] =	vst.idx.msk $0xffff, v63  }
0x5b2: {  	[tilespmem:v59+s13+$0x0] =	vst.idx.msk $0xffff, v0  }
0x5b3: {  	v40 =	vld [tilespmem:$0x19F0];
	_ =	sdelay $0x3  }
0x5b4: {  	s25 =	simm.s32 $0x0  }
0x5b5: {  	s26 =	simm.s32 $0x7;
	v0 =	vadd.s32 s25, v40  }
0x5b6: {  	s28 =	simm.s32 $0x6;
	v60 =	vadd.s32 s26, v40  }
0x5b7: {  	s29 =	simm.s32 $0x5;
	v61 =	vadd.s32 s28, v40  }
0x5b8: {  	s30 =	simm.s32 $0x4;
	v62 =	vadd.s32 s29, v40  }
0x5b9: {  	s31 =	simm.s32 $0x3;
	v63 =	vadd.s32 s30, v40  }
0x5ba: {  	s23 =	simm.s32 $0x2;
	v45 =	vadd.s32 s31, v40;
	v0 =	vld.idx.msk [tilespmem:v0+s2+$0x0], $0xffff  }
0x5bb: {  	s24 =	simm.s32 $0x1;
	v48 =	vor.u32 s25, v39;
	v49 =	vadd.s32 s23, v40;
	v53 =	vld.idx.msk [tilespmem:v60+s2+$0x0], $0xffff  }
0x5bc: {  	v55 =	vor.u32 s26, v39;
	s25 =	simm.s32 $0x8;
	v52 =	vadd.s32 s24, v40;
	v54 =	vld.idx.msk [tilespmem:v61+s2+$0x0], $0xffff  }
0x5bd: {  	s18 =	simm.s32 $0xF;
	v58 =	vor.u32 s28, v39;
	v56 =	vadd.s32 s25, v40;
	v57 =	vld.idx.msk [tilespmem:v62+s2+$0x0], $0xffff  }
0x5be: {  	s16 =	simm.s32 $0xE;
	v59 =	vadd.s32 s18, v40;
	v41 =	vld.idx.msk [tilespmem:v63+s2+$0x0], $0xffff;
	v60 =	vor.u32 s29, v39  }
0x5bf: {  	s17 =	simm.s32 $0xD;
	v50 =	vor.u32 s30, v39;
	v46 =	vadd.s32 s16, v40;
	v42 =	vld.idx.msk [tilespmem:v45+s2+$0x0], $0xffff  }
0x5c0: {  	s19 =	simm.s32 $0xC;
	v51 =	vor.u32 s31, v39;
	v47 =	vadd.s32 s17, v40;
	v43 =	vld.idx.msk [tilespmem:v49+s2+$0x0], $0xffff;
	[tilespmem:v48+s13+$0x0] =	vst.idx.msk $0xffff, v0  }
0x5c1: {  	s20 =	simm.s32 $0xB;
	v49 =	vadd.s32 s19, v40;
	v44 =	vld.idx.msk [tilespmem:v52+s2+$0x0], $0xffff;
	v52 =	vor.u32 s23, v39;
	[tilespmem:v55+s13+$0x0] =	vst.idx.msk $0xffff, v53  }
0x5c2: {  	s21 =	simm.s32 $0xA;
	v45 =	vld.idx.msk [tilespmem:v56+s2+$0x0], $0xffff;
	v53 =	vadd.s32 s20, v40;
	v55 =	vor.u32 s24, v39;
	[tilespmem:v58+s13+$0x0] =	vst.idx.msk $0xffff, v54  }
0x5c3: {  	s22 =	simm.s32 $0x9;
	s23 =	simm.s32 $0x10;
	v56 =	vadd.s32 s21, v40;
	v54 =	vor.u32 s25, v39;
	v48 =	vld.idx.msk [tilespmem:v59+s2+$0x0], $0xffff;
	[tilespmem:v60+s13+$0x0] =	vst.idx.msk $0xffff, v57  }
.LBB2_64:
0x5c4: {  	p0 =	slt.u32 s23, $0xF8;
	v0 =	vadd.s32 s22, v40;
	v57 =	vld.idx.msk [tilespmem:v46+s2+$0x0], $0xffff;
	v58 =	vor.u32 s18, v39;
	[tilespmem:v50+s13+$0x0] =	vst.idx.msk $0xffff, v41  }
0x5c5: {  	v59 =	vadd.s32 s23, v40;
	s18 =	sadd.s32 $0x7, s23;
	v61 =	vor.u32 s16, v39;
	v60 =	vld.idx.msk [tilespmem:v47+s2+$0x0], $0xffff;
	[tilespmem:v51+s13+$0x0] =	vst.idx.msk $0xffff, v42  }
0x5c6: {  	s16 =	sadd.s32 $0x6, s23;
	v63 =	vor.u32 s17, v39;
	v62 =	vadd.s32 s18, v40;
	v41 =	vld.idx.msk [tilespmem:v49+s2+$0x0], $0xffff;
	[tilespmem:v52+s13+$0x0] =	vst.idx.msk $0xffff, v43  }
.Ltmp31:
0x5c7: {  	s17 =	sadd.s32 $0x5, s23;
	v50 =	vor.u32 s19, v39;
	v46 =	vadd.s32 s16, v40;
	v42 =	vld.idx.msk [tilespmem:v53+s2+$0x0], $0xffff;
	[tilespmem:v55+s13+$0x0] =	vst.idx.msk $0xffff, v44;
	(pc) =	sbr.rel @p0 .LBB2_64-.Ltmp31, $4  }
0x5c8: {  	s19 =	sadd.s32 $0x4, s23;
	v47 =	vadd.s32 s17, v40;
	v51 =	vor.u32 s20, v39;
	[tilespmem:v54+s13+$0x0] =	vst.idx.msk $0xffff, v45;
	v43 =	vld.idx.msk [tilespmem:v56+s2+$0x0], $0xffff  }
0x5c9: {  	s20 =	sadd.s32 $0x3, s23;
	v49 =	vadd.s32 s19, v40;
	v52 =	vor.u32 s21, v39;
	v44 =	vld.idx.msk [tilespmem:v0+s2+$0x0], $0xffff;
	[tilespmem:v58+s13+$0x0] =	vst.idx.msk $0xffff, v48  }
0x5ca: {  	s21 =	sadd.s32 $0x2, s23;
	v53 =	vadd.s32 s20, v40;
	v55 =	vor.u32 s22, v39;
	v45 =	vld.idx.msk [tilespmem:v59+s2+$0x0], $0xffff;
	[tilespmem:v61+s13+$0x0] =	vst.idx.msk $0xffff, v57  }
0x5cb: {  	s22 =	sadd.s32 $0x1, s23;
	v54 =	vor.u32 s23, v39;
	v56 =	vadd.s32 s21, v40;
	s23 =	sadd.s32 $0x8, s23;
	v48 =	vld.idx.msk [tilespmem:v62+s2+$0x0], $0xffff;
	[tilespmem:v63+s13+$0x0] =	vst.idx.msk $0xffff, v60  }
0x5cc: {  	_ =	sdelay $0x3  }
0x5cd: {  	v0 =	vor.u32 s18, v39;
	[tilespmem:v50+s13+$0x0] =	vst.idx.msk $0xffff, v41  }
0x5ce: {  	v40 =	vadd.s32 s22, v40;
	v41 =	vld.idx.msk [tilespmem:v46+s2+$0x0], $0xffff;
	v46 =	vor.u32 s16, v39;
	[tilespmem:v51+s13+$0x0] =	vst.idx.msk $0xffff, v42  }
0x5cf: {  	v42 =	vld.idx.msk [tilespmem:v47+s2+$0x0], $0xffff;
	v47 =	vor.u32 s17, v39;
	[tilespmem:v52+s13+$0x0] =	vst.idx.msk $0xffff, v43  }
0x5d0: {  	v57 =	vld.idx.msk [tilespmem:v49+s2+$0x0], $0xffff;
	v58 =	vor.u32 s19, v39;
	[tilespmem:v55+s13+$0x0] =	vst.idx.msk $0xffff, v44  }
0x5d1: {  	v59 =	vld.idx.msk [tilespmem:v53+s2+$0x0], $0xffff;
	v60 =	vor.u32 s20, v39;
	[tilespmem:v54+s13+$0x0] =	vst.idx.msk $0xffff, v45  }
0x5d2: {  	v61 =	vld.idx.msk [tilespmem:v56+s2+$0x0], $0xffff;
	v62 =	vor.u32 s21, v39;
	[tilespmem:v0+s13+$0x0] =	vst.idx.msk $0xffff, v48  }
0x5d3: {  	v63 =	vor.u32 s22, v39;
	v0 =	vld.idx.msk [tilespmem:v40+s2+$0x0], $0xffff;
	[tilespmem:v46+s13+$0x0] =	vst.idx.msk $0xffff, v41  }
0x5d4: {  	[tilespmem:v47+s13+$0x0] =	vst.idx.msk $0xffff, v42  }
0x5d5: {  	[tilespmem:v58+s13+$0x0] =	vst.idx.msk $0xffff, v57  }
0x5d6: {  	[tilespmem:v60+s13+$0x0] =	vst.idx.msk $0xffff, v59  }
0x5d7: {  	[tilespmem:v62+s13+$0x0] =	vst.idx.msk $0xffff, v61  }
0x5d8: {  	s15 =	sadd.s32 $0x1, s15;
	[tilespmem:v63+s13+$0x0] =	vst.idx.msk $0xffff, v0  }
0x5d9: {  	[hbm4b:s8+s2] =	stream.linear.scatter [tilespmem:s13], [sflag:$0x1], $0x8000, $0x38;
	[tilespmem:$0x11A00] =	vst v63  }
0x5da: {  	p0 =	sne.s32 s15, s9;
	_ =	swait.ge [sflag:s14], $0x8000  }
.Ltmp32:
0x5db: {  	[sflag:s14] =	ssyncset.done $0x0;
	(pc) =	sbr.rel @p0 .LBB2_1-.Ltmp32, $4  }
0x5dc: {  	[sflag:s14] =	ssyncadd.s32 $0xFFFF8000  }
0x5dd: {  	_ =	swait.ge [sflag:s14], $0x8000  }
0x5de: {  	[sflag:s14] =	ssyncset.done $0x0  }
0x5df: {  	[sflag:s14] =	ssyncadd.s32 $0xFFFF8000  }
0x5e0: {  	_ =	sfence.sel $0x180000  }
0x5e1: {  	[bflag:$0x0] =	sbarrier.arrive $0xFFFF  }
0x5e2: {  	p0 =	sne.s32 s1, $0x0;
	_ =	strace $0x90000047  }
0x5e3: {  	s0 =	sadd.s32 @!p0 $0x100000, s0;
	[bflag:$0x2] =	sbarrier.arrive $0xFFFF  }
0x5e4: {  	[sflag:s0] =	ssyncadd.tile.s32 @!p0 $0x1;
	_ =	shalt  }
.Lfunc_end2:
_tile_overlayer_lowered:
.L_overlay_start_2:
0x5e5: {  	(tag) =	ssettag $0x2  }
0x5e6: {  	s0 =	rddreg [dreg:$0x0];
	s2 =	stileid.u32  }
0x5e7: {  	s1 =	rddreg [dreg:$0x1];
	p0 =	sne.s32 s2, $0x0  }
0x5e8: {  	s3 =	rddreg [dreg:$0x2];
	[bflag:$0x3] =	sbarrier.arrive $0xFFFF;
	s2 =	simm.s32 @!p0 $0x1C02  }
0x5e9: {  	[timem:s3], [sflag:s2] =	dma.local @!p0 [hbm:s0], s1  }
0x5ea: {  	s0 =	simm.s32 @!p0 $0x2  }
0x5eb: {  	_ =	swait.ge @!p0 [sflag:s0], s1  }
0x5ec: {  	s1 =	ssub.s32 @!p0 $0x0, s1;
	[sflag:s0] =	ssyncset.done @!p0 $0x0  }
0x5ed: {  	[sflag:s0] =	ssyncadd.s32 @!p0 s1  }
0x5ee: {  	[bflag:$0x3] =	sbarrier.arrive $0xFFFF  }
0x5ef: {  	_ =	shalt  }

</sc_bundles>
